<compile_context>
chip_gen: v7x
topology: tpu7x:2x2x1
jax: 0.10.2.dev20260603
libtpu: 0.0.44.dev20260713+nightly
codegen_flags: <defaults>
</compile_context>

<pallas_src>
import functools

import jax
import jax.numpy as jnp
from jax import lax
from jax.experimental import pallas as pl
from jax.experimental.pallas import tpu as pltpu
from jax.experimental.pallas import tpu_sc as plsc

MM = 1000000
DD = 64
BB = 16384
NC, NS, LL = 2, 16, 16
NW = NC * NS
RPW = MM // NW
BPW = BB // NW
PT = 31264
NCH = 8
TR = 8 * MM

_mesh = plsc.VectorSubcoreMesh(core_axis_name="c", subcore_axis_name="s")
_sc_params = pltpu.CompilerParams(
    use_tc_tiling_on_sc=False, needs_layout_passes=False)


@functools.partial(
    pl.kernel,
    mesh=_mesh,
    out_type=jax.ShapeDtypeStruct((4 * BB, 16), jnp.float32),
    compiler_params=_sc_params,
    scratch_types=[
        pltpu.VMEM((BPW,), jnp.int32),
        pltpu.VMEM((4 * BPW,), jnp.int32),
        pltpu.VMEM((4 * BPW, 16), jnp.float32),
        pltpu.SemaphoreType.DMA,
    ],
)
def _sc_gather(tref, ids, out, idx_v, kbuf, buf, sem):
    wid = lax.axis_index("s") * NC + lax.axis_index("c")
    b0 = wid * BPW
    pltpu.sync_copy(ids.at[pl.ds(b0, BPW)], idx_v)

    def build(i, _):
        p = lax.iota(jnp.int32, LL) + i * LL
        g = plsc.load_gather(idx_v, [p >> 2])
        kbuf[pl.ds(i * LL, LL)] = g * 8 + (p & 3)
        return 0

    lax.fori_loop(0, 4 * BPW // LL, build, 0, unroll=8)

    cps = [
        pltpu.async_copy(
            tref.at[kbuf.at[pl.ds(d * 128, 128)]],
            buf.at[pl.ds(d * 128, 128)],
            sem,
        )
        for d in range(4 * BPW // 128)
    ]
    for c in cps:
        c.wait()
    pltpu.sync_copy(buf, out.at[pl.ds(4 * b0, 4 * BPW)])


def _gru_body(h_ref, m_ref, wit_ref, wht_ref, bi_ref, bh_ref, o_ref):
    h = h_ref[...]
    gi = jnp.dot(m_ref[...], wit_ref[...],
                 preferred_element_type=jnp.float32) + bi_ref[...]
    gh = jnp.dot(h, wht_ref[...],
                 preferred_element_type=jnp.float32) + bh_ref[...]
    r = jax.nn.sigmoid(gi[:, 0:DD] + gh[:, 0:DD])
    z = jax.nn.sigmoid(gi[:, DD:2 * DD] + gh[:, DD:2 * DD])
    n = jnp.tanh(gi[:, 2 * DD:3 * DD] + r * gh[:, 2 * DD:3 * DD])
    o_ref[...] = (1.0 - z) * n + z * h


_GBLK = 2048
_gru_call = pl.pallas_call(
    _gru_body,
    grid=(BB // _GBLK,),
    in_specs=[
        pl.BlockSpec((_GBLK, DD), lambda i: (i, 0)),
        pl.BlockSpec((_GBLK, DD), lambda i: (i, 0)),
        pl.BlockSpec((DD, 3 * DD), lambda i: (0, 0)),
        pl.BlockSpec((DD, 3 * DD), lambda i: (0, 0)),
        pl.BlockSpec((1, 3 * DD), lambda i: (0, 0)),
        pl.BlockSpec((1, 3 * DD), lambda i: (0, 0)),
    ],
    out_specs=pl.BlockSpec((_GBLK, DD), lambda i: (i, 0)),
    out_shape=jax.ShapeDtypeStruct((BB, DD), jnp.float32),
)


@functools.partial(
    pl.kernel,
    mesh=_mesh,
    out_type=(
        jax.ShapeDtypeStruct((NW, NCH * 128), jnp.int32),
        jax.ShapeDtypeStruct((NW, NCH * 128), jnp.int32),
        jax.ShapeDtypeStruct((NW, LL), jnp.int32),
    ),
    compiler_params=_sc_params,
    scratch_types=[
        pltpu.VMEM((BB,), jnp.int32),
        pltpu.VMEM((PT,), jnp.int32),
        pltpu.VMEM((NCH * 128,), jnp.int32),
        pltpu.VMEM((NCH * 128,), jnp.int32),
        pltpu.VMEM((LL,), jnp.int32),
    ],
)
def _sc_route(ids, gout, sout, cout, ids_v, postab, gidx, sidx, cntv):
    wid = lax.axis_index("s") * NC + lax.axis_index("c")
    base = wid * RPW
    zeros = jnp.zeros((LL,), jnp.int32)

    pltpu.sync_copy(ids, ids_v)

    def za(i, _):
        postab[pl.ds(i * LL, LL)] = zeros
        return 0

    lax.fori_loop(0, PT // LL, za, 0, unroll=8)

    def sb(i, _):
        idv = ids_v[pl.ds(i * LL, LL)]
        m = (idv >= base) & (idv < base + RPW)
        lidx = jnp.where(m, idv - base, 0)
        pos = lax.iota(jnp.int32, LL) + i * LL
        plsc.store_scatter(postab, [lidx], pos + 1, mask=m)
        return 0

    lax.fori_loop(0, BB // LL, sb, 0, unroll=8)

    ids0 = plsc.load_gather(ids_v, [zeros])
    for t in range(NCH * 128 // LL):
        gidx[pl.ds(t * LL, LL)] = zeros
        sidx[pl.ds(t * LL, LL)] = ids0

    def sw(i, cnt):
        idv = ids_v[pl.ds(i * LL, LL)]
        m = (idv >= base) & (idv < base + RPW)
        lidx = jnp.where(m, idv - base, 0)
        pos = lax.iota(jnp.int32, LL) + i * LL
        claimed = plsc.load_gather(postab, [lidx])
        w = m & (claimed == pos + 1)
        mi = w.astype(jnp.int32)
        p = cnt + plsc.cumsum(mi) - 1
        p = jnp.where(w, p, 0)
        plsc.store_scatter(gidx, [p], pos, mask=w)
        plsc.store_scatter(sidx, [p], idv, mask=w)
        return cnt + jnp.sum(mi)

    cnt = lax.fori_loop(0, BB // LL, sw, jnp.int32(0), unroll=4)

    g0 = plsc.load_gather(gidx, [zeros])
    s0 = plsc.load_gather(sidx, [zeros])

    def pf(i, _):
        sl = lax.iota(jnp.int32, LL) + i * LL
        m = sl >= cnt
        g = gidx[pl.ds(i * LL, LL)]
        s = sidx[pl.ds(i * LL, LL)]
        gidx[pl.ds(i * LL, LL)] = jnp.where(m, g0, g)
        sidx[pl.ds(i * LL, LL)] = jnp.where(m, s0, s)
        return 0

    lax.fori_loop(0, NCH * 128 // LL, pf, 0, unroll=8)

    cntv[pl.ds(0, LL)] = jnp.zeros((LL,), jnp.int32) + cnt
    pltpu.sync_copy(gidx, gout.at[wid])
    pltpu.sync_copy(sidx, sout.at[wid])
    pltpu.sync_copy(cntv, cout.at[wid])


@functools.partial(
    pl.kernel,
    mesh=_mesh,
    out_type=(),
    compiler_params=_sc_params,
    scratch_types=[
        pltpu.VMEM((NCH * 128,), jnp.int32),
        pltpu.VMEM((NCH * 128,), jnp.int32),
        pltpu.VMEM((LL,), jnp.int32),
        pltpu.VMEM((NCH * 512,), jnp.int32),
        pltpu.VMEM((NCH * 4, 128), jnp.int32),
        pltpu.VMEM((NCH * 512, 16), jnp.float32),
        pltpu.SemaphoreType.DMA,
        pltpu.SemaphoreType.DMA,
    ],
)
def _sc_scatter(tref, upd4, gin, sin, cin, gidx, sidx, cntv, idxg, idxs,
                vals, gsem, ssem):
    wid = lax.axis_index("s") * NC + lax.axis_index("c")
    pltpu.sync_copy(gin.at[wid], gidx)
    pltpu.sync_copy(sin.at[wid], sidx)
    pltpu.sync_copy(cin.at[wid], cntv)
    cnt = jnp.sum(cntv[pl.ds(0, LL)]) >> 4

    def build2(i, _):
        p = lax.iota(jnp.int32, LL) + i * LL
        w = p >> 2
        g = plsc.load_gather(gidx, [w])
        s = plsc.load_gather(sidx, [w])
        idxg[pl.ds(i * LL, LL)] = g * 4 + (p & 3)
        idxs[i >> 3, pl.ds((i & 7) * LL, LL)] = s * 8 + (p & 3)
        return 0

    lax.fori_loop(0, NCH * 512 // LL, build2, 0, unroll=8)

    gps = []
    for c in range(NCH):
        @pl.when(c * 128 < cnt)
        def _():
            for r in range(4):
                k = c * 4 + r
                gps.append(pltpu.async_copy(
                    upd4.at[idxg.at[pl.ds(k * 128, 128)]],
                    vals.at[pl.ds(k * 128, 128)],
                    gsem,
                ))

    for c in range(NCH):
        @pl.when(c * 128 < cnt)
        def _():
            for r in range(4):
                pltpu.make_async_copy(
                    upd4.at[pl.ds(0, 128)],
                    vals.at[pl.ds(0, 128)], gsem).wait()

    for c in range(NCH):
        @pl.when(c * 128 < cnt)
        def _():
            for r in range(4):
                k = c * 4 + r
                pltpu.async_copy(
                    vals.at[pl.ds(k * 128, 128)],
                    tref.at[idxs.at[k]],
                    ssem,
                )

    for c in range(NCH):
        @pl.when(c * 128 < cnt)
        def _():
            for r in range(4):
                pltpu.make_async_copy(
                    upd4.at[pl.ds(0, 128)],
                    vals.at[pl.ds(0, 128)], ssem).wait()


def kernel(node_memories, node_ids, messages, W_ih, W_hh, b_ih, b_hh):
    gout, sout, cout = _sc_route(node_ids)
    eyep = jnp.eye(DD, 128, dtype=jnp.float32)
    t2 = jnp.dot(node_memories, eyep, preferred_element_type=jnp.float32)
    table_ref = jax.new_ref(t2.reshape(TR, 16))
    h = _sc_gather(table_ref, node_ids).reshape(BB, DD)
    upd = _gru_call(
        h,
        messages,
        W_ih.T,
        W_hh.T,
        b_ih.reshape(1, 3 * DD),
        b_hh.reshape(1, 3 * DD),
    )
    _sc_scatter(table_ref, upd.reshape(4 * BB, 16), gout, sout, cout)
    return jax.freeze(table_ref).reshape(MM, 128)[:, :DD]

# --- scband reference (transcript-rebuilt; emitter-appended) ---
"""Pipeline reference for scband-pop-group-15444702396967 (READ-ONLY COPY).

The authoritative reference and input builder live on the scoring server;
editing this copy changes nothing except your own understanding.
"""

import jax, jax.numpy as jnp
import numpy as np

M = 1000000
D = 64
MSG = 64
B = 16384


def setup_inputs(seed: int = 0) -> dict:
    key = jax.random.key(seed)
    ks = jax.random.split(key, 8)
    node_memories = jax.random.normal(ks[0], (M, D), dtype=jnp.float32)
    node_ids = jax.random.randint(ks[1], (B,), 0, M, dtype=jnp.int32)
    messages = jax.random.normal(ks[2], (B, MSG), dtype=jnp.float32)
    W_ih = jax.random.normal(ks[3], (3 * D, MSG), dtype=jnp.float32) * 0.05
    W_hh = jax.random.normal(ks[4], (3 * D, D), dtype=jnp.float32) * 0.05
    b_ih = jnp.zeros((3 * D,), dtype=jnp.float32)
    b_hh = jnp.zeros((3 * D,), dtype=jnp.float32)
    return {
        "node_memories": node_memories,
        "node_ids": node_ids,
        "messages": messages,
        "W_ih": W_ih,
        "W_hh": W_hh,
        "b_ih": b_ih,
        "b_hh": b_hh,
    }


def reference(node_memories, node_ids, messages, W_ih, W_hh, b_ih, b_hh):
    # get_memories: gather memory rows for the batch of node ids
    h = jnp.take(node_memories, node_ids, axis=0)  # (B, D)
    # GRUCell memory updater: updated = GRU(messages, h)
    gi = messages @ W_ih.T + b_ih  # (B, 3D)
    gh = h @ W_hh.T + b_hh         # (B, 3D)
    i_r, i_z, i_n = jnp.split(gi, 3, axis=-1)
    h_r, h_z, h_n = jnp.split(gh, 3, axis=-1)
    r = jax.nn.sigmoid(i_r + h_r)
    z = jax.nn.sigmoid(i_z + h_z)
    n = jnp.tanh(i_n + r * h_n)
    updated = (1.0 - z) * n + z * h  # (B, D)
    # set_memories: scatter-overwrite updated rows back into the memory bank
    new_memories = node_memories.at[node_ids].set(updated)
    return new_memories

if __name__ == "__main__":
    import jax
    _d = setup_inputs()
    print(jax.jit(kernel)(*tuple(_d.values())))

</pallas_src>

<mosaic_0001>
#map = affine_map<(d0, d1) -> (0, 0)>
#map1 = affine_map<(d0, d1) -> (0)>
module attributes {stable_mosaic.version = 14 : i64} {
  func.func @new_body(%arg0: i32, %arg1: i32, %arg2: memref<8000000x16xf32, #tpu.memory_space<hbm>>, %arg3: memref<16384xi32, #tpu.memory_space<hbm>>, %arg4: memref<65536x16xf32, #tpu.memory_space<hbm>>, %arg5: memref<8000000x16xf32, #tpu.memory_space<hbm>>, %arg6: memref<512xi32, #tpu.memory_space<vmem>>, %arg7: memref<2048xi32, #tpu.memory_space<vmem>>, %arg8: memref<2048x16xf32, #tpu.memory_space<vmem>>, %arg9: memref<!tpu.dma_semaphore, #tpu.memory_space<semaphore_mem>>) attributes {dimension_semantics = [#tpu.dimension_semantics<core_parallel>, #tpu.dimension_semantics<subcore_parallel>], iteration_bounds = array<i64: 2, 16>, scalar_prefetch = 0 : i64, scratch_operands = 4 : i64, tpu.core_type = #tpu.core_type<sc_vector_subcore>, window_params = [{transform_indices = #map}, {transform_indices = #map1}, {transform_indices = #map}, {transform_indices = #map}]} {
    %mul3A = arith.constant 2 : i32
    %mul3A_0 = arith.muli %arg1, %mul3A : i32
    %add3A = arith.addi %mul3A_0, %arg0 : i32
    %mul3A_1 = arith.constant 512 : i32
    %mul3A_2 = arith.muli %add3A, %mul3A_1 : i32
    "tpu.region"() ({
      %run_scoped3A = tpu.sem_alloc : memref<!tpu.dma_semaphore, #tpu.memory_space<semaphore_mem>>
      %dma_start3A_265 = tpu.memref_slice %arg3[%mul3A_2] : memref<16384xi32, #tpu.memory_space<hbm>> -> memref<512xi32, #tpu.memory_space<hbm>>
      %dma_start3A_266 = tpu.memref_slice %arg3[%mul3A_2] : memref<16384xi32, #tpu.memory_space<hbm>> -> memref<512xi32, #tpu.memory_space<hbm>>
      tpu.enqueue_dma source(%dma_start3A_266 : memref<512xi32, #tpu.memory_space<hbm>>) target(%arg6 : memref<512xi32, #tpu.memory_space<vmem>>) target_semaphore(%run_scoped3A : memref<!tpu.dma_semaphore, #tpu.memory_space<semaphore_mem>>)
      %dma_wait3A_267 = tpu.memref_slice %arg3[%mul3A_2] : memref<16384xi32, #tpu.memory_space<hbm>> -> memref<512xi32, #tpu.memory_space<hbm>>
      %dma_wait3A_268 = tpu.memref_slice %arg3[%mul3A_2] : memref<16384xi32, #tpu.memory_space<hbm>> -> memref<512xi32, #tpu.memory_space<hbm>>
      tpu.wait_dma2 semaphore(%run_scoped3A : memref<!tpu.dma_semaphore, #tpu.memory_space<semaphore_mem>>) src(%dma_wait3A_268 : memref<512xi32, #tpu.memory_space<hbm>>) dst(%arg6 : memref<512xi32, #tpu.memory_space<vmem>>)
      tpu.yield
    }) : () -> ()
    %scan3A = arith.constant 0 : i32
    %scan3A_3 = arith.constant 0 : i32
    %scan3A_4 = arith.constant 128 : i32
    %scan3A_5 = arith.addi %scan3A_3, %scan3A_4 : i32
    %scan3A_6 = arith.constant 8 : i32
    %scan3A_7 = scf.for %scan3A_265 = %scan3A_3 to %scan3A_5 step %scan3A_6 iter_args(%scan3A_266 = %scan3A) -> (i32)  : i32 {
      %iota3A = tpu.iota {dimensions = array<i32: 0>} : vector<16xi32>
      %mul3A_267 = arith.constant 16 : i32
      %mul3A_268 = arith.muli %scan3A_265, %mul3A_267 : i32
      %add3A_269 = vector.broadcast %mul3A_268 : i32 to vector<16xi32>
      %add3A_270 = arith.addi %iota3A, %add3A_269 : vector<16xi32>
      %shift_right_arithmetic3A = arith.constant 2 : i32
      %shift_right_arithmetic3A_271 = vector.broadcast %shift_right_arithmetic3A : i32 to vector<16xi32>
      %shift_right_arithmetic3A_272 = arith.shrsi %add3A_270, %shift_right_arithmetic3A_271 : vector<16xi32>
      %gather3A = tpu.vector_load_idx %arg6[%shift_right_arithmetic3A_272] : memref<512xi32, #tpu.memory_space<vmem>>[vector<16xi32>], vector<16xi32>,
      %mul3A_273 = arith.constant 8 : i32
      %mul3A_274 = vector.broadcast %mul3A_273 : i32 to vector<16xi32>
      %mul3A_275 = arith.muli %gather3A, %mul3A_274 : vector<16xi32>
      %and3A = arith.constant 3 : i32
      %and3A_276 = vector.broadcast %and3A : i32 to vector<16xi32>
      %and3A_277 = arith.andi %add3A_270, %and3A_276 : vector<16xi32>
      %add3A_278 = arith.addi %mul3A_275, %and3A_277 : vector<16xi32>
      %mul3A_279 = arith.constant 16 : i32
      %mul3A_280 = arith.muli %scan3A_265, %mul3A_279 : i32
      %swap3A = arith.index_cast %mul3A_280 : i32 to index
      %swap3A_281 = tpu.vector_load %arg7[%swap3A] {strides = array<i32>} : memref<2048xi32, #tpu.memory_space<vmem>>, vector<16xi32>,
      tpu.vector_store %arg7[%swap3A], %add3A_278 {strides = array<i32>} : memref<2048xi32, #tpu.memory_space<vmem>>, vector<16xi32>,
      %scan3A_282 = arith.constant 0 : i32
      %scan3A_283 = arith.constant 1 : i32
      %scan3A_284 = arith.addi %scan3A_265, %scan3A_283 : i32
      %iota3A_285 = tpu.iota {dimensions = array<i32: 0>} : vector<16xi32>
      %mul3A_286 = arith.constant 16 : i32
      %mul3A_287 = arith.muli %scan3A_284, %mul3A_286 : i32
      %add3A_288 = vector.broadcast %mul3A_287 : i32 to vector<16xi32>
      %add3A_289 = arith.addi %iota3A_285, %add3A_288 : vector<16xi32>
      %shift_right_arithmetic3A_290 = arith.constant 2 : i32
      %shift_right_arithmetic3A_291 = vector.broadcast %shift_right_arithmetic3A_290 : i32 to vector<16xi32>
      %shift_right_arithmetic3A_292 = arith.shrsi %add3A_289, %shift_right_arithmetic3A_291 : vector<16xi32>
      %gather3A_293 = tpu.vector_load_idx %arg6[%shift_right_arithmetic3A_292] : memref<512xi32, #tpu.memory_space<vmem>>[vector<16xi32>], vector<16xi32>,
      %mul3A_294 = arith.constant 8 : i32
      %mul3A_295 = vector.broadcast %mul3A_294 : i32 to vector<16xi32>
      %mul3A_296 = arith.muli %gather3A_293, %mul3A_295 : vector<16xi32>
      %and3A_297 = arith.constant 3 : i32
      %and3A_298 = vector.broadcast %and3A_297 : i32 to vector<16xi32>
      %and3A_299 = arith.andi %add3A_289, %and3A_298 : vector<16xi32>
      %add3A_300 = arith.addi %mul3A_296, %and3A_299 : vector<16xi32>
      %mul3A_301 = arith.constant 16 : i32
      %mul3A_302 = arith.muli %scan3A_284, %mul3A_301 : i32
      %swap3A_303 = arith.index_cast %mul3A_302 : i32 to index
      %swap3A_304 = tpu.vector_load %arg7[%swap3A_303] {strides = array<i32>} : memref<2048xi32, #tpu.memory_space<vmem>>, vector<16xi32>,
      tpu.vector_store %arg7[%swap3A_303], %add3A_300 {strides = array<i32>} : memref<2048xi32, #tpu.memory_space<vmem>>, vector<16xi32>,
      %scan3A_305 = arith.constant 0 : i32
      %scan3A_306 = arith.constant 2 : i32
      %scan3A_307 = arith.addi %scan3A_265, %scan3A_306 : i32
      %iota3A_308 = tpu.iota {dimensions = array<i32: 0>} : vector<16xi32>
      %mul3A_309 = arith.constant 16 : i32
      %mul3A_310 = arith.muli %scan3A_307, %mul3A_309 : i32
      %add3A_311 = vector.broadcast %mul3A_310 : i32 to vector<16xi32>
      %add3A_312 = arith.addi %iota3A_308, %add3A_311 : vector<16xi32>
      %shift_right_arithmetic3A_313 = arith.constant 2 : i32
      %shift_right_arithmetic3A_314 = vector.broadcast %shift_right_arithmetic3A_313 : i32 to vector<16xi32>
      %shift_right_arithmetic3A_315 = arith.shrsi %add3A_312, %shift_right_arithmetic3A_314 : vector<16xi32>
      %gather3A_316 = tpu.vector_load_idx %arg6[%shift_right_arithmetic3A_315] : memref<512xi32, #tpu.memory_space<vmem>>[vector<16xi32>], vector<16xi32>,
      %mul3A_317 = arith.constant 8 : i32
      %mul3A_318 = vector.broadcast %mul3A_317 : i32 to vector<16xi32>
      %mul3A_319 = arith.muli %gather3A_316, %mul3A_318 : vector<16xi32>
      %and3A_320 = arith.constant 3 : i32
      %and3A_321 = vector.broadcast %and3A_320 : i32 to vector<16xi32>
      %and3A_322 = arith.andi %add3A_312, %and3A_321 : vector<16xi32>
      %add3A_323 = arith.addi %mul3A_319, %and3A_322 : vector<16xi32>
      %mul3A_324 = arith.constant 16 : i32
      %mul3A_325 = arith.muli %scan3A_307, %mul3A_324 : i32
      %swap3A_326 = arith.index_cast %mul3A_325 : i32 to index
      %swap3A_327 = tpu.vector_load %arg7[%swap3A_326] {strides = array<i32>} : memref<2048xi32, #tpu.memory_space<vmem>>, vector<16xi32>,
      tpu.vector_store %arg7[%swap3A_326], %add3A_323 {strides = array<i32>} : memref<2048xi32, #tpu.memory_space<vmem>>, vector<16xi32>,
      %scan3A_328 = arith.constant 0 : i32
      %scan3A_329 = arith.constant 3 : i32
      %scan3A_330 = arith.addi %scan3A_265, %scan3A_329 : i32
      %iota3A_331 = tpu.iota {dimensions = array<i32: 0>} : vector<16xi32>
      %mul3A_332 = arith.constant 16 : i32
      %mul3A_333 = arith.muli %scan3A_330, %mul3A_332 : i32
      %add3A_334 = vector.broadcast %mul3A_333 : i32 to vector<16xi32>
      %add3A_335 = arith.addi %iota3A_331, %add3A_334 : vector<16xi32>
      %shift_right_arithmetic3A_336 = arith.constant 2 : i32
      %shift_right_arithmetic3A_337 = vector.broadcast %shift_right_arithmetic3A_336 : i32 to vector<16xi32>
      %shift_right_arithmetic3A_338 = arith.shrsi %add3A_335, %shift_right_arithmetic3A_337 : vector<16xi32>
      %gather3A_339 = tpu.vector_load_idx %arg6[%shift_right_arithmetic3A_338] : memref<512xi32, #tpu.memory_space<vmem>>[vector<16xi32>], vector<16xi32>,
      %mul3A_340 = arith.constant 8 : i32
      %mul3A_341 = vector.broadcast %mul3A_340 : i32 to vector<16xi32>
      %mul3A_342 = arith.muli %gather3A_339, %mul3A_341 : vector<16xi32>
      %and3A_343 = arith.constant 3 : i32
      %and3A_344 = vector.broadcast %and3A_343 : i32 to vector<16xi32>
      %and3A_345 = arith.andi %add3A_335, %and3A_344 : vector<16xi32>
      %add3A_346 = arith.addi %mul3A_342, %and3A_345 : vector<16xi32>
      %mul3A_347 = arith.constant 16 : i32
      %mul3A_348 = arith.muli %scan3A_330, %mul3A_347 : i32
      %swap3A_349 = arith.index_cast %mul3A_348 : i32 to index
      %swap3A_350 = tpu.vector_load %arg7[%swap3A_349] {strides = array<i32>} : memref<2048xi32, #tpu.memory_space<vmem>>, vector<16xi32>,
      tpu.vector_store %arg7[%swap3A_349], %add3A_346 {strides = array<i32>} : memref<2048xi32, #tpu.memory_space<vmem>>, vector<16xi32>,
      %scan3A_351 = arith.constant 0 : i32
      %scan3A_352 = arith.constant 4 : i32
      %scan3A_353 = arith.addi %scan3A_265, %scan3A_352 : i32
      %iota3A_354 = tpu.iota {dimensions = array<i32: 0>} : vector<16xi32>
      %mul3A_355 = arith.constant 16 : i32
      %mul3A_356 = arith.muli %scan3A_353, %mul3A_355 : i32
      %add3A_357 = vector.broadcast %mul3A_356 : i32 to vector<16xi32>
      %add3A_358 = arith.addi %iota3A_354, %add3A_357 : vector<16xi32>
      %shift_right_arithmetic3A_359 = arith.constant 2 : i32
      %shift_right_arithmetic3A_360 = vector.broadcast %shift_right_arithmetic3A_359 : i32 to vector<16xi32>
      %shift_right_arithmetic3A_361 = arith.shrsi %add3A_358, %shift_right_arithmetic3A_360 : vector<16xi32>
      %gather3A_362 = tpu.vector_load_idx %arg6[%shift_right_arithmetic3A_361] : memref<512xi32, #tpu.memory_space<vmem>>[vector<16xi32>], vector<16xi32>,
      %mul3A_363 = arith.constant 8 : i32
      %mul3A_364 = vector.broadcast %mul3A_363 : i32 to vector<16xi32>
      %mul3A_365 = arith.muli %gather3A_362, %mul3A_364 : vector<16xi32>
      %and3A_366 = arith.constant 3 : i32
      %and3A_367 = vector.broadcast %and3A_366 : i32 to vector<16xi32>
      %and3A_368 = arith.andi %add3A_358, %and3A_367 : vector<16xi32>
      %add3A_369 = arith.addi %mul3A_365, %and3A_368 : vector<16xi32>
      %mul3A_370 = arith.constant 16 : i32
      %mul3A_371 = arith.muli %scan3A_353, %mul3A_370 : i32
      %swap3A_372 = arith.index_cast %mul3A_371 : i32 to index
      %swap3A_373 = tpu.vector_load %arg7[%swap3A_372] {strides = array<i32>} : memref<2048xi32, #tpu.memory_space<vmem>>, vector<16xi32>,
      tpu.vector_store %arg7[%swap3A_372], %add3A_369 {strides = array<i32>} : memref<2048xi32, #tpu.memory_space<vmem>>, vector<16xi32>,
      %scan3A_374 = arith.constant 0 : i32
      %scan3A_375 = arith.constant 5 : i32
      %scan3A_376 = arith.addi %scan3A_265, %scan3A_375 : i32
      %iota3A_377 = tpu.iota {dimensions = array<i32: 0>} : vector<16xi32>
      %mul3A_378 = arith.constant 16 : i32
      %mul3A_379 = arith.muli %scan3A_376, %mul3A_378 : i32
      %add3A_380 = vector.broadcast %mul3A_379 : i32 to vector<16xi32>
      %add3A_381 = arith.addi %iota3A_377, %add3A_380 : vector<16xi32>
      %shift_right_arithmetic3A_382 = arith.constant 2 : i32
      %shift_right_arithmetic3A_383 = vector.broadcast %shift_right_arithmetic3A_382 : i32 to vector<16xi32>
      %shift_right_arithmetic3A_384 = arith.shrsi %add3A_381, %shift_right_arithmetic3A_383 : vector<16xi32>
      %gather3A_385 = tpu.vector_load_idx %arg6[%shift_right_arithmetic3A_384] : memref<512xi32, #tpu.memory_space<vmem>>[vector<16xi32>], vector<16xi32>,
      %mul3A_386 = arith.constant 8 : i32
      %mul3A_387 = vector.broadcast %mul3A_386 : i32 to vector<16xi32>
      %mul3A_388 = arith.muli %gather3A_385, %mul3A_387 : vector<16xi32>
      %and3A_389 = arith.constant 3 : i32
      %and3A_390 = vector.broadcast %and3A_389 : i32 to vector<16xi32>
      %and3A_391 = arith.andi %add3A_381, %and3A_390 : vector<16xi32>
      %add3A_392 = arith.addi %mul3A_388, %and3A_391 : vector<16xi32>
      %mul3A_393 = arith.constant 16 : i32
      %mul3A_394 = arith.muli %scan3A_376, %mul3A_393 : i32
      %swap3A_395 = arith.index_cast %mul3A_394 : i32 to index
      %swap3A_396 = tpu.vector_load %arg7[%swap3A_395] {strides = array<i32>} : memref<2048xi32, #tpu.memory_space<vmem>>, vector<16xi32>,
      tpu.vector_store %arg7[%swap3A_395], %add3A_392 {strides = array<i32>} : memref<2048xi32, #tpu.memory_space<vmem>>, vector<16xi32>,
      %scan3A_397 = arith.constant 0 : i32
      %scan3A_398 = arith.constant 6 : i32
      %scan3A_399 = arith.addi %scan3A_265, %scan3A_398 : i32
      %iota3A_400 = tpu.iota {dimensions = array<i32: 0>} : vector<16xi32>
      %mul3A_401 = arith.constant 16 : i32
      %mul3A_402 = arith.muli %scan3A_399, %mul3A_401 : i32
      %add3A_403 = vector.broadcast %mul3A_402 : i32 to vector<16xi32>
      %add3A_404 = arith.addi %iota3A_400, %add3A_403 : vector<16xi32>
      %shift_right_arithmetic3A_405 = arith.constant 2 : i32
      %shift_right_arithmetic3A_406 = vector.broadcast %shift_right_arithmetic3A_405 : i32 to vector<16xi32>
      %shift_right_arithmetic3A_407 = arith.shrsi %add3A_404, %shift_right_arithmetic3A_406 : vector<16xi32>
      %gather3A_408 = tpu.vector_load_idx %arg6[%shift_right_arithmetic3A_407] : memref<512xi32, #tpu.memory_space<vmem>>[vector<16xi32>], vector<16xi32>,
      %mul3A_409 = arith.constant 8 : i32
      %mul3A_410 = vector.broadcast %mul3A_409 : i32 to vector<16xi32>
      %mul3A_411 = arith.muli %gather3A_408, %mul3A_410 : vector<16xi32>
      %and3A_412 = arith.constant 3 : i32
      %and3A_413 = vector.broadcast %and3A_412 : i32 to vector<16xi32>
      %and3A_414 = arith.andi %add3A_404, %and3A_413 : vector<16xi32>
      %add3A_415 = arith.addi %mul3A_411, %and3A_414 : vector<16xi32>
      %mul3A_416 = arith.constant 16 : i32
      %mul3A_417 = arith.muli %scan3A_399, %mul3A_416 : i32
      %swap3A_418 = arith.index_cast %mul3A_417 : i32 to index
      %swap3A_419 = tpu.vector_load %arg7[%swap3A_418] {strides = array<i32>} : memref<2048xi32, #tpu.memory_space<vmem>>, vector<16xi32>,
      tpu.vector_store %arg7[%swap3A_418], %add3A_415 {strides = array<i32>} : memref<2048xi32, #tpu.memory_space<vmem>>, vector<16xi32>,
      %scan3A_420 = arith.constant 0 : i32
      %scan3A_421 = arith.constant 7 : i32
      %scan3A_422 = arith.addi %scan3A_265, %scan3A_421 : i32
      %iota3A_423 = tpu.iota {dimensions = array<i32: 0>} : vector<16xi32>
      %mul3A_424 = arith.constant 16 : i32
      %mul3A_425 = arith.muli %scan3A_422, %mul3A_424 : i32
      %add3A_426 = vector.broadcast %mul3A_425 : i32 to vector<16xi32>
      %add3A_427 = arith.addi %iota3A_423, %add3A_426 : vector<16xi32>
      %shift_right_arithmetic3A_428 = arith.constant 2 : i32
      %shift_right_arithmetic3A_429 = vector.broadcast %shift_right_arithmetic3A_428 : i32 to vector<16xi32>
      %shift_right_arithmetic3A_430 = arith.shrsi %add3A_427, %shift_right_arithmetic3A_429 : vector<16xi32>
      %gather3A_431 = tpu.vector_load_idx %arg6[%shift_right_arithmetic3A_430] : memref<512xi32, #tpu.memory_space<vmem>>[vector<16xi32>], vector<16xi32>,
      %mul3A_432 = arith.constant 8 : i32
      %mul3A_433 = vector.broadcast %mul3A_432 : i32 to vector<16xi32>
      %mul3A_434 = arith.muli %gather3A_431, %mul3A_433 : vector<16xi32>
      %and3A_435 = arith.constant 3 : i32
      %and3A_436 = vector.broadcast %and3A_435 : i32 to vector<16xi32>
      %and3A_437 = arith.andi %add3A_427, %and3A_436 : vector<16xi32>
      %add3A_438 = arith.addi %mul3A_434, %and3A_437 : vector<16xi32>
      %mul3A_439 = arith.constant 16 : i32
      %mul3A_440 = arith.muli %scan3A_422, %mul3A_439 : i32
      %swap3A_441 = arith.index_cast %mul3A_440 : i32 to index
      %swap3A_442 = tpu.vector_load %arg7[%swap3A_441] {strides = array<i32>} : memref<2048xi32, #tpu.memory_space<vmem>>, vector<16xi32>,
      tpu.vector_store %arg7[%swap3A_441], %add3A_438 {strides = array<i32>} : memref<2048xi32, #tpu.memory_space<vmem>>, vector<16xi32>,
      %scan3A_443 = arith.constant 0 : i32
      scf.yield %scan3A_443 : i32
    }
    %scan3A_8 = arith.constant 128 : i32
    %dma_start3A = arith.constant 0 : i32
    %dma_start3A_9 = arith.constant 0 : i32
    %dma_start3A_10 = tpu.memref_slice %arg8[%dma_start3A, %dma_start3A_9] : memref<2048x16xf32, #tpu.memory_space<vmem>> -> memref<128x16xf32, #tpu.memory_space<vmem>>
    %dma_start3A_11 = arith.constant 0 : i32
    %dma_start3A_12 = tpu.memref_slice %arg7[%dma_start3A_11] : memref<2048xi32, #tpu.memory_space<vmem>> -> memref<128xi32, #tpu.memory_space<vmem>>
    %dma_start3A_13 = arith.constant 0 : i32
    %dma_start3A_14 = arith.constant 0 : i32
    %dma_start3A_15 = tpu.memref_slice %arg2[%dma_start3A_13, %dma_start3A_14] : memref<8000000x16xf32, #tpu.memory_space<hbm>> -> memref<8000000x16xf32, #tpu.memory_space<hbm>>
    tpu.enqueue_indirect_dma source(%dma_start3A_15 : memref<8000000x16xf32, #tpu.memory_space<hbm>>) target(%dma_start3A_10 : memref<128x16xf32, #tpu.memory_space<vmem>>) offsets(%dma_start3A_12 : memref<128xi32, #tpu.memory_space<vmem>>) semaphore(%arg9 : memref<!tpu.dma_semaphore, #tpu.memory_space<semaphore_mem>>)
    %dma_start3A_16 = arith.constant 128 : i32
    %dma_start3A_17 = arith.constant 0 : i32
    %dma_start3A_18 = tpu.memref_slice %arg8[%dma_start3A_16, %dma_start3A_17] : memref<2048x16xf32, #tpu.memory_space<vmem>> -> memref<128x16xf32, #tpu.memory_space<vmem>>
    %dma_start3A_19 = arith.constant 128 : i32
    %dma_start3A_20 = tpu.memref_slice %arg7[%dma_start3A_19] : memref<2048xi32, #tpu.memory_space<vmem>> -> memref<128xi32, #tpu.memory_space<vmem>>
    %dma_start3A_21 = arith.constant 0 : i32
    %dma_start3A_22 = arith.constant 0 : i32
    %dma_start3A_23 = tpu.memref_slice %arg2[%dma_start3A_21, %dma_start3A_22] : memref<8000000x16xf32, #tpu.memory_space<hbm>> -> memref<8000000x16xf32, #tpu.memory_space<hbm>>
    tpu.enqueue_indirect_dma source(%dma_start3A_23 : memref<8000000x16xf32, #tpu.memory_space<hbm>>) target(%dma_start3A_18 : memref<128x16xf32, #tpu.memory_space<vmem>>) offsets(%dma_start3A_20 : memref<128xi32, #tpu.memory_space<vmem>>) semaphore(%arg9 : memref<!tpu.dma_semaphore, #tpu.memory_space<semaphore_mem>>)
    %dma_start3A_24 = arith.constant 256 : i32
    %dma_start3A_25 = arith.constant 0 : i32
    %dma_start3A_26 = tpu.memref_slice %arg8[%dma_start3A_24, %dma_start3A_25] : memref<2048x16xf32, #tpu.memory_space<vmem>> -> memref<128x16xf32, #tpu.memory_space<vmem>>
    %dma_start3A_27 = arith.constant 256 : i32
    %dma_start3A_28 = tpu.memref_slice %arg7[%dma_start3A_27] : memref<2048xi32, #tpu.memory_space<vmem>> -> memref<128xi32, #tpu.memory_space<vmem>>
    %dma_start3A_29 = arith.constant 0 : i32
    %dma_start3A_30 = arith.constant 0 : i32
    %dma_start3A_31 = tpu.memref_slice %arg2[%dma_start3A_29, %dma_start3A_30] : memref<8000000x16xf32, #tpu.memory_space<hbm>> -> memref<8000000x16xf32, #tpu.memory_space<hbm>>
    tpu.enqueue_indirect_dma source(%dma_start3A_31 : memref<8000000x16xf32, #tpu.memory_space<hbm>>) target(%dma_start3A_26 : memref<128x16xf32, #tpu.memory_space<vmem>>) offsets(%dma_start3A_28 : memref<128xi32, #tpu.memory_space<vmem>>) semaphore(%arg9 : memref<!tpu.dma_semaphore, #tpu.memory_space<semaphore_mem>>)
    %dma_start3A_32 = arith.constant 384 : i32
    %dma_start3A_33 = arith.constant 0 : i32
    %dma_start3A_34 = tpu.memref_slice %arg8[%dma_start3A_32, %dma_start3A_33] : memref<2048x16xf32, #tpu.memory_space<vmem>> -> memref<128x16xf32, #tpu.memory_space<vmem>>
    %dma_start3A_35 = arith.constant 384 : i32
    %dma_start3A_36 = tpu.memref_slice %arg7[%dma_start3A_35] : memref<2048xi32, #tpu.memory_space<vmem>> -> memref<128xi32, #tpu.memory_space<vmem>>
    %dma_start3A_37 = arith.constant 0 : i32
    %dma_start3A_38 = arith.constant 0 : i32
    %dma_start3A_39 = tpu.memref_slice %arg2[%dma_start3A_37, %dma_start3A_38] : memref<8000000x16xf32, #tpu.memory_space<hbm>> -> memref<8000000x16xf32, #tpu.memory_space<hbm>>
    tpu.enqueue_indirect_dma source(%dma_start3A_39 : memref<8000000x16xf32, #tpu.memory_space<hbm>>) target(%dma_start3A_34 : memref<128x16xf32, #tpu.memory_space<vmem>>) offsets(%dma_start3A_36 : memref<128xi32, #tpu.memory_space<vmem>>) semaphore(%arg9 : memref<!tpu.dma_semaphore, #tpu.memory_space<semaphore_mem>>)
    %dma_start3A_40 = arith.constant 512 : i32
    %dma_start3A_41 = arith.constant 0 : i32
    %dma_start3A_42 = tpu.memref_slice %arg8[%dma_start3A_40, %dma_start3A_41] : memref<2048x16xf32, #tpu.memory_space<vmem>> -> memref<128x16xf32, #tpu.memory_space<vmem>>
    %dma_start3A_43 = arith.constant 512 : i32
    %dma_start3A_44 = tpu.memref_slice %arg7[%dma_start3A_43] : memref<2048xi32, #tpu.memory_space<vmem>> -> memref<128xi32, #tpu.memory_space<vmem>>
    %dma_start3A_45 = arith.constant 0 : i32
    %dma_start3A_46 = arith.constant 0 : i32
    %dma_start3A_47 = tpu.memref_slice %arg2[%dma_start3A_45, %dma_start3A_46] : memref<8000000x16xf32, #tpu.memory_space<hbm>> -> memref<8000000x16xf32, #tpu.memory_space<hbm>>
    tpu.enqueue_indirect_dma source(%dma_start3A_47 : memref<8000000x16xf32, #tpu.memory_space<hbm>>) target(%dma_start3A_42 : memref<128x16xf32, #tpu.memory_space<vmem>>) offsets(%dma_start3A_44 : memref<128xi32, #tpu.memory_space<vmem>>) semaphore(%arg9 : memref<!tpu.dma_semaphore, #tpu.memory_space<semaphore_mem>>)
    %dma_start3A_48 = arith.constant 640 : i32
    %dma_start3A_49 = arith.constant 0 : i32
    %dma_start3A_50 = tpu.memref_slice %arg8[%dma_start3A_48, %dma_start3A_49] : memref<2048x16xf32, #tpu.memory_space<vmem>> -> memref<128x16xf32, #tpu.memory_space<vmem>>
    %dma_start3A_51 = arith.constant 640 : i32
    %dma_start3A_52 = tpu.memref_slice %arg7[%dma_start3A_51] : memref<2048xi32, #tpu.memory_space<vmem>> -> memref<128xi32, #tpu.memory_space<vmem>>
    %dma_start3A_53 = arith.constant 0 : i32
    %dma_start3A_54 = arith.constant 0 : i32
    %dma_start3A_55 = tpu.memref_slice %arg2[%dma_start3A_53, %dma_start3A_54] : memref<8000000x16xf32, #tpu.memory_space<hbm>> -> memref<8000000x16xf32, #tpu.memory_space<hbm>>
    tpu.enqueue_indirect_dma source(%dma_start3A_55 : memref<8000000x16xf32, #tpu.memory_space<hbm>>) target(%dma_start3A_50 : memref<128x16xf32, #tpu.memory_space<vmem>>) offsets(%dma_start3A_52 : memref<128xi32, #tpu.memory_space<vmem>>) semaphore(%arg9 : memref<!tpu.dma_semaphore, #tpu.memory_space<semaphore_mem>>)
    %dma_start3A_56 = arith.constant 768 : i32
    %dma_start3A_57 = arith.constant 0 : i32
    %dma_start3A_58 = tpu.memref_slice %arg8[%dma_start3A_56, %dma_start3A_57] : memref<2048x16xf32, #tpu.memory_space<vmem>> -> memref<128x16xf32, #tpu.memory_space<vmem>>
    %dma_start3A_59 = arith.constant 768 : i32
    %dma_start3A_60 = tpu.memref_slice %arg7[%dma_start3A_59] : memref<2048xi32, #tpu.memory_space<vmem>> -> memref<128xi32, #tpu.memory_space<vmem>>
    %dma_start3A_61 = arith.constant 0 : i32
    %dma_start3A_62 = arith.constant 0 : i32
    %dma_start3A_63 = tpu.memref_slice %arg2[%dma_start3A_61, %dma_start3A_62] : memref<8000000x16xf32, #tpu.memory_space<hbm>> -> memref<8000000x16xf32, #tpu.memory_space<hbm>>
    tpu.enqueue_indirect_dma source(%dma_start3A_63 : memref<8000000x16xf32, #tpu.memory_space<hbm>>) target(%dma_start3A_58 : memref<128x16xf32, #tpu.memory_space<vmem>>) offsets(%dma_start3A_60 : memref<128xi32, #tpu.memory_space<vmem>>) semaphore(%arg9 : memref<!tpu.dma_semaphore, #tpu.memory_space<semaphore_mem>>)
    %dma_start3A_64 = arith.constant 896 : i32
    %dma_start3A_65 = arith.constant 0 : i32
    %dma_start3A_66 = tpu.memref_slice %arg8[%dma_start3A_64, %dma_start3A_65] : memref<2048x16xf32, #tpu.memory_space<vmem>> -> memref<128x16xf32, #tpu.memory_space<vmem>>
    %dma_start3A_67 = arith.constant 896 : i32
    %dma_start3A_68 = tpu.memref_slice %arg7[%dma_start3A_67] : memref<2048xi32, #tpu.memory_space<vmem>> -> memref<128xi32, #tpu.memory_space<vmem>>
    %dma_start3A_69 = arith.constant 0 : i32
    %dma_start3A_70 = arith.constant 0 : i32
    %dma_start3A_71 = tpu.memref_slice %arg2[%dma_start3A_69, %dma_start3A_70] : memref<8000000x16xf32, #tpu.memory_space<hbm>> -> memref<8000000x16xf32, #tpu.memory_space<hbm>>
    tpu.enqueue_indirect_dma source(%dma_start3A_71 : memref<8000000x16xf32, #tpu.memory_space<hbm>>) target(%dma_start3A_66 : memref<128x16xf32, #tpu.memory_space<vmem>>) offsets(%dma_start3A_68 : memref<128xi32, #tpu.memory_space<vmem>>) semaphore(%arg9 : memref<!tpu.dma_semaphore, #tpu.memory_space<semaphore_mem>>)
    %dma_start3A_72 = arith.constant 1024 : i32
    %dma_start3A_73 = arith.constant 0 : i32
    %dma_start3A_74 = tpu.memref_slice %arg8[%dma_start3A_72, %dma_start3A_73] : memref<2048x16xf32, #tpu.memory_space<vmem>> -> memref<128x16xf32, #tpu.memory_space<vmem>>
    %dma_start3A_75 = arith.constant 1024 : i32
    %dma_start3A_76 = tpu.memref_slice %arg7[%dma_start3A_75] : memref<2048xi32, #tpu.memory_space<vmem>> -> memref<128xi32, #tpu.memory_space<vmem>>
    %dma_start3A_77 = arith.constant 0 : i32
    %dma_start3A_78 = arith.constant 0 : i32
    %dma_start3A_79 = tpu.memref_slice %arg2[%dma_start3A_77, %dma_start3A_78] : memref<8000000x16xf32, #tpu.memory_space<hbm>> -> memref<8000000x16xf32, #tpu.memory_space<hbm>>
    tpu.enqueue_indirect_dma source(%dma_start3A_79 : memref<8000000x16xf32, #tpu.memory_space<hbm>>) target(%dma_start3A_74 : memref<128x16xf32, #tpu.memory_space<vmem>>) offsets(%dma_start3A_76 : memref<128xi32, #tpu.memory_space<vmem>>) semaphore(%arg9 : memref<!tpu.dma_semaphore, #tpu.memory_space<semaphore_mem>>)
    %dma_start3A_80 = arith.constant 1152 : i32
    %dma_start3A_81 = arith.constant 0 : i32
    %dma_start3A_82 = tpu.memref_slice %arg8[%dma_start3A_80, %dma_start3A_81] : memref<2048x16xf32, #tpu.memory_space<vmem>> -> memref<128x16xf32, #tpu.memory_space<vmem>>
    %dma_start3A_83 = arith.constant 1152 : i32
    %dma_start3A_84 = tpu.memref_slice %arg7[%dma_start3A_83] : memref<2048xi32, #tpu.memory_space<vmem>> -> memref<128xi32, #tpu.memory_space<vmem>>
    %dma_start3A_85 = arith.constant 0 : i32
    %dma_start3A_86 = arith.constant 0 : i32
    %dma_start3A_87 = tpu.memref_slice %arg2[%dma_start3A_85, %dma_start3A_86] : memref<8000000x16xf32, #tpu.memory_space<hbm>> -> memref<8000000x16xf32, #tpu.memory_space<hbm>>
    tpu.enqueue_indirect_dma source(%dma_start3A_87 : memref<8000000x16xf32, #tpu.memory_space<hbm>>) target(%dma_start3A_82 : memref<128x16xf32, #tpu.memory_space<vmem>>) offsets(%dma_start3A_84 : memref<128xi32, #tpu.memory_space<vmem>>) semaphore(%arg9 : memref<!tpu.dma_semaphore, #tpu.memory_space<semaphore_mem>>)
    %dma_start3A_88 = arith.constant 1280 : i32
    %dma_start3A_89 = arith.constant 0 : i32
    %dma_start3A_90 = tpu.memref_slice %arg8[%dma_start3A_88, %dma_start3A_89] : memref<2048x16xf32, #tpu.memory_space<vmem>> -> memref<128x16xf32, #tpu.memory_space<vmem>>
    %dma_start3A_91 = arith.constant 1280 : i32
    %dma_start3A_92 = tpu.memref_slice %arg7[%dma_start3A_91] : memref<2048xi32, #tpu.memory_space<vmem>> -> memref<128xi32, #tpu.memory_space<vmem>>
    %dma_start3A_93 = arith.constant 0 : i32
    %dma_start3A_94 = arith.constant 0 : i32
    %dma_start3A_95 = tpu.memref_slice %arg2[%dma_start3A_93, %dma_start3A_94] : memref<8000000x16xf32, #tpu.memory_space<hbm>> -> memref<8000000x16xf32, #tpu.memory_space<hbm>>
    tpu.enqueue_indirect_dma source(%dma_start3A_95 : memref<8000000x16xf32, #tpu.memory_space<hbm>>) target(%dma_start3A_90 : memref<128x16xf32, #tpu.memory_space<vmem>>) offsets(%dma_start3A_92 : memref<128xi32, #tpu.memory_space<vmem>>) semaphore(%arg9 : memref<!tpu.dma_semaphore, #tpu.memory_space<semaphore_mem>>)
    %dma_start3A_96 = arith.constant 1408 : i32
    %dma_start3A_97 = arith.constant 0 : i32
    %dma_start3A_98 = tpu.memref_slice %arg8[%dma_start3A_96, %dma_start3A_97] : memref<2048x16xf32, #tpu.memory_space<vmem>> -> memref<128x16xf32, #tpu.memory_space<vmem>>
    %dma_start3A_99 = arith.constant 1408 : i32
    %dma_start3A_100 = tpu.memref_slice %arg7[%dma_start3A_99] : memref<2048xi32, #tpu.memory_space<vmem>> -> memref<128xi32, #tpu.memory_space<vmem>>
    %dma_start3A_101 = arith.constant 0 : i32
    %dma_start3A_102 = arith.constant 0 : i32
    %dma_start3A_103 = tpu.memref_slice %arg2[%dma_start3A_101, %dma_start3A_102] : memref<8000000x16xf32, #tpu.memory_space<hbm>> -> memref<8000000x16xf32, #tpu.memory_space<hbm>>
    tpu.enqueue_indirect_dma source(%dma_start3A_103 : memref<8000000x16xf32, #tpu.memory_space<hbm>>) target(%dma_start3A_98 : memref<128x16xf32, #tpu.memory_space<vmem>>) offsets(%dma_start3A_100 : memref<128xi32, #tpu.memory_space<vmem>>) semaphore(%arg9 : memref<!tpu.dma_semaphore, #tpu.memory_space<semaphore_mem>>)
    %dma_start3A_104 = arith.constant 1536 : i32
    %dma_start3A_105 = arith.constant 0 : i32
    %dma_start3A_106 = tpu.memref_slice %arg8[%dma_start3A_104, %dma_start3A_105] : memref<2048x16xf32, #tpu.memory_space<vmem>> -> memref<128x16xf32, #tpu.memory_space<vmem>>
    %dma_start3A_107 = arith.constant 1536 : i32
    %dma_start3A_108 = tpu.memref_slice %arg7[%dma_start3A_107] : memref<2048xi32, #tpu.memory_space<vmem>> -> memref<128xi32, #tpu.memory_space<vmem>>
    %dma_start3A_109 = arith.constant 0 : i32
    %dma_start3A_110 = arith.constant 0 : i32
    %dma_start3A_111 = tpu.memref_slice %arg2[%dma_start3A_109, %dma_start3A_110] : memref<8000000x16xf32, #tpu.memory_space<hbm>> -> memref<8000000x16xf32, #tpu.memory_space<hbm>>
    tpu.enqueue_indirect_dma source(%dma_start3A_111 : memref<8000000x16xf32, #tpu.memory_space<hbm>>) target(%dma_start3A_106 : memref<128x16xf32, #tpu.memory_space<vmem>>) offsets(%dma_start3A_108 : memref<128xi32, #tpu.memory_space<vmem>>) semaphore(%arg9 : memref<!tpu.dma_semaphore, #tpu.memory_space<semaphore_mem>>)
    %dma_start3A_112 = arith.constant 1664 : i32
    %dma_start3A_113 = arith.constant 0 : i32
    %dma_start3A_114 = tpu.memref_slice %arg8[%dma_start3A_112, %dma_start3A_113] : memref<2048x16xf32, #tpu.memory_space<vmem>> -> memref<128x16xf32, #tpu.memory_space<vmem>>
    %dma_start3A_115 = arith.constant 1664 : i32
    %dma_start3A_116 = tpu.memref_slice %arg7[%dma_start3A_115] : memref<2048xi32, #tpu.memory_space<vmem>> -> memref<128xi32, #tpu.memory_space<vmem>>
    %dma_start3A_117 = arith.constant 0 : i32
    %dma_start3A_118 = arith.constant 0 : i32
    %dma_start3A_119 = tpu.memref_slice %arg2[%dma_start3A_117, %dma_start3A_118] : memref<8000000x16xf32, #tpu.memory_space<hbm>> -> memref<8000000x16xf32, #tpu.memory_space<hbm>>
    tpu.enqueue_indirect_dma source(%dma_start3A_119 : memref<8000000x16xf32, #tpu.memory_space<hbm>>) target(%dma_start3A_114 : memref<128x16xf32, #tpu.memory_space<vmem>>) offsets(%dma_start3A_116 : memref<128xi32, #tpu.memory_space<vmem>>) semaphore(%arg9 : memref<!tpu.dma_semaphore, #tpu.memory_space<semaphore_mem>>)
    %dma_start3A_120 = arith.constant 1792 : i32
    %dma_start3A_121 = arith.constant 0 : i32
    %dma_start3A_122 = tpu.memref_slice %arg8[%dma_start3A_120, %dma_start3A_121] : memref<2048x16xf32, #tpu.memory_space<vmem>> -> memref<128x16xf32, #tpu.memory_space<vmem>>
    %dma_start3A_123 = arith.constant 1792 : i32
    %dma_start3A_124 = tpu.memref_slice %arg7[%dma_start3A_123] : memref<2048xi32, #tpu.memory_space<vmem>> -> memref<128xi32, #tpu.memory_space<vmem>>
    %dma_start3A_125 = arith.constant 0 : i32
    %dma_start3A_126 = arith.constant 0 : i32
    %dma_start3A_127 = tpu.memref_slice %arg2[%dma_start3A_125, %dma_start3A_126] : memref<8000000x16xf32, #tpu.memory_space<hbm>> -> memref<8000000x16xf32, #tpu.memory_space<hbm>>
    tpu.enqueue_indirect_dma source(%dma_start3A_127 : memref<8000000x16xf32, #tpu.memory_space<hbm>>) target(%dma_start3A_122 : memref<128x16xf32, #tpu.memory_space<vmem>>) offsets(%dma_start3A_124 : memref<128xi32, #tpu.memory_space<vmem>>) semaphore(%arg9 : memref<!tpu.dma_semaphore, #tpu.memory_space<semaphore_mem>>)
    %dma_start3A_128 = arith.constant 1920 : i32
    %dma_start3A_129 = arith.constant 0 : i32
    %dma_start3A_130 = tpu.memref_slice %arg8[%dma_start3A_128, %dma_start3A_129] : memref<2048x16xf32, #tpu.memory_space<vmem>> -> memref<128x16xf32, #tpu.memory_space<vmem>>
    %dma_start3A_131 = arith.constant 1920 : i32
    %dma_start3A_132 = tpu.memref_slice %arg7[%dma_start3A_131] : memref<2048xi32, #tpu.memory_space<vmem>> -> memref<128xi32, #tpu.memory_space<vmem>>
    %dma_start3A_133 = arith.constant 0 : i32
    %dma_start3A_134 = arith.constant 0 : i32
    %dma_start3A_135 = tpu.memref_slice %arg2[%dma_start3A_133, %dma_start3A_134] : memref<8000000x16xf32, #tpu.memory_space<hbm>> -> memref<8000000x16xf32, #tpu.memory_space<hbm>>
    tpu.enqueue_indirect_dma source(%dma_start3A_135 : memref<8000000x16xf32, #tpu.memory_space<hbm>>) target(%dma_start3A_130 : memref<128x16xf32, #tpu.memory_space<vmem>>) offsets(%dma_start3A_132 : memref<128xi32, #tpu.memory_space<vmem>>) semaphore(%arg9 : memref<!tpu.dma_semaphore, #tpu.memory_space<semaphore_mem>>)
    %dma_wait3A = arith.constant 0 : i32
    %dma_wait3A_136 = arith.constant 0 : i32
    %dma_wait3A_137 = tpu.memref_slice %arg8[%dma_wait3A, %dma_wait3A_136] : memref<2048x16xf32, #tpu.memory_space<vmem>> -> memref<128x16xf32, #tpu.memory_space<vmem>>
    %dma_wait3A_138 = arith.constant 0 : i32
    %dma_wait3A_139 = tpu.memref_slice %arg7[%dma_wait3A_138] : memref<2048xi32, #tpu.memory_space<vmem>> -> memref<128xi32, #tpu.memory_space<vmem>>
    %dma_wait3A_140 = arith.constant 0 : i32
    %dma_wait3A_141 = arith.constant 0 : i32
    %dma_wait3A_142 = tpu.memref_slice %arg2[%dma_wait3A_140, %dma_wait3A_141] : memref<8000000x16xf32, #tpu.memory_space<hbm>> -> memref<8000000x16xf32, #tpu.memory_space<hbm>>
    tpu.wait_indirect_dma semaphore(%arg9 : memref<!tpu.dma_semaphore, #tpu.memory_space<semaphore_mem>>) src(%dma_wait3A_142 : memref<8000000x16xf32, #tpu.memory_space<hbm>>) dst(%dma_wait3A_137 : memref<128x16xf32, #tpu.memory_space<vmem>>)
    %dma_wait3A_143 = arith.constant 128 : i32
    %dma_wait3A_144 = arith.constant 0 : i32
    %dma_wait3A_145 = tpu.memref_slice %arg8[%dma_wait3A_143, %dma_wait3A_144] : memref<2048x16xf32, #tpu.memory_space<vmem>> -> memref<128x16xf32, #tpu.memory_space<vmem>>
    %dma_wait3A_146 = arith.constant 128 : i32
    %dma_wait3A_147 = tpu.memref_slice %arg7[%dma_wait3A_146] : memref<2048xi32, #tpu.memory_space<vmem>> -> memref<128xi32, #tpu.memory_space<vmem>>
    %dma_wait3A_148 = arith.constant 0 : i32
    %dma_wait3A_149 = arith.constant 0 : i32
    %dma_wait3A_150 = tpu.memref_slice %arg2[%dma_wait3A_148, %dma_wait3A_149] : memref<8000000x16xf32, #tpu.memory_space<hbm>> -> memref<8000000x16xf32, #tpu.memory_space<hbm>>
    tpu.wait_indirect_dma semaphore(%arg9 : memref<!tpu.dma_semaphore, #tpu.memory_space<semaphore_mem>>) src(%dma_wait3A_150 : memref<8000000x16xf32, #tpu.memory_space<hbm>>) dst(%dma_wait3A_145 : memref<128x16xf32, #tpu.memory_space<vmem>>)
    %dma_wait3A_151 = arith.constant 256 : i32
    %dma_wait3A_152 = arith.constant 0 : i32
    %dma_wait3A_153 = tpu.memref_slice %arg8[%dma_wait3A_151, %dma_wait3A_152] : memref<2048x16xf32, #tpu.memory_space<vmem>> -> memref<128x16xf32, #tpu.memory_space<vmem>>
    %dma_wait3A_154 = arith.constant 256 : i32
    %dma_wait3A_155 = tpu.memref_slice %arg7[%dma_wait3A_154] : memref<2048xi32, #tpu.memory_space<vmem>> -> memref<128xi32, #tpu.memory_space<vmem>>
    %dma_wait3A_156 = arith.constant 0 : i32
    %dma_wait3A_157 = arith.constant 0 : i32
    %dma_wait3A_158 = tpu.memref_slice %arg2[%dma_wait3A_156, %dma_wait3A_157] : memref<8000000x16xf32, #tpu.memory_space<hbm>> -> memref<8000000x16xf32, #tpu.memory_space<hbm>>
    tpu.wait_indirect_dma semaphore(%arg9 : memref<!tpu.dma_semaphore, #tpu.memory_space<semaphore_mem>>) src(%dma_wait3A_158 : memref<8000000x16xf32, #tpu.memory_space<hbm>>) dst(%dma_wait3A_153 : memref<128x16xf32, #tpu.memory_space<vmem>>)
    %dma_wait3A_159 = arith.constant 384 : i32
    %dma_wait3A_160 = arith.constant 0 : i32
    %dma_wait3A_161 = tpu.memref_slice %arg8[%dma_wait3A_159, %dma_wait3A_160] : memref<2048x16xf32, #tpu.memory_space<vmem>> -> memref<128x16xf32, #tpu.memory_space<vmem>>
    %dma_wait3A_162 = arith.constant 384 : i32
    %dma_wait3A_163 = tpu.memref_slice %arg7[%dma_wait3A_162] : memref<2048xi32, #tpu.memory_space<vmem>> -> memref<128xi32, #tpu.memory_space<vmem>>
    %dma_wait3A_164 = arith.constant 0 : i32
    %dma_wait3A_165 = arith.constant 0 : i32
    %dma_wait3A_166 = tpu.memref_slice %arg2[%dma_wait3A_164, %dma_wait3A_165] : memref<8000000x16xf32, #tpu.memory_space<hbm>> -> memref<8000000x16xf32, #tpu.memory_space<hbm>>
    tpu.wait_indirect_dma semaphore(%arg9 : memref<!tpu.dma_semaphore, #tpu.memory_space<semaphore_mem>>) src(%dma_wait3A_166 : memref<8000000x16xf32, #tpu.memory_space<hbm>>) dst(%dma_wait3A_161 : memref<128x16xf32, #tpu.memory_space<vmem>>)
    %dma_wait3A_167 = arith.constant 512 : i32
    %dma_wait3A_168 = arith.constant 0 : i32
    %dma_wait3A_169 = tpu.memref_slice %arg8[%dma_wait3A_167, %dma_wait3A_168] : memref<2048x16xf32, #tpu.memory_space<vmem>> -> memref<128x16xf32, #tpu.memory_space<vmem>>
    %dma_wait3A_170 = arith.constant 512 : i32
    %dma_wait3A_171 = tpu.memref_slice %arg7[%dma_wait3A_170] : memref<2048xi32, #tpu.memory_space<vmem>> -> memref<128xi32, #tpu.memory_space<vmem>>
    %dma_wait3A_172 = arith.constant 0 : i32
    %dma_wait3A_173 = arith.constant 0 : i32
    %dma_wait3A_174 = tpu.memref_slice %arg2[%dma_wait3A_172, %dma_wait3A_173] : memref<8000000x16xf32, #tpu.memory_space<hbm>> -> memref<8000000x16xf32, #tpu.memory_space<hbm>>
    tpu.wait_indirect_dma semaphore(%arg9 : memref<!tpu.dma_semaphore, #tpu.memory_space<semaphore_mem>>) src(%dma_wait3A_174 : memref<8000000x16xf32, #tpu.memory_space<hbm>>) dst(%dma_wait3A_169 : memref<128x16xf32, #tpu.memory_space<vmem>>)
    %dma_wait3A_175 = arith.constant 640 : i32
    %dma_wait3A_176 = arith.constant 0 : i32
    %dma_wait3A_177 = tpu.memref_slice %arg8[%dma_wait3A_175, %dma_wait3A_176] : memref<2048x16xf32, #tpu.memory_space<vmem>> -> memref<128x16xf32, #tpu.memory_space<vmem>>
    %dma_wait3A_178 = arith.constant 640 : i32
    %dma_wait3A_179 = tpu.memref_slice %arg7[%dma_wait3A_178] : memref<2048xi32, #tpu.memory_space<vmem>> -> memref<128xi32, #tpu.memory_space<vmem>>
    %dma_wait3A_180 = arith.constant 0 : i32
    %dma_wait3A_181 = arith.constant 0 : i32
    %dma_wait3A_182 = tpu.memref_slice %arg2[%dma_wait3A_180, %dma_wait3A_181] : memref<8000000x16xf32, #tpu.memory_space<hbm>> -> memref<8000000x16xf32, #tpu.memory_space<hbm>>
    tpu.wait_indirect_dma semaphore(%arg9 : memref<!tpu.dma_semaphore, #tpu.memory_space<semaphore_mem>>) src(%dma_wait3A_182 : memref<8000000x16xf32, #tpu.memory_space<hbm>>) dst(%dma_wait3A_177 : memref<128x16xf32, #tpu.memory_space<vmem>>)
    %dma_wait3A_183 = arith.constant 768 : i32
    %dma_wait3A_184 = arith.constant 0 : i32
    %dma_wait3A_185 = tpu.memref_slice %arg8[%dma_wait3A_183, %dma_wait3A_184] : memref<2048x16xf32, #tpu.memory_space<vmem>> -> memref<128x16xf32, #tpu.memory_space<vmem>>
    %dma_wait3A_186 = arith.constant 768 : i32
    %dma_wait3A_187 = tpu.memref_slice %arg7[%dma_wait3A_186] : memref<2048xi32, #tpu.memory_space<vmem>> -> memref<128xi32, #tpu.memory_space<vmem>>
    %dma_wait3A_188 = arith.constant 0 : i32
    %dma_wait3A_189 = arith.constant 0 : i32
    %dma_wait3A_190 = tpu.memref_slice %arg2[%dma_wait3A_188, %dma_wait3A_189] : memref<8000000x16xf32, #tpu.memory_space<hbm>> -> memref<8000000x16xf32, #tpu.memory_space<hbm>>
    tpu.wait_indirect_dma semaphore(%arg9 : memref<!tpu.dma_semaphore, #tpu.memory_space<semaphore_mem>>) src(%dma_wait3A_190 : memref<8000000x16xf32, #tpu.memory_space<hbm>>) dst(%dma_wait3A_185 : memref<128x16xf32, #tpu.memory_space<vmem>>)
    %dma_wait3A_191 = arith.constant 896 : i32
    %dma_wait3A_192 = arith.constant 0 : i32
    %dma_wait3A_193 = tpu.memref_slice %arg8[%dma_wait3A_191, %dma_wait3A_192] : memref<2048x16xf32, #tpu.memory_space<vmem>> -> memref<128x16xf32, #tpu.memory_space<vmem>>
    %dma_wait3A_194 = arith.constant 896 : i32
    %dma_wait3A_195 = tpu.memref_slice %arg7[%dma_wait3A_194] : memref<2048xi32, #tpu.memory_space<vmem>> -> memref<128xi32, #tpu.memory_space<vmem>>
    %dma_wait3A_196 = arith.constant 0 : i32
    %dma_wait3A_197 = arith.constant 0 : i32
    %dma_wait3A_198 = tpu.memref_slice %arg2[%dma_wait3A_196, %dma_wait3A_197] : memref<8000000x16xf32, #tpu.memory_space<hbm>> -> memref<8000000x16xf32, #tpu.memory_space<hbm>>
    tpu.wait_indirect_dma semaphore(%arg9 : memref<!tpu.dma_semaphore, #tpu.memory_space<semaphore_mem>>) src(%dma_wait3A_198 : memref<8000000x16xf32, #tpu.memory_space<hbm>>) dst(%dma_wait3A_193 : memref<128x16xf32, #tpu.memory_space<vmem>>)
    %dma_wait3A_199 = arith.constant 1024 : i32
    %dma_wait3A_200 = arith.constant 0 : i32
    %dma_wait3A_201 = tpu.memref_slice %arg8[%dma_wait3A_199, %dma_wait3A_200] : memref<2048x16xf32, #tpu.memory_space<vmem>> -> memref<128x16xf32, #tpu.memory_space<vmem>>
    %dma_wait3A_202 = arith.constant 1024 : i32
    %dma_wait3A_203 = tpu.memref_slice %arg7[%dma_wait3A_202] : memref<2048xi32, #tpu.memory_space<vmem>> -> memref<128xi32, #tpu.memory_space<vmem>>
    %dma_wait3A_204 = arith.constant 0 : i32
    %dma_wait3A_205 = arith.constant 0 : i32
    %dma_wait3A_206 = tpu.memref_slice %arg2[%dma_wait3A_204, %dma_wait3A_205] : memref<8000000x16xf32, #tpu.memory_space<hbm>> -> memref<8000000x16xf32, #tpu.memory_space<hbm>>
    tpu.wait_indirect_dma semaphore(%arg9 : memref<!tpu.dma_semaphore, #tpu.memory_space<semaphore_mem>>) src(%dma_wait3A_206 : memref<8000000x16xf32, #tpu.memory_space<hbm>>) dst(%dma_wait3A_201 : memref<128x16xf32, #tpu.memory_space<vmem>>)
    %dma_wait3A_207 = arith.constant 1152 : i32
    %dma_wait3A_208 = arith.constant 0 : i32
    %dma_wait3A_209 = tpu.memref_slice %arg8[%dma_wait3A_207, %dma_wait3A_208] : memref<2048x16xf32, #tpu.memory_space<vmem>> -> memref<128x16xf32, #tpu.memory_space<vmem>>
    %dma_wait3A_210 = arith.constant 1152 : i32
    %dma_wait3A_211 = tpu.memref_slice %arg7[%dma_wait3A_210] : memref<2048xi32, #tpu.memory_space<vmem>> -> memref<128xi32, #tpu.memory_space<vmem>>
    %dma_wait3A_212 = arith.constant 0 : i32
    %dma_wait3A_213 = arith.constant 0 : i32
    %dma_wait3A_214 = tpu.memref_slice %arg2[%dma_wait3A_212, %dma_wait3A_213] : memref<8000000x16xf32, #tpu.memory_space<hbm>> -> memref<8000000x16xf32, #tpu.memory_space<hbm>>
    tpu.wait_indirect_dma semaphore(%arg9 : memref<!tpu.dma_semaphore, #tpu.memory_space<semaphore_mem>>) src(%dma_wait3A_214 : memref<8000000x16xf32, #tpu.memory_space<hbm>>) dst(%dma_wait3A_209 : memref<128x16xf32, #tpu.memory_space<vmem>>)
    %dma_wait3A_215 = arith.constant 1280 : i32
    %dma_wait3A_216 = arith.constant 0 : i32
    %dma_wait3A_217 = tpu.memref_slice %arg8[%dma_wait3A_215, %dma_wait3A_216] : memref<2048x16xf32, #tpu.memory_space<vmem>> -> memref<128x16xf32, #tpu.memory_space<vmem>>
    %dma_wait3A_218 = arith.constant 1280 : i32
    %dma_wait3A_219 = tpu.memref_slice %arg7[%dma_wait3A_218] : memref<2048xi32, #tpu.memory_space<vmem>> -> memref<128xi32, #tpu.memory_space<vmem>>
    %dma_wait3A_220 = arith.constant 0 : i32
    %dma_wait3A_221 = arith.constant 0 : i32
    %dma_wait3A_222 = tpu.memref_slice %arg2[%dma_wait3A_220, %dma_wait3A_221] : memref<8000000x16xf32, #tpu.memory_space<hbm>> -> memref<8000000x16xf32, #tpu.memory_space<hbm>>
    tpu.wait_indirect_dma semaphore(%arg9 : memref<!tpu.dma_semaphore, #tpu.memory_space<semaphore_mem>>) src(%dma_wait3A_222 : memref<8000000x16xf32, #tpu.memory_space<hbm>>) dst(%dma_wait3A_217 : memref<128x16xf32, #tpu.memory_space<vmem>>)
    %dma_wait3A_223 = arith.constant 1408 : i32
    %dma_wait3A_224 = arith.constant 0 : i32
    %dma_wait3A_225 = tpu.memref_slice %arg8[%dma_wait3A_223, %dma_wait3A_224] : memref<2048x16xf32, #tpu.memory_space<vmem>> -> memref<128x16xf32, #tpu.memory_space<vmem>>
    %dma_wait3A_226 = arith.constant 1408 : i32
    %dma_wait3A_227 = tpu.memref_slice %arg7[%dma_wait3A_226] : memref<2048xi32, #tpu.memory_space<vmem>> -> memref<128xi32, #tpu.memory_space<vmem>>
    %dma_wait3A_228 = arith.constant 0 : i32
    %dma_wait3A_229 = arith.constant 0 : i32
    %dma_wait3A_230 = tpu.memref_slice %arg2[%dma_wait3A_228, %dma_wait3A_229] : memref<8000000x16xf32, #tpu.memory_space<hbm>> -> memref<8000000x16xf32, #tpu.memory_space<hbm>>
    tpu.wait_indirect_dma semaphore(%arg9 : memref<!tpu.dma_semaphore, #tpu.memory_space<semaphore_mem>>) src(%dma_wait3A_230 : memref<8000000x16xf32, #tpu.memory_space<hbm>>) dst(%dma_wait3A_225 : memref<128x16xf32, #tpu.memory_space<vmem>>)
    %dma_wait3A_231 = arith.constant 1536 : i32
    %dma_wait3A_232 = arith.constant 0 : i32
    %dma_wait3A_233 = tpu.memref_slice %arg8[%dma_wait3A_231, %dma_wait3A_232] : memref<2048x16xf32, #tpu.memory_space<vmem>> -> memref<128x16xf32, #tpu.memory_space<vmem>>
    %dma_wait3A_234 = arith.constant 1536 : i32
    %dma_wait3A_235 = tpu.memref_slice %arg7[%dma_wait3A_234] : memref<2048xi32, #tpu.memory_space<vmem>> -> memref<128xi32, #tpu.memory_space<vmem>>
    %dma_wait3A_236 = arith.constant 0 : i32
    %dma_wait3A_237 = arith.constant 0 : i32
    %dma_wait3A_238 = tpu.memref_slice %arg2[%dma_wait3A_236, %dma_wait3A_237] : memref<8000000x16xf32, #tpu.memory_space<hbm>> -> memref<8000000x16xf32, #tpu.memory_space<hbm>>
    tpu.wait_indirect_dma semaphore(%arg9 : memref<!tpu.dma_semaphore, #tpu.memory_space<semaphore_mem>>) src(%dma_wait3A_238 : memref<8000000x16xf32, #tpu.memory_space<hbm>>) dst(%dma_wait3A_233 : memref<128x16xf32, #tpu.memory_space<vmem>>)
    %dma_wait3A_239 = arith.constant 1664 : i32
    %dma_wait3A_240 = arith.constant 0 : i32
    %dma_wait3A_241 = tpu.memref_slice %arg8[%dma_wait3A_239, %dma_wait3A_240] : memref<2048x16xf32, #tpu.memory_space<vmem>> -> memref<128x16xf32, #tpu.memory_space<vmem>>
    %dma_wait3A_242 = arith.constant 1664 : i32
    %dma_wait3A_243 = tpu.memref_slice %arg7[%dma_wait3A_242] : memref<2048xi32, #tpu.memory_space<vmem>> -> memref<128xi32, #tpu.memory_space<vmem>>
    %dma_wait3A_244 = arith.constant 0 : i32
    %dma_wait3A_245 = arith.constant 0 : i32
    %dma_wait3A_246 = tpu.memref_slice %arg2[%dma_wait3A_244, %dma_wait3A_245] : memref<8000000x16xf32, #tpu.memory_space<hbm>> -> memref<8000000x16xf32, #tpu.memory_space<hbm>>
    tpu.wait_indirect_dma semaphore(%arg9 : memref<!tpu.dma_semaphore, #tpu.memory_space<semaphore_mem>>) src(%dma_wait3A_246 : memref<8000000x16xf32, #tpu.memory_space<hbm>>) dst(%dma_wait3A_241 : memref<128x16xf32, #tpu.memory_space<vmem>>)
    %dma_wait3A_247 = arith.constant 1792 : i32
    %dma_wait3A_248 = arith.constant 0 : i32
    %dma_wait3A_249 = tpu.memref_slice %arg8[%dma_wait3A_247, %dma_wait3A_248] : memref<2048x16xf32, #tpu.memory_space<vmem>> -> memref<128x16xf32, #tpu.memory_space<vmem>>
    %dma_wait3A_250 = arith.constant 1792 : i32
    %dma_wait3A_251 = tpu.memref_slice %arg7[%dma_wait3A_250] : memref<2048xi32, #tpu.memory_space<vmem>> -> memref<128xi32, #tpu.memory_space<vmem>>
    %dma_wait3A_252 = arith.constant 0 : i32
    %dma_wait3A_253 = arith.constant 0 : i32
    %dma_wait3A_254 = tpu.memref_slice %arg2[%dma_wait3A_252, %dma_wait3A_253] : memref<8000000x16xf32, #tpu.memory_space<hbm>> -> memref<8000000x16xf32, #tpu.memory_space<hbm>>
    tpu.wait_indirect_dma semaphore(%arg9 : memref<!tpu.dma_semaphore, #tpu.memory_space<semaphore_mem>>) src(%dma_wait3A_254 : memref<8000000x16xf32, #tpu.memory_space<hbm>>) dst(%dma_wait3A_249 : memref<128x16xf32, #tpu.memory_space<vmem>>)
    %dma_wait3A_255 = arith.constant 1920 : i32
    %dma_wait3A_256 = arith.constant 0 : i32
    %dma_wait3A_257 = tpu.memref_slice %arg8[%dma_wait3A_255, %dma_wait3A_256] : memref<2048x16xf32, #tpu.memory_space<vmem>> -> memref<128x16xf32, #tpu.memory_space<vmem>>
    %dma_wait3A_258 = arith.constant 1920 : i32
    %dma_wait3A_259 = tpu.memref_slice %arg7[%dma_wait3A_258] : memref<2048xi32, #tpu.memory_space<vmem>> -> memref<128xi32, #tpu.memory_space<vmem>>
    %dma_wait3A_260 = arith.constant 0 : i32
    %dma_wait3A_261 = arith.constant 0 : i32
    %dma_wait3A_262 = tpu.memref_slice %arg2[%dma_wait3A_260, %dma_wait3A_261] : memref<8000000x16xf32, #tpu.memory_space<hbm>> -> memref<8000000x16xf32, #tpu.memory_space<hbm>>
    tpu.wait_indirect_dma semaphore(%arg9 : memref<!tpu.dma_semaphore, #tpu.memory_space<semaphore_mem>>) src(%dma_wait3A_262 : memref<8000000x16xf32, #tpu.memory_space<hbm>>) dst(%dma_wait3A_257 : memref<128x16xf32, #tpu.memory_space<vmem>>)
    %mul3A_263 = arith.constant 4 : i32
    %mul3A_264 = arith.muli %mul3A_263, %mul3A_2 : i32
    "tpu.region"() ({
      %run_scoped3A = tpu.sem_alloc : memref<!tpu.dma_semaphore, #tpu.memory_space<semaphore_mem>>
      %dma_start3A_265 = arith.constant 0 : i32
      %dma_start3A_266 = tpu.memref_slice %arg4[%mul3A_264, %dma_start3A_265] : memref<65536x16xf32, #tpu.memory_space<hbm>> -> memref<2048x16xf32, #tpu.memory_space<hbm>>
      %dma_start3A_267 = arith.constant 0 : i32
      %dma_start3A_268 = tpu.memref_slice %arg4[%mul3A_264, %dma_start3A_267] : memref<65536x16xf32, #tpu.memory_space<hbm>> -> memref<2048x16xf32, #tpu.memory_space<hbm>>
      tpu.enqueue_dma source(%arg8 : memref<2048x16xf32, #tpu.memory_space<vmem>>) target(%dma_start3A_268 : memref<2048x16xf32, #tpu.memory_space<hbm>>) target_semaphore(%run_scoped3A : memref<!tpu.dma_semaphore, #tpu.memory_space<semaphore_mem>>)
      %dma_wait3A_269 = arith.constant 0 : i32
      %dma_wait3A_270 = tpu.memref_slice %arg4[%mul3A_264, %dma_wait3A_269] : memref<65536x16xf32, #tpu.memory_space<hbm>> -> memref<2048x16xf32, #tpu.memory_space<hbm>>
      %dma_wait3A_271 = arith.constant 0 : i32
      %dma_wait3A_272 = tpu.memref_slice %arg4[%mul3A_264, %dma_wait3A_271] : memref<65536x16xf32, #tpu.memory_space<hbm>> -> memref<2048x16xf32, #tpu.memory_space<hbm>>
      tpu.wait_dma2 semaphore(%run_scoped3A : memref<!tpu.dma_semaphore, #tpu.memory_space<semaphore_mem>>) src(%arg8 : memref<2048x16xf32, #tpu.memory_space<vmem>>) dst(%dma_wait3A_272 : memref<2048x16xf32, #tpu.memory_space<hbm>>)
      tpu.yield
    }) : () -> ()
    return
  }
}

#map = affine_map<(d0, d1) -> (0)>
#map1 = affine_map<(d0, d1) -> (0, 0)>
module attributes {stable_mosaic.version = 14 : i64} {
  func.func @_sc_route(%arg0: i32, %arg1: i32, %arg2: memref<16384xi32, #tpu.memory_space<hbm>>, %arg3: memref<32x1024xi32, #tpu.memory_space<hbm>>, %arg4: memref<32x1024xi32, #tpu.memory_space<hbm>>, %arg5: memref<32x16xi32, #tpu.memory_space<hbm>>, %arg6: memref<16384xi32, #tpu.memory_space<vmem>>, %arg7: memref<31264xi32, #tpu.memory_space<vmem>>, %arg8: memref<1024xi32, #tpu.memory_space<vmem>>, %arg9: memref<1024xi32, #tpu.memory_space<vmem>>, %arg10: memref<16xi32, #tpu.memory_space<vmem>>) attributes {dimension_semantics = [#tpu.dimension_semantics<core_parallel>, #tpu.dimension_semantics<subcore_parallel>], iteration_bounds = array<i64: 2, 16>, scalar_prefetch = 0 : i64, scratch_operands = 5 : i64, tpu.core_type = #tpu.core_type<sc_vector_subcore>, window_params = [{transform_indices = #map}, {transform_indices = #map1}, {transform_indices = #map1}, {transform_indices = #map1}]} {
    %mul3A = arith.constant 2 : i32
    %mul3A_0 = arith.muli %arg1, %mul3A : i32
    %add3A = arith.addi %mul3A_0, %arg0 : i32
    %mul3A_1 = arith.constant 31250 : i32
    %mul3A_2 = arith.muli %add3A, %mul3A_1 : i32
    %broadcast_in_dim3A = arith.constant 0 : i32
    %broadcast_in_dim3A_3 = vector.broadcast %broadcast_in_dim3A : i32 to vector<16xi32>
    "tpu.region"() ({
      %run_scoped3A = tpu.sem_alloc : memref<!tpu.dma_semaphore, #tpu.memory_space<semaphore_mem>>
      tpu.enqueue_dma source(%arg2 : memref<16384xi32, #tpu.memory_space<hbm>>) target(%arg6 : memref<16384xi32, #tpu.memory_space<vmem>>) target_semaphore(%run_scoped3A : memref<!tpu.dma_semaphore, #tpu.memory_space<semaphore_mem>>)
      tpu.wait_dma2 semaphore(%run_scoped3A : memref<!tpu.dma_semaphore, #tpu.memory_space<semaphore_mem>>) src(%arg2 : memref<16384xi32, #tpu.memory_space<hbm>>) dst(%arg6 : memref<16384xi32, #tpu.memory_space<vmem>>)
      tpu.yield
    }) : () -> ()
    %scan3A = arith.constant 0 : i32
    %scan3A_4 = arith.constant 0 : i32
    %scan3A_5 = arith.constant 1952 : i32
    %scan3A_6 = arith.addi %scan3A_4, %scan3A_5 : i32
    %scan3A_7 = arith.constant 8 : i32
    %scan3A_8 = scf.for %scan3A_308 = %scan3A_4 to %scan3A_6 step %scan3A_7 iter_args(%scan3A_309 = %scan3A) -> (i32)  : i32 {
      %mul3A_310 = arith.constant 16 : i32
      %mul3A_311 = arith.muli %scan3A_308, %mul3A_310 : i32
      %swap3A_312 = arith.index_cast %mul3A_311 : i32 to index
      %swap3A_313 = tpu.vector_load %arg7[%swap3A_312] {strides = array<i32>} : memref<31264xi32, #tpu.memory_space<vmem>>, vector<16xi32>,
      tpu.vector_store %arg7[%swap3A_312], %broadcast_in_dim3A_3 {strides = array<i32>} : memref<31264xi32, #tpu.memory_space<vmem>>, vector<16xi32>,
      %scan3A_314 = arith.constant 0 : i32
      %scan3A_315 = arith.constant 1 : i32
      %scan3A_316 = arith.addi %scan3A_308, %scan3A_315 : i32
      %mul3A_317 = arith.constant 16 : i32
      %mul3A_318 = arith.muli %scan3A_316, %mul3A_317 : i32
      %swap3A_319 = arith.index_cast %mul3A_318 : i32 to index
      %swap3A_320 = tpu.vector_load %arg7[%swap3A_319] {strides = array<i32>} : memref<31264xi32, #tpu.memory_space<vmem>>, vector<16xi32>,
      tpu.vector_store %arg7[%swap3A_319], %broadcast_in_dim3A_3 {strides = array<i32>} : memref<31264xi32, #tpu.memory_space<vmem>>, vector<16xi32>,
      %scan3A_321 = arith.constant 0 : i32
      %scan3A_322 = arith.constant 2 : i32
      %scan3A_323 = arith.addi %scan3A_308, %scan3A_322 : i32
      %mul3A_324 = arith.constant 16 : i32
      %mul3A_325 = arith.muli %scan3A_323, %mul3A_324 : i32
      %swap3A_326 = arith.index_cast %mul3A_325 : i32 to index
      %swap3A_327 = tpu.vector_load %arg7[%swap3A_326] {strides = array<i32>} : memref<31264xi32, #tpu.memory_space<vmem>>, vector<16xi32>,
      tpu.vector_store %arg7[%swap3A_326], %broadcast_in_dim3A_3 {strides = array<i32>} : memref<31264xi32, #tpu.memory_space<vmem>>, vector<16xi32>,
      %scan3A_328 = arith.constant 0 : i32
      %scan3A_329 = arith.constant 3 : i32
      %scan3A_330 = arith.addi %scan3A_308, %scan3A_329 : i32
      %mul3A_331 = arith.constant 16 : i32
      %mul3A_332 = arith.muli %scan3A_330, %mul3A_331 : i32
      %swap3A_333 = arith.index_cast %mul3A_332 : i32 to index
      %swap3A_334 = tpu.vector_load %arg7[%swap3A_333] {strides = array<i32>} : memref<31264xi32, #tpu.memory_space<vmem>>, vector<16xi32>,
      tpu.vector_store %arg7[%swap3A_333], %broadcast_in_dim3A_3 {strides = array<i32>} : memref<31264xi32, #tpu.memory_space<vmem>>, vector<16xi32>,
      %scan3A_335 = arith.constant 0 : i32
      %scan3A_336 = arith.constant 4 : i32
      %scan3A_337 = arith.addi %scan3A_308, %scan3A_336 : i32
      %mul3A_338 = arith.constant 16 : i32
      %mul3A_339 = arith.muli %scan3A_337, %mul3A_338 : i32
      %swap3A_340 = arith.index_cast %mul3A_339 : i32 to index
      %swap3A_341 = tpu.vector_load %arg7[%swap3A_340] {strides = array<i32>} : memref<31264xi32, #tpu.memory_space<vmem>>, vector<16xi32>,
      tpu.vector_store %arg7[%swap3A_340], %broadcast_in_dim3A_3 {strides = array<i32>} : memref<31264xi32, #tpu.memory_space<vmem>>, vector<16xi32>,
      %scan3A_342 = arith.constant 0 : i32
      %scan3A_343 = arith.constant 5 : i32
      %scan3A_344 = arith.addi %scan3A_308, %scan3A_343 : i32
      %mul3A_345 = arith.constant 16 : i32
      %mul3A_346 = arith.muli %scan3A_344, %mul3A_345 : i32
      %swap3A_347 = arith.index_cast %mul3A_346 : i32 to index
      %swap3A_348 = tpu.vector_load %arg7[%swap3A_347] {strides = array<i32>} : memref<31264xi32, #tpu.memory_space<vmem>>, vector<16xi32>,
      tpu.vector_store %arg7[%swap3A_347], %broadcast_in_dim3A_3 {strides = array<i32>} : memref<31264xi32, #tpu.memory_space<vmem>>, vector<16xi32>,
      %scan3A_349 = arith.constant 0 : i32
      %scan3A_350 = arith.constant 6 : i32
      %scan3A_351 = arith.addi %scan3A_308, %scan3A_350 : i32
      %mul3A_352 = arith.constant 16 : i32
      %mul3A_353 = arith.muli %scan3A_351, %mul3A_352 : i32
      %swap3A_354 = arith.index_cast %mul3A_353 : i32 to index
      %swap3A_355 = tpu.vector_load %arg7[%swap3A_354] {strides = array<i32>} : memref<31264xi32, #tpu.memory_space<vmem>>, vector<16xi32>,
      tpu.vector_store %arg7[%swap3A_354], %broadcast_in_dim3A_3 {strides = array<i32>} : memref<31264xi32, #tpu.memory_space<vmem>>, vector<16xi32>,
      %scan3A_356 = arith.constant 0 : i32
      %scan3A_357 = arith.constant 7 : i32
      %scan3A_358 = arith.addi %scan3A_308, %scan3A_357 : i32
      %mul3A_359 = arith.constant 16 : i32
      %mul3A_360 = arith.muli %scan3A_358, %mul3A_359 : i32
      %swap3A_361 = arith.index_cast %mul3A_360 : i32 to index
      %swap3A_362 = tpu.vector_load %arg7[%swap3A_361] {strides = array<i32>} : memref<31264xi32, #tpu.memory_space<vmem>>, vector<16xi32>,
      tpu.vector_store %arg7[%swap3A_361], %broadcast_in_dim3A_3 {strides = array<i32>} : memref<31264xi32, #tpu.memory_space<vmem>>, vector<16xi32>,
      %scan3A_363 = arith.constant 0 : i32
      scf.yield %scan3A_363 : i32
    }
    %scan3A_9 = arith.constant 1952 : i32
    %scan3A_10 = arith.addi %scan3A_4, %scan3A_9 : i32
    %mul3A_11 = arith.constant 16 : i32
    %mul3A_12 = arith.muli %scan3A_10, %mul3A_11 : i32
    %swap3A = arith.index_cast %mul3A_12 : i32 to index
    %swap3A_13 = tpu.vector_load %arg7[%swap3A] {strides = array<i32>} : memref<31264xi32, #tpu.memory_space<vmem>>, vector<16xi32>,
    tpu.vector_store %arg7[%swap3A], %broadcast_in_dim3A_3 {strides = array<i32>} : memref<31264xi32, #tpu.memory_space<vmem>>, vector<16xi32>,
    %scan3A_14 = arith.constant 0 : i32
    %scan3A_15 = arith.constant 1953 : i32
    %scan3A_16 = arith.addi %scan3A_4, %scan3A_15 : i32
    %mul3A_17 = arith.constant 16 : i32
    %mul3A_18 = arith.muli %scan3A_16, %mul3A_17 : i32
    %swap3A_19 = arith.index_cast %mul3A_18 : i32 to index
    %swap3A_20 = tpu.vector_load %arg7[%swap3A_19] {strides = array<i32>} : memref<31264xi32, #tpu.memory_space<vmem>>, vector<16xi32>,
    tpu.vector_store %arg7[%swap3A_19], %broadcast_in_dim3A_3 {strides = array<i32>} : memref<31264xi32, #tpu.memory_space<vmem>>, vector<16xi32>,
    %scan3A_21 = arith.constant 0 : i32
    %scan3A_22 = arith.constant 1954 : i32
    %scan3A_23 = arith.constant 0 : i32
    %scan3A_24 = arith.constant 0 : i32
    %scan3A_25 = arith.constant 1024 : i32
    %scan3A_26 = arith.addi %scan3A_24, %scan3A_25 : i32
    %scan3A_27 = arith.constant 8 : i32
    %scan3A_28 = scf.for %scan3A_308 = %scan3A_24 to %scan3A_26 step %scan3A_27 iter_args(%scan3A_309 = %scan3A_23) -> (i32)  : i32 {
      %mul3A_310 = arith.constant 16 : i32
      %mul3A_311 = arith.muli %scan3A_308, %mul3A_310 : i32
      %get3A = arith.index_cast %mul3A_311 : i32 to index
      %get3A_312 = tpu.vector_load %arg6[%get3A] {strides = array<i32>} : memref<16384xi32, #tpu.memory_space<vmem>>, vector<16xi32>,
      %ge3A = vector.broadcast %mul3A_2 : i32 to vector<16xi32>
      %ge3A_313 = arith.cmpi sge, %get3A_312, %ge3A : vector<16xi32>
      %add3A_314 = arith.constant 31250 : i32
      %add3A_315 = arith.addi %mul3A_2, %add3A_314 : i32
      %lt3A = vector.broadcast %add3A_315 : i32 to vector<16xi32>
      %lt3A_316 = arith.cmpi slt, %get3A_312, %lt3A : vector<16xi32>
      %and3A = arith.andi %ge3A_313, %lt3A_316 : vector<16xi1>
      %sub3A = vector.broadcast %mul3A_2 : i32 to vector<16xi32>
      %sub3A_317 = arith.subi %get3A_312, %sub3A : vector<16xi32>
      %jit3A = arith.constant 0 : i32
      %broadcast_in_dim3A_318 = vector.broadcast %jit3A : i32 to vector<16xi32>
      %select_n3A = arith.select %and3A, %sub3A_317, %broadcast_in_dim3A_318 : vector<16xi1>, vector<16xi32>
      %iota3A = tpu.iota {dimensions = array<i32: 0>} : vector<16xi32>
      %mul3A_319 = arith.constant 16 : i32
      %mul3A_320 = arith.muli %scan3A_308, %mul3A_319 : i32
      %add3A_321 = vector.broadcast %mul3A_320 : i32 to vector<16xi32>
      %add3A_322 = arith.addi %iota3A, %add3A_321 : vector<16xi32>
      %add3A_323 = arith.constant 1 : i32
      %add3A_324 = vector.broadcast %add3A_323 : i32 to vector<16xi32>
      %add3A_325 = arith.addi %add3A_322, %add3A_324 : vector<16xi32>
      tpu.vector_store_idx %arg7[%select_n3A], %add3A_325 masked %and3A : memref<31264xi32, #tpu.memory_space<vmem>>[vector<16xi32>], vector<16xi32>, vector<16xi1>
      %scan3A_326 = arith.constant 0 : i32
      %scan3A_327 = arith.constant 1 : i32
      %scan3A_328 = arith.addi %scan3A_308, %scan3A_327 : i32
      %mul3A_329 = arith.constant 16 : i32
      %mul3A_330 = arith.muli %scan3A_328, %mul3A_329 : i32
      %get3A_331 = arith.index_cast %mul3A_330 : i32 to index
      %get3A_332 = tpu.vector_load %arg6[%get3A_331] {strides = array<i32>} : memref<16384xi32, #tpu.memory_space<vmem>>, vector<16xi32>,
      %ge3A_333 = vector.broadcast %mul3A_2 : i32 to vector<16xi32>
      %ge3A_334 = arith.cmpi sge, %get3A_332, %ge3A_333 : vector<16xi32>
      %add3A_335 = arith.constant 31250 : i32
      %add3A_336 = arith.addi %mul3A_2, %add3A_335 : i32
      %lt3A_337 = vector.broadcast %add3A_336 : i32 to vector<16xi32>
      %lt3A_338 = arith.cmpi slt, %get3A_332, %lt3A_337 : vector<16xi32>
      %and3A_339 = arith.andi %ge3A_334, %lt3A_338 : vector<16xi1>
      %sub3A_340 = vector.broadcast %mul3A_2 : i32 to vector<16xi32>
      %sub3A_341 = arith.subi %get3A_332, %sub3A_340 : vector<16xi32>
      %jit3A_342 = arith.constant 0 : i32
      %broadcast_in_dim3A_343 = vector.broadcast %jit3A_342 : i32 to vector<16xi32>
      %select_n3A_344 = arith.select %and3A_339, %sub3A_341, %broadcast_in_dim3A_343 : vector<16xi1>, vector<16xi32>
      %iota3A_345 = tpu.iota {dimensions = array<i32: 0>} : vector<16xi32>
      %mul3A_346 = arith.constant 16 : i32
      %mul3A_347 = arith.muli %scan3A_328, %mul3A_346 : i32
      %add3A_348 = vector.broadcast %mul3A_347 : i32 to vector<16xi32>
      %add3A_349 = arith.addi %iota3A_345, %add3A_348 : vector<16xi32>
      %add3A_350 = arith.constant 1 : i32
      %add3A_351 = vector.broadcast %add3A_350 : i32 to vector<16xi32>
      %add3A_352 = arith.addi %add3A_349, %add3A_351 : vector<16xi32>
      tpu.vector_store_idx %arg7[%select_n3A_344], %add3A_352 masked %and3A_339 : memref<31264xi32, #tpu.memory_space<vmem>>[vector<16xi32>], vector<16xi32>, vector<16xi1>
      %scan3A_353 = arith.constant 0 : i32
      %scan3A_354 = arith.constant 2 : i32
      %scan3A_355 = arith.addi %scan3A_308, %scan3A_354 : i32
      %mul3A_356 = arith.constant 16 : i32
      %mul3A_357 = arith.muli %scan3A_355, %mul3A_356 : i32
      %get3A_358 = arith.index_cast %mul3A_357 : i32 to index
      %get3A_359 = tpu.vector_load %arg6[%get3A_358] {strides = array<i32>} : memref<16384xi32, #tpu.memory_space<vmem>>, vector<16xi32>,
      %ge3A_360 = vector.broadcast %mul3A_2 : i32 to vector<16xi32>
      %ge3A_361 = arith.cmpi sge, %get3A_359, %ge3A_360 : vector<16xi32>
      %add3A_362 = arith.constant 31250 : i32
      %add3A_363 = arith.addi %mul3A_2, %add3A_362 : i32
      %lt3A_364 = vector.broadcast %add3A_363 : i32 to vector<16xi32>
      %lt3A_365 = arith.cmpi slt, %get3A_359, %lt3A_364 : vector<16xi32>
      %and3A_366 = arith.andi %ge3A_361, %lt3A_365 : vector<16xi1>
      %sub3A_367 = vector.broadcast %mul3A_2 : i32 to vector<16xi32>
      %sub3A_368 = arith.subi %get3A_359, %sub3A_367 : vector<16xi32>
      %jit3A_369 = arith.constant 0 : i32
      %broadcast_in_dim3A_370 = vector.broadcast %jit3A_369 : i32 to vector<16xi32>
      %select_n3A_371 = arith.select %and3A_366, %sub3A_368, %broadcast_in_dim3A_370 : vector<16xi1>, vector<16xi32>
      %iota3A_372 = tpu.iota {dimensions = array<i32: 0>} : vector<16xi32>
      %mul3A_373 = arith.constant 16 : i32
      %mul3A_374 = arith.muli %scan3A_355, %mul3A_373 : i32
      %add3A_375 = vector.broadcast %mul3A_374 : i32 to vector<16xi32>
      %add3A_376 = arith.addi %iota3A_372, %add3A_375 : vector<16xi32>
      %add3A_377 = arith.constant 1 : i32
      %add3A_378 = vector.broadcast %add3A_377 : i32 to vector<16xi32>
      %add3A_379 = arith.addi %add3A_376, %add3A_378 : vector<16xi32>
      tpu.vector_store_idx %arg7[%select_n3A_371], %add3A_379 masked %and3A_366 : memref<31264xi32, #tpu.memory_space<vmem>>[vector<16xi32>], vector<16xi32>, vector<16xi1>
      %scan3A_380 = arith.constant 0 : i32
      %scan3A_381 = arith.constant 3 : i32
      %scan3A_382 = arith.addi %scan3A_308, %scan3A_381 : i32
      %mul3A_383 = arith.constant 16 : i32
      %mul3A_384 = arith.muli %scan3A_382, %mul3A_383 : i32
      %get3A_385 = arith.index_cast %mul3A_384 : i32 to index
      %get3A_386 = tpu.vector_load %arg6[%get3A_385] {strides = array<i32>} : memref<16384xi32, #tpu.memory_space<vmem>>, vector<16xi32>,
      %ge3A_387 = vector.broadcast %mul3A_2 : i32 to vector<16xi32>
      %ge3A_388 = arith.cmpi sge, %get3A_386, %ge3A_387 : vector<16xi32>
      %add3A_389 = arith.constant 31250 : i32
      %add3A_390 = arith.addi %mul3A_2, %add3A_389 : i32
      %lt3A_391 = vector.broadcast %add3A_390 : i32 to vector<16xi32>
      %lt3A_392 = arith.cmpi slt, %get3A_386, %lt3A_391 : vector<16xi32>
      %and3A_393 = arith.andi %ge3A_388, %lt3A_392 : vector<16xi1>
      %sub3A_394 = vector.broadcast %mul3A_2 : i32 to vector<16xi32>
      %sub3A_395 = arith.subi %get3A_386, %sub3A_394 : vector<16xi32>
      %jit3A_396 = arith.constant 0 : i32
      %broadcast_in_dim3A_397 = vector.broadcast %jit3A_396 : i32 to vector<16xi32>
      %select_n3A_398 = arith.select %and3A_393, %sub3A_395, %broadcast_in_dim3A_397 : vector<16xi1>, vector<16xi32>
      %iota3A_399 = tpu.iota {dimensions = array<i32: 0>} : vector<16xi32>
      %mul3A_400 = arith.constant 16 : i32
      %mul3A_401 = arith.muli %scan3A_382, %mul3A_400 : i32
      %add3A_402 = vector.broadcast %mul3A_401 : i32 to vector<16xi32>
      %add3A_403 = arith.addi %iota3A_399, %add3A_402 : vector<16xi32>
      %add3A_404 = arith.constant 1 : i32
      %add3A_405 = vector.broadcast %add3A_404 : i32 to vector<16xi32>
      %add3A_406 = arith.addi %add3A_403, %add3A_405 : vector<16xi32>
      tpu.vector_store_idx %arg7[%select_n3A_398], %add3A_406 masked %and3A_393 : memref<31264xi32, #tpu.memory_space<vmem>>[vector<16xi32>], vector<16xi32>, vector<16xi1>
      %scan3A_407 = arith.constant 0 : i32
      %scan3A_408 = arith.constant 4 : i32
      %scan3A_409 = arith.addi %scan3A_308, %scan3A_408 : i32
      %mul3A_410 = arith.constant 16 : i32
      %mul3A_411 = arith.muli %scan3A_409, %mul3A_410 : i32
      %get3A_412 = arith.index_cast %mul3A_411 : i32 to index
      %get3A_413 = tpu.vector_load %arg6[%get3A_412] {strides = array<i32>} : memref<16384xi32, #tpu.memory_space<vmem>>, vector<16xi32>,
      %ge3A_414 = vector.broadcast %mul3A_2 : i32 to vector<16xi32>
      %ge3A_415 = arith.cmpi sge, %get3A_413, %ge3A_414 : vector<16xi32>
      %add3A_416 = arith.constant 31250 : i32
      %add3A_417 = arith.addi %mul3A_2, %add3A_416 : i32
      %lt3A_418 = vector.broadcast %add3A_417 : i32 to vector<16xi32>
      %lt3A_419 = arith.cmpi slt, %get3A_413, %lt3A_418 : vector<16xi32>
      %and3A_420 = arith.andi %ge3A_415, %lt3A_419 : vector<16xi1>
      %sub3A_421 = vector.broadcast %mul3A_2 : i32 to vector<16xi32>
      %sub3A_422 = arith.subi %get3A_413, %sub3A_421 : vector<16xi32>
      %jit3A_423 = arith.constant 0 : i32
      %broadcast_in_dim3A_424 = vector.broadcast %jit3A_423 : i32 to vector<16xi32>
      %select_n3A_425 = arith.select %and3A_420, %sub3A_422, %broadcast_in_dim3A_424 : vector<16xi1>, vector<16xi32>
      %iota3A_426 = tpu.iota {dimensions = array<i32: 0>} : vector<16xi32>
      %mul3A_427 = arith.constant 16 : i32
      %mul3A_428 = arith.muli %scan3A_409, %mul3A_427 : i32
      %add3A_429 = vector.broadcast %mul3A_428 : i32 to vector<16xi32>
      %add3A_430 = arith.addi %iota3A_426, %add3A_429 : vector<16xi32>
      %add3A_431 = arith.constant 1 : i32
      %add3A_432 = vector.broadcast %add3A_431 : i32 to vector<16xi32>
      %add3A_433 = arith.addi %add3A_430, %add3A_432 : vector<16xi32>
      tpu.vector_store_idx %arg7[%select_n3A_425], %add3A_433 masked %and3A_420 : memref<31264xi32, #tpu.memory_space<vmem>>[vector<16xi32>], vector<16xi32>, vector<16xi1>
      %scan3A_434 = arith.constant 0 : i32
      %scan3A_435 = arith.constant 5 : i32
      %scan3A_436 = arith.addi %scan3A_308, %scan3A_435 : i32
      %mul3A_437 = arith.constant 16 : i32
      %mul3A_438 = arith.muli %scan3A_436, %mul3A_437 : i32
      %get3A_439 = arith.index_cast %mul3A_438 : i32 to index
      %get3A_440 = tpu.vector_load %arg6[%get3A_439] {strides = array<i32>} : memref<16384xi32, #tpu.memory_space<vmem>>, vector<16xi32>,
      %ge3A_441 = vector.broadcast %mul3A_2 : i32 to vector<16xi32>
      %ge3A_442 = arith.cmpi sge, %get3A_440, %ge3A_441 : vector<16xi32>
      %add3A_443 = arith.constant 31250 : i32
      %add3A_444 = arith.addi %mul3A_2, %add3A_443 : i32
      %lt3A_445 = vector.broadcast %add3A_444 : i32 to vector<16xi32>
      %lt3A_446 = arith.cmpi slt, %get3A_440, %lt3A_445 : vector<16xi32>
      %and3A_447 = arith.andi %ge3A_442, %lt3A_446 : vector<16xi1>
      %sub3A_448 = vector.broadcast %mul3A_2 : i32 to vector<16xi32>
      %sub3A_449 = arith.subi %get3A_440, %sub3A_448 : vector<16xi32>
      %jit3A_450 = arith.constant 0 : i32
      %broadcast_in_dim3A_451 = vector.broadcast %jit3A_450 : i32 to vector<16xi32>
      %select_n3A_452 = arith.select %and3A_447, %sub3A_449, %broadcast_in_dim3A_451 : vector<16xi1>, vector<16xi32>
      %iota3A_453 = tpu.iota {dimensions = array<i32: 0>} : vector<16xi32>
      %mul3A_454 = arith.constant 16 : i32
      %mul3A_455 = arith.muli %scan3A_436, %mul3A_454 : i32
      %add3A_456 = vector.broadcast %mul3A_455 : i32 to vector<16xi32>
      %add3A_457 = arith.addi %iota3A_453, %add3A_456 : vector<16xi32>
      %add3A_458 = arith.constant 1 : i32
      %add3A_459 = vector.broadcast %add3A_458 : i32 to vector<16xi32>
      %add3A_460 = arith.addi %add3A_457, %add3A_459 : vector<16xi32>
      tpu.vector_store_idx %arg7[%select_n3A_452], %add3A_460 masked %and3A_447 : memref<31264xi32, #tpu.memory_space<vmem>>[vector<16xi32>], vector<16xi32>, vector<16xi1>
      %scan3A_461 = arith.constant 0 : i32
      %scan3A_462 = arith.constant 6 : i32
      %scan3A_463 = arith.addi %scan3A_308, %scan3A_462 : i32
      %mul3A_464 = arith.constant 16 : i32
      %mul3A_465 = arith.muli %scan3A_463, %mul3A_464 : i32
      %get3A_466 = arith.index_cast %mul3A_465 : i32 to index
      %get3A_467 = tpu.vector_load %arg6[%get3A_466] {strides = array<i32>} : memref<16384xi32, #tpu.memory_space<vmem>>, vector<16xi32>,
      %ge3A_468 = vector.broadcast %mul3A_2 : i32 to vector<16xi32>
      %ge3A_469 = arith.cmpi sge, %get3A_467, %ge3A_468 : vector<16xi32>
      %add3A_470 = arith.constant 31250 : i32
      %add3A_471 = arith.addi %mul3A_2, %add3A_470 : i32
      %lt3A_472 = vector.broadcast %add3A_471 : i32 to vector<16xi32>
      %lt3A_473 = arith.cmpi slt, %get3A_467, %lt3A_472 : vector<16xi32>
      %and3A_474 = arith.andi %ge3A_469, %lt3A_473 : vector<16xi1>
      %sub3A_475 = vector.broadcast %mul3A_2 : i32 to vector<16xi32>
      %sub3A_476 = arith.subi %get3A_467, %sub3A_475 : vector<16xi32>
      %jit3A_477 = arith.constant 0 : i32
      %broadcast_in_dim3A_478 = vector.broadcast %jit3A_477 : i32 to vector<16xi32>
      %select_n3A_479 = arith.select %and3A_474, %sub3A_476, %broadcast_in_dim3A_478 : vector<16xi1>, vector<16xi32>
      %iota3A_480 = tpu.iota {dimensions = array<i32: 0>} : vector<16xi32>
      %mul3A_481 = arith.constant 16 : i32
      %mul3A_482 = arith.muli %scan3A_463, %mul3A_481 : i32
      %add3A_483 = vector.broadcast %mul3A_482 : i32 to vector<16xi32>
      %add3A_484 = arith.addi %iota3A_480, %add3A_483 : vector<16xi32>
      %add3A_485 = arith.constant 1 : i32
      %add3A_486 = vector.broadcast %add3A_485 : i32 to vector<16xi32>
      %add3A_487 = arith.addi %add3A_484, %add3A_486 : vector<16xi32>
      tpu.vector_store_idx %arg7[%select_n3A_479], %add3A_487 masked %and3A_474 : memref<31264xi32, #tpu.memory_space<vmem>>[vector<16xi32>], vector<16xi32>, vector<16xi1>
      %scan3A_488 = arith.constant 0 : i32
      %scan3A_489 = arith.constant 7 : i32
      %scan3A_490 = arith.addi %scan3A_308, %scan3A_489 : i32
      %mul3A_491 = arith.constant 16 : i32
      %mul3A_492 = arith.muli %scan3A_490, %mul3A_491 : i32
      %get3A_493 = arith.index_cast %mul3A_492 : i32 to index
      %get3A_494 = tpu.vector_load %arg6[%get3A_493] {strides = array<i32>} : memref<16384xi32, #tpu.memory_space<vmem>>, vector<16xi32>,
      %ge3A_495 = vector.broadcast %mul3A_2 : i32 to vector<16xi32>
      %ge3A_496 = arith.cmpi sge, %get3A_494, %ge3A_495 : vector<16xi32>
      %add3A_497 = arith.constant 31250 : i32
      %add3A_498 = arith.addi %mul3A_2, %add3A_497 : i32
      %lt3A_499 = vector.broadcast %add3A_498 : i32 to vector<16xi32>
      %lt3A_500 = arith.cmpi slt, %get3A_494, %lt3A_499 : vector<16xi32>
      %and3A_501 = arith.andi %ge3A_496, %lt3A_500 : vector<16xi1>
      %sub3A_502 = vector.broadcast %mul3A_2 : i32 to vector<16xi32>
      %sub3A_503 = arith.subi %get3A_494, %sub3A_502 : vector<16xi32>
      %jit3A_504 = arith.constant 0 : i32
      %broadcast_in_dim3A_505 = vector.broadcast %jit3A_504 : i32 to vector<16xi32>
      %select_n3A_506 = arith.select %and3A_501, %sub3A_503, %broadcast_in_dim3A_505 : vector<16xi1>, vector<16xi32>
      %iota3A_507 = tpu.iota {dimensions = array<i32: 0>} : vector<16xi32>
      %mul3A_508 = arith.constant 16 : i32
      %mul3A_509 = arith.muli %scan3A_490, %mul3A_508 : i32
      %add3A_510 = vector.broadcast %mul3A_509 : i32 to vector<16xi32>
      %add3A_511 = arith.addi %iota3A_507, %add3A_510 : vector<16xi32>
      %add3A_512 = arith.constant 1 : i32
      %add3A_513 = vector.broadcast %add3A_512 : i32 to vector<16xi32>
      %add3A_514 = arith.addi %add3A_511, %add3A_513 : vector<16xi32>
      tpu.vector_store_idx %arg7[%select_n3A_506], %add3A_514 masked %and3A_501 : memref<31264xi32, #tpu.memory_space<vmem>>[vector<16xi32>], vector<16xi32>, vector<16xi1>
      %scan3A_515 = arith.constant 0 : i32
      scf.yield %scan3A_515 : i32
    }
    %scan3A_29 = arith.constant 1024 : i32
    %gather3A = tpu.vector_load_idx %arg6[%broadcast_in_dim3A_3] : memref<16384xi32, #tpu.memory_space<vmem>>[vector<16xi32>], vector<16xi32>,
    %swap3A_30 = arith.constant 0 : index
    %swap3A_31 = tpu.vector_load %arg8[%swap3A_30] {strides = array<i32>} : memref<1024xi32, #tpu.memory_space<vmem>>, vector<16xi32>,
    tpu.vector_store %arg8[%swap3A_30], %broadcast_in_dim3A_3 {strides = array<i32>} : memref<1024xi32, #tpu.memory_space<vmem>>, vector<16xi32>,
    %swap3A_32 = arith.constant 0 : index
    %swap3A_33 = tpu.vector_load %arg9[%swap3A_32] {strides = array<i32>} : memref<1024xi32, #tpu.memory_space<vmem>>, vector<16xi32>,
    tpu.vector_store %arg9[%swap3A_32], %gather3A {strides = array<i32>} : memref<1024xi32, #tpu.memory_space<vmem>>, vector<16xi32>,
    %swap3A_34 = arith.constant 16 : index
    %swap3A_35 = tpu.vector_load %arg8[%swap3A_34] {strides = array<i32>} : memref<1024xi32, #tpu.memory_space<vmem>>, vector<16xi32>,
    tpu.vector_store %arg8[%swap3A_34], %broadcast_in_dim3A_3 {strides = array<i32>} : memref<1024xi32, #tpu.memory_space<vmem>>, vector<16xi32>,
    %swap3A_36 = arith.constant 16 : index
    %swap3A_37 = tpu.vector_load %arg9[%swap3A_36] {strides = array<i32>} : memref<1024xi32, #tpu.memory_space<vmem>>, vector<16xi32>,
    tpu.vector_store %arg9[%swap3A_36], %gather3A {strides = array<i32>} : memref<1024xi32, #tpu.memory_space<vmem>>, vector<16xi32>,
    %swap3A_38 = arith.constant 32 : index
    %swap3A_39 = tpu.vector_load %arg8[%swap3A_38] {strides = array<i32>} : memref<1024xi32, #tpu.memory_space<vmem>>, vector<16xi32>,
    tpu.vector_store %arg8[%swap3A_38], %broadcast_in_dim3A_3 {strides = array<i32>} : memref<1024xi32, #tpu.memory_space<vmem>>, vector<16xi32>,
    %swap3A_40 = arith.constant 32 : index
    %swap3A_41 = tpu.vector_load %arg9[%swap3A_40] {strides = array<i32>} : memref<1024xi32, #tpu.memory_space<vmem>>, vector<16xi32>,
    tpu.vector_store %arg9[%swap3A_40], %gather3A {strides = array<i32>} : memref<1024xi32, #tpu.memory_space<vmem>>, vector<16xi32>,
    %swap3A_42 = arith.constant 48 : index
    %swap3A_43 = tpu.vector_load %arg8[%swap3A_42] {strides = array<i32>} : memref<1024xi32, #tpu.memory_space<vmem>>, vector<16xi32>,
    tpu.vector_store %arg8[%swap3A_42], %broadcast_in_dim3A_3 {strides = array<i32>} : memref<1024xi32, #tpu.memory_space<vmem>>, vector<16xi32>,
    %swap3A_44 = arith.constant 48 : index
    %swap3A_45 = tpu.vector_load %arg9[%swap3A_44] {strides = array<i32>} : memref<1024xi32, #tpu.memory_space<vmem>>, vector<16xi32>,
    tpu.vector_store %arg9[%swap3A_44], %gather3A {strides = array<i32>} : memref<1024xi32, #tpu.memory_space<vmem>>, vector<16xi32>,
    %swap3A_46 = arith.constant 64 : index
    %swap3A_47 = tpu.vector_load %arg8[%swap3A_46] {strides = array<i32>} : memref<1024xi32, #tpu.memory_space<vmem>>, vector<16xi32>,
    tpu.vector_store %arg8[%swap3A_46], %broadcast_in_dim3A_3 {strides = array<i32>} : memref<1024xi32, #tpu.memory_space<vmem>>, vector<16xi32>,
    %swap3A_48 = arith.constant 64 : index
    %swap3A_49 = tpu.vector_load %arg9[%swap3A_48] {strides = array<i32>} : memref<1024xi32, #tpu.memory_space<vmem>>, vector<16xi32>,
    tpu.vector_store %arg9[%swap3A_48], %gather3A {strides = array<i32>} : memref<1024xi32, #tpu.memory_space<vmem>>, vector<16xi32>,
    %swap3A_50 = arith.constant 80 : index
    %swap3A_51 = tpu.vector_load %arg8[%swap3A_50] {strides = array<i32>} : memref<1024xi32, #tpu.memory_space<vmem>>, vector<16xi32>,
    tpu.vector_store %arg8[%swap3A_50], %broadcast_in_dim3A_3 {strides = array<i32>} : memref<1024xi32, #tpu.memory_space<vmem>>, vector<16xi32>,
    %swap3A_52 = arith.constant 80 : index
    %swap3A_53 = tpu.vector_load %arg9[%swap3A_52] {strides = array<i32>} : memref<1024xi32, #tpu.memory_space<vmem>>, vector<16xi32>,
    tpu.vector_store %arg9[%swap3A_52], %gather3A {strides = array<i32>} : memref<1024xi32, #tpu.memory_space<vmem>>, vector<16xi32>,
    %swap3A_54 = arith.constant 96 : index
    %swap3A_55 = tpu.vector_load %arg8[%swap3A_54] {strides = array<i32>} : memref<1024xi32, #tpu.memory_space<vmem>>, vector<16xi32>,
    tpu.vector_store %arg8[%swap3A_54], %broadcast_in_dim3A_3 {strides = array<i32>} : memref<1024xi32, #tpu.memory_space<vmem>>, vector<16xi32>,
    %swap3A_56 = arith.constant 96 : index
    %swap3A_57 = tpu.vector_load %arg9[%swap3A_56] {strides = array<i32>} : memref<1024xi32, #tpu.memory_space<vmem>>, vector<16xi32>,
    tpu.vector_store %arg9[%swap3A_56], %gather3A {strides = array<i32>} : memref<1024xi32, #tpu.memory_space<vmem>>, vector<16xi32>,
    %swap3A_58 = arith.constant 112 : index
    %swap3A_59 = tpu.vector_load %arg8[%swap3A_58] {strides = array<i32>} : memref<1024xi32, #tpu.memory_space<vmem>>, vector<16xi32>,
    tpu.vector_store %arg8[%swap3A_58], %broadcast_in_dim3A_3 {strides = array<i32>} : memref<1024xi32, #tpu.memory_space<vmem>>, vector<16xi32>,
    %swap3A_60 = arith.constant 112 : index
    %swap3A_61 = tpu.vector_load %arg9[%swap3A_60] {strides = array<i32>} : memref<1024xi32, #tpu.memory_space<vmem>>, vector<16xi32>,
    tpu.vector_store %arg9[%swap3A_60], %gather3A {strides = array<i32>} : memref<1024xi32, #tpu.memory_space<vmem>>, vector<16xi32>,
    %swap3A_62 = arith.constant 128 : index
    %swap3A_63 = tpu.vector_load %arg8[%swap3A_62] {strides = array<i32>} : memref<1024xi32, #tpu.memory_space<vmem>>, vector<16xi32>,
    tpu.vector_store %arg8[%swap3A_62], %broadcast_in_dim3A_3 {strides = array<i32>} : memref<1024xi32, #tpu.memory_space<vmem>>, vector<16xi32>,
    %swap3A_64 = arith.constant 128 : index
    %swap3A_65 = tpu.vector_load %arg9[%swap3A_64] {strides = array<i32>} : memref<1024xi32, #tpu.memory_space<vmem>>, vector<16xi32>,
    tpu.vector_store %arg9[%swap3A_64], %gather3A {strides = array<i32>} : memref<1024xi32, #tpu.memory_space<vmem>>, vector<16xi32>,
    %swap3A_66 = arith.constant 144 : index
    %swap3A_67 = tpu.vector_load %arg8[%swap3A_66] {strides = array<i32>} : memref<1024xi32, #tpu.memory_space<vmem>>, vector<16xi32>,
    tpu.vector_store %arg8[%swap3A_66], %broadcast_in_dim3A_3 {strides = array<i32>} : memref<1024xi32, #tpu.memory_space<vmem>>, vector<16xi32>,
    %swap3A_68 = arith.constant 144 : index
    %swap3A_69 = tpu.vector_load %arg9[%swap3A_68] {strides = array<i32>} : memref<1024xi32, #tpu.memory_space<vmem>>, vector<16xi32>,
    tpu.vector_store %arg9[%swap3A_68], %gather3A {strides = array<i32>} : memref<1024xi32, #tpu.memory_space<vmem>>, vector<16xi32>,
    %swap3A_70 = arith.constant 160 : index
    %swap3A_71 = tpu.vector_load %arg8[%swap3A_70] {strides = array<i32>} : memref<1024xi32, #tpu.memory_space<vmem>>, vector<16xi32>,
    tpu.vector_store %arg8[%swap3A_70], %broadcast_in_dim3A_3 {strides = array<i32>} : memref<1024xi32, #tpu.memory_space<vmem>>, vector<16xi32>,
    %swap3A_72 = arith.constant 160 : index
    %swap3A_73 = tpu.vector_load %arg9[%swap3A_72] {strides = array<i32>} : memref<1024xi32, #tpu.memory_space<vmem>>, vector<16xi32>,
    tpu.vector_store %arg9[%swap3A_72], %gather3A {strides = array<i32>} : memref<1024xi32, #tpu.memory_space<vmem>>, vector<16xi32>,
    %swap3A_74 = arith.constant 176 : index
    %swap3A_75 = tpu.vector_load %arg8[%swap3A_74] {strides = array<i32>} : memref<1024xi32, #tpu.memory_space<vmem>>, vector<16xi32>,
    tpu.vector_store %arg8[%swap3A_74], %broadcast_in_dim3A_3 {strides = array<i32>} : memref<1024xi32, #tpu.memory_space<vmem>>, vector<16xi32>,
    %swap3A_76 = arith.constant 176 : index
    %swap3A_77 = tpu.vector_load %arg9[%swap3A_76] {strides = array<i32>} : memref<1024xi32, #tpu.memory_space<vmem>>, vector<16xi32>,
    tpu.vector_store %arg9[%swap3A_76], %gather3A {strides = array<i32>} : memref<1024xi32, #tpu.memory_space<vmem>>, vector<16xi32>,
    %swap3A_78 = arith.constant 192 : index
    %swap3A_79 = tpu.vector_load %arg8[%swap3A_78] {strides = array<i32>} : memref<1024xi32, #tpu.memory_space<vmem>>, vector<16xi32>,
    tpu.vector_store %arg8[%swap3A_78], %broadcast_in_dim3A_3 {strides = array<i32>} : memref<1024xi32, #tpu.memory_space<vmem>>, vector<16xi32>,
    %swap3A_80 = arith.constant 192 : index
    %swap3A_81 = tpu.vector_load %arg9[%swap3A_80] {strides = array<i32>} : memref<1024xi32, #tpu.memory_space<vmem>>, vector<16xi32>,
    tpu.vector_store %arg9[%swap3A_80], %gather3A {strides = array<i32>} : memref<1024xi32, #tpu.memory_space<vmem>>, vector<16xi32>,
    %swap3A_82 = arith.constant 208 : index
    %swap3A_83 = tpu.vector_load %arg8[%swap3A_82] {strides = array<i32>} : memref<1024xi32, #tpu.memory_space<vmem>>, vector<16xi32>,
    tpu.vector_store %arg8[%swap3A_82], %broadcast_in_dim3A_3 {strides = array<i32>} : memref<1024xi32, #tpu.memory_space<vmem>>, vector<16xi32>,
    %swap3A_84 = arith.constant 208 : index
    %swap3A_85 = tpu.vector_load %arg9[%swap3A_84] {strides = array<i32>} : memref<1024xi32, #tpu.memory_space<vmem>>, vector<16xi32>,
    tpu.vector_store %arg9[%swap3A_84], %gather3A {strides = array<i32>} : memref<1024xi32, #tpu.memory_space<vmem>>, vector<16xi32>,
    %swap3A_86 = arith.constant 224 : index
    %swap3A_87 = tpu.vector_load %arg8[%swap3A_86] {strides = array<i32>} : memref<1024xi32, #tpu.memory_space<vmem>>, vector<16xi32>,
    tpu.vector_store %arg8[%swap3A_86], %broadcast_in_dim3A_3 {strides = array<i32>} : memref<1024xi32, #tpu.memory_space<vmem>>, vector<16xi32>,
    %swap3A_88 = arith.constant 224 : index
    %swap3A_89 = tpu.vector_load %arg9[%swap3A_88] {strides = array<i32>} : memref<1024xi32, #tpu.memory_space<vmem>>, vector<16xi32>,
    tpu.vector_store %arg9[%swap3A_88], %gather3A {strides = array<i32>} : memref<1024xi32, #tpu.memory_space<vmem>>, vector<16xi32>,
    %swap3A_90 = arith.constant 240 : index
    %swap3A_91 = tpu.vector_load %arg8[%swap3A_90] {strides = array<i32>} : memref<1024xi32, #tpu.memory_space<vmem>>, vector<16xi32>,
    tpu.vector_store %arg8[%swap3A_90], %broadcast_in_dim3A_3 {strides = array<i32>} : memref<1024xi32, #tpu.memory_space<vmem>>, vector<16xi32>,
    %swap3A_92 = arith.constant 240 : index
    %swap3A_93 = tpu.vector_load %arg9[%swap3A_92] {strides = array<i32>} : memref<1024xi32, #tpu.memory_space<vmem>>, vector<16xi32>,
    tpu.vector_store %arg9[%swap3A_92], %gather3A {strides = array<i32>} : memref<1024xi32, #tpu.memory_space<vmem>>, vector<16xi32>,
    %swap3A_94 = arith.constant 256 : index
    %swap3A_95 = tpu.vector_load %arg8[%swap3A_94] {strides = array<i32>} : memref<1024xi32, #tpu.memory_space<vmem>>, vector<16xi32>,
    tpu.vector_store %arg8[%swap3A_94], %broadcast_in_dim3A_3 {strides = array<i32>} : memref<1024xi32, #tpu.memory_space<vmem>>, vector<16xi32>,
    %swap3A_96 = arith.constant 256 : index
    %swap3A_97 = tpu.vector_load %arg9[%swap3A_96] {strides = array<i32>} : memref<1024xi32, #tpu.memory_space<vmem>>, vector<16xi32>,
    tpu.vector_store %arg9[%swap3A_96], %gather3A {strides = array<i32>} : memref<1024xi32, #tpu.memory_space<vmem>>, vector<16xi32>,
    %swap3A_98 = arith.constant 272 : index
    %swap3A_99 = tpu.vector_load %arg8[%swap3A_98] {strides = array<i32>} : memref<1024xi32, #tpu.memory_space<vmem>>, vector<16xi32>,
    tpu.vector_store %arg8[%swap3A_98], %broadcast_in_dim3A_3 {strides = array<i32>} : memref<1024xi32, #tpu.memory_space<vmem>>, vector<16xi32>,
    %swap3A_100 = arith.constant 272 : index
    %swap3A_101 = tpu.vector_load %arg9[%swap3A_100] {strides = array<i32>} : memref<1024xi32, #tpu.memory_space<vmem>>, vector<16xi32>,
    tpu.vector_store %arg9[%swap3A_100], %gather3A {strides = array<i32>} : memref<1024xi32, #tpu.memory_space<vmem>>, vector<16xi32>,
    %swap3A_102 = arith.constant 288 : index
    %swap3A_103 = tpu.vector_load %arg8[%swap3A_102] {strides = array<i32>} : memref<1024xi32, #tpu.memory_space<vmem>>, vector<16xi32>,
    tpu.vector_store %arg8[%swap3A_102], %broadcast_in_dim3A_3 {strides = array<i32>} : memref<1024xi32, #tpu.memory_space<vmem>>, vector<16xi32>,
    %swap3A_104 = arith.constant 288 : index
    %swap3A_105 = tpu.vector_load %arg9[%swap3A_104] {strides = array<i32>} : memref<1024xi32, #tpu.memory_space<vmem>>, vector<16xi32>,
    tpu.vector_store %arg9[%swap3A_104], %gather3A {strides = array<i32>} : memref<1024xi32, #tpu.memory_space<vmem>>, vector<16xi32>,
    %swap3A_106 = arith.constant 304 : index
    %swap3A_107 = tpu.vector_load %arg8[%swap3A_106] {strides = array<i32>} : memref<1024xi32, #tpu.memory_space<vmem>>, vector<16xi32>,
    tpu.vector_store %arg8[%swap3A_106], %broadcast_in_dim3A_3 {strides = array<i32>} : memref<1024xi32, #tpu.memory_space<vmem>>, vector<16xi32>,
    %swap3A_108 = arith.constant 304 : index
    %swap3A_109 = tpu.vector_load %arg9[%swap3A_108] {strides = array<i32>} : memref<1024xi32, #tpu.memory_space<vmem>>, vector<16xi32>,
    tpu.vector_store %arg9[%swap3A_108], %gather3A {strides = array<i32>} : memref<1024xi32, #tpu.memory_space<vmem>>, vector<16xi32>,
    %swap3A_110 = arith.constant 320 : index
    %swap3A_111 = tpu.vector_load %arg8[%swap3A_110] {strides = array<i32>} : memref<1024xi32, #tpu.memory_space<vmem>>, vector<16xi32>,
    tpu.vector_store %arg8[%swap3A_110], %broadcast_in_dim3A_3 {strides = array<i32>} : memref<1024xi32, #tpu.memory_space<vmem>>, vector<16xi32>,
    %swap3A_112 = arith.constant 320 : index
    %swap3A_113 = tpu.vector_load %arg9[%swap3A_112] {strides = array<i32>} : memref<1024xi32, #tpu.memory_space<vmem>>, vector<16xi32>,
    tpu.vector_store %arg9[%swap3A_112], %gather3A {strides = array<i32>} : memref<1024xi32, #tpu.memory_space<vmem>>, vector<16xi32>,
    %swap3A_114 = arith.constant 336 : index
    %swap3A_115 = tpu.vector_load %arg8[%swap3A_114] {strides = array<i32>} : memref<1024xi32, #tpu.memory_space<vmem>>, vector<16xi32>,
    tpu.vector_store %arg8[%swap3A_114], %broadcast_in_dim3A_3 {strides = array<i32>} : memref<1024xi32, #tpu.memory_space<vmem>>, vector<16xi32>,
    %swap3A_116 = arith.constant 336 : index
    %swap3A_117 = tpu.vector_load %arg9[%swap3A_116] {strides = array<i32>} : memref<1024xi32, #tpu.memory_space<vmem>>, vector<16xi32>,
    tpu.vector_store %arg9[%swap3A_116], %gather3A {strides = array<i32>} : memref<1024xi32, #tpu.memory_space<vmem>>, vector<16xi32>,
    %swap3A_118 = arith.constant 352 : index
    %swap3A_119 = tpu.vector_load %arg8[%swap3A_118] {strides = array<i32>} : memref<1024xi32, #tpu.memory_space<vmem>>, vector<16xi32>,
    tpu.vector_store %arg8[%swap3A_118], %broadcast_in_dim3A_3 {strides = array<i32>} : memref<1024xi32, #tpu.memory_space<vmem>>, vector<16xi32>,
    %swap3A_120 = arith.constant 352 : index
    %swap3A_121 = tpu.vector_load %arg9[%swap3A_120] {strides = array<i32>} : memref<1024xi32, #tpu.memory_space<vmem>>, vector<16xi32>,
    tpu.vector_store %arg9[%swap3A_120], %gather3A {strides = array<i32>} : memref<1024xi32, #tpu.memory_space<vmem>>, vector<16xi32>,
    %swap3A_122 = arith.constant 368 : index
    %swap3A_123 = tpu.vector_load %arg8[%swap3A_122] {strides = array<i32>} : memref<1024xi32, #tpu.memory_space<vmem>>, vector<16xi32>,
    tpu.vector_store %arg8[%swap3A_122], %broadcast_in_dim3A_3 {strides = array<i32>} : memref<1024xi32, #tpu.memory_space<vmem>>, vector<16xi32>,
    %swap3A_124 = arith.constant 368 : index
    %swap3A_125 = tpu.vector_load %arg9[%swap3A_124] {strides = array<i32>} : memref<1024xi32, #tpu.memory_space<vmem>>, vector<16xi32>,
    tpu.vector_store %arg9[%swap3A_124], %gather3A {strides = array<i32>} : memref<1024xi32, #tpu.memory_space<vmem>>, vector<16xi32>,
    %swap3A_126 = arith.constant 384 : index
    %swap3A_127 = tpu.vector_load %arg8[%swap3A_126] {strides = array<i32>} : memref<1024xi32, #tpu.memory_space<vmem>>, vector<16xi32>,
    tpu.vector_store %arg8[%swap3A_126], %broadcast_in_dim3A_3 {strides = array<i32>} : memref<1024xi32, #tpu.memory_space<vmem>>, vector<16xi32>,
    %swap3A_128 = arith.constant 384 : index
    %swap3A_129 = tpu.vector_load %arg9[%swap3A_128] {strides = array<i32>} : memref<1024xi32, #tpu.memory_space<vmem>>, vector<16xi32>,
    tpu.vector_store %arg9[%swap3A_128], %gather3A {strides = array<i32>} : memref<1024xi32, #tpu.memory_space<vmem>>, vector<16xi32>,
    %swap3A_130 = arith.constant 400 : index
    %swap3A_131 = tpu.vector_load %arg8[%swap3A_130] {strides = array<i32>} : memref<1024xi32, #tpu.memory_space<vmem>>, vector<16xi32>,
    tpu.vector_store %arg8[%swap3A_130], %broadcast_in_dim3A_3 {strides = array<i32>} : memref<1024xi32, #tpu.memory_space<vmem>>, vector<16xi32>,
    %swap3A_132 = arith.constant 400 : index
    %swap3A_133 = tpu.vector_load %arg9[%swap3A_132] {strides = array<i32>} : memref<1024xi32, #tpu.memory_space<vmem>>, vector<16xi32>,
    tpu.vector_store %arg9[%swap3A_132], %gather3A {strides = array<i32>} : memref<1024xi32, #tpu.memory_space<vmem>>, vector<16xi32>,
    %swap3A_134 = arith.constant 416 : index
    %swap3A_135 = tpu.vector_load %arg8[%swap3A_134] {strides = array<i32>} : memref<1024xi32, #tpu.memory_space<vmem>>, vector<16xi32>,
    tpu.vector_store %arg8[%swap3A_134], %broadcast_in_dim3A_3 {strides = array<i32>} : memref<1024xi32, #tpu.memory_space<vmem>>, vector<16xi32>,
    %swap3A_136 = arith.constant 416 : index
    %swap3A_137 = tpu.vector_load %arg9[%swap3A_136] {strides = array<i32>} : memref<1024xi32, #tpu.memory_space<vmem>>, vector<16xi32>,
    tpu.vector_store %arg9[%swap3A_136], %gather3A {strides = array<i32>} : memref<1024xi32, #tpu.memory_space<vmem>>, vector<16xi32>,
    %swap3A_138 = arith.constant 432 : index
    %swap3A_139 = tpu.vector_load %arg8[%swap3A_138] {strides = array<i32>} : memref<1024xi32, #tpu.memory_space<vmem>>, vector<16xi32>,
    tpu.vector_store %arg8[%swap3A_138], %broadcast_in_dim3A_3 {strides = array<i32>} : memref<1024xi32, #tpu.memory_space<vmem>>, vector<16xi32>,
    %swap3A_140 = arith.constant 432 : index
    %swap3A_141 = tpu.vector_load %arg9[%swap3A_140] {strides = array<i32>} : memref<1024xi32, #tpu.memory_space<vmem>>, vector<16xi32>,
    tpu.vector_store %arg9[%swap3A_140], %gather3A {strides = array<i32>} : memref<1024xi32, #tpu.memory_space<vmem>>, vector<16xi32>,
    %swap3A_142 = arith.constant 448 : index
    %swap3A_143 = tpu.vector_load %arg8[%swap3A_142] {strides = array<i32>} : memref<1024xi32, #tpu.memory_space<vmem>>, vector<16xi32>,
    tpu.vector_store %arg8[%swap3A_142], %broadcast_in_dim3A_3 {strides = array<i32>} : memref<1024xi32, #tpu.memory_space<vmem>>, vector<16xi32>,
    %swap3A_144 = arith.constant 448 : index
    %swap3A_145 = tpu.vector_load %arg9[%swap3A_144] {strides = array<i32>} : memref<1024xi32, #tpu.memory_space<vmem>>, vector<16xi32>,
    tpu.vector_store %arg9[%swap3A_144], %gather3A {strides = array<i32>} : memref<1024xi32, #tpu.memory_space<vmem>>, vector<16xi32>,
    %swap3A_146 = arith.constant 464 : index
    %swap3A_147 = tpu.vector_load %arg8[%swap3A_146] {strides = array<i32>} : memref<1024xi32, #tpu.memory_space<vmem>>, vector<16xi32>,
    tpu.vector_store %arg8[%swap3A_146], %broadcast_in_dim3A_3 {strides = array<i32>} : memref<1024xi32, #tpu.memory_space<vmem>>, vector<16xi32>,
    %swap3A_148 = arith.constant 464 : index
    %swap3A_149 = tpu.vector_load %arg9[%swap3A_148] {strides = array<i32>} : memref<1024xi32, #tpu.memory_space<vmem>>, vector<16xi32>,
    tpu.vector_store %arg9[%swap3A_148], %gather3A {strides = array<i32>} : memref<1024xi32, #tpu.memory_space<vmem>>, vector<16xi32>,
    %swap3A_150 = arith.constant 480 : index
    %swap3A_151 = tpu.vector_load %arg8[%swap3A_150] {strides = array<i32>} : memref<1024xi32, #tpu.memory_space<vmem>>, vector<16xi32>,
    tpu.vector_store %arg8[%swap3A_150], %broadcast_in_dim3A_3 {strides = array<i32>} : memref<1024xi32, #tpu.memory_space<vmem>>, vector<16xi32>,
    %swap3A_152 = arith.constant 480 : index
    %swap3A_153 = tpu.vector_load %arg9[%swap3A_152] {strides = array<i32>} : memref<1024xi32, #tpu.memory_space<vmem>>, vector<16xi32>,
    tpu.vector_store %arg9[%swap3A_152], %gather3A {strides = array<i32>} : memref<1024xi32, #tpu.memory_space<vmem>>, vector<16xi32>,
    %swap3A_154 = arith.constant 496 : index
    %swap3A_155 = tpu.vector_load %arg8[%swap3A_154] {strides = array<i32>} : memref<1024xi32, #tpu.memory_space<vmem>>, vector<16xi32>,
    tpu.vector_store %arg8[%swap3A_154], %broadcast_in_dim3A_3 {strides = array<i32>} : memref<1024xi32, #tpu.memory_space<vmem>>, vector<16xi32>,
    %swap3A_156 = arith.constant 496 : index
    %swap3A_157 = tpu.vector_load %arg9[%swap3A_156] {strides = array<i32>} : memref<1024xi32, #tpu.memory_space<vmem>>, vector<16xi32>,
    tpu.vector_store %arg9[%swap3A_156], %gather3A {strides = array<i32>} : memref<1024xi32, #tpu.memory_space<vmem>>, vector<16xi32>,
    %swap3A_158 = arith.constant 512 : index
    %swap3A_159 = tpu.vector_load %arg8[%swap3A_158] {strides = array<i32>} : memref<1024xi32, #tpu.memory_space<vmem>>, vector<16xi32>,
    tpu.vector_store %arg8[%swap3A_158], %broadcast_in_dim3A_3 {strides = array<i32>} : memref<1024xi32, #tpu.memory_space<vmem>>, vector<16xi32>,
    %swap3A_160 = arith.constant 512 : index
    %swap3A_161 = tpu.vector_load %arg9[%swap3A_160] {strides = array<i32>} : memref<1024xi32, #tpu.memory_space<vmem>>, vector<16xi32>,
    tpu.vector_store %arg9[%swap3A_160], %gather3A {strides = array<i32>} : memref<1024xi32, #tpu.memory_space<vmem>>, vector<16xi32>,
    %swap3A_162 = arith.constant 528 : index
    %swap3A_163 = tpu.vector_load %arg8[%swap3A_162] {strides = array<i32>} : memref<1024xi32, #tpu.memory_space<vmem>>, vector<16xi32>,
    tpu.vector_store %arg8[%swap3A_162], %broadcast_in_dim3A_3 {strides = array<i32>} : memref<1024xi32, #tpu.memory_space<vmem>>, vector<16xi32>,
    %swap3A_164 = arith.constant 528 : index
    %swap3A_165 = tpu.vector_load %arg9[%swap3A_164] {strides = array<i32>} : memref<1024xi32, #tpu.memory_space<vmem>>, vector<16xi32>,
    tpu.vector_store %arg9[%swap3A_164], %gather3A {strides = array<i32>} : memref<1024xi32, #tpu.memory_space<vmem>>, vector<16xi32>,
    %swap3A_166 = arith.constant 544 : index
    %swap3A_167 = tpu.vector_load %arg8[%swap3A_166] {strides = array<i32>} : memref<1024xi32, #tpu.memory_space<vmem>>, vector<16xi32>,
    tpu.vector_store %arg8[%swap3A_166], %broadcast_in_dim3A_3 {strides = array<i32>} : memref<1024xi32, #tpu.memory_space<vmem>>, vector<16xi32>,
    %swap3A_168 = arith.constant 544 : index
    %swap3A_169 = tpu.vector_load %arg9[%swap3A_168] {strides = array<i32>} : memref<1024xi32, #tpu.memory_space<vmem>>, vector<16xi32>,
    tpu.vector_store %arg9[%swap3A_168], %gather3A {strides = array<i32>} : memref<1024xi32, #tpu.memory_space<vmem>>, vector<16xi32>,
    %swap3A_170 = arith.constant 560 : index
    %swap3A_171 = tpu.vector_load %arg8[%swap3A_170] {strides = array<i32>} : memref<1024xi32, #tpu.memory_space<vmem>>, vector<16xi32>,
    tpu.vector_store %arg8[%swap3A_170], %broadcast_in_dim3A_3 {strides = array<i32>} : memref<1024xi32, #tpu.memory_space<vmem>>, vector<16xi32>,
    %swap3A_172 = arith.constant 560 : index
    %swap3A_173 = tpu.vector_load %arg9[%swap3A_172] {strides = array<i32>} : memref<1024xi32, #tpu.memory_space<vmem>>, vector<16xi32>,
    tpu.vector_store %arg9[%swap3A_172], %gather3A {strides = array<i32>} : memref<1024xi32, #tpu.memory_space<vmem>>, vector<16xi32>,
    %swap3A_174 = arith.constant 576 : index
    %swap3A_175 = tpu.vector_load %arg8[%swap3A_174] {strides = array<i32>} : memref<1024xi32, #tpu.memory_space<vmem>>, vector<16xi32>,
    tpu.vector_store %arg8[%swap3A_174], %broadcast_in_dim3A_3 {strides = array<i32>} : memref<1024xi32, #tpu.memory_space<vmem>>, vector<16xi32>,
    %swap3A_176 = arith.constant 576 : index
    %swap3A_177 = tpu.vector_load %arg9[%swap3A_176] {strides = array<i32>} : memref<1024xi32, #tpu.memory_space<vmem>>, vector<16xi32>,
    tpu.vector_store %arg9[%swap3A_176], %gather3A {strides = array<i32>} : memref<1024xi32, #tpu.memory_space<vmem>>, vector<16xi32>,
    %swap3A_178 = arith.constant 592 : index
    %swap3A_179 = tpu.vector_load %arg8[%swap3A_178] {strides = array<i32>} : memref<1024xi32, #tpu.memory_space<vmem>>, vector<16xi32>,
    tpu.vector_store %arg8[%swap3A_178], %broadcast_in_dim3A_3 {strides = array<i32>} : memref<1024xi32, #tpu.memory_space<vmem>>, vector<16xi32>,
    %swap3A_180 = arith.constant 592 : index
    %swap3A_181 = tpu.vector_load %arg9[%swap3A_180] {strides = array<i32>} : memref<1024xi32, #tpu.memory_space<vmem>>, vector<16xi32>,
    tpu.vector_store %arg9[%swap3A_180], %gather3A {strides = array<i32>} : memref<1024xi32, #tpu.memory_space<vmem>>, vector<16xi32>,
    %swap3A_182 = arith.constant 608 : index
    %swap3A_183 = tpu.vector_load %arg8[%swap3A_182] {strides = array<i32>} : memref<1024xi32, #tpu.memory_space<vmem>>, vector<16xi32>,
    tpu.vector_store %arg8[%swap3A_182], %broadcast_in_dim3A_3 {strides = array<i32>} : memref<1024xi32, #tpu.memory_space<vmem>>, vector<16xi32>,
    %swap3A_184 = arith.constant 608 : index
    %swap3A_185 = tpu.vector_load %arg9[%swap3A_184] {strides = array<i32>} : memref<1024xi32, #tpu.memory_space<vmem>>, vector<16xi32>,
    tpu.vector_store %arg9[%swap3A_184], %gather3A {strides = array<i32>} : memref<1024xi32, #tpu.memory_space<vmem>>, vector<16xi32>,
    %swap3A_186 = arith.constant 624 : index
    %swap3A_187 = tpu.vector_load %arg8[%swap3A_186] {strides = array<i32>} : memref<1024xi32, #tpu.memory_space<vmem>>, vector<16xi32>,
    tpu.vector_store %arg8[%swap3A_186], %broadcast_in_dim3A_3 {strides = array<i32>} : memref<1024xi32, #tpu.memory_space<vmem>>, vector<16xi32>,
    %swap3A_188 = arith.constant 624 : index
    %swap3A_189 = tpu.vector_load %arg9[%swap3A_188] {strides = array<i32>} : memref<1024xi32, #tpu.memory_space<vmem>>, vector<16xi32>,
    tpu.vector_store %arg9[%swap3A_188], %gather3A {strides = array<i32>} : memref<1024xi32, #tpu.memory_space<vmem>>, vector<16xi32>,
    %swap3A_190 = arith.constant 640 : index
    %swap3A_191 = tpu.vector_load %arg8[%swap3A_190] {strides = array<i32>} : memref<1024xi32, #tpu.memory_space<vmem>>, vector<16xi32>,
    tpu.vector_store %arg8[%swap3A_190], %broadcast_in_dim3A_3 {strides = array<i32>} : memref<1024xi32, #tpu.memory_space<vmem>>, vector<16xi32>,
    %swap3A_192 = arith.constant 640 : index
    %swap3A_193 = tpu.vector_load %arg9[%swap3A_192] {strides = array<i32>} : memref<1024xi32, #tpu.memory_space<vmem>>, vector<16xi32>,
    tpu.vector_store %arg9[%swap3A_192], %gather3A {strides = array<i32>} : memref<1024xi32, #tpu.memory_space<vmem>>, vector<16xi32>,
    %swap3A_194 = arith.constant 656 : index
    %swap3A_195 = tpu.vector_load %arg8[%swap3A_194] {strides = array<i32>} : memref<1024xi32, #tpu.memory_space<vmem>>, vector<16xi32>,
    tpu.vector_store %arg8[%swap3A_194], %broadcast_in_dim3A_3 {strides = array<i32>} : memref<1024xi32, #tpu.memory_space<vmem>>, vector<16xi32>,
    %swap3A_196 = arith.constant 656 : index
    %swap3A_197 = tpu.vector_load %arg9[%swap3A_196] {strides = array<i32>} : memref<1024xi32, #tpu.memory_space<vmem>>, vector<16xi32>,
    tpu.vector_store %arg9[%swap3A_196], %gather3A {strides = array<i32>} : memref<1024xi32, #tpu.memory_space<vmem>>, vector<16xi32>,
    %swap3A_198 = arith.constant 672 : index
    %swap3A_199 = tpu.vector_load %arg8[%swap3A_198] {strides = array<i32>} : memref<1024xi32, #tpu.memory_space<vmem>>, vector<16xi32>,
    tpu.vector_store %arg8[%swap3A_198], %broadcast_in_dim3A_3 {strides = array<i32>} : memref<1024xi32, #tpu.memory_space<vmem>>, vector<16xi32>,
    %swap3A_200 = arith.constant 672 : index
    %swap3A_201 = tpu.vector_load %arg9[%swap3A_200] {strides = array<i32>} : memref<1024xi32, #tpu.memory_space<vmem>>, vector<16xi32>,
    tpu.vector_store %arg9[%swap3A_200], %gather3A {strides = array<i32>} : memref<1024xi32, #tpu.memory_space<vmem>>, vector<16xi32>,
    %swap3A_202 = arith.constant 688 : index
    %swap3A_203 = tpu.vector_load %arg8[%swap3A_202] {strides = array<i32>} : memref<1024xi32, #tpu.memory_space<vmem>>, vector<16xi32>,
    tpu.vector_store %arg8[%swap3A_202], %broadcast_in_dim3A_3 {strides = array<i32>} : memref<1024xi32, #tpu.memory_space<vmem>>, vector<16xi32>,
    %swap3A_204 = arith.constant 688 : index
    %swap3A_205 = tpu.vector_load %arg9[%swap3A_204] {strides = array<i32>} : memref<1024xi32, #tpu.memory_space<vmem>>, vector<16xi32>,
    tpu.vector_store %arg9[%swap3A_204], %gather3A {strides = array<i32>} : memref<1024xi32, #tpu.memory_space<vmem>>, vector<16xi32>,
    %swap3A_206 = arith.constant 704 : index
    %swap3A_207 = tpu.vector_load %arg8[%swap3A_206] {strides = array<i32>} : memref<1024xi32, #tpu.memory_space<vmem>>, vector<16xi32>,
    tpu.vector_store %arg8[%swap3A_206], %broadcast_in_dim3A_3 {strides = array<i32>} : memref<1024xi32, #tpu.memory_space<vmem>>, vector<16xi32>,
    %swap3A_208 = arith.constant 704 : index
    %swap3A_209 = tpu.vector_load %arg9[%swap3A_208] {strides = array<i32>} : memref<1024xi32, #tpu.memory_space<vmem>>, vector<16xi32>,
    tpu.vector_store %arg9[%swap3A_208], %gather3A {strides = array<i32>} : memref<1024xi32, #tpu.memory_space<vmem>>, vector<16xi32>,
    %swap3A_210 = arith.constant 720 : index
    %swap3A_211 = tpu.vector_load %arg8[%swap3A_210] {strides = array<i32>} : memref<1024xi32, #tpu.memory_space<vmem>>, vector<16xi32>,
    tpu.vector_store %arg8[%swap3A_210], %broadcast_in_dim3A_3 {strides = array<i32>} : memref<1024xi32, #tpu.memory_space<vmem>>, vector<16xi32>,
    %swap3A_212 = arith.constant 720 : index
    %swap3A_213 = tpu.vector_load %arg9[%swap3A_212] {strides = array<i32>} : memref<1024xi32, #tpu.memory_space<vmem>>, vector<16xi32>,
    tpu.vector_store %arg9[%swap3A_212], %gather3A {strides = array<i32>} : memref<1024xi32, #tpu.memory_space<vmem>>, vector<16xi32>,
    %swap3A_214 = arith.constant 736 : index
    %swap3A_215 = tpu.vector_load %arg8[%swap3A_214] {strides = array<i32>} : memref<1024xi32, #tpu.memory_space<vmem>>, vector<16xi32>,
    tpu.vector_store %arg8[%swap3A_214], %broadcast_in_dim3A_3 {strides = array<i32>} : memref<1024xi32, #tpu.memory_space<vmem>>, vector<16xi32>,
    %swap3A_216 = arith.constant 736 : index
    %swap3A_217 = tpu.vector_load %arg9[%swap3A_216] {strides = array<i32>} : memref<1024xi32, #tpu.memory_space<vmem>>, vector<16xi32>,
    tpu.vector_store %arg9[%swap3A_216], %gather3A {strides = array<i32>} : memref<1024xi32, #tpu.memory_space<vmem>>, vector<16xi32>,
    %swap3A_218 = arith.constant 752 : index
    %swap3A_219 = tpu.vector_load %arg8[%swap3A_218] {strides = array<i32>} : memref<1024xi32, #tpu.memory_space<vmem>>, vector<16xi32>,
    tpu.vector_store %arg8[%swap3A_218], %broadcast_in_dim3A_3 {strides = array<i32>} : memref<1024xi32, #tpu.memory_space<vmem>>, vector<16xi32>,
    %swap3A_220 = arith.constant 752 : index
    %swap3A_221 = tpu.vector_load %arg9[%swap3A_220] {strides = array<i32>} : memref<1024xi32, #tpu.memory_space<vmem>>, vector<16xi32>,
    tpu.vector_store %arg9[%swap3A_220], %gather3A {strides = array<i32>} : memref<1024xi32, #tpu.memory_space<vmem>>, vector<16xi32>,
    %swap3A_222 = arith.constant 768 : index
    %swap3A_223 = tpu.vector_load %arg8[%swap3A_222] {strides = array<i32>} : memref<1024xi32, #tpu.memory_space<vmem>>, vector<16xi32>,
    tpu.vector_store %arg8[%swap3A_222], %broadcast_in_dim3A_3 {strides = array<i32>} : memref<1024xi32, #tpu.memory_space<vmem>>, vector<16xi32>,
    %swap3A_224 = arith.constant 768 : index
    %swap3A_225 = tpu.vector_load %arg9[%swap3A_224] {strides = array<i32>} : memref<1024xi32, #tpu.memory_space<vmem>>, vector<16xi32>,
    tpu.vector_store %arg9[%swap3A_224], %gather3A {strides = array<i32>} : memref<1024xi32, #tpu.memory_space<vmem>>, vector<16xi32>,
    %swap3A_226 = arith.constant 784 : index
    %swap3A_227 = tpu.vector_load %arg8[%swap3A_226] {strides = array<i32>} : memref<1024xi32, #tpu.memory_space<vmem>>, vector<16xi32>,
    tpu.vector_store %arg8[%swap3A_226], %broadcast_in_dim3A_3 {strides = array<i32>} : memref<1024xi32, #tpu.memory_space<vmem>>, vector<16xi32>,
    %swap3A_228 = arith.constant 784 : index
    %swap3A_229 = tpu.vector_load %arg9[%swap3A_228] {strides = array<i32>} : memref<1024xi32, #tpu.memory_space<vmem>>, vector<16xi32>,
    tpu.vector_store %arg9[%swap3A_228], %gather3A {strides = array<i32>} : memref<1024xi32, #tpu.memory_space<vmem>>, vector<16xi32>,
    %swap3A_230 = arith.constant 800 : index
    %swap3A_231 = tpu.vector_load %arg8[%swap3A_230] {strides = array<i32>} : memref<1024xi32, #tpu.memory_space<vmem>>, vector<16xi32>,
    tpu.vector_store %arg8[%swap3A_230], %broadcast_in_dim3A_3 {strides = array<i32>} : memref<1024xi32, #tpu.memory_space<vmem>>, vector<16xi32>,
    %swap3A_232 = arith.constant 800 : index
    %swap3A_233 = tpu.vector_load %arg9[%swap3A_232] {strides = array<i32>} : memref<1024xi32, #tpu.memory_space<vmem>>, vector<16xi32>,
    tpu.vector_store %arg9[%swap3A_232], %gather3A {strides = array<i32>} : memref<1024xi32, #tpu.memory_space<vmem>>, vector<16xi32>,
    %swap3A_234 = arith.constant 816 : index
    %swap3A_235 = tpu.vector_load %arg8[%swap3A_234] {strides = array<i32>} : memref<1024xi32, #tpu.memory_space<vmem>>, vector<16xi32>,
    tpu.vector_store %arg8[%swap3A_234], %broadcast_in_dim3A_3 {strides = array<i32>} : memref<1024xi32, #tpu.memory_space<vmem>>, vector<16xi32>,
    %swap3A_236 = arith.constant 816 : index
    %swap3A_237 = tpu.vector_load %arg9[%swap3A_236] {strides = array<i32>} : memref<1024xi32, #tpu.memory_space<vmem>>, vector<16xi32>,
    tpu.vector_store %arg9[%swap3A_236], %gather3A {strides = array<i32>} : memref<1024xi32, #tpu.memory_space<vmem>>, vector<16xi32>,
    %swap3A_238 = arith.constant 832 : index
    %swap3A_239 = tpu.vector_load %arg8[%swap3A_238] {strides = array<i32>} : memref<1024xi32, #tpu.memory_space<vmem>>, vector<16xi32>,
    tpu.vector_store %arg8[%swap3A_238], %broadcast_in_dim3A_3 {strides = array<i32>} : memref<1024xi32, #tpu.memory_space<vmem>>, vector<16xi32>,
    %swap3A_240 = arith.constant 832 : index
    %swap3A_241 = tpu.vector_load %arg9[%swap3A_240] {strides = array<i32>} : memref<1024xi32, #tpu.memory_space<vmem>>, vector<16xi32>,
    tpu.vector_store %arg9[%swap3A_240], %gather3A {strides = array<i32>} : memref<1024xi32, #tpu.memory_space<vmem>>, vector<16xi32>,
    %swap3A_242 = arith.constant 848 : index
    %swap3A_243 = tpu.vector_load %arg8[%swap3A_242] {strides = array<i32>} : memref<1024xi32, #tpu.memory_space<vmem>>, vector<16xi32>,
    tpu.vector_store %arg8[%swap3A_242], %broadcast_in_dim3A_3 {strides = array<i32>} : memref<1024xi32, #tpu.memory_space<vmem>>, vector<16xi32>,
    %swap3A_244 = arith.constant 848 : index
    %swap3A_245 = tpu.vector_load %arg9[%swap3A_244] {strides = array<i32>} : memref<1024xi32, #tpu.memory_space<vmem>>, vector<16xi32>,
    tpu.vector_store %arg9[%swap3A_244], %gather3A {strides = array<i32>} : memref<1024xi32, #tpu.memory_space<vmem>>, vector<16xi32>,
    %swap3A_246 = arith.constant 864 : index
    %swap3A_247 = tpu.vector_load %arg8[%swap3A_246] {strides = array<i32>} : memref<1024xi32, #tpu.memory_space<vmem>>, vector<16xi32>,
    tpu.vector_store %arg8[%swap3A_246], %broadcast_in_dim3A_3 {strides = array<i32>} : memref<1024xi32, #tpu.memory_space<vmem>>, vector<16xi32>,
    %swap3A_248 = arith.constant 864 : index
    %swap3A_249 = tpu.vector_load %arg9[%swap3A_248] {strides = array<i32>} : memref<1024xi32, #tpu.memory_space<vmem>>, vector<16xi32>,
    tpu.vector_store %arg9[%swap3A_248], %gather3A {strides = array<i32>} : memref<1024xi32, #tpu.memory_space<vmem>>, vector<16xi32>,
    %swap3A_250 = arith.constant 880 : index
    %swap3A_251 = tpu.vector_load %arg8[%swap3A_250] {strides = array<i32>} : memref<1024xi32, #tpu.memory_space<vmem>>, vector<16xi32>,
    tpu.vector_store %arg8[%swap3A_250], %broadcast_in_dim3A_3 {strides = array<i32>} : memref<1024xi32, #tpu.memory_space<vmem>>, vector<16xi32>,
    %swap3A_252 = arith.constant 880 : index
    %swap3A_253 = tpu.vector_load %arg9[%swap3A_252] {strides = array<i32>} : memref<1024xi32, #tpu.memory_space<vmem>>, vector<16xi32>,
    tpu.vector_store %arg9[%swap3A_252], %gather3A {strides = array<i32>} : memref<1024xi32, #tpu.memory_space<vmem>>, vector<16xi32>,
    %swap3A_254 = arith.constant 896 : index
    %swap3A_255 = tpu.vector_load %arg8[%swap3A_254] {strides = array<i32>} : memref<1024xi32, #tpu.memory_space<vmem>>, vector<16xi32>,
    tpu.vector_store %arg8[%swap3A_254], %broadcast_in_dim3A_3 {strides = array<i32>} : memref<1024xi32, #tpu.memory_space<vmem>>, vector<16xi32>,
    %swap3A_256 = arith.constant 896 : index
    %swap3A_257 = tpu.vector_load %arg9[%swap3A_256] {strides = array<i32>} : memref<1024xi32, #tpu.memory_space<vmem>>, vector<16xi32>,
    tpu.vector_store %arg9[%swap3A_256], %gather3A {strides = array<i32>} : memref<1024xi32, #tpu.memory_space<vmem>>, vector<16xi32>,
    %swap3A_258 = arith.constant 912 : index
    %swap3A_259 = tpu.vector_load %arg8[%swap3A_258] {strides = array<i32>} : memref<1024xi32, #tpu.memory_space<vmem>>, vector<16xi32>,
    tpu.vector_store %arg8[%swap3A_258], %broadcast_in_dim3A_3 {strides = array<i32>} : memref<1024xi32, #tpu.memory_space<vmem>>, vector<16xi32>,
    %swap3A_260 = arith.constant 912 : index
    %swap3A_261 = tpu.vector_load %arg9[%swap3A_260] {strides = array<i32>} : memref<1024xi32, #tpu.memory_space<vmem>>, vector<16xi32>,
    tpu.vector_store %arg9[%swap3A_260], %gather3A {strides = array<i32>} : memref<1024xi32, #tpu.memory_space<vmem>>, vector<16xi32>,
    %swap3A_262 = arith.constant 928 : index
    %swap3A_263 = tpu.vector_load %arg8[%swap3A_262] {strides = array<i32>} : memref<1024xi32, #tpu.memory_space<vmem>>, vector<16xi32>,
    tpu.vector_store %arg8[%swap3A_262], %broadcast_in_dim3A_3 {strides = array<i32>} : memref<1024xi32, #tpu.memory_space<vmem>>, vector<16xi32>,
    %swap3A_264 = arith.constant 928 : index
    %swap3A_265 = tpu.vector_load %arg9[%swap3A_264] {strides = array<i32>} : memref<1024xi32, #tpu.memory_space<vmem>>, vector<16xi32>,
    tpu.vector_store %arg9[%swap3A_264], %gather3A {strides = array<i32>} : memref<1024xi32, #tpu.memory_space<vmem>>, vector<16xi32>,
    %swap3A_266 = arith.constant 944 : index
    %swap3A_267 = tpu.vector_load %arg8[%swap3A_266] {strides = array<i32>} : memref<1024xi32, #tpu.memory_space<vmem>>, vector<16xi32>,
    tpu.vector_store %arg8[%swap3A_266], %broadcast_in_dim3A_3 {strides = array<i32>} : memref<1024xi32, #tpu.memory_space<vmem>>, vector<16xi32>,
    %swap3A_268 = arith.constant 944 : index
    %swap3A_269 = tpu.vector_load %arg9[%swap3A_268] {strides = array<i32>} : memref<1024xi32, #tpu.memory_space<vmem>>, vector<16xi32>,
    tpu.vector_store %arg9[%swap3A_268], %gather3A {strides = array<i32>} : memref<1024xi32, #tpu.memory_space<vmem>>, vector<16xi32>,
    %swap3A_270 = arith.constant 960 : index
    %swap3A_271 = tpu.vector_load %arg8[%swap3A_270] {strides = array<i32>} : memref<1024xi32, #tpu.memory_space<vmem>>, vector<16xi32>,
    tpu.vector_store %arg8[%swap3A_270], %broadcast_in_dim3A_3 {strides = array<i32>} : memref<1024xi32, #tpu.memory_space<vmem>>, vector<16xi32>,
    %swap3A_272 = arith.constant 960 : index
    %swap3A_273 = tpu.vector_load %arg9[%swap3A_272] {strides = array<i32>} : memref<1024xi32, #tpu.memory_space<vmem>>, vector<16xi32>,
    tpu.vector_store %arg9[%swap3A_272], %gather3A {strides = array<i32>} : memref<1024xi32, #tpu.memory_space<vmem>>, vector<16xi32>,
    %swap3A_274 = arith.constant 976 : index
    %swap3A_275 = tpu.vector_load %arg8[%swap3A_274] {strides = array<i32>} : memref<1024xi32, #tpu.memory_space<vmem>>, vector<16xi32>,
    tpu.vector_store %arg8[%swap3A_274], %broadcast_in_dim3A_3 {strides = array<i32>} : memref<1024xi32, #tpu.memory_space<vmem>>, vector<16xi32>,
    %swap3A_276 = arith.constant 976 : index
    %swap3A_277 = tpu.vector_load %arg9[%swap3A_276] {strides = array<i32>} : memref<1024xi32, #tpu.memory_space<vmem>>, vector<16xi32>,
    tpu.vector_store %arg9[%swap3A_276], %gather3A {strides = array<i32>} : memref<1024xi32, #tpu.memory_space<vmem>>, vector<16xi32>,
    %swap3A_278 = arith.constant 992 : index
    %swap3A_279 = tpu.vector_load %arg8[%swap3A_278] {strides = array<i32>} : memref<1024xi32, #tpu.memory_space<vmem>>, vector<16xi32>,
    tpu.vector_store %arg8[%swap3A_278], %broadcast_in_dim3A_3 {strides = array<i32>} : memref<1024xi32, #tpu.memory_space<vmem>>, vector<16xi32>,
    %swap3A_280 = arith.constant 992 : index
    %swap3A_281 = tpu.vector_load %arg9[%swap3A_280] {strides = array<i32>} : memref<1024xi32, #tpu.memory_space<vmem>>, vector<16xi32>,
    tpu.vector_store %arg9[%swap3A_280], %gather3A {strides = array<i32>} : memref<1024xi32, #tpu.memory_space<vmem>>, vector<16xi32>,
    %swap3A_282 = arith.constant 1008 : index
    %swap3A_283 = tpu.vector_load %arg8[%swap3A_282] {strides = array<i32>} : memref<1024xi32, #tpu.memory_space<vmem>>, vector<16xi32>,
    tpu.vector_store %arg8[%swap3A_282], %broadcast_in_dim3A_3 {strides = array<i32>} : memref<1024xi32, #tpu.memory_space<vmem>>, vector<16xi32>,
    %swap3A_284 = arith.constant 1008 : index
    %swap3A_285 = tpu.vector_load %arg9[%swap3A_284] {strides = array<i32>} : memref<1024xi32, #tpu.memory_space<vmem>>, vector<16xi32>,
    tpu.vector_store %arg9[%swap3A_284], %gather3A {strides = array<i32>} : memref<1024xi32, #tpu.memory_space<vmem>>, vector<16xi32>,
    %scan3A_286 = arith.constant 0 : i32
    %scan3A_287 = arith.constant 0 : i32
    %scan3A_288 = arith.constant 1024 : i32
    %scan3A_289 = arith.addi %scan3A_287, %scan3A_288 : i32
    %scan3A_290 = arith.constant 4 : i32
    %scan3A_291 = scf.for %scan3A_308 = %scan3A_287 to %scan3A_289 step %scan3A_290 iter_args(%scan3A_309 = %scan3A_286) -> (i32)  : i32 {
      %mul3A_310 = arith.constant 16 : i32
      %mul3A_311 = arith.muli %scan3A_308, %mul3A_310 : i32
      %get3A = arith.index_cast %mul3A_311 : i32 to index
      %get3A_312 = tpu.vector_load %arg6[%get3A] {strides = array<i32>} : memref<16384xi32, #tpu.memory_space<vmem>>, vector<16xi32>,
      %ge3A = vector.broadcast %mul3A_2 : i32 to vector<16xi32>
      %ge3A_313 = arith.cmpi sge, %get3A_312, %ge3A : vector<16xi32>
      %add3A_314 = arith.constant 31250 : i32
      %add3A_315 = arith.addi %mul3A_2, %add3A_314 : i32
      %lt3A = vector.broadcast %add3A_315 : i32 to vector<16xi32>
      %lt3A_316 = arith.cmpi slt, %get3A_312, %lt3A : vector<16xi32>
      %and3A = arith.andi %ge3A_313, %lt3A_316 : vector<16xi1>
      %sub3A = vector.broadcast %mul3A_2 : i32 to vector<16xi32>
      %sub3A_317 = arith.subi %get3A_312, %sub3A : vector<16xi32>
      %jit3A = arith.constant 0 : i32
      %broadcast_in_dim3A_318 = vector.broadcast %jit3A : i32 to vector<16xi32>
      %select_n3A = arith.select %and3A, %sub3A_317, %broadcast_in_dim3A_318 : vector<16xi1>, vector<16xi32>
      %iota3A = tpu.iota {dimensions = array<i32: 0>} : vector<16xi32>
      %mul3A_319 = arith.constant 16 : i32
      %mul3A_320 = arith.muli %scan3A_308, %mul3A_319 : i32
      %add3A_321 = vector.broadcast %mul3A_320 : i32 to vector<16xi32>
      %add3A_322 = arith.addi %iota3A, %add3A_321 : vector<16xi32>
      %gather3A_323 = tpu.vector_load_idx %arg7[%select_n3A] : memref<31264xi32, #tpu.memory_space<vmem>>[vector<16xi32>], vector<16xi32>,
      %add3A_324 = arith.constant 1 : i32
      %add3A_325 = vector.broadcast %add3A_324 : i32 to vector<16xi32>
      %add3A_326 = arith.addi %add3A_322, %add3A_325 : vector<16xi32>
      %eq3A = arith.cmpi eq, %gather3A_323, %add3A_326 : vector<16xi32>
      %and3A_327 = arith.andi %and3A, %eq3A : vector<16xi1>
      %convert_element_type3A = arith.extui %and3A_327 : vector<16xi1> to vector<16xi32>
      %broadcast_in_dim3A_328 = arith.constant true
      %broadcast_in_dim3A_329 = vector.broadcast %broadcast_in_dim3A_328 : i1 to vector<16xi1>
      %masked_cumsum3A = tpu.scan <sum>, %convert_element_type3A masked %broadcast_in_dim3A_329 : vector<16xi32>, vector<16xi1> -> vector<16xi32>
      %add3A_330 = vector.broadcast %scan3A_309 : i32 to vector<16xi32>
      %add3A_331 = arith.addi %add3A_330, %masked_cumsum3A : vector<16xi32>
      %sub3A_332 = arith.constant 1 : i32
      %sub3A_333 = vector.broadcast %sub3A_332 : i32 to vector<16xi32>
      %sub3A_334 = arith.subi %add3A_331, %sub3A_333 : vector<16xi32>
      %jit3A_335 = arith.constant 0 : i32
      %broadcast_in_dim3A_336 = vector.broadcast %jit3A_335 : i32 to vector<16xi32>
      %select_n3A_337 = arith.select %and3A_327, %sub3A_334, %broadcast_in_dim3A_336 : vector<16xi1>, vector<16xi32>
      tpu.vector_store_idx %arg8[%select_n3A_337], %add3A_322 masked %and3A_327 : memref<1024xi32, #tpu.memory_space<vmem>>[vector<16xi32>], vector<16xi32>, vector<16xi1>
      tpu.vector_store_idx %arg9[%select_n3A_337], %get3A_312 masked %and3A_327 : memref<1024xi32, #tpu.memory_space<vmem>>[vector<16xi32>], vector<16xi32>, vector<16xi1>
      %reduce_sum3A = arith.constant true
      %reduce_sum3A_338 = vector.broadcast %reduce_sum3A : i1 to vector<16xi1>
      %reduce_sum3A_339 = tpu.scan <sum>, %convert_element_type3A masked %reduce_sum3A_338 : vector<16xi32>, vector<16xi1> -> vector<16xi32>
      %reduce_sum3A_340 = vector.extract %reduce_sum3A_339[15] : i32 from vector<16xi32>
      %add3A_341 = arith.addi %scan3A_309, %reduce_sum3A_340 : i32
      %scan3A_342 = arith.constant 1 : i32
      %scan3A_343 = arith.addi %scan3A_308, %scan3A_342 : i32
      %mul3A_344 = arith.constant 16 : i32
      %mul3A_345 = arith.muli %scan3A_343, %mul3A_344 : i32
      %get3A_346 = arith.index_cast %mul3A_345 : i32 to index
      %get3A_347 = tpu.vector_load %arg6[%get3A_346] {strides = array<i32>} : memref<16384xi32, #tpu.memory_space<vmem>>, vector<16xi32>,
      %ge3A_348 = vector.broadcast %mul3A_2 : i32 to vector<16xi32>
      %ge3A_349 = arith.cmpi sge, %get3A_347, %ge3A_348 : vector<16xi32>
      %add3A_350 = arith.constant 31250 : i32
      %add3A_351 = arith.addi %mul3A_2, %add3A_350 : i32
      %lt3A_352 = vector.broadcast %add3A_351 : i32 to vector<16xi32>
      %lt3A_353 = arith.cmpi slt, %get3A_347, %lt3A_352 : vector<16xi32>
      %and3A_354 = arith.andi %ge3A_349, %lt3A_353 : vector<16xi1>
      %sub3A_355 = vector.broadcast %mul3A_2 : i32 to vector<16xi32>
      %sub3A_356 = arith.subi %get3A_347, %sub3A_355 : vector<16xi32>
      %jit3A_357 = arith.constant 0 : i32
      %broadcast_in_dim3A_358 = vector.broadcast %jit3A_357 : i32 to vector<16xi32>
      %select_n3A_359 = arith.select %and3A_354, %sub3A_356, %broadcast_in_dim3A_358 : vector<16xi1>, vector<16xi32>
      %iota3A_360 = tpu.iota {dimensions = array<i32: 0>} : vector<16xi32>
      %mul3A_361 = arith.constant 16 : i32
      %mul3A_362 = arith.muli %scan3A_343, %mul3A_361 : i32
      %add3A_363 = vector.broadcast %mul3A_362 : i32 to vector<16xi32>
      %add3A_364 = arith.addi %iota3A_360, %add3A_363 : vector<16xi32>
      %gather3A_365 = tpu.vector_load_idx %arg7[%select_n3A_359] : memref<31264xi32, #tpu.memory_space<vmem>>[vector<16xi32>], vector<16xi32>,
      %add3A_366 = arith.constant 1 : i32
      %add3A_367 = vector.broadcast %add3A_366 : i32 to vector<16xi32>
      %add3A_368 = arith.addi %add3A_364, %add3A_367 : vector<16xi32>
      %eq3A_369 = arith.cmpi eq, %gather3A_365, %add3A_368 : vector<16xi32>
      %and3A_370 = arith.andi %and3A_354, %eq3A_369 : vector<16xi1>
      %convert_element_type3A_371 = arith.extui %and3A_370 : vector<16xi1> to vector<16xi32>
      %broadcast_in_dim3A_372 = arith.constant true
      %broadcast_in_dim3A_373 = vector.broadcast %broadcast_in_dim3A_372 : i1 to vector<16xi1>
      %masked_cumsum3A_374 = tpu.scan <sum>, %convert_element_type3A_371 masked %broadcast_in_dim3A_373 : vector<16xi32>, vector<16xi1> -> vector<16xi32>
      %add3A_375 = vector.broadcast %add3A_341 : i32 to vector<16xi32>
      %add3A_376 = arith.addi %add3A_375, %masked_cumsum3A_374 : vector<16xi32>
      %sub3A_377 = arith.constant 1 : i32
      %sub3A_378 = vector.broadcast %sub3A_377 : i32 to vector<16xi32>
      %sub3A_379 = arith.subi %add3A_376, %sub3A_378 : vector<16xi32>
      %jit3A_380 = arith.constant 0 : i32
      %broadcast_in_dim3A_381 = vector.broadcast %jit3A_380 : i32 to vector<16xi32>
      %select_n3A_382 = arith.select %and3A_370, %sub3A_379, %broadcast_in_dim3A_381 : vector<16xi1>, vector<16xi32>
      tpu.vector_store_idx %arg8[%select_n3A_382], %add3A_364 masked %and3A_370 : memref<1024xi32, #tpu.memory_space<vmem>>[vector<16xi32>], vector<16xi32>, vector<16xi1>
      tpu.vector_store_idx %arg9[%select_n3A_382], %get3A_347 masked %and3A_370 : memref<1024xi32, #tpu.memory_space<vmem>>[vector<16xi32>], vector<16xi32>, vector<16xi1>
      %reduce_sum3A_383 = arith.constant true
      %reduce_sum3A_384 = vector.broadcast %reduce_sum3A_383 : i1 to vector<16xi1>
      %reduce_sum3A_385 = tpu.scan <sum>, %convert_element_type3A_371 masked %reduce_sum3A_384 : vector<16xi32>, vector<16xi1> -> vector<16xi32>
      %reduce_sum3A_386 = vector.extract %reduce_sum3A_385[15] : i32 from vector<16xi32>
      %add3A_387 = arith.addi %add3A_341, %reduce_sum3A_386 : i32
      %scan3A_388 = arith.constant 2 : i32
      %scan3A_389 = arith.addi %scan3A_308, %scan3A_388 : i32
      %mul3A_390 = arith.constant 16 : i32
      %mul3A_391 = arith.muli %scan3A_389, %mul3A_390 : i32
      %get3A_392 = arith.index_cast %mul3A_391 : i32 to index
      %get3A_393 = tpu.vector_load %arg6[%get3A_392] {strides = array<i32>} : memref<16384xi32, #tpu.memory_space<vmem>>, vector<16xi32>,
      %ge3A_394 = vector.broadcast %mul3A_2 : i32 to vector<16xi32>
      %ge3A_395 = arith.cmpi sge, %get3A_393, %ge3A_394 : vector<16xi32>
      %add3A_396 = arith.constant 31250 : i32
      %add3A_397 = arith.addi %mul3A_2, %add3A_396 : i32
      %lt3A_398 = vector.broadcast %add3A_397 : i32 to vector<16xi32>
      %lt3A_399 = arith.cmpi slt, %get3A_393, %lt3A_398 : vector<16xi32>
      %and3A_400 = arith.andi %ge3A_395, %lt3A_399 : vector<16xi1>
      %sub3A_401 = vector.broadcast %mul3A_2 : i32 to vector<16xi32>
      %sub3A_402 = arith.subi %get3A_393, %sub3A_401 : vector<16xi32>
      %jit3A_403 = arith.constant 0 : i32
      %broadcast_in_dim3A_404 = vector.broadcast %jit3A_403 : i32 to vector<16xi32>
      %select_n3A_405 = arith.select %and3A_400, %sub3A_402, %broadcast_in_dim3A_404 : vector<16xi1>, vector<16xi32>
      %iota3A_406 = tpu.iota {dimensions = array<i32: 0>} : vector<16xi32>
      %mul3A_407 = arith.constant 16 : i32
      %mul3A_408 = arith.muli %scan3A_389, %mul3A_407 : i32
      %add3A_409 = vector.broadcast %mul3A_408 : i32 to vector<16xi32>
      %add3A_410 = arith.addi %iota3A_406, %add3A_409 : vector<16xi32>
      %gather3A_411 = tpu.vector_load_idx %arg7[%select_n3A_405] : memref<31264xi32, #tpu.memory_space<vmem>>[vector<16xi32>], vector<16xi32>,
      %add3A_412 = arith.constant 1 : i32
      %add3A_413 = vector.broadcast %add3A_412 : i32 to vector<16xi32>
      %add3A_414 = arith.addi %add3A_410, %add3A_413 : vector<16xi32>
      %eq3A_415 = arith.cmpi eq, %gather3A_411, %add3A_414 : vector<16xi32>
      %and3A_416 = arith.andi %and3A_400, %eq3A_415 : vector<16xi1>
      %convert_element_type3A_417 = arith.extui %and3A_416 : vector<16xi1> to vector<16xi32>
      %broadcast_in_dim3A_418 = arith.constant true
      %broadcast_in_dim3A_419 = vector.broadcast %broadcast_in_dim3A_418 : i1 to vector<16xi1>
      %masked_cumsum3A_420 = tpu.scan <sum>, %convert_element_type3A_417 masked %broadcast_in_dim3A_419 : vector<16xi32>, vector<16xi1> -> vector<16xi32>
      %add3A_421 = vector.broadcast %add3A_387 : i32 to vector<16xi32>
      %add3A_422 = arith.addi %add3A_421, %masked_cumsum3A_420 : vector<16xi32>
      %sub3A_423 = arith.constant 1 : i32
      %sub3A_424 = vector.broadcast %sub3A_423 : i32 to vector<16xi32>
      %sub3A_425 = arith.subi %add3A_422, %sub3A_424 : vector<16xi32>
      %jit3A_426 = arith.constant 0 : i32
      %broadcast_in_dim3A_427 = vector.broadcast %jit3A_426 : i32 to vector<16xi32>
      %select_n3A_428 = arith.select %and3A_416, %sub3A_425, %broadcast_in_dim3A_427 : vector<16xi1>, vector<16xi32>
      tpu.vector_store_idx %arg8[%select_n3A_428], %add3A_410 masked %and3A_416 : memref<1024xi32, #tpu.memory_space<vmem>>[vector<16xi32>], vector<16xi32>, vector<16xi1>
      tpu.vector_store_idx %arg9[%select_n3A_428], %get3A_393 masked %and3A_416 : memref<1024xi32, #tpu.memory_space<vmem>>[vector<16xi32>], vector<16xi32>, vector<16xi1>
      %reduce_sum3A_429 = arith.constant true
      %reduce_sum3A_430 = vector.broadcast %reduce_sum3A_429 : i1 to vector<16xi1>
      %reduce_sum3A_431 = tpu.scan <sum>, %convert_element_type3A_417 masked %reduce_sum3A_430 : vector<16xi32>, vector<16xi1> -> vector<16xi32>
      %reduce_sum3A_432 = vector.extract %reduce_sum3A_431[15] : i32 from vector<16xi32>
      %add3A_433 = arith.addi %add3A_387, %reduce_sum3A_432 : i32
      %scan3A_434 = arith.constant 3 : i32
      %scan3A_435 = arith.addi %scan3A_308, %scan3A_434 : i32
      %mul3A_436 = arith.constant 16 : i32
      %mul3A_437 = arith.muli %scan3A_435, %mul3A_436 : i32
      %get3A_438 = arith.index_cast %mul3A_437 : i32 to index
      %get3A_439 = tpu.vector_load %arg6[%get3A_438] {strides = array<i32>} : memref<16384xi32, #tpu.memory_space<vmem>>, vector<16xi32>,
      %ge3A_440 = vector.broadcast %mul3A_2 : i32 to vector<16xi32>
      %ge3A_441 = arith.cmpi sge, %get3A_439, %ge3A_440 : vector<16xi32>
      %add3A_442 = arith.constant 31250 : i32
      %add3A_443 = arith.addi %mul3A_2, %add3A_442 : i32
      %lt3A_444 = vector.broadcast %add3A_443 : i32 to vector<16xi32>
      %lt3A_445 = arith.cmpi slt, %get3A_439, %lt3A_444 : vector<16xi32>
      %and3A_446 = arith.andi %ge3A_441, %lt3A_445 : vector<16xi1>
      %sub3A_447 = vector.broadcast %mul3A_2 : i32 to vector<16xi32>
      %sub3A_448 = arith.subi %get3A_439, %sub3A_447 : vector<16xi32>
      %jit3A_449 = arith.constant 0 : i32
      %broadcast_in_dim3A_450 = vector.broadcast %jit3A_449 : i32 to vector<16xi32>
      %select_n3A_451 = arith.select %and3A_446, %sub3A_448, %broadcast_in_dim3A_450 : vector<16xi1>, vector<16xi32>
      %iota3A_452 = tpu.iota {dimensions = array<i32: 0>} : vector<16xi32>
      %mul3A_453 = arith.constant 16 : i32
      %mul3A_454 = arith.muli %scan3A_435, %mul3A_453 : i32
      %add3A_455 = vector.broadcast %mul3A_454 : i32 to vector<16xi32>
      %add3A_456 = arith.addi %iota3A_452, %add3A_455 : vector<16xi32>
      %gather3A_457 = tpu.vector_load_idx %arg7[%select_n3A_451] : memref<31264xi32, #tpu.memory_space<vmem>>[vector<16xi32>], vector<16xi32>,
      %add3A_458 = arith.constant 1 : i32
      %add3A_459 = vector.broadcast %add3A_458 : i32 to vector<16xi32>
      %add3A_460 = arith.addi %add3A_456, %add3A_459 : vector<16xi32>
      %eq3A_461 = arith.cmpi eq, %gather3A_457, %add3A_460 : vector<16xi32>
      %and3A_462 = arith.andi %and3A_446, %eq3A_461 : vector<16xi1>
      %convert_element_type3A_463 = arith.extui %and3A_462 : vector<16xi1> to vector<16xi32>
      %broadcast_in_dim3A_464 = arith.constant true
      %broadcast_in_dim3A_465 = vector.broadcast %broadcast_in_dim3A_464 : i1 to vector<16xi1>
      %masked_cumsum3A_466 = tpu.scan <sum>, %convert_element_type3A_463 masked %broadcast_in_dim3A_465 : vector<16xi32>, vector<16xi1> -> vector<16xi32>
      %add3A_467 = vector.broadcast %add3A_433 : i32 to vector<16xi32>
      %add3A_468 = arith.addi %add3A_467, %masked_cumsum3A_466 : vector<16xi32>
      %sub3A_469 = arith.constant 1 : i32
      %sub3A_470 = vector.broadcast %sub3A_469 : i32 to vector<16xi32>
      %sub3A_471 = arith.subi %add3A_468, %sub3A_470 : vector<16xi32>
      %jit3A_472 = arith.constant 0 : i32
      %broadcast_in_dim3A_473 = vector.broadcast %jit3A_472 : i32 to vector<16xi32>
      %select_n3A_474 = arith.select %and3A_462, %sub3A_471, %broadcast_in_dim3A_473 : vector<16xi1>, vector<16xi32>
      tpu.vector_store_idx %arg8[%select_n3A_474], %add3A_456 masked %and3A_462 : memref<1024xi32, #tpu.memory_space<vmem>>[vector<16xi32>], vector<16xi32>, vector<16xi1>
      tpu.vector_store_idx %arg9[%select_n3A_474], %get3A_439 masked %and3A_462 : memref<1024xi32, #tpu.memory_space<vmem>>[vector<16xi32>], vector<16xi32>, vector<16xi1>
      %reduce_sum3A_475 = arith.constant true
      %reduce_sum3A_476 = vector.broadcast %reduce_sum3A_475 : i1 to vector<16xi1>
      %reduce_sum3A_477 = tpu.scan <sum>, %convert_element_type3A_463 masked %reduce_sum3A_476 : vector<16xi32>, vector<16xi1> -> vector<16xi32>
      %reduce_sum3A_478 = vector.extract %reduce_sum3A_477[15] : i32 from vector<16xi32>
      %add3A_479 = arith.addi %add3A_433, %reduce_sum3A_478 : i32
      scf.yield %add3A_479 : i32
    }
    %scan3A_292 = arith.constant 1024 : i32
    %gather3A_293 = tpu.vector_load_idx %arg8[%broadcast_in_dim3A_3] : memref<1024xi32, #tpu.memory_space<vmem>>[vector<16xi32>], vector<16xi32>,
    %gather3A_294 = tpu.vector_load_idx %arg9[%broadcast_in_dim3A_3] : memref<1024xi32, #tpu.memory_space<vmem>>[vector<16xi32>], vector<16xi32>,
    %scan3A_295 = arith.constant 0 : i32
    %scan3A_296 = arith.constant 0 : i32
    %scan3A_297 = arith.constant 64 : i32
    %scan3A_298 = arith.addi %scan3A_296, %scan3A_297 : i32
    %scan3A_299 = arith.constant 8 : i32
    %scan3A_300 = scf.for %scan3A_308 = %scan3A_296 to %scan3A_298 step %scan3A_299 iter_args(%scan3A_309 = %scan3A_295) -> (i32)  : i32 {
      %iota3A = tpu.iota {dimensions = array<i32: 0>} : vector<16xi32>
      %mul3A_310 = arith.constant 16 : i32
      %mul3A_311 = arith.muli %scan3A_308, %mul3A_310 : i32
      %add3A_312 = vector.broadcast %mul3A_311 : i32 to vector<16xi32>
      %add3A_313 = arith.addi %iota3A, %add3A_312 : vector<16xi32>
      %ge3A = vector.broadcast %scan3A_291 : i32 to vector<16xi32>
      %ge3A_314 = arith.cmpi sge, %add3A_313, %ge3A : vector<16xi32>
      %mul3A_315 = arith.constant 16 : i32
      %mul3A_316 = arith.muli %scan3A_308, %mul3A_315 : i32
      %get3A = arith.index_cast %mul3A_316 : i32 to index
      %get3A_317 = tpu.vector_load %arg8[%get3A] {strides = array<i32>} : memref<1024xi32, #tpu.memory_space<vmem>>, vector<16xi32>,
      %mul3A_318 = arith.constant 16 : i32
      %mul3A_319 = arith.muli %scan3A_308, %mul3A_318 : i32
      %get3A_320 = arith.index_cast %mul3A_319 : i32 to index
      %get3A_321 = tpu.vector_load %arg9[%get3A_320] {strides = array<i32>} : memref<1024xi32, #tpu.memory_space<vmem>>, vector<16xi32>,
      %select_n3A = arith.select %ge3A_314, %gather3A_293, %get3A_317 : vector<16xi1>, vector<16xi32>
      %mul3A_322 = arith.constant 16 : i32
      %mul3A_323 = arith.muli %scan3A_308, %mul3A_322 : i32
      %swap3A_324 = arith.index_cast %mul3A_323 : i32 to index
      %swap3A_325 = tpu.vector_load %arg8[%swap3A_324] {strides = array<i32>} : memref<1024xi32, #tpu.memory_space<vmem>>, vector<16xi32>,
      tpu.vector_store %arg8[%swap3A_324], %select_n3A {strides = array<i32>} : memref<1024xi32, #tpu.memory_space<vmem>>, vector<16xi32>,
      %select_n3A_326 = arith.select %ge3A_314, %gather3A_294, %get3A_321 : vector<16xi1>, vector<16xi32>
      %mul3A_327 = arith.constant 16 : i32
      %mul3A_328 = arith.muli %scan3A_308, %mul3A_327 : i32
      %swap3A_329 = arith.index_cast %mul3A_328 : i32 to index
      %swap3A_330 = tpu.vector_load %arg9[%swap3A_329] {strides = array<i32>} : memref<1024xi32, #tpu.memory_space<vmem>>, vector<16xi32>,
      tpu.vector_store %arg9[%swap3A_329], %select_n3A_326 {strides = array<i32>} : memref<1024xi32, #tpu.memory_space<vmem>>, vector<16xi32>,
      %scan3A_331 = arith.constant 0 : i32
      %scan3A_332 = arith.constant 1 : i32
      %scan3A_333 = arith.addi %scan3A_308, %scan3A_332 : i32
      %iota3A_334 = tpu.iota {dimensions = array<i32: 0>} : vector<16xi32>
      %mul3A_335 = arith.constant 16 : i32
      %mul3A_336 = arith.muli %scan3A_333, %mul3A_335 : i32
      %add3A_337 = vector.broadcast %mul3A_336 : i32 to vector<16xi32>
      %add3A_338 = arith.addi %iota3A_334, %add3A_337 : vector<16xi32>
      %ge3A_339 = vector.broadcast %scan3A_291 : i32 to vector<16xi32>
      %ge3A_340 = arith.cmpi sge, %add3A_338, %ge3A_339 : vector<16xi32>
      %mul3A_341 = arith.constant 16 : i32
      %mul3A_342 = arith.muli %scan3A_333, %mul3A_341 : i32
      %get3A_343 = arith.index_cast %mul3A_342 : i32 to index
      %get3A_344 = tpu.vector_load %arg8[%get3A_343] {strides = array<i32>} : memref<1024xi32, #tpu.memory_space<vmem>>, vector<16xi32>,
      %mul3A_345 = arith.constant 16 : i32
      %mul3A_346 = arith.muli %scan3A_333, %mul3A_345 : i32
      %get3A_347 = arith.index_cast %mul3A_346 : i32 to index
      %get3A_348 = tpu.vector_load %arg9[%get3A_347] {strides = array<i32>} : memref<1024xi32, #tpu.memory_space<vmem>>, vector<16xi32>,
      %select_n3A_349 = arith.select %ge3A_340, %gather3A_293, %get3A_344 : vector<16xi1>, vector<16xi32>
      %mul3A_350 = arith.constant 16 : i32
      %mul3A_351 = arith.muli %scan3A_333, %mul3A_350 : i32
      %swap3A_352 = arith.index_cast %mul3A_351 : i32 to index
      %swap3A_353 = tpu.vector_load %arg8[%swap3A_352] {strides = array<i32>} : memref<1024xi32, #tpu.memory_space<vmem>>, vector<16xi32>,
      tpu.vector_store %arg8[%swap3A_352], %select_n3A_349 {strides = array<i32>} : memref<1024xi32, #tpu.memory_space<vmem>>, vector<16xi32>,
      %select_n3A_354 = arith.select %ge3A_340, %gather3A_294, %get3A_348 : vector<16xi1>, vector<16xi32>
      %mul3A_355 = arith.constant 16 : i32
      %mul3A_356 = arith.muli %scan3A_333, %mul3A_355 : i32
      %swap3A_357 = arith.index_cast %mul3A_356 : i32 to index
      %swap3A_358 = tpu.vector_load %arg9[%swap3A_357] {strides = array<i32>} : memref<1024xi32, #tpu.memory_space<vmem>>, vector<16xi32>,
      tpu.vector_store %arg9[%swap3A_357], %select_n3A_354 {strides = array<i32>} : memref<1024xi32, #tpu.memory_space<vmem>>, vector<16xi32>,
      %scan3A_359 = arith.constant 0 : i32
      %scan3A_360 = arith.constant 2 : i32
      %scan3A_361 = arith.addi %scan3A_308, %scan3A_360 : i32
      %iota3A_362 = tpu.iota {dimensions = array<i32: 0>} : vector<16xi32>
      %mul3A_363 = arith.constant 16 : i32
      %mul3A_364 = arith.muli %scan3A_361, %mul3A_363 : i32
      %add3A_365 = vector.broadcast %mul3A_364 : i32 to vector<16xi32>
      %add3A_366 = arith.addi %iota3A_362, %add3A_365 : vector<16xi32>
      %ge3A_367 = vector.broadcast %scan3A_291 : i32 to vector<16xi32>
      %ge3A_368 = arith.cmpi sge, %add3A_366, %ge3A_367 : vector<16xi32>
      %mul3A_369 = arith.constant 16 : i32
      %mul3A_370 = arith.muli %scan3A_361, %mul3A_369 : i32
      %get3A_371 = arith.index_cast %mul3A_370 : i32 to index
      %get3A_372 = tpu.vector_load %arg8[%get3A_371] {strides = array<i32>} : memref<1024xi32, #tpu.memory_space<vmem>>, vector<16xi32>,
      %mul3A_373 = arith.constant 16 : i32
      %mul3A_374 = arith.muli %scan3A_361, %mul3A_373 : i32
      %get3A_375 = arith.index_cast %mul3A_374 : i32 to index
      %get3A_376 = tpu.vector_load %arg9[%get3A_375] {strides = array<i32>} : memref<1024xi32, #tpu.memory_space<vmem>>, vector<16xi32>,
      %select_n3A_377 = arith.select %ge3A_368, %gather3A_293, %get3A_372 : vector<16xi1>, vector<16xi32>
      %mul3A_378 = arith.constant 16 : i32
      %mul3A_379 = arith.muli %scan3A_361, %mul3A_378 : i32
      %swap3A_380 = arith.index_cast %mul3A_379 : i32 to index
      %swap3A_381 = tpu.vector_load %arg8[%swap3A_380] {strides = array<i32>} : memref<1024xi32, #tpu.memory_space<vmem>>, vector<16xi32>,
      tpu.vector_store %arg8[%swap3A_380], %select_n3A_377 {strides = array<i32>} : memref<1024xi32, #tpu.memory_space<vmem>>, vector<16xi32>,
      %select_n3A_382 = arith.select %ge3A_368, %gather3A_294, %get3A_376 : vector<16xi1>, vector<16xi32>
      %mul3A_383 = arith.constant 16 : i32
      %mul3A_384 = arith.muli %scan3A_361, %mul3A_383 : i32
      %swap3A_385 = arith.index_cast %mul3A_384 : i32 to index
      %swap3A_386 = tpu.vector_load %arg9[%swap3A_385] {strides = array<i32>} : memref<1024xi32, #tpu.memory_space<vmem>>, vector<16xi32>,
      tpu.vector_store %arg9[%swap3A_385], %select_n3A_382 {strides = array<i32>} : memref<1024xi32, #tpu.memory_space<vmem>>, vector<16xi32>,
      %scan3A_387 = arith.constant 0 : i32
      %scan3A_388 = arith.constant 3 : i32
      %scan3A_389 = arith.addi %scan3A_308, %scan3A_388 : i32
      %iota3A_390 = tpu.iota {dimensions = array<i32: 0>} : vector<16xi32>
      %mul3A_391 = arith.constant 16 : i32
      %mul3A_392 = arith.muli %scan3A_389, %mul3A_391 : i32
      %add3A_393 = vector.broadcast %mul3A_392 : i32 to vector<16xi32>
      %add3A_394 = arith.addi %iota3A_390, %add3A_393 : vector<16xi32>
      %ge3A_395 = vector.broadcast %scan3A_291 : i32 to vector<16xi32>
      %ge3A_396 = arith.cmpi sge, %add3A_394, %ge3A_395 : vector<16xi32>
      %mul3A_397 = arith.constant 16 : i32
      %mul3A_398 = arith.muli %scan3A_389, %mul3A_397 : i32
      %get3A_399 = arith.index_cast %mul3A_398 : i32 to index
      %get3A_400 = tpu.vector_load %arg8[%get3A_399] {strides = array<i32>} : memref<1024xi32, #tpu.memory_space<vmem>>, vector<16xi32>,
      %mul3A_401 = arith.constant 16 : i32
      %mul3A_402 = arith.muli %scan3A_389, %mul3A_401 : i32
      %get3A_403 = arith.index_cast %mul3A_402 : i32 to index
      %get3A_404 = tpu.vector_load %arg9[%get3A_403] {strides = array<i32>} : memref<1024xi32, #tpu.memory_space<vmem>>, vector<16xi32>,
      %select_n3A_405 = arith.select %ge3A_396, %gather3A_293, %get3A_400 : vector<16xi1>, vector<16xi32>
      %mul3A_406 = arith.constant 16 : i32
      %mul3A_407 = arith.muli %scan3A_389, %mul3A_406 : i32
      %swap3A_408 = arith.index_cast %mul3A_407 : i32 to index
      %swap3A_409 = tpu.vector_load %arg8[%swap3A_408] {strides = array<i32>} : memref<1024xi32, #tpu.memory_space<vmem>>, vector<16xi32>,
      tpu.vector_store %arg8[%swap3A_408], %select_n3A_405 {strides = array<i32>} : memref<1024xi32, #tpu.memory_space<vmem>>, vector<16xi32>,
      %select_n3A_410 = arith.select %ge3A_396, %gather3A_294, %get3A_404 : vector<16xi1>, vector<16xi32>
      %mul3A_411 = arith.constant 16 : i32
      %mul3A_412 = arith.muli %scan3A_389, %mul3A_411 : i32
      %swap3A_413 = arith.index_cast %mul3A_412 : i32 to index
      %swap3A_414 = tpu.vector_load %arg9[%swap3A_413] {strides = array<i32>} : memref<1024xi32, #tpu.memory_space<vmem>>, vector<16xi32>,
      tpu.vector_store %arg9[%swap3A_413], %select_n3A_410 {strides = array<i32>} : memref<1024xi32, #tpu.memory_space<vmem>>, vector<16xi32>,
      %scan3A_415 = arith.constant 0 : i32
      %scan3A_416 = arith.constant 4 : i32
      %scan3A_417 = arith.addi %scan3A_308, %scan3A_416 : i32
      %iota3A_418 = tpu.iota {dimensions = array<i32: 0>} : vector<16xi32>
      %mul3A_419 = arith.constant 16 : i32
      %mul3A_420 = arith.muli %scan3A_417, %mul3A_419 : i32
      %add3A_421 = vector.broadcast %mul3A_420 : i32 to vector<16xi32>
      %add3A_422 = arith.addi %iota3A_418, %add3A_421 : vector<16xi32>
      %ge3A_423 = vector.broadcast %scan3A_291 : i32 to vector<16xi32>
      %ge3A_424 = arith.cmpi sge, %add3A_422, %ge3A_423 : vector<16xi32>
      %mul3A_425 = arith.constant 16 : i32
      %mul3A_426 = arith.muli %scan3A_417, %mul3A_425 : i32
      %get3A_427 = arith.index_cast %mul3A_426 : i32 to index
      %get3A_428 = tpu.vector_load %arg8[%get3A_427] {strides = array<i32>} : memref<1024xi32, #tpu.memory_space<vmem>>, vector<16xi32>,
      %mul3A_429 = arith.constant 16 : i32
      %mul3A_430 = arith.muli %scan3A_417, %mul3A_429 : i32
      %get3A_431 = arith.index_cast %mul3A_430 : i32 to index
      %get3A_432 = tpu.vector_load %arg9[%get3A_431] {strides = array<i32>} : memref<1024xi32, #tpu.memory_space<vmem>>, vector<16xi32>,
      %select_n3A_433 = arith.select %ge3A_424, %gather3A_293, %get3A_428 : vector<16xi1>, vector<16xi32>
      %mul3A_434 = arith.constant 16 : i32
      %mul3A_435 = arith.muli %scan3A_417, %mul3A_434 : i32
      %swap3A_436 = arith.index_cast %mul3A_435 : i32 to index
      %swap3A_437 = tpu.vector_load %arg8[%swap3A_436] {strides = array<i32>} : memref<1024xi32, #tpu.memory_space<vmem>>, vector<16xi32>,
      tpu.vector_store %arg8[%swap3A_436], %select_n3A_433 {strides = array<i32>} : memref<1024xi32, #tpu.memory_space<vmem>>, vector<16xi32>,
      %select_n3A_438 = arith.select %ge3A_424, %gather3A_294, %get3A_432 : vector<16xi1>, vector<16xi32>
      %mul3A_439 = arith.constant 16 : i32
      %mul3A_440 = arith.muli %scan3A_417, %mul3A_439 : i32
      %swap3A_441 = arith.index_cast %mul3A_440 : i32 to index
      %swap3A_442 = tpu.vector_load %arg9[%swap3A_441] {strides = array<i32>} : memref<1024xi32, #tpu.memory_space<vmem>>, vector<16xi32>,
      tpu.vector_store %arg9[%swap3A_441], %select_n3A_438 {strides = array<i32>} : memref<1024xi32, #tpu.memory_space<vmem>>, vector<16xi32>,
      %scan3A_443 = arith.constant 0 : i32
      %scan3A_444 = arith.constant 5 : i32
      %scan3A_445 = arith.addi %scan3A_308, %scan3A_444 : i32
      %iota3A_446 = tpu.iota {dimensions = array<i32: 0>} : vector<16xi32>
      %mul3A_447 = arith.constant 16 : i32
      %mul3A_448 = arith.muli %scan3A_445, %mul3A_447 : i32
      %add3A_449 = vector.broadcast %mul3A_448 : i32 to vector<16xi32>
      %add3A_450 = arith.addi %iota3A_446, %add3A_449 : vector<16xi32>
      %ge3A_451 = vector.broadcast %scan3A_291 : i32 to vector<16xi32>
      %ge3A_452 = arith.cmpi sge, %add3A_450, %ge3A_451 : vector<16xi32>
      %mul3A_453 = arith.constant 16 : i32
      %mul3A_454 = arith.muli %scan3A_445, %mul3A_453 : i32
      %get3A_455 = arith.index_cast %mul3A_454 : i32 to index
      %get3A_456 = tpu.vector_load %arg8[%get3A_455] {strides = array<i32>} : memref<1024xi32, #tpu.memory_space<vmem>>, vector<16xi32>,
      %mul3A_457 = arith.constant 16 : i32
      %mul3A_458 = arith.muli %scan3A_445, %mul3A_457 : i32
      %get3A_459 = arith.index_cast %mul3A_458 : i32 to index
      %get3A_460 = tpu.vector_load %arg9[%get3A_459] {strides = array<i32>} : memref<1024xi32, #tpu.memory_space<vmem>>, vector<16xi32>,
      %select_n3A_461 = arith.select %ge3A_452, %gather3A_293, %get3A_456 : vector<16xi1>, vector<16xi32>
      %mul3A_462 = arith.constant 16 : i32
      %mul3A_463 = arith.muli %scan3A_445, %mul3A_462 : i32
      %swap3A_464 = arith.index_cast %mul3A_463 : i32 to index
      %swap3A_465 = tpu.vector_load %arg8[%swap3A_464] {strides = array<i32>} : memref<1024xi32, #tpu.memory_space<vmem>>, vector<16xi32>,
      tpu.vector_store %arg8[%swap3A_464], %select_n3A_461 {strides = array<i32>} : memref<1024xi32, #tpu.memory_space<vmem>>, vector<16xi32>,
      %select_n3A_466 = arith.select %ge3A_452, %gather3A_294, %get3A_460 : vector<16xi1>, vector<16xi32>
      %mul3A_467 = arith.constant 16 : i32
      %mul3A_468 = arith.muli %scan3A_445, %mul3A_467 : i32
      %swap3A_469 = arith.index_cast %mul3A_468 : i32 to index
      %swap3A_470 = tpu.vector_load %arg9[%swap3A_469] {strides = array<i32>} : memref<1024xi32, #tpu.memory_space<vmem>>, vector<16xi32>,
      tpu.vector_store %arg9[%swap3A_469], %select_n3A_466 {strides = array<i32>} : memref<1024xi32, #tpu.memory_space<vmem>>, vector<16xi32>,
      %scan3A_471 = arith.constant 0 : i32
      %scan3A_472 = arith.constant 6 : i32
      %scan3A_473 = arith.addi %scan3A_308, %scan3A_472 : i32
      %iota3A_474 = tpu.iota {dimensions = array<i32: 0>} : vector<16xi32>
      %mul3A_475 = arith.constant 16 : i32
      %mul3A_476 = arith.muli %scan3A_473, %mul3A_475 : i32
      %add3A_477 = vector.broadcast %mul3A_476 : i32 to vector<16xi32>
      %add3A_478 = arith.addi %iota3A_474, %add3A_477 : vector<16xi32>
      %ge3A_479 = vector.broadcast %scan3A_291 : i32 to vector<16xi32>
      %ge3A_480 = arith.cmpi sge, %add3A_478, %ge3A_479 : vector<16xi32>
      %mul3A_481 = arith.constant 16 : i32
      %mul3A_482 = arith.muli %scan3A_473, %mul3A_481 : i32
      %get3A_483 = arith.index_cast %mul3A_482 : i32 to index
      %get3A_484 = tpu.vector_load %arg8[%get3A_483] {strides = array<i32>} : memref<1024xi32, #tpu.memory_space<vmem>>, vector<16xi32>,
      %mul3A_485 = arith.constant 16 : i32
      %mul3A_486 = arith.muli %scan3A_473, %mul3A_485 : i32
      %get3A_487 = arith.index_cast %mul3A_486 : i32 to index
      %get3A_488 = tpu.vector_load %arg9[%get3A_487] {strides = array<i32>} : memref<1024xi32, #tpu.memory_space<vmem>>, vector<16xi32>,
      %select_n3A_489 = arith.select %ge3A_480, %gather3A_293, %get3A_484 : vector<16xi1>, vector<16xi32>
      %mul3A_490 = arith.constant 16 : i32
      %mul3A_491 = arith.muli %scan3A_473, %mul3A_490 : i32
      %swap3A_492 = arith.index_cast %mul3A_491 : i32 to index
      %swap3A_493 = tpu.vector_load %arg8[%swap3A_492] {strides = array<i32>} : memref<1024xi32, #tpu.memory_space<vmem>>, vector<16xi32>,
      tpu.vector_store %arg8[%swap3A_492], %select_n3A_489 {strides = array<i32>} : memref<1024xi32, #tpu.memory_space<vmem>>, vector<16xi32>,
      %select_n3A_494 = arith.select %ge3A_480, %gather3A_294, %get3A_488 : vector<16xi1>, vector<16xi32>
      %mul3A_495 = arith.constant 16 : i32
      %mul3A_496 = arith.muli %scan3A_473, %mul3A_495 : i32
      %swap3A_497 = arith.index_cast %mul3A_496 : i32 to index
      %swap3A_498 = tpu.vector_load %arg9[%swap3A_497] {strides = array<i32>} : memref<1024xi32, #tpu.memory_space<vmem>>, vector<16xi32>,
      tpu.vector_store %arg9[%swap3A_497], %select_n3A_494 {strides = array<i32>} : memref<1024xi32, #tpu.memory_space<vmem>>, vector<16xi32>,
      %scan3A_499 = arith.constant 0 : i32
      %scan3A_500 = arith.constant 7 : i32
      %scan3A_501 = arith.addi %scan3A_308, %scan3A_500 : i32
      %iota3A_502 = tpu.iota {dimensions = array<i32: 0>} : vector<16xi32>
      %mul3A_503 = arith.constant 16 : i32
      %mul3A_504 = arith.muli %scan3A_501, %mul3A_503 : i32
      %add3A_505 = vector.broadcast %mul3A_504 : i32 to vector<16xi32>
      %add3A_506 = arith.addi %iota3A_502, %add3A_505 : vector<16xi32>
      %ge3A_507 = vector.broadcast %scan3A_291 : i32 to vector<16xi32>
      %ge3A_508 = arith.cmpi sge, %add3A_506, %ge3A_507 : vector<16xi32>
      %mul3A_509 = arith.constant 16 : i32
      %mul3A_510 = arith.muli %scan3A_501, %mul3A_509 : i32
      %get3A_511 = arith.index_cast %mul3A_510 : i32 to index
      %get3A_512 = tpu.vector_load %arg8[%get3A_511] {strides = array<i32>} : memref<1024xi32, #tpu.memory_space<vmem>>, vector<16xi32>,
      %mul3A_513 = arith.constant 16 : i32
      %mul3A_514 = arith.muli %scan3A_501, %mul3A_513 : i32
      %get3A_515 = arith.index_cast %mul3A_514 : i32 to index
      %get3A_516 = tpu.vector_load %arg9[%get3A_515] {strides = array<i32>} : memref<1024xi32, #tpu.memory_space<vmem>>, vector<16xi32>,
      %select_n3A_517 = arith.select %ge3A_508, %gather3A_293, %get3A_512 : vector<16xi1>, vector<16xi32>
      %mul3A_518 = arith.constant 16 : i32
      %mul3A_519 = arith.muli %scan3A_501, %mul3A_518 : i32
      %swap3A_520 = arith.index_cast %mul3A_519 : i32 to index
      %swap3A_521 = tpu.vector_load %arg8[%swap3A_520] {strides = array<i32>} : memref<1024xi32, #tpu.memory_space<vmem>>, vector<16xi32>,
      tpu.vector_store %arg8[%swap3A_520], %select_n3A_517 {strides = array<i32>} : memref<1024xi32, #tpu.memory_space<vmem>>, vector<16xi32>,
      %select_n3A_522 = arith.select %ge3A_508, %gather3A_294, %get3A_516 : vector<16xi1>, vector<16xi32>
      %mul3A_523 = arith.constant 16 : i32
      %mul3A_524 = arith.muli %scan3A_501, %mul3A_523 : i32
      %swap3A_525 = arith.index_cast %mul3A_524 : i32 to index
      %swap3A_526 = tpu.vector_load %arg9[%swap3A_525] {strides = array<i32>} : memref<1024xi32, #tpu.memory_space<vmem>>, vector<16xi32>,
      tpu.vector_store %arg9[%swap3A_525], %select_n3A_522 {strides = array<i32>} : memref<1024xi32, #tpu.memory_space<vmem>>, vector<16xi32>,
      %scan3A_527 = arith.constant 0 : i32
      scf.yield %scan3A_527 : i32
    }
    %scan3A_301 = arith.constant 64 : i32
    %broadcast_in_dim3A_302 = arith.constant 0 : i32
    %broadcast_in_dim3A_303 = vector.broadcast %broadcast_in_dim3A_302 : i32 to vector<16xi32>
    %add3A_304 = vector.broadcast %scan3A_291 : i32 to vector<16xi32>
    %add3A_305 = arith.addi %broadcast_in_dim3A_303, %add3A_304 : vector<16xi32>
    %swap3A_306 = arith.constant 0 : index
    %swap3A_307 = tpu.vector_load %arg10[%swap3A_306] {strides = array<i32>} : memref<16xi32, #tpu.memory_space<vmem>>, vector<16xi32>,
    tpu.vector_store %arg10[%swap3A_306], %add3A_305 {strides = array<i32>} : memref<16xi32, #tpu.memory_space<vmem>>, vector<16xi32>,
    "tpu.region"() ({
      %run_scoped3A = tpu.sem_alloc : memref<!tpu.dma_semaphore, #tpu.memory_space<semaphore_mem>>
      %dma_start3A = arith.constant 0 : i32
      %dma_start3A_308 = tpu.memref_slice %arg3[%add3A, %dma_start3A] : memref<32x1024xi32, #tpu.memory_space<hbm>> -> memref<1x1024xi32, #tpu.memory_space<hbm>>
      %dma_start3A_309 = tpu.memref_squeeze %dma_start3A_308 : memref<1x1024xi32, #tpu.memory_space<hbm>> -> memref<1024xi32, #tpu.memory_space<hbm>>
      %dma_start3A_310 = arith.constant 0 : i32
      %dma_start3A_311 = tpu.memref_slice %arg3[%add3A, %dma_start3A_310] : memref<32x1024xi32, #tpu.memory_space<hbm>> -> memref<1x1024xi32, #tpu.memory_space<hbm>>
      %dma_start3A_312 = tpu.memref_squeeze %dma_start3A_311 : memref<1x1024xi32, #tpu.memory_space<hbm>> -> memref<1024xi32, #tpu.memory_space<hbm>>
      tpu.enqueue_dma source(%arg8 : memref<1024xi32, #tpu.memory_space<vmem>>) target(%dma_start3A_312 : memref<1024xi32, #tpu.memory_space<hbm>>) target_semaphore(%run_scoped3A : memref<!tpu.dma_semaphore, #tpu.memory_space<semaphore_mem>>)
      %dma_wait3A = arith.constant 0 : i32
      %dma_wait3A_313 = tpu.memref_slice %arg3[%add3A, %dma_wait3A] : memref<32x1024xi32, #tpu.memory_space<hbm>> -> memref<1x1024xi32, #tpu.memory_space<hbm>>
      %dma_wait3A_314 = tpu.memref_squeeze %dma_wait3A_313 : memref<1x1024xi32, #tpu.memory_space<hbm>> -> memref<1024xi32, #tpu.memory_space<hbm>>
      %dma_wait3A_315 = arith.constant 0 : i32
      %dma_wait3A_316 = tpu.memref_slice %arg3[%add3A, %dma_wait3A_315] : memref<32x1024xi32, #tpu.memory_space<hbm>> -> memref<1x1024xi32, #tpu.memory_space<hbm>>
      %dma_wait3A_317 = tpu.memref_squeeze %dma_wait3A_316 : memref<1x1024xi32, #tpu.memory_space<hbm>> -> memref<1024xi32, #tpu.memory_space<hbm>>
      tpu.wait_dma2 semaphore(%run_scoped3A : memref<!tpu.dma_semaphore, #tpu.memory_space<semaphore_mem>>) src(%arg8 : memref<1024xi32, #tpu.memory_space<vmem>>) dst(%dma_wait3A_317 : memref<1024xi32, #tpu.memory_space<hbm>>)
      tpu.yield
    }) : () -> ()
    "tpu.region"() ({
      %run_scoped3A = tpu.sem_alloc : memref<!tpu.dma_semaphore, #tpu.memory_space<semaphore_mem>>
      %dma_start3A = arith.constant 0 : i32
      %dma_start3A_308 = tpu.memref_slice %arg4[%add3A, %dma_start3A] : memref<32x1024xi32, #tpu.memory_space<hbm>> -> memref<1x1024xi32, #tpu.memory_space<hbm>>
      %dma_start3A_309 = tpu.memref_squeeze %dma_start3A_308 : memref<1x1024xi32, #tpu.memory_space<hbm>> -> memref<1024xi32, #tpu.memory_space<hbm>>
      %dma_start3A_310 = arith.constant 0 : i32
      %dma_start3A_311 = tpu.memref_slice %arg4[%add3A, %dma_start3A_310] : memref<32x1024xi32, #tpu.memory_space<hbm>> -> memref<1x1024xi32, #tpu.memory_space<hbm>>
      %dma_start3A_312 = tpu.memref_squeeze %dma_start3A_311 : memref<1x1024xi32, #tpu.memory_space<hbm>> -> memref<1024xi32, #tpu.memory_space<hbm>>
      tpu.enqueue_dma source(%arg9 : memref<1024xi32, #tpu.memory_space<vmem>>) target(%dma_start3A_312 : memref<1024xi32, #tpu.memory_space<hbm>>) target_semaphore(%run_scoped3A : memref<!tpu.dma_semaphore, #tpu.memory_space<semaphore_mem>>)
      %dma_wait3A = arith.constant 0 : i32
      %dma_wait3A_313 = tpu.memref_slice %arg4[%add3A, %dma_wait3A] : memref<32x1024xi32, #tpu.memory_space<hbm>> -> memref<1x1024xi32, #tpu.memory_space<hbm>>
      %dma_wait3A_314 = tpu.memref_squeeze %dma_wait3A_313 : memref<1x1024xi32, #tpu.memory_space<hbm>> -> memref<1024xi32, #tpu.memory_space<hbm>>
      %dma_wait3A_315 = arith.constant 0 : i32
      %dma_wait3A_316 = tpu.memref_slice %arg4[%add3A, %dma_wait3A_315] : memref<32x1024xi32, #tpu.memory_space<hbm>> -> memref<1x1024xi32, #tpu.memory_space<hbm>>
      %dma_wait3A_317 = tpu.memref_squeeze %dma_wait3A_316 : memref<1x1024xi32, #tpu.memory_space<hbm>> -> memref<1024xi32, #tpu.memory_space<hbm>>
      tpu.wait_dma2 semaphore(%run_scoped3A : memref<!tpu.dma_semaphore, #tpu.memory_space<semaphore_mem>>) src(%arg9 : memref<1024xi32, #tpu.memory_space<vmem>>) dst(%dma_wait3A_317 : memref<1024xi32, #tpu.memory_space<hbm>>)
      tpu.yield
    }) : () -> ()
    "tpu.region"() ({
      %run_scoped3A = tpu.sem_alloc : memref<!tpu.dma_semaphore, #tpu.memory_space<semaphore_mem>>
      %dma_start3A = arith.constant 0 : i32
      %dma_start3A_308 = tpu.memref_slice %arg5[%add3A, %dma_start3A] : memref<32x16xi32, #tpu.memory_space<hbm>> -> memref<1x16xi32, #tpu.memory_space<hbm>>
      %dma_start3A_309 = tpu.memref_squeeze %dma_start3A_308 : memref<1x16xi32, #tpu.memory_space<hbm>> -> memref<16xi32, #tpu.memory_space<hbm>>
      %dma_start3A_310 = arith.constant 0 : i32
      %dma_start3A_311 = tpu.memref_slice %arg5[%add3A, %dma_start3A_310] : memref<32x16xi32, #tpu.memory_space<hbm>> -> memref<1x16xi32, #tpu.memory_space<hbm>>
      %dma_start3A_312 = tpu.memref_squeeze %dma_start3A_311 : memref<1x16xi32, #tpu.memory_space<hbm>> -> memref<16xi32, #tpu.memory_space<hbm>>
      tpu.enqueue_dma source(%arg10 : memref<16xi32, #tpu.memory_space<vmem>>) target(%dma_start3A_312 : memref<16xi32, #tpu.memory_space<hbm>>) target_semaphore(%run_scoped3A : memref<!tpu.dma_semaphore, #tpu.memory_space<semaphore_mem>>)
      %dma_wait3A = arith.constant 0 : i32
      %dma_wait3A_313 = tpu.memref_slice %arg5[%add3A, %dma_wait3A] : memref<32x16xi32, #tpu.memory_space<hbm>> -> memref<1x16xi32, #tpu.memory_space<hbm>>
      %dma_wait3A_314 = tpu.memref_squeeze %dma_wait3A_313 : memref<1x16xi32, #tpu.memory_space<hbm>> -> memref<16xi32, #tpu.memory_space<hbm>>
      %dma_wait3A_315 = arith.constant 0 : i32
      %dma_wait3A_316 = tpu.memref_slice %arg5[%add3A, %dma_wait3A_315] : memref<32x16xi32, #tpu.memory_space<hbm>> -> memref<1x16xi32, #tpu.memory_space<hbm>>
      %dma_wait3A_317 = tpu.memref_squeeze %dma_wait3A_316 : memref<1x16xi32, #tpu.memory_space<hbm>> -> memref<16xi32, #tpu.memory_space<hbm>>
      tpu.wait_dma2 semaphore(%run_scoped3A : memref<!tpu.dma_semaphore, #tpu.memory_space<semaphore_mem>>) src(%arg10 : memref<16xi32, #tpu.memory_space<vmem>>) dst(%dma_wait3A_317 : memref<16xi32, #tpu.memory_space<hbm>>)
      tpu.yield
    }) : () -> ()
    return
  }
}

#map = affine_map<(d0, d1) -> (0, 0)>
module attributes {stable_mosaic.version = 14 : i64} {
  func.func @new_body(%arg0: i32, %arg1: i32, %arg2: memref<8000000x16xf32, #tpu.memory_space<hbm>>, %arg3: memref<65536x16xf32, #tpu.memory_space<hbm>>, %arg4: memref<32x1024xi32, #tpu.memory_space<hbm>>, %arg5: memref<32x1024xi32, #tpu.memory_space<hbm>>, %arg6: memref<32x16xi32, #tpu.memory_space<hbm>>, %arg7: memref<8000000x16xf32, #tpu.memory_space<hbm>>, %arg8: memref<1024xi32, #tpu.memory_space<vmem>>, %arg9: memref<1024xi32, #tpu.memory_space<vmem>>, %arg10: memref<16xi32, #tpu.memory_space<vmem>>, %arg11: memref<4096xi32, #tpu.memory_space<vmem>>, %arg12: memref<32x128xi32, #tpu.memory_space<vmem>>, %arg13: memref<4096x16xf32, #tpu.memory_space<vmem>>, %arg14: memref<!tpu.dma_semaphore, #tpu.memory_space<semaphore_mem>>, %arg15: memref<!tpu.dma_semaphore, #tpu.memory_space<semaphore_mem>>) attributes {dimension_semantics = [#tpu.dimension_semantics<core_parallel>, #tpu.dimension_semantics<subcore_parallel>], iteration_bounds = array<i64: 2, 16>, scalar_prefetch = 0 : i64, scratch_operands = 8 : i64, tpu.core_type = #tpu.core_type<sc_vector_subcore>, window_params = [{transform_indices = #map}, {transform_indices = #map}, {transform_indices = #map}, {transform_indices = #map}, {transform_indices = #map}, {transform_indices = #map}]} {
    %mul3A = arith.constant 2 : i32
    %mul3A_0 = arith.muli %arg1, %mul3A : i32
    %add3A = arith.addi %mul3A_0, %arg0 : i32
    "tpu.region"() ({
      %run_scoped3A = tpu.sem_alloc : memref<!tpu.dma_semaphore, #tpu.memory_space<semaphore_mem>>
      %dma_start3A = arith.constant 0 : i32
      %dma_start3A_169 = tpu.memref_slice %arg4[%add3A, %dma_start3A] : memref<32x1024xi32, #tpu.memory_space<hbm>> -> memref<1x1024xi32, #tpu.memory_space<hbm>>
      %dma_start3A_170 = tpu.memref_squeeze %dma_start3A_169 : memref<1x1024xi32, #tpu.memory_space<hbm>> -> memref<1024xi32, #tpu.memory_space<hbm>>
      %dma_start3A_171 = arith.constant 0 : i32
      %dma_start3A_172 = tpu.memref_slice %arg4[%add3A, %dma_start3A_171] : memref<32x1024xi32, #tpu.memory_space<hbm>> -> memref<1x1024xi32, #tpu.memory_space<hbm>>
      %dma_start3A_173 = tpu.memref_squeeze %dma_start3A_172 : memref<1x1024xi32, #tpu.memory_space<hbm>> -> memref<1024xi32, #tpu.memory_space<hbm>>
      tpu.enqueue_dma source(%dma_start3A_173 : memref<1024xi32, #tpu.memory_space<hbm>>) target(%arg8 : memref<1024xi32, #tpu.memory_space<vmem>>) target_semaphore(%run_scoped3A : memref<!tpu.dma_semaphore, #tpu.memory_space<semaphore_mem>>)
      %dma_wait3A = arith.constant 0 : i32
      %dma_wait3A_174 = tpu.memref_slice %arg4[%add3A, %dma_wait3A] : memref<32x1024xi32, #tpu.memory_space<hbm>> -> memref<1x1024xi32, #tpu.memory_space<hbm>>
      %dma_wait3A_175 = tpu.memref_squeeze %dma_wait3A_174 : memref<1x1024xi32, #tpu.memory_space<hbm>> -> memref<1024xi32, #tpu.memory_space<hbm>>
      %dma_wait3A_176 = arith.constant 0 : i32
      %dma_wait3A_177 = tpu.memref_slice %arg4[%add3A, %dma_wait3A_176] : memref<32x1024xi32, #tpu.memory_space<hbm>> -> memref<1x1024xi32, #tpu.memory_space<hbm>>
      %dma_wait3A_178 = tpu.memref_squeeze %dma_wait3A_177 : memref<1x1024xi32, #tpu.memory_space<hbm>> -> memref<1024xi32, #tpu.memory_space<hbm>>
      tpu.wait_dma2 semaphore(%run_scoped3A : memref<!tpu.dma_semaphore, #tpu.memory_space<semaphore_mem>>) src(%dma_wait3A_178 : memref<1024xi32, #tpu.memory_space<hbm>>) dst(%arg8 : memref<1024xi32, #tpu.memory_space<vmem>>)
      tpu.yield
    }) : () -> ()
    "tpu.region"() ({
      %run_scoped3A = tpu.sem_alloc : memref<!tpu.dma_semaphore, #tpu.memory_space<semaphore_mem>>
      %dma_start3A = arith.constant 0 : i32
      %dma_start3A_169 = tpu.memref_slice %arg5[%add3A, %dma_start3A] : memref<32x1024xi32, #tpu.memory_space<hbm>> -> memref<1x1024xi32, #tpu.memory_space<hbm>>
      %dma_start3A_170 = tpu.memref_squeeze %dma_start3A_169 : memref<1x1024xi32, #tpu.memory_space<hbm>> -> memref<1024xi32, #tpu.memory_space<hbm>>
      %dma_start3A_171 = arith.constant 0 : i32
      %dma_start3A_172 = tpu.memref_slice %arg5[%add3A, %dma_start3A_171] : memref<32x1024xi32, #tpu.memory_space<hbm>> -> memref<1x1024xi32, #tpu.memory_space<hbm>>
      %dma_start3A_173 = tpu.memref_squeeze %dma_start3A_172 : memref<1x1024xi32, #tpu.memory_space<hbm>> -> memref<1024xi32, #tpu.memory_space<hbm>>
      tpu.enqueue_dma source(%dma_start3A_173 : memref<1024xi32, #tpu.memory_space<hbm>>) target(%arg9 : memref<1024xi32, #tpu.memory_space<vmem>>) target_semaphore(%run_scoped3A : memref<!tpu.dma_semaphore, #tpu.memory_space<semaphore_mem>>)
      %dma_wait3A = arith.constant 0 : i32
      %dma_wait3A_174 = tpu.memref_slice %arg5[%add3A, %dma_wait3A] : memref<32x1024xi32, #tpu.memory_space<hbm>> -> memref<1x1024xi32, #tpu.memory_space<hbm>>
      %dma_wait3A_175 = tpu.memref_squeeze %dma_wait3A_174 : memref<1x1024xi32, #tpu.memory_space<hbm>> -> memref<1024xi32, #tpu.memory_space<hbm>>
      %dma_wait3A_176 = arith.constant 0 : i32
      %dma_wait3A_177 = tpu.memref_slice %arg5[%add3A, %dma_wait3A_176] : memref<32x1024xi32, #tpu.memory_space<hbm>> -> memref<1x1024xi32, #tpu.memory_space<hbm>>
      %dma_wait3A_178 = tpu.memref_squeeze %dma_wait3A_177 : memref<1x1024xi32, #tpu.memory_space<hbm>> -> memref<1024xi32, #tpu.memory_space<hbm>>
      tpu.wait_dma2 semaphore(%run_scoped3A : memref<!tpu.dma_semaphore, #tpu.memory_space<semaphore_mem>>) src(%dma_wait3A_178 : memref<1024xi32, #tpu.memory_space<hbm>>) dst(%arg9 : memref<1024xi32, #tpu.memory_space<vmem>>)
      tpu.yield
    }) : () -> ()
    "tpu.region"() ({
      %run_scoped3A = tpu.sem_alloc : memref<!tpu.dma_semaphore, #tpu.memory_space<semaphore_mem>>
      %dma_start3A = arith.constant 0 : i32
      %dma_start3A_169 = tpu.memref_slice %arg6[%add3A, %dma_start3A] : memref<32x16xi32, #tpu.memory_space<hbm>> -> memref<1x16xi32, #tpu.memory_space<hbm>>
      %dma_start3A_170 = tpu.memref_squeeze %dma_start3A_169 : memref<1x16xi32, #tpu.memory_space<hbm>> -> memref<16xi32, #tpu.memory_space<hbm>>
      %dma_start3A_171 = arith.constant 0 : i32
      %dma_start3A_172 = tpu.memref_slice %arg6[%add3A, %dma_start3A_171] : memref<32x16xi32, #tpu.memory_space<hbm>> -> memref<1x16xi32, #tpu.memory_space<hbm>>
      %dma_start3A_173 = tpu.memref_squeeze %dma_start3A_172 : memref<1x16xi32, #tpu.memory_space<hbm>> -> memref<16xi32, #tpu.memory_space<hbm>>
      tpu.enqueue_dma source(%dma_start3A_173 : memref<16xi32, #tpu.memory_space<hbm>>) target(%arg10 : memref<16xi32, #tpu.memory_space<vmem>>) target_semaphore(%run_scoped3A : memref<!tpu.dma_semaphore, #tpu.memory_space<semaphore_mem>>)
      %dma_wait3A = arith.constant 0 : i32
      %dma_wait3A_174 = tpu.memref_slice %arg6[%add3A, %dma_wait3A] : memref<32x16xi32, #tpu.memory_space<hbm>> -> memref<1x16xi32, #tpu.memory_space<hbm>>
      %dma_wait3A_175 = tpu.memref_squeeze %dma_wait3A_174 : memref<1x16xi32, #tpu.memory_space<hbm>> -> memref<16xi32, #tpu.memory_space<hbm>>
      %dma_wait3A_176 = arith.constant 0 : i32
      %dma_wait3A_177 = tpu.memref_slice %arg6[%add3A, %dma_wait3A_176] : memref<32x16xi32, #tpu.memory_space<hbm>> -> memref<1x16xi32, #tpu.memory_space<hbm>>
      %dma_wait3A_178 = tpu.memref_squeeze %dma_wait3A_177 : memref<1x16xi32, #tpu.memory_space<hbm>> -> memref<16xi32, #tpu.memory_space<hbm>>
      tpu.wait_dma2 semaphore(%run_scoped3A : memref<!tpu.dma_semaphore, #tpu.memory_space<semaphore_mem>>) src(%dma_wait3A_178 : memref<16xi32, #tpu.memory_space<hbm>>) dst(%arg10 : memref<16xi32, #tpu.memory_space<vmem>>)
      tpu.yield
    }) : () -> ()
    %get3A = arith.constant 0 : index
    %get3A_1 = tpu.vector_load %arg10[%get3A] {strides = array<i32>} : memref<16xi32, #tpu.memory_space<vmem>>, vector<16xi32>,
    %reduce_sum3A = arith.constant true
    %reduce_sum3A_2 = vector.broadcast %reduce_sum3A : i1 to vector<16xi1>
    %reduce_sum3A_3 = tpu.scan <sum>, %get3A_1 masked %reduce_sum3A_2 : vector<16xi32>, vector<16xi1> -> vector<16xi32>
    %reduce_sum3A_4 = vector.extract %reduce_sum3A_3[15] : i32 from vector<16xi32>
    %shift_right_arithmetic3A = arith.constant 4 : i32
    %shift_right_arithmetic3A_5 = arith.shrsi %reduce_sum3A_4, %shift_right_arithmetic3A : i32
    %scan3A = arith.constant 0 : i32
    %scan3A_6 = arith.constant 0 : i32
    %scan3A_7 = arith.constant 256 : i32
    %scan3A_8 = arith.addi %scan3A_6, %scan3A_7 : i32
    %scan3A_9 = arith.constant 8 : i32
    %scan3A_10 = scf.for %scan3A_169 = %scan3A_6 to %scan3A_8 step %scan3A_9 iter_args(%scan3A_170 = %scan3A) -> (i32)  : i32 {
      %iota3A = tpu.iota {dimensions = array<i32: 0>} : vector<16xi32>
      %mul3A_171 = arith.constant 16 : i32
      %mul3A_172 = arith.muli %scan3A_169, %mul3A_171 : i32
      %add3A_173 = vector.broadcast %mul3A_172 : i32 to vector<16xi32>
      %add3A_174 = arith.addi %iota3A, %add3A_173 : vector<16xi32>
      %shift_right_arithmetic3A_175 = arith.constant 2 : i32
      %shift_right_arithmetic3A_176 = vector.broadcast %shift_right_arithmetic3A_175 : i32 to vector<16xi32>
      %shift_right_arithmetic3A_177 = arith.shrsi %add3A_174, %shift_right_arithmetic3A_176 : vector<16xi32>
      %gather3A = tpu.vector_load_idx %arg8[%shift_right_arithmetic3A_177] : memref<1024xi32, #tpu.memory_space<vmem>>[vector<16xi32>], vector<16xi32>,
      %gather3A_178 = tpu.vector_load_idx %arg9[%shift_right_arithmetic3A_177] : memref<1024xi32, #tpu.memory_space<vmem>>[vector<16xi32>], vector<16xi32>,
      %mul3A_179 = arith.constant 4 : i32
      %mul3A_180 = vector.broadcast %mul3A_179 : i32 to vector<16xi32>
      %mul3A_181 = arith.muli %gather3A, %mul3A_180 : vector<16xi32>
      %and3A = arith.constant 3 : i32
      %and3A_182 = vector.broadcast %and3A : i32 to vector<16xi32>
      %and3A_183 = arith.andi %add3A_174, %and3A_182 : vector<16xi32>
      %add3A_184 = arith.addi %mul3A_181, %and3A_183 : vector<16xi32>
      %mul3A_185 = arith.constant 16 : i32
      %mul3A_186 = arith.muli %scan3A_169, %mul3A_185 : i32
      %swap3A = arith.index_cast %mul3A_186 : i32 to index
      %swap3A_187 = tpu.vector_load %arg11[%swap3A] {strides = array<i32>} : memref<4096xi32, #tpu.memory_space<vmem>>, vector<16xi32>,
      tpu.vector_store %arg11[%swap3A], %add3A_184 {strides = array<i32>} : memref<4096xi32, #tpu.memory_space<vmem>>, vector<16xi32>,
      %mul3A_188 = arith.constant 8 : i32
      %mul3A_189 = vector.broadcast %mul3A_188 : i32 to vector<16xi32>
      %mul3A_190 = arith.muli %gather3A_178, %mul3A_189 : vector<16xi32>
      %and3A_191 = arith.constant 3 : i32
      %and3A_192 = vector.broadcast %and3A_191 : i32 to vector<16xi32>
      %and3A_193 = arith.andi %add3A_174, %and3A_192 : vector<16xi32>
      %add3A_194 = arith.addi %mul3A_190, %and3A_193 : vector<16xi32>
      %shift_right_arithmetic3A_195 = arith.constant 3 : i32
      %shift_right_arithmetic3A_196 = arith.shrsi %scan3A_169, %shift_right_arithmetic3A_195 : i32
      %and3A_197 = arith.constant 7 : i32
      %and3A_198 = arith.andi %scan3A_169, %and3A_197 : i32
      %mul3A_199 = arith.constant 16 : i32
      %mul3A_200 = arith.muli %and3A_198, %mul3A_199 : i32
      %swap3A_201 = arith.index_cast %shift_right_arithmetic3A_196 : i32 to index
      %swap3A_202 = arith.index_cast %mul3A_200 : i32 to index
      %swap3A_203 = tpu.vector_load %arg12[%swap3A_201, %swap3A_202] {strides = array<i32>} : memref<32x128xi32, #tpu.memory_space<vmem>>, vector<16xi32>,
      tpu.vector_store %arg12[%swap3A_201, %swap3A_202], %add3A_194 {strides = array<i32>} : memref<32x128xi32, #tpu.memory_space<vmem>>, vector<16xi32>,
      %scan3A_204 = arith.constant 0 : i32
      %scan3A_205 = arith.constant 1 : i32
      %scan3A_206 = arith.addi %scan3A_169, %scan3A_205 : i32
      %iota3A_207 = tpu.iota {dimensions = array<i32: 0>} : vector<16xi32>
      %mul3A_208 = arith.constant 16 : i32
      %mul3A_209 = arith.muli %scan3A_206, %mul3A_208 : i32
      %add3A_210 = vector.broadcast %mul3A_209 : i32 to vector<16xi32>
      %add3A_211 = arith.addi %iota3A_207, %add3A_210 : vector<16xi32>
      %shift_right_arithmetic3A_212 = arith.constant 2 : i32
      %shift_right_arithmetic3A_213 = vector.broadcast %shift_right_arithmetic3A_212 : i32 to vector<16xi32>
      %shift_right_arithmetic3A_214 = arith.shrsi %add3A_211, %shift_right_arithmetic3A_213 : vector<16xi32>
      %gather3A_215 = tpu.vector_load_idx %arg8[%shift_right_arithmetic3A_214] : memref<1024xi32, #tpu.memory_space<vmem>>[vector<16xi32>], vector<16xi32>,
      %gather3A_216 = tpu.vector_load_idx %arg9[%shift_right_arithmetic3A_214] : memref<1024xi32, #tpu.memory_space<vmem>>[vector<16xi32>], vector<16xi32>,
      %mul3A_217 = arith.constant 4 : i32
      %mul3A_218 = vector.broadcast %mul3A_217 : i32 to vector<16xi32>
      %mul3A_219 = arith.muli %gather3A_215, %mul3A_218 : vector<16xi32>
      %and3A_220 = arith.constant 3 : i32
      %and3A_221 = vector.broadcast %and3A_220 : i32 to vector<16xi32>
      %and3A_222 = arith.andi %add3A_211, %and3A_221 : vector<16xi32>
      %add3A_223 = arith.addi %mul3A_219, %and3A_222 : vector<16xi32>
      %mul3A_224 = arith.constant 16 : i32
      %mul3A_225 = arith.muli %scan3A_206, %mul3A_224 : i32
      %swap3A_226 = arith.index_cast %mul3A_225 : i32 to index
      %swap3A_227 = tpu.vector_load %arg11[%swap3A_226] {strides = array<i32>} : memref<4096xi32, #tpu.memory_space<vmem>>, vector<16xi32>,
      tpu.vector_store %arg11[%swap3A_226], %add3A_223 {strides = array<i32>} : memref<4096xi32, #tpu.memory_space<vmem>>, vector<16xi32>,
      %mul3A_228 = arith.constant 8 : i32
      %mul3A_229 = vector.broadcast %mul3A_228 : i32 to vector<16xi32>
      %mul3A_230 = arith.muli %gather3A_216, %mul3A_229 : vector<16xi32>
      %and3A_231 = arith.constant 3 : i32
      %and3A_232 = vector.broadcast %and3A_231 : i32 to vector<16xi32>
      %and3A_233 = arith.andi %add3A_211, %and3A_232 : vector<16xi32>
      %add3A_234 = arith.addi %mul3A_230, %and3A_233 : vector<16xi32>
      %shift_right_arithmetic3A_235 = arith.constant 3 : i32
      %shift_right_arithmetic3A_236 = arith.shrsi %scan3A_206, %shift_right_arithmetic3A_235 : i32
      %and3A_237 = arith.constant 7 : i32
      %and3A_238 = arith.andi %scan3A_206, %and3A_237 : i32
      %mul3A_239 = arith.constant 16 : i32
      %mul3A_240 = arith.muli %and3A_238, %mul3A_239 : i32
      %swap3A_241 = arith.index_cast %shift_right_arithmetic3A_236 : i32 to index
      %swap3A_242 = arith.index_cast %mul3A_240 : i32 to index
      %swap3A_243 = tpu.vector_load %arg12[%swap3A_241, %swap3A_242] {strides = array<i32>} : memref<32x128xi32, #tpu.memory_space<vmem>>, vector<16xi32>,
      tpu.vector_store %arg12[%swap3A_241, %swap3A_242], %add3A_234 {strides = array<i32>} : memref<32x128xi32, #tpu.memory_space<vmem>>, vector<16xi32>,
      %scan3A_244 = arith.constant 0 : i32
      %scan3A_245 = arith.constant 2 : i32
      %scan3A_246 = arith.addi %scan3A_169, %scan3A_245 : i32
      %iota3A_247 = tpu.iota {dimensions = array<i32: 0>} : vector<16xi32>
      %mul3A_248 = arith.constant 16 : i32
      %mul3A_249 = arith.muli %scan3A_246, %mul3A_248 : i32
      %add3A_250 = vector.broadcast %mul3A_249 : i32 to vector<16xi32>
      %add3A_251 = arith.addi %iota3A_247, %add3A_250 : vector<16xi32>
      %shift_right_arithmetic3A_252 = arith.constant 2 : i32
      %shift_right_arithmetic3A_253 = vector.broadcast %shift_right_arithmetic3A_252 : i32 to vector<16xi32>
      %shift_right_arithmetic3A_254 = arith.shrsi %add3A_251, %shift_right_arithmetic3A_253 : vector<16xi32>
      %gather3A_255 = tpu.vector_load_idx %arg8[%shift_right_arithmetic3A_254] : memref<1024xi32, #tpu.memory_space<vmem>>[vector<16xi32>], vector<16xi32>,
      %gather3A_256 = tpu.vector_load_idx %arg9[%shift_right_arithmetic3A_254] : memref<1024xi32, #tpu.memory_space<vmem>>[vector<16xi32>], vector<16xi32>,
      %mul3A_257 = arith.constant 4 : i32
      %mul3A_258 = vector.broadcast %mul3A_257 : i32 to vector<16xi32>
      %mul3A_259 = arith.muli %gather3A_255, %mul3A_258 : vector<16xi32>
      %and3A_260 = arith.constant 3 : i32
      %and3A_261 = vector.broadcast %and3A_260 : i32 to vector<16xi32>
      %and3A_262 = arith.andi %add3A_251, %and3A_261 : vector<16xi32>
      %add3A_263 = arith.addi %mul3A_259, %and3A_262 : vector<16xi32>
      %mul3A_264 = arith.constant 16 : i32
      %mul3A_265 = arith.muli %scan3A_246, %mul3A_264 : i32
      %swap3A_266 = arith.index_cast %mul3A_265 : i32 to index
      %swap3A_267 = tpu.vector_load %arg11[%swap3A_266] {strides = array<i32>} : memref<4096xi32, #tpu.memory_space<vmem>>, vector<16xi32>,
      tpu.vector_store %arg11[%swap3A_266], %add3A_263 {strides = array<i32>} : memref<4096xi32, #tpu.memory_space<vmem>>, vector<16xi32>,
      %mul3A_268 = arith.constant 8 : i32
      %mul3A_269 = vector.broadcast %mul3A_268 : i32 to vector<16xi32>
      %mul3A_270 = arith.muli %gather3A_256, %mul3A_269 : vector<16xi32>
      %and3A_271 = arith.constant 3 : i32
      %and3A_272 = vector.broadcast %and3A_271 : i32 to vector<16xi32>
      %and3A_273 = arith.andi %add3A_251, %and3A_272 : vector<16xi32>
      %add3A_274 = arith.addi %mul3A_270, %and3A_273 : vector<16xi32>
      %shift_right_arithmetic3A_275 = arith.constant 3 : i32
      %shift_right_arithmetic3A_276 = arith.shrsi %scan3A_246, %shift_right_arithmetic3A_275 : i32
      %and3A_277 = arith.constant 7 : i32
      %and3A_278 = arith.andi %scan3A_246, %and3A_277 : i32
      %mul3A_279 = arith.constant 16 : i32
      %mul3A_280 = arith.muli %and3A_278, %mul3A_279 : i32
      %swap3A_281 = arith.index_cast %shift_right_arithmetic3A_276 : i32 to index
      %swap3A_282 = arith.index_cast %mul3A_280 : i32 to index
      %swap3A_283 = tpu.vector_load %arg12[%swap3A_281, %swap3A_282] {strides = array<i32>} : memref<32x128xi32, #tpu.memory_space<vmem>>, vector<16xi32>,
      tpu.vector_store %arg12[%swap3A_281, %swap3A_282], %add3A_274 {strides = array<i32>} : memref<32x128xi32, #tpu.memory_space<vmem>>, vector<16xi32>,
      %scan3A_284 = arith.constant 0 : i32
      %scan3A_285 = arith.constant 3 : i32
      %scan3A_286 = arith.addi %scan3A_169, %scan3A_285 : i32
      %iota3A_287 = tpu.iota {dimensions = array<i32: 0>} : vector<16xi32>
      %mul3A_288 = arith.constant 16 : i32
      %mul3A_289 = arith.muli %scan3A_286, %mul3A_288 : i32
      %add3A_290 = vector.broadcast %mul3A_289 : i32 to vector<16xi32>
      %add3A_291 = arith.addi %iota3A_287, %add3A_290 : vector<16xi32>
      %shift_right_arithmetic3A_292 = arith.constant 2 : i32
      %shift_right_arithmetic3A_293 = vector.broadcast %shift_right_arithmetic3A_292 : i32 to vector<16xi32>
      %shift_right_arithmetic3A_294 = arith.shrsi %add3A_291, %shift_right_arithmetic3A_293 : vector<16xi32>
      %gather3A_295 = tpu.vector_load_idx %arg8[%shift_right_arithmetic3A_294] : memref<1024xi32, #tpu.memory_space<vmem>>[vector<16xi32>], vector<16xi32>,
      %gather3A_296 = tpu.vector_load_idx %arg9[%shift_right_arithmetic3A_294] : memref<1024xi32, #tpu.memory_space<vmem>>[vector<16xi32>], vector<16xi32>,
      %mul3A_297 = arith.constant 4 : i32
      %mul3A_298 = vector.broadcast %mul3A_297 : i32 to vector<16xi32>
      %mul3A_299 = arith.muli %gather3A_295, %mul3A_298 : vector<16xi32>
      %and3A_300 = arith.constant 3 : i32
      %and3A_301 = vector.broadcast %and3A_300 : i32 to vector<16xi32>
      %and3A_302 = arith.andi %add3A_291, %and3A_301 : vector<16xi32>
      %add3A_303 = arith.addi %mul3A_299, %and3A_302 : vector<16xi32>
      %mul3A_304 = arith.constant 16 : i32
      %mul3A_305 = arith.muli %scan3A_286, %mul3A_304 : i32
      %swap3A_306 = arith.index_cast %mul3A_305 : i32 to index
      %swap3A_307 = tpu.vector_load %arg11[%swap3A_306] {strides = array<i32>} : memref<4096xi32, #tpu.memory_space<vmem>>, vector<16xi32>,
      tpu.vector_store %arg11[%swap3A_306], %add3A_303 {strides = array<i32>} : memref<4096xi32, #tpu.memory_space<vmem>>, vector<16xi32>,
      %mul3A_308 = arith.constant 8 : i32
      %mul3A_309 = vector.broadcast %mul3A_308 : i32 to vector<16xi32>
      %mul3A_310 = arith.muli %gather3A_296, %mul3A_309 : vector<16xi32>
      %and3A_311 = arith.constant 3 : i32
      %and3A_312 = vector.broadcast %and3A_311 : i32 to vector<16xi32>
      %and3A_313 = arith.andi %add3A_291, %and3A_312 : vector<16xi32>
      %add3A_314 = arith.addi %mul3A_310, %and3A_313 : vector<16xi32>
      %shift_right_arithmetic3A_315 = arith.constant 3 : i32
      %shift_right_arithmetic3A_316 = arith.shrsi %scan3A_286, %shift_right_arithmetic3A_315 : i32
      %and3A_317 = arith.constant 7 : i32
      %and3A_318 = arith.andi %scan3A_286, %and3A_317 : i32
      %mul3A_319 = arith.constant 16 : i32
      %mul3A_320 = arith.muli %and3A_318, %mul3A_319 : i32
      %swap3A_321 = arith.index_cast %shift_right_arithmetic3A_316 : i32 to index
      %swap3A_322 = arith.index_cast %mul3A_320 : i32 to index
      %swap3A_323 = tpu.vector_load %arg12[%swap3A_321, %swap3A_322] {strides = array<i32>} : memref<32x128xi32, #tpu.memory_space<vmem>>, vector<16xi32>,
      tpu.vector_store %arg12[%swap3A_321, %swap3A_322], %add3A_314 {strides = array<i32>} : memref<32x128xi32, #tpu.memory_space<vmem>>, vector<16xi32>,
      %scan3A_324 = arith.constant 0 : i32
      %scan3A_325 = arith.constant 4 : i32
      %scan3A_326 = arith.addi %scan3A_169, %scan3A_325 : i32
      %iota3A_327 = tpu.iota {dimensions = array<i32: 0>} : vector<16xi32>
      %mul3A_328 = arith.constant 16 : i32
      %mul3A_329 = arith.muli %scan3A_326, %mul3A_328 : i32
      %add3A_330 = vector.broadcast %mul3A_329 : i32 to vector<16xi32>
      %add3A_331 = arith.addi %iota3A_327, %add3A_330 : vector<16xi32>
      %shift_right_arithmetic3A_332 = arith.constant 2 : i32
      %shift_right_arithmetic3A_333 = vector.broadcast %shift_right_arithmetic3A_332 : i32 to vector<16xi32>
      %shift_right_arithmetic3A_334 = arith.shrsi %add3A_331, %shift_right_arithmetic3A_333 : vector<16xi32>
      %gather3A_335 = tpu.vector_load_idx %arg8[%shift_right_arithmetic3A_334] : memref<1024xi32, #tpu.memory_space<vmem>>[vector<16xi32>], vector<16xi32>,
      %gather3A_336 = tpu.vector_load_idx %arg9[%shift_right_arithmetic3A_334] : memref<1024xi32, #tpu.memory_space<vmem>>[vector<16xi32>], vector<16xi32>,
      %mul3A_337 = arith.constant 4 : i32
      %mul3A_338 = vector.broadcast %mul3A_337 : i32 to vector<16xi32>
      %mul3A_339 = arith.muli %gather3A_335, %mul3A_338 : vector<16xi32>
      %and3A_340 = arith.constant 3 : i32
      %and3A_341 = vector.broadcast %and3A_340 : i32 to vector<16xi32>
      %and3A_342 = arith.andi %add3A_331, %and3A_341 : vector<16xi32>
      %add3A_343 = arith.addi %mul3A_339, %and3A_342 : vector<16xi32>
      %mul3A_344 = arith.constant 16 : i32
      %mul3A_345 = arith.muli %scan3A_326, %mul3A_344 : i32
      %swap3A_346 = arith.index_cast %mul3A_345 : i32 to index
      %swap3A_347 = tpu.vector_load %arg11[%swap3A_346] {strides = array<i32>} : memref<4096xi32, #tpu.memory_space<vmem>>, vector<16xi32>,
      tpu.vector_store %arg11[%swap3A_346], %add3A_343 {strides = array<i32>} : memref<4096xi32, #tpu.memory_space<vmem>>, vector<16xi32>,
      %mul3A_348 = arith.constant 8 : i32
      %mul3A_349 = vector.broadcast %mul3A_348 : i32 to vector<16xi32>
      %mul3A_350 = arith.muli %gather3A_336, %mul3A_349 : vector<16xi32>
      %and3A_351 = arith.constant 3 : i32
      %and3A_352 = vector.broadcast %and3A_351 : i32 to vector<16xi32>
      %and3A_353 = arith.andi %add3A_331, %and3A_352 : vector<16xi32>
      %add3A_354 = arith.addi %mul3A_350, %and3A_353 : vector<16xi32>
      %shift_right_arithmetic3A_355 = arith.constant 3 : i32
      %shift_right_arithmetic3A_356 = arith.shrsi %scan3A_326, %shift_right_arithmetic3A_355 : i32
      %and3A_357 = arith.constant 7 : i32
      %and3A_358 = arith.andi %scan3A_326, %and3A_357 : i32
      %mul3A_359 = arith.constant 16 : i32
      %mul3A_360 = arith.muli %and3A_358, %mul3A_359 : i32
      %swap3A_361 = arith.index_cast %shift_right_arithmetic3A_356 : i32 to index
      %swap3A_362 = arith.index_cast %mul3A_360 : i32 to index
      %swap3A_363 = tpu.vector_load %arg12[%swap3A_361, %swap3A_362] {strides = array<i32>} : memref<32x128xi32, #tpu.memory_space<vmem>>, vector<16xi32>,
      tpu.vector_store %arg12[%swap3A_361, %swap3A_362], %add3A_354 {strides = array<i32>} : memref<32x128xi32, #tpu.memory_space<vmem>>, vector<16xi32>,
      %scan3A_364 = arith.constant 0 : i32
      %scan3A_365 = arith.constant 5 : i32
      %scan3A_366 = arith.addi %scan3A_169, %scan3A_365 : i32
      %iota3A_367 = tpu.iota {dimensions = array<i32: 0>} : vector<16xi32>
      %mul3A_368 = arith.constant 16 : i32
      %mul3A_369 = arith.muli %scan3A_366, %mul3A_368 : i32
      %add3A_370 = vector.broadcast %mul3A_369 : i32 to vector<16xi32>
      %add3A_371 = arith.addi %iota3A_367, %add3A_370 : vector<16xi32>
      %shift_right_arithmetic3A_372 = arith.constant 2 : i32
      %shift_right_arithmetic3A_373 = vector.broadcast %shift_right_arithmetic3A_372 : i32 to vector<16xi32>
      %shift_right_arithmetic3A_374 = arith.shrsi %add3A_371, %shift_right_arithmetic3A_373 : vector<16xi32>
      %gather3A_375 = tpu.vector_load_idx %arg8[%shift_right_arithmetic3A_374] : memref<1024xi32, #tpu.memory_space<vmem>>[vector<16xi32>], vector<16xi32>,
      %gather3A_376 = tpu.vector_load_idx %arg9[%shift_right_arithmetic3A_374] : memref<1024xi32, #tpu.memory_space<vmem>>[vector<16xi32>], vector<16xi32>,
      %mul3A_377 = arith.constant 4 : i32
      %mul3A_378 = vector.broadcast %mul3A_377 : i32 to vector<16xi32>
      %mul3A_379 = arith.muli %gather3A_375, %mul3A_378 : vector<16xi32>
      %and3A_380 = arith.constant 3 : i32
      %and3A_381 = vector.broadcast %and3A_380 : i32 to vector<16xi32>
      %and3A_382 = arith.andi %add3A_371, %and3A_381 : vector<16xi32>
      %add3A_383 = arith.addi %mul3A_379, %and3A_382 : vector<16xi32>
      %mul3A_384 = arith.constant 16 : i32
      %mul3A_385 = arith.muli %scan3A_366, %mul3A_384 : i32
      %swap3A_386 = arith.index_cast %mul3A_385 : i32 to index
      %swap3A_387 = tpu.vector_load %arg11[%swap3A_386] {strides = array<i32>} : memref<4096xi32, #tpu.memory_space<vmem>>, vector<16xi32>,
      tpu.vector_store %arg11[%swap3A_386], %add3A_383 {strides = array<i32>} : memref<4096xi32, #tpu.memory_space<vmem>>, vector<16xi32>,
      %mul3A_388 = arith.constant 8 : i32
      %mul3A_389 = vector.broadcast %mul3A_388 : i32 to vector<16xi32>
      %mul3A_390 = arith.muli %gather3A_376, %mul3A_389 : vector<16xi32>
      %and3A_391 = arith.constant 3 : i32
      %and3A_392 = vector.broadcast %and3A_391 : i32 to vector<16xi32>
      %and3A_393 = arith.andi %add3A_371, %and3A_392 : vector<16xi32>
      %add3A_394 = arith.addi %mul3A_390, %and3A_393 : vector<16xi32>
      %shift_right_arithmetic3A_395 = arith.constant 3 : i32
      %shift_right_arithmetic3A_396 = arith.shrsi %scan3A_366, %shift_right_arithmetic3A_395 : i32
      %and3A_397 = arith.constant 7 : i32
      %and3A_398 = arith.andi %scan3A_366, %and3A_397 : i32
      %mul3A_399 = arith.constant 16 : i32
      %mul3A_400 = arith.muli %and3A_398, %mul3A_399 : i32
      %swap3A_401 = arith.index_cast %shift_right_arithmetic3A_396 : i32 to index
      %swap3A_402 = arith.index_cast %mul3A_400 : i32 to index
      %swap3A_403 = tpu.vector_load %arg12[%swap3A_401, %swap3A_402] {strides = array<i32>} : memref<32x128xi32, #tpu.memory_space<vmem>>, vector<16xi32>,
      tpu.vector_store %arg12[%swap3A_401, %swap3A_402], %add3A_394 {strides = array<i32>} : memref<32x128xi32, #tpu.memory_space<vmem>>, vector<16xi32>,
      %scan3A_404 = arith.constant 0 : i32
      %scan3A_405 = arith.constant 6 : i32
      %scan3A_406 = arith.addi %scan3A_169, %scan3A_405 : i32
      %iota3A_407 = tpu.iota {dimensions = array<i32: 0>} : vector<16xi32>
      %mul3A_408 = arith.constant 16 : i32
      %mul3A_409 = arith.muli %scan3A_406, %mul3A_408 : i32
      %add3A_410 = vector.broadcast %mul3A_409 : i32 to vector<16xi32>
      %add3A_411 = arith.addi %iota3A_407, %add3A_410 : vector<16xi32>
      %shift_right_arithmetic3A_412 = arith.constant 2 : i32
      %shift_right_arithmetic3A_413 = vector.broadcast %shift_right_arithmetic3A_412 : i32 to vector<16xi32>
      %shift_right_arithmetic3A_414 = arith.shrsi %add3A_411, %shift_right_arithmetic3A_413 : vector<16xi32>
      %gather3A_415 = tpu.vector_load_idx %arg8[%shift_right_arithmetic3A_414] : memref<1024xi32, #tpu.memory_space<vmem>>[vector<16xi32>], vector<16xi32>,
      %gather3A_416 = tpu.vector_load_idx %arg9[%shift_right_arithmetic3A_414] : memref<1024xi32, #tpu.memory_space<vmem>>[vector<16xi32>], vector<16xi32>,
      %mul3A_417 = arith.constant 4 : i32
      %mul3A_418 = vector.broadcast %mul3A_417 : i32 to vector<16xi32>
      %mul3A_419 = arith.muli %gather3A_415, %mul3A_418 : vector<16xi32>
      %and3A_420 = arith.constant 3 : i32
      %and3A_421 = vector.broadcast %and3A_420 : i32 to vector<16xi32>
      %and3A_422 = arith.andi %add3A_411, %and3A_421 : vector<16xi32>
      %add3A_423 = arith.addi %mul3A_419, %and3A_422 : vector<16xi32>
      %mul3A_424 = arith.constant 16 : i32
      %mul3A_425 = arith.muli %scan3A_406, %mul3A_424 : i32
      %swap3A_426 = arith.index_cast %mul3A_425 : i32 to index
      %swap3A_427 = tpu.vector_load %arg11[%swap3A_426] {strides = array<i32>} : memref<4096xi32, #tpu.memory_space<vmem>>, vector<16xi32>,
      tpu.vector_store %arg11[%swap3A_426], %add3A_423 {strides = array<i32>} : memref<4096xi32, #tpu.memory_space<vmem>>, vector<16xi32>,
      %mul3A_428 = arith.constant 8 : i32
      %mul3A_429 = vector.broadcast %mul3A_428 : i32 to vector<16xi32>
      %mul3A_430 = arith.muli %gather3A_416, %mul3A_429 : vector<16xi32>
      %and3A_431 = arith.constant 3 : i32
      %and3A_432 = vector.broadcast %and3A_431 : i32 to vector<16xi32>
      %and3A_433 = arith.andi %add3A_411, %and3A_432 : vector<16xi32>
      %add3A_434 = arith.addi %mul3A_430, %and3A_433 : vector<16xi32>
      %shift_right_arithmetic3A_435 = arith.constant 3 : i32
      %shift_right_arithmetic3A_436 = arith.shrsi %scan3A_406, %shift_right_arithmetic3A_435 : i32
      %and3A_437 = arith.constant 7 : i32
      %and3A_438 = arith.andi %scan3A_406, %and3A_437 : i32
      %mul3A_439 = arith.constant 16 : i32
      %mul3A_440 = arith.muli %and3A_438, %mul3A_439 : i32
      %swap3A_441 = arith.index_cast %shift_right_arithmetic3A_436 : i32 to index
      %swap3A_442 = arith.index_cast %mul3A_440 : i32 to index
      %swap3A_443 = tpu.vector_load %arg12[%swap3A_441, %swap3A_442] {strides = array<i32>} : memref<32x128xi32, #tpu.memory_space<vmem>>, vector<16xi32>,
      tpu.vector_store %arg12[%swap3A_441, %swap3A_442], %add3A_434 {strides = array<i32>} : memref<32x128xi32, #tpu.memory_space<vmem>>, vector<16xi32>,
      %scan3A_444 = arith.constant 0 : i32
      %scan3A_445 = arith.constant 7 : i32
      %scan3A_446 = arith.addi %scan3A_169, %scan3A_445 : i32
      %iota3A_447 = tpu.iota {dimensions = array<i32: 0>} : vector<16xi32>
      %mul3A_448 = arith.constant 16 : i32
      %mul3A_449 = arith.muli %scan3A_446, %mul3A_448 : i32
      %add3A_450 = vector.broadcast %mul3A_449 : i32 to vector<16xi32>
      %add3A_451 = arith.addi %iota3A_447, %add3A_450 : vector<16xi32>
      %shift_right_arithmetic3A_452 = arith.constant 2 : i32
      %shift_right_arithmetic3A_453 = vector.broadcast %shift_right_arithmetic3A_452 : i32 to vector<16xi32>
      %shift_right_arithmetic3A_454 = arith.shrsi %add3A_451, %shift_right_arithmetic3A_453 : vector<16xi32>
      %gather3A_455 = tpu.vector_load_idx %arg8[%shift_right_arithmetic3A_454] : memref<1024xi32, #tpu.memory_space<vmem>>[vector<16xi32>], vector<16xi32>,
      %gather3A_456 = tpu.vector_load_idx %arg9[%shift_right_arithmetic3A_454] : memref<1024xi32, #tpu.memory_space<vmem>>[vector<16xi32>], vector<16xi32>,
      %mul3A_457 = arith.constant 4 : i32
      %mul3A_458 = vector.broadcast %mul3A_457 : i32 to vector<16xi32>
      %mul3A_459 = arith.muli %gather3A_455, %mul3A_458 : vector<16xi32>
      %and3A_460 = arith.constant 3 : i32
      %and3A_461 = vector.broadcast %and3A_460 : i32 to vector<16xi32>
      %and3A_462 = arith.andi %add3A_451, %and3A_461 : vector<16xi32>
      %add3A_463 = arith.addi %mul3A_459, %and3A_462 : vector<16xi32>
      %mul3A_464 = arith.constant 16 : i32
      %mul3A_465 = arith.muli %scan3A_446, %mul3A_464 : i32
      %swap3A_466 = arith.index_cast %mul3A_465 : i32 to index
      %swap3A_467 = tpu.vector_load %arg11[%swap3A_466] {strides = array<i32>} : memref<4096xi32, #tpu.memory_space<vmem>>, vector<16xi32>,
      tpu.vector_store %arg11[%swap3A_466], %add3A_463 {strides = array<i32>} : memref<4096xi32, #tpu.memory_space<vmem>>, vector<16xi32>,
      %mul3A_468 = arith.constant 8 : i32
      %mul3A_469 = vector.broadcast %mul3A_468 : i32 to vector<16xi32>
      %mul3A_470 = arith.muli %gather3A_456, %mul3A_469 : vector<16xi32>
      %and3A_471 = arith.constant 3 : i32
      %and3A_472 = vector.broadcast %and3A_471 : i32 to vector<16xi32>
      %and3A_473 = arith.andi %add3A_451, %and3A_472 : vector<16xi32>
      %add3A_474 = arith.addi %mul3A_470, %and3A_473 : vector<16xi32>
      %shift_right_arithmetic3A_475 = arith.constant 3 : i32
      %shift_right_arithmetic3A_476 = arith.shrsi %scan3A_446, %shift_right_arithmetic3A_475 : i32
      %and3A_477 = arith.constant 7 : i32
      %and3A_478 = arith.andi %scan3A_446, %and3A_477 : i32
      %mul3A_479 = arith.constant 16 : i32
      %mul3A_480 = arith.muli %and3A_478, %mul3A_479 : i32
      %swap3A_481 = arith.index_cast %shift_right_arithmetic3A_476 : i32 to index
      %swap3A_482 = arith.index_cast %mul3A_480 : i32 to index
      %swap3A_483 = tpu.vector_load %arg12[%swap3A_481, %swap3A_482] {strides = array<i32>} : memref<32x128xi32, #tpu.memory_space<vmem>>, vector<16xi32>,
      tpu.vector_store %arg12[%swap3A_481, %swap3A_482], %add3A_474 {strides = array<i32>} : memref<32x128xi32, #tpu.memory_space<vmem>>, vector<16xi32>,
      %scan3A_484 = arith.constant 0 : i32
      scf.yield %scan3A_484 : i32
    }
    %scan3A_11 = arith.constant 256 : i32
    %gt3A = arith.constant 0 : i32
    %gt3A_12 = arith.cmpi sgt, %shift_right_arithmetic3A_5, %gt3A : i32
    %convert_element_type3A = arith.extui %gt3A_12 : i1 to i32
    %cond3A = arith.constant 0 : i32
    %cond3A_13 = arith.cmpi ne, %convert_element_type3A, %cond3A : i32
    scf.if %cond3A_13 {
      %dma_start3A = arith.constant 0 : i32
      %dma_start3A_169 = arith.constant 0 : i32
      %dma_start3A_170 = tpu.memref_slice %arg13[%dma_start3A, %dma_start3A_169] : memref<4096x16xf32, #tpu.memory_space<vmem>> -> memref<128x16xf32, #tpu.memory_space<vmem>>
      %dma_start3A_171 = arith.constant 0 : i32
      %dma_start3A_172 = tpu.memref_slice %arg11[%dma_start3A_171] : memref<4096xi32, #tpu.memory_space<vmem>> -> memref<128xi32, #tpu.memory_space<vmem>>
      %dma_start3A_173 = arith.constant 0 : i32
      %dma_start3A_174 = arith.constant 0 : i32
      %dma_start3A_175 = tpu.memref_slice %arg3[%dma_start3A_173, %dma_start3A_174] : memref<65536x16xf32, #tpu.memory_space<hbm>> -> memref<65536x16xf32, #tpu.memory_space<hbm>>
      tpu.enqueue_indirect_dma source(%dma_start3A_175 : memref<65536x16xf32, #tpu.memory_space<hbm>>) target(%dma_start3A_170 : memref<128x16xf32, #tpu.memory_space<vmem>>) offsets(%dma_start3A_172 : memref<128xi32, #tpu.memory_space<vmem>>) semaphore(%arg14 : memref<!tpu.dma_semaphore, #tpu.memory_space<semaphore_mem>>)
      %dma_start3A_176 = arith.constant 128 : i32
      %dma_start3A_177 = arith.constant 0 : i32
      %dma_start3A_178 = tpu.memref_slice %arg13[%dma_start3A_176, %dma_start3A_177] : memref<4096x16xf32, #tpu.memory_space<vmem>> -> memref<128x16xf32, #tpu.memory_space<vmem>>
      %dma_start3A_179 = arith.constant 128 : i32
      %dma_start3A_180 = tpu.memref_slice %arg11[%dma_start3A_179] : memref<4096xi32, #tpu.memory_space<vmem>> -> memref<128xi32, #tpu.memory_space<vmem>>
      %dma_start3A_181 = arith.constant 0 : i32
      %dma_start3A_182 = arith.constant 0 : i32
      %dma_start3A_183 = tpu.memref_slice %arg3[%dma_start3A_181, %dma_start3A_182] : memref<65536x16xf32, #tpu.memory_space<hbm>> -> memref<65536x16xf32, #tpu.memory_space<hbm>>
      tpu.enqueue_indirect_dma source(%dma_start3A_183 : memref<65536x16xf32, #tpu.memory_space<hbm>>) target(%dma_start3A_178 : memref<128x16xf32, #tpu.memory_space<vmem>>) offsets(%dma_start3A_180 : memref<128xi32, #tpu.memory_space<vmem>>) semaphore(%arg14 : memref<!tpu.dma_semaphore, #tpu.memory_space<semaphore_mem>>)
      %dma_start3A_184 = arith.constant 256 : i32
      %dma_start3A_185 = arith.constant 0 : i32
      %dma_start3A_186 = tpu.memref_slice %arg13[%dma_start3A_184, %dma_start3A_185] : memref<4096x16xf32, #tpu.memory_space<vmem>> -> memref<128x16xf32, #tpu.memory_space<vmem>>
      %dma_start3A_187 = arith.constant 256 : i32
      %dma_start3A_188 = tpu.memref_slice %arg11[%dma_start3A_187] : memref<4096xi32, #tpu.memory_space<vmem>> -> memref<128xi32, #tpu.memory_space<vmem>>
      %dma_start3A_189 = arith.constant 0 : i32
      %dma_start3A_190 = arith.constant 0 : i32
      %dma_start3A_191 = tpu.memref_slice %arg3[%dma_start3A_189, %dma_start3A_190] : memref<65536x16xf32, #tpu.memory_space<hbm>> -> memref<65536x16xf32, #tpu.memory_space<hbm>>
      tpu.enqueue_indirect_dma source(%dma_start3A_191 : memref<65536x16xf32, #tpu.memory_space<hbm>>) target(%dma_start3A_186 : memref<128x16xf32, #tpu.memory_space<vmem>>) offsets(%dma_start3A_188 : memref<128xi32, #tpu.memory_space<vmem>>) semaphore(%arg14 : memref<!tpu.dma_semaphore, #tpu.memory_space<semaphore_mem>>)
      %dma_start3A_192 = arith.constant 384 : i32
      %dma_start3A_193 = arith.constant 0 : i32
      %dma_start3A_194 = tpu.memref_slice %arg13[%dma_start3A_192, %dma_start3A_193] : memref<4096x16xf32, #tpu.memory_space<vmem>> -> memref<128x16xf32, #tpu.memory_space<vmem>>
      %dma_start3A_195 = arith.constant 384 : i32
      %dma_start3A_196 = tpu.memref_slice %arg11[%dma_start3A_195] : memref<4096xi32, #tpu.memory_space<vmem>> -> memref<128xi32, #tpu.memory_space<vmem>>
      %dma_start3A_197 = arith.constant 0 : i32
      %dma_start3A_198 = arith.constant 0 : i32
      %dma_start3A_199 = tpu.memref_slice %arg3[%dma_start3A_197, %dma_start3A_198] : memref<65536x16xf32, #tpu.memory_space<hbm>> -> memref<65536x16xf32, #tpu.memory_space<hbm>>
      tpu.enqueue_indirect_dma source(%dma_start3A_199 : memref<65536x16xf32, #tpu.memory_space<hbm>>) target(%dma_start3A_194 : memref<128x16xf32, #tpu.memory_space<vmem>>) offsets(%dma_start3A_196 : memref<128xi32, #tpu.memory_space<vmem>>) semaphore(%arg14 : memref<!tpu.dma_semaphore, #tpu.memory_space<semaphore_mem>>)
    } else {
    }
    %gt3A_14 = arith.constant 128 : i32
    %gt3A_15 = arith.cmpi sgt, %shift_right_arithmetic3A_5, %gt3A_14 : i32
    %convert_element_type3A_16 = arith.extui %gt3A_15 : i1 to i32
    %cond3A_17 = arith.constant 0 : i32
    %cond3A_18 = arith.cmpi ne, %convert_element_type3A_16, %cond3A_17 : i32
    scf.if %cond3A_18 {
      %dma_start3A = arith.constant 512 : i32
      %dma_start3A_169 = arith.constant 0 : i32
      %dma_start3A_170 = tpu.memref_slice %arg13[%dma_start3A, %dma_start3A_169] : memref<4096x16xf32, #tpu.memory_space<vmem>> -> memref<128x16xf32, #tpu.memory_space<vmem>>
      %dma_start3A_171 = arith.constant 512 : i32
      %dma_start3A_172 = tpu.memref_slice %arg11[%dma_start3A_171] : memref<4096xi32, #tpu.memory_space<vmem>> -> memref<128xi32, #tpu.memory_space<vmem>>
      %dma_start3A_173 = arith.constant 0 : i32
      %dma_start3A_174 = arith.constant 0 : i32
      %dma_start3A_175 = tpu.memref_slice %arg3[%dma_start3A_173, %dma_start3A_174] : memref<65536x16xf32, #tpu.memory_space<hbm>> -> memref<65536x16xf32, #tpu.memory_space<hbm>>
      tpu.enqueue_indirect_dma source(%dma_start3A_175 : memref<65536x16xf32, #tpu.memory_space<hbm>>) target(%dma_start3A_170 : memref<128x16xf32, #tpu.memory_space<vmem>>) offsets(%dma_start3A_172 : memref<128xi32, #tpu.memory_space<vmem>>) semaphore(%arg14 : memref<!tpu.dma_semaphore, #tpu.memory_space<semaphore_mem>>)
      %dma_start3A_176 = arith.constant 640 : i32
      %dma_start3A_177 = arith.constant 0 : i32
      %dma_start3A_178 = tpu.memref_slice %arg13[%dma_start3A_176, %dma_start3A_177] : memref<4096x16xf32, #tpu.memory_space<vmem>> -> memref<128x16xf32, #tpu.memory_space<vmem>>
      %dma_start3A_179 = arith.constant 640 : i32
      %dma_start3A_180 = tpu.memref_slice %arg11[%dma_start3A_179] : memref<4096xi32, #tpu.memory_space<vmem>> -> memref<128xi32, #tpu.memory_space<vmem>>
      %dma_start3A_181 = arith.constant 0 : i32
      %dma_start3A_182 = arith.constant 0 : i32
      %dma_start3A_183 = tpu.memref_slice %arg3[%dma_start3A_181, %dma_start3A_182] : memref<65536x16xf32, #tpu.memory_space<hbm>> -> memref<65536x16xf32, #tpu.memory_space<hbm>>
      tpu.enqueue_indirect_dma source(%dma_start3A_183 : memref<65536x16xf32, #tpu.memory_space<hbm>>) target(%dma_start3A_178 : memref<128x16xf32, #tpu.memory_space<vmem>>) offsets(%dma_start3A_180 : memref<128xi32, #tpu.memory_space<vmem>>) semaphore(%arg14 : memref<!tpu.dma_semaphore, #tpu.memory_space<semaphore_mem>>)
      %dma_start3A_184 = arith.constant 768 : i32
      %dma_start3A_185 = arith.constant 0 : i32
      %dma_start3A_186 = tpu.memref_slice %arg13[%dma_start3A_184, %dma_start3A_185] : memref<4096x16xf32, #tpu.memory_space<vmem>> -> memref<128x16xf32, #tpu.memory_space<vmem>>
      %dma_start3A_187 = arith.constant 768 : i32
      %dma_start3A_188 = tpu.memref_slice %arg11[%dma_start3A_187] : memref<4096xi32, #tpu.memory_space<vmem>> -> memref<128xi32, #tpu.memory_space<vmem>>
      %dma_start3A_189 = arith.constant 0 : i32
      %dma_start3A_190 = arith.constant 0 : i32
      %dma_start3A_191 = tpu.memref_slice %arg3[%dma_start3A_189, %dma_start3A_190] : memref<65536x16xf32, #tpu.memory_space<hbm>> -> memref<65536x16xf32, #tpu.memory_space<hbm>>
      tpu.enqueue_indirect_dma source(%dma_start3A_191 : memref<65536x16xf32, #tpu.memory_space<hbm>>) target(%dma_start3A_186 : memref<128x16xf32, #tpu.memory_space<vmem>>) offsets(%dma_start3A_188 : memref<128xi32, #tpu.memory_space<vmem>>) semaphore(%arg14 : memref<!tpu.dma_semaphore, #tpu.memory_space<semaphore_mem>>)
      %dma_start3A_192 = arith.constant 896 : i32
      %dma_start3A_193 = arith.constant 0 : i32
      %dma_start3A_194 = tpu.memref_slice %arg13[%dma_start3A_192, %dma_start3A_193] : memref<4096x16xf32, #tpu.memory_space<vmem>> -> memref<128x16xf32, #tpu.memory_space<vmem>>
      %dma_start3A_195 = arith.constant 896 : i32
      %dma_start3A_196 = tpu.memref_slice %arg11[%dma_start3A_195] : memref<4096xi32, #tpu.memory_space<vmem>> -> memref<128xi32, #tpu.memory_space<vmem>>
      %dma_start3A_197 = arith.constant 0 : i32
      %dma_start3A_198 = arith.constant 0 : i32
      %dma_start3A_199 = tpu.memref_slice %arg3[%dma_start3A_197, %dma_start3A_198] : memref<65536x16xf32, #tpu.memory_space<hbm>> -> memref<65536x16xf32, #tpu.memory_space<hbm>>
      tpu.enqueue_indirect_dma source(%dma_start3A_199 : memref<65536x16xf32, #tpu.memory_space<hbm>>) target(%dma_start3A_194 : memref<128x16xf32, #tpu.memory_space<vmem>>) offsets(%dma_start3A_196 : memref<128xi32, #tpu.memory_space<vmem>>) semaphore(%arg14 : memref<!tpu.dma_semaphore, #tpu.memory_space<semaphore_mem>>)
    } else {
    }
    %gt3A_19 = arith.constant 256 : i32
    %gt3A_20 = arith.cmpi sgt, %shift_right_arithmetic3A_5, %gt3A_19 : i32
    %convert_element_type3A_21 = arith.extui %gt3A_20 : i1 to i32
    %cond3A_22 = arith.constant 0 : i32
    %cond3A_23 = arith.cmpi ne, %convert_element_type3A_21, %cond3A_22 : i32
    scf.if %cond3A_23 {
      %dma_start3A = arith.constant 1024 : i32
      %dma_start3A_169 = arith.constant 0 : i32
      %dma_start3A_170 = tpu.memref_slice %arg13[%dma_start3A, %dma_start3A_169] : memref<4096x16xf32, #tpu.memory_space<vmem>> -> memref<128x16xf32, #tpu.memory_space<vmem>>
      %dma_start3A_171 = arith.constant 1024 : i32
      %dma_start3A_172 = tpu.memref_slice %arg11[%dma_start3A_171] : memref<4096xi32, #tpu.memory_space<vmem>> -> memref<128xi32, #tpu.memory_space<vmem>>
      %dma_start3A_173 = arith.constant 0 : i32
      %dma_start3A_174 = arith.constant 0 : i32
      %dma_start3A_175 = tpu.memref_slice %arg3[%dma_start3A_173, %dma_start3A_174] : memref<65536x16xf32, #tpu.memory_space<hbm>> -> memref<65536x16xf32, #tpu.memory_space<hbm>>
      tpu.enqueue_indirect_dma source(%dma_start3A_175 : memref<65536x16xf32, #tpu.memory_space<hbm>>) target(%dma_start3A_170 : memref<128x16xf32, #tpu.memory_space<vmem>>) offsets(%dma_start3A_172 : memref<128xi32, #tpu.memory_space<vmem>>) semaphore(%arg14 : memref<!tpu.dma_semaphore, #tpu.memory_space<semaphore_mem>>)
      %dma_start3A_176 = arith.constant 1152 : i32
      %dma_start3A_177 = arith.constant 0 : i32
      %dma_start3A_178 = tpu.memref_slice %arg13[%dma_start3A_176, %dma_start3A_177] : memref<4096x16xf32, #tpu.memory_space<vmem>> -> memref<128x16xf32, #tpu.memory_space<vmem>>
      %dma_start3A_179 = arith.constant 1152 : i32
      %dma_start3A_180 = tpu.memref_slice %arg11[%dma_start3A_179] : memref<4096xi32, #tpu.memory_space<vmem>> -> memref<128xi32, #tpu.memory_space<vmem>>
      %dma_start3A_181 = arith.constant 0 : i32
      %dma_start3A_182 = arith.constant 0 : i32
      %dma_start3A_183 = tpu.memref_slice %arg3[%dma_start3A_181, %dma_start3A_182] : memref<65536x16xf32, #tpu.memory_space<hbm>> -> memref<65536x16xf32, #tpu.memory_space<hbm>>
      tpu.enqueue_indirect_dma source(%dma_start3A_183 : memref<65536x16xf32, #tpu.memory_space<hbm>>) target(%dma_start3A_178 : memref<128x16xf32, #tpu.memory_space<vmem>>) offsets(%dma_start3A_180 : memref<128xi32, #tpu.memory_space<vmem>>) semaphore(%arg14 : memref<!tpu.dma_semaphore, #tpu.memory_space<semaphore_mem>>)
      %dma_start3A_184 = arith.constant 1280 : i32
      %dma_start3A_185 = arith.constant 0 : i32
      %dma_start3A_186 = tpu.memref_slice %arg13[%dma_start3A_184, %dma_start3A_185] : memref<4096x16xf32, #tpu.memory_space<vmem>> -> memref<128x16xf32, #tpu.memory_space<vmem>>
      %dma_start3A_187 = arith.constant 1280 : i32
      %dma_start3A_188 = tpu.memref_slice %arg11[%dma_start3A_187] : memref<4096xi32, #tpu.memory_space<vmem>> -> memref<128xi32, #tpu.memory_space<vmem>>
      %dma_start3A_189 = arith.constant 0 : i32
      %dma_start3A_190 = arith.constant 0 : i32
      %dma_start3A_191 = tpu.memref_slice %arg3[%dma_start3A_189, %dma_start3A_190] : memref<65536x16xf32, #tpu.memory_space<hbm>> -> memref<65536x16xf32, #tpu.memory_space<hbm>>
      tpu.enqueue_indirect_dma source(%dma_start3A_191 : memref<65536x16xf32, #tpu.memory_space<hbm>>) target(%dma_start3A_186 : memref<128x16xf32, #tpu.memory_space<vmem>>) offsets(%dma_start3A_188 : memref<128xi32, #tpu.memory_space<vmem>>) semaphore(%arg14 : memref<!tpu.dma_semaphore, #tpu.memory_space<semaphore_mem>>)
      %dma_start3A_192 = arith.constant 1408 : i32
      %dma_start3A_193 = arith.constant 0 : i32
      %dma_start3A_194 = tpu.memref_slice %arg13[%dma_start3A_192, %dma_start3A_193] : memref<4096x16xf32, #tpu.memory_space<vmem>> -> memref<128x16xf32, #tpu.memory_space<vmem>>
      %dma_start3A_195 = arith.constant 1408 : i32
      %dma_start3A_196 = tpu.memref_slice %arg11[%dma_start3A_195] : memref<4096xi32, #tpu.memory_space<vmem>> -> memref<128xi32, #tpu.memory_space<vmem>>
      %dma_start3A_197 = arith.constant 0 : i32
      %dma_start3A_198 = arith.constant 0 : i32
      %dma_start3A_199 = tpu.memref_slice %arg3[%dma_start3A_197, %dma_start3A_198] : memref<65536x16xf32, #tpu.memory_space<hbm>> -> memref<65536x16xf32, #tpu.memory_space<hbm>>
      tpu.enqueue_indirect_dma source(%dma_start3A_199 : memref<65536x16xf32, #tpu.memory_space<hbm>>) target(%dma_start3A_194 : memref<128x16xf32, #tpu.memory_space<vmem>>) offsets(%dma_start3A_196 : memref<128xi32, #tpu.memory_space<vmem>>) semaphore(%arg14 : memref<!tpu.dma_semaphore, #tpu.memory_space<semaphore_mem>>)
    } else {
    }
    %gt3A_24 = arith.constant 384 : i32
    %gt3A_25 = arith.cmpi sgt, %shift_right_arithmetic3A_5, %gt3A_24 : i32
    %convert_element_type3A_26 = arith.extui %gt3A_25 : i1 to i32
    %cond3A_27 = arith.constant 0 : i32
    %cond3A_28 = arith.cmpi ne, %convert_element_type3A_26, %cond3A_27 : i32
    scf.if %cond3A_28 {
      %dma_start3A = arith.constant 1536 : i32
      %dma_start3A_169 = arith.constant 0 : i32
      %dma_start3A_170 = tpu.memref_slice %arg13[%dma_start3A, %dma_start3A_169] : memref<4096x16xf32, #tpu.memory_space<vmem>> -> memref<128x16xf32, #tpu.memory_space<vmem>>
      %dma_start3A_171 = arith.constant 1536 : i32
      %dma_start3A_172 = tpu.memref_slice %arg11[%dma_start3A_171] : memref<4096xi32, #tpu.memory_space<vmem>> -> memref<128xi32, #tpu.memory_space<vmem>>
      %dma_start3A_173 = arith.constant 0 : i32
      %dma_start3A_174 = arith.constant 0 : i32
      %dma_start3A_175 = tpu.memref_slice %arg3[%dma_start3A_173, %dma_start3A_174] : memref<65536x16xf32, #tpu.memory_space<hbm>> -> memref<65536x16xf32, #tpu.memory_space<hbm>>
      tpu.enqueue_indirect_dma source(%dma_start3A_175 : memref<65536x16xf32, #tpu.memory_space<hbm>>) target(%dma_start3A_170 : memref<128x16xf32, #tpu.memory_space<vmem>>) offsets(%dma_start3A_172 : memref<128xi32, #tpu.memory_space<vmem>>) semaphore(%arg14 : memref<!tpu.dma_semaphore, #tpu.memory_space<semaphore_mem>>)
      %dma_start3A_176 = arith.constant 1664 : i32
      %dma_start3A_177 = arith.constant 0 : i32
      %dma_start3A_178 = tpu.memref_slice %arg13[%dma_start3A_176, %dma_start3A_177] : memref<4096x16xf32, #tpu.memory_space<vmem>> -> memref<128x16xf32, #tpu.memory_space<vmem>>
      %dma_start3A_179 = arith.constant 1664 : i32
      %dma_start3A_180 = tpu.memref_slice %arg11[%dma_start3A_179] : memref<4096xi32, #tpu.memory_space<vmem>> -> memref<128xi32, #tpu.memory_space<vmem>>
      %dma_start3A_181 = arith.constant 0 : i32
      %dma_start3A_182 = arith.constant 0 : i32
      %dma_start3A_183 = tpu.memref_slice %arg3[%dma_start3A_181, %dma_start3A_182] : memref<65536x16xf32, #tpu.memory_space<hbm>> -> memref<65536x16xf32, #tpu.memory_space<hbm>>
      tpu.enqueue_indirect_dma source(%dma_start3A_183 : memref<65536x16xf32, #tpu.memory_space<hbm>>) target(%dma_start3A_178 : memref<128x16xf32, #tpu.memory_space<vmem>>) offsets(%dma_start3A_180 : memref<128xi32, #tpu.memory_space<vmem>>) semaphore(%arg14 : memref<!tpu.dma_semaphore, #tpu.memory_space<semaphore_mem>>)
      %dma_start3A_184 = arith.constant 1792 : i32
      %dma_start3A_185 = arith.constant 0 : i32
      %dma_start3A_186 = tpu.memref_slice %arg13[%dma_start3A_184, %dma_start3A_185] : memref<4096x16xf32, #tpu.memory_space<vmem>> -> memref<128x16xf32, #tpu.memory_space<vmem>>
      %dma_start3A_187 = arith.constant 1792 : i32
      %dma_start3A_188 = tpu.memref_slice %arg11[%dma_start3A_187] : memref<4096xi32, #tpu.memory_space<vmem>> -> memref<128xi32, #tpu.memory_space<vmem>>
      %dma_start3A_189 = arith.constant 0 : i32
      %dma_start3A_190 = arith.constant 0 : i32
      %dma_start3A_191 = tpu.memref_slice %arg3[%dma_start3A_189, %dma_start3A_190] : memref<65536x16xf32, #tpu.memory_space<hbm>> -> memref<65536x16xf32, #tpu.memory_space<hbm>>
      tpu.enqueue_indirect_dma source(%dma_start3A_191 : memref<65536x16xf32, #tpu.memory_space<hbm>>) target(%dma_start3A_186 : memref<128x16xf32, #tpu.memory_space<vmem>>) offsets(%dma_start3A_188 : memref<128xi32, #tpu.memory_space<vmem>>) semaphore(%arg14 : memref<!tpu.dma_semaphore, #tpu.memory_space<semaphore_mem>>)
      %dma_start3A_192 = arith.constant 1920 : i32
      %dma_start3A_193 = arith.constant 0 : i32
      %dma_start3A_194 = tpu.memref_slice %arg13[%dma_start3A_192, %dma_start3A_193] : memref<4096x16xf32, #tpu.memory_space<vmem>> -> memref<128x16xf32, #tpu.memory_space<vmem>>
      %dma_start3A_195 = arith.constant 1920 : i32
      %dma_start3A_196 = tpu.memref_slice %arg11[%dma_start3A_195] : memref<4096xi32, #tpu.memory_space<vmem>> -> memref<128xi32, #tpu.memory_space<vmem>>
      %dma_start3A_197 = arith.constant 0 : i32
      %dma_start3A_198 = arith.constant 0 : i32
      %dma_start3A_199 = tpu.memref_slice %arg3[%dma_start3A_197, %dma_start3A_198] : memref<65536x16xf32, #tpu.memory_space<hbm>> -> memref<65536x16xf32, #tpu.memory_space<hbm>>
      tpu.enqueue_indirect_dma source(%dma_start3A_199 : memref<65536x16xf32, #tpu.memory_space<hbm>>) target(%dma_start3A_194 : memref<128x16xf32, #tpu.memory_space<vmem>>) offsets(%dma_start3A_196 : memref<128xi32, #tpu.memory_space<vmem>>) semaphore(%arg14 : memref<!tpu.dma_semaphore, #tpu.memory_space<semaphore_mem>>)
    } else {
    }
    %gt3A_29 = arith.constant 512 : i32
    %gt3A_30 = arith.cmpi sgt, %shift_right_arithmetic3A_5, %gt3A_29 : i32
    %convert_element_type3A_31 = arith.extui %gt3A_30 : i1 to i32
    %cond3A_32 = arith.constant 0 : i32
    %cond3A_33 = arith.cmpi ne, %convert_element_type3A_31, %cond3A_32 : i32
    scf.if %cond3A_33 {
      %dma_start3A = arith.constant 2048 : i32
      %dma_start3A_169 = arith.constant 0 : i32
      %dma_start3A_170 = tpu.memref_slice %arg13[%dma_start3A, %dma_start3A_169] : memref<4096x16xf32, #tpu.memory_space<vmem>> -> memref<128x16xf32, #tpu.memory_space<vmem>>
      %dma_start3A_171 = arith.constant 2048 : i32
      %dma_start3A_172 = tpu.memref_slice %arg11[%dma_start3A_171] : memref<4096xi32, #tpu.memory_space<vmem>> -> memref<128xi32, #tpu.memory_space<vmem>>
      %dma_start3A_173 = arith.constant 0 : i32
      %dma_start3A_174 = arith.constant 0 : i32
      %dma_start3A_175 = tpu.memref_slice %arg3[%dma_start3A_173, %dma_start3A_174] : memref<65536x16xf32, #tpu.memory_space<hbm>> -> memref<65536x16xf32, #tpu.memory_space<hbm>>
      tpu.enqueue_indirect_dma source(%dma_start3A_175 : memref<65536x16xf32, #tpu.memory_space<hbm>>) target(%dma_start3A_170 : memref<128x16xf32, #tpu.memory_space<vmem>>) offsets(%dma_start3A_172 : memref<128xi32, #tpu.memory_space<vmem>>) semaphore(%arg14 : memref<!tpu.dma_semaphore, #tpu.memory_space<semaphore_mem>>)
      %dma_start3A_176 = arith.constant 2176 : i32
      %dma_start3A_177 = arith.constant 0 : i32
      %dma_start3A_178 = tpu.memref_slice %arg13[%dma_start3A_176, %dma_start3A_177] : memref<4096x16xf32, #tpu.memory_space<vmem>> -> memref<128x16xf32, #tpu.memory_space<vmem>>
      %dma_start3A_179 = arith.constant 2176 : i32
      %dma_start3A_180 = tpu.memref_slice %arg11[%dma_start3A_179] : memref<4096xi32, #tpu.memory_space<vmem>> -> memref<128xi32, #tpu.memory_space<vmem>>
      %dma_start3A_181 = arith.constant 0 : i32
      %dma_start3A_182 = arith.constant 0 : i32
      %dma_start3A_183 = tpu.memref_slice %arg3[%dma_start3A_181, %dma_start3A_182] : memref<65536x16xf32, #tpu.memory_space<hbm>> -> memref<65536x16xf32, #tpu.memory_space<hbm>>
      tpu.enqueue_indirect_dma source(%dma_start3A_183 : memref<65536x16xf32, #tpu.memory_space<hbm>>) target(%dma_start3A_178 : memref<128x16xf32, #tpu.memory_space<vmem>>) offsets(%dma_start3A_180 : memref<128xi32, #tpu.memory_space<vmem>>) semaphore(%arg14 : memref<!tpu.dma_semaphore, #tpu.memory_space<semaphore_mem>>)
      %dma_start3A_184 = arith.constant 2304 : i32
      %dma_start3A_185 = arith.constant 0 : i32
      %dma_start3A_186 = tpu.memref_slice %arg13[%dma_start3A_184, %dma_start3A_185] : memref<4096x16xf32, #tpu.memory_space<vmem>> -> memref<128x16xf32, #tpu.memory_space<vmem>>
      %dma_start3A_187 = arith.constant 2304 : i32
      %dma_start3A_188 = tpu.memref_slice %arg11[%dma_start3A_187] : memref<4096xi32, #tpu.memory_space<vmem>> -> memref<128xi32, #tpu.memory_space<vmem>>
      %dma_start3A_189 = arith.constant 0 : i32
      %dma_start3A_190 = arith.constant 0 : i32
      %dma_start3A_191 = tpu.memref_slice %arg3[%dma_start3A_189, %dma_start3A_190] : memref<65536x16xf32, #tpu.memory_space<hbm>> -> memref<65536x16xf32, #tpu.memory_space<hbm>>
      tpu.enqueue_indirect_dma source(%dma_start3A_191 : memref<65536x16xf32, #tpu.memory_space<hbm>>) target(%dma_start3A_186 : memref<128x16xf32, #tpu.memory_space<vmem>>) offsets(%dma_start3A_188 : memref<128xi32, #tpu.memory_space<vmem>>) semaphore(%arg14 : memref<!tpu.dma_semaphore, #tpu.memory_space<semaphore_mem>>)
      %dma_start3A_192 = arith.constant 2432 : i32
      %dma_start3A_193 = arith.constant 0 : i32
      %dma_start3A_194 = tpu.memref_slice %arg13[%dma_start3A_192, %dma_start3A_193] : memref<4096x16xf32, #tpu.memory_space<vmem>> -> memref<128x16xf32, #tpu.memory_space<vmem>>
      %dma_start3A_195 = arith.constant 2432 : i32
      %dma_start3A_196 = tpu.memref_slice %arg11[%dma_start3A_195] : memref<4096xi32, #tpu.memory_space<vmem>> -> memref<128xi32, #tpu.memory_space<vmem>>
      %dma_start3A_197 = arith.constant 0 : i32
      %dma_start3A_198 = arith.constant 0 : i32
      %dma_start3A_199 = tpu.memref_slice %arg3[%dma_start3A_197, %dma_start3A_198] : memref<65536x16xf32, #tpu.memory_space<hbm>> -> memref<65536x16xf32, #tpu.memory_space<hbm>>
      tpu.enqueue_indirect_dma source(%dma_start3A_199 : memref<65536x16xf32, #tpu.memory_space<hbm>>) target(%dma_start3A_194 : memref<128x16xf32, #tpu.memory_space<vmem>>) offsets(%dma_start3A_196 : memref<128xi32, #tpu.memory_space<vmem>>) semaphore(%arg14 : memref<!tpu.dma_semaphore, #tpu.memory_space<semaphore_mem>>)
    } else {
    }
    %gt3A_34 = arith.constant 640 : i32
    %gt3A_35 = arith.cmpi sgt, %shift_right_arithmetic3A_5, %gt3A_34 : i32
    %convert_element_type3A_36 = arith.extui %gt3A_35 : i1 to i32
    %cond3A_37 = arith.constant 0 : i32
    %cond3A_38 = arith.cmpi ne, %convert_element_type3A_36, %cond3A_37 : i32
    scf.if %cond3A_38 {
      %dma_start3A = arith.constant 2560 : i32
      %dma_start3A_169 = arith.constant 0 : i32
      %dma_start3A_170 = tpu.memref_slice %arg13[%dma_start3A, %dma_start3A_169] : memref<4096x16xf32, #tpu.memory_space<vmem>> -> memref<128x16xf32, #tpu.memory_space<vmem>>
      %dma_start3A_171 = arith.constant 2560 : i32
      %dma_start3A_172 = tpu.memref_slice %arg11[%dma_start3A_171] : memref<4096xi32, #tpu.memory_space<vmem>> -> memref<128xi32, #tpu.memory_space<vmem>>
      %dma_start3A_173 = arith.constant 0 : i32
      %dma_start3A_174 = arith.constant 0 : i32
      %dma_start3A_175 = tpu.memref_slice %arg3[%dma_start3A_173, %dma_start3A_174] : memref<65536x16xf32, #tpu.memory_space<hbm>> -> memref<65536x16xf32, #tpu.memory_space<hbm>>
      tpu.enqueue_indirect_dma source(%dma_start3A_175 : memref<65536x16xf32, #tpu.memory_space<hbm>>) target(%dma_start3A_170 : memref<128x16xf32, #tpu.memory_space<vmem>>) offsets(%dma_start3A_172 : memref<128xi32, #tpu.memory_space<vmem>>) semaphore(%arg14 : memref<!tpu.dma_semaphore, #tpu.memory_space<semaphore_mem>>)
      %dma_start3A_176 = arith.constant 2688 : i32
      %dma_start3A_177 = arith.constant 0 : i32
      %dma_start3A_178 = tpu.memref_slice %arg13[%dma_start3A_176, %dma_start3A_177] : memref<4096x16xf32, #tpu.memory_space<vmem>> -> memref<128x16xf32, #tpu.memory_space<vmem>>
      %dma_start3A_179 = arith.constant 2688 : i32
      %dma_start3A_180 = tpu.memref_slice %arg11[%dma_start3A_179] : memref<4096xi32, #tpu.memory_space<vmem>> -> memref<128xi32, #tpu.memory_space<vmem>>
      %dma_start3A_181 = arith.constant 0 : i32
      %dma_start3A_182 = arith.constant 0 : i32
      %dma_start3A_183 = tpu.memref_slice %arg3[%dma_start3A_181, %dma_start3A_182] : memref<65536x16xf32, #tpu.memory_space<hbm>> -> memref<65536x16xf32, #tpu.memory_space<hbm>>
      tpu.enqueue_indirect_dma source(%dma_start3A_183 : memref<65536x16xf32, #tpu.memory_space<hbm>>) target(%dma_start3A_178 : memref<128x16xf32, #tpu.memory_space<vmem>>) offsets(%dma_start3A_180 : memref<128xi32, #tpu.memory_space<vmem>>) semaphore(%arg14 : memref<!tpu.dma_semaphore, #tpu.memory_space<semaphore_mem>>)
      %dma_start3A_184 = arith.constant 2816 : i32
      %dma_start3A_185 = arith.constant 0 : i32
      %dma_start3A_186 = tpu.memref_slice %arg13[%dma_start3A_184, %dma_start3A_185] : memref<4096x16xf32, #tpu.memory_space<vmem>> -> memref<128x16xf32, #tpu.memory_space<vmem>>
      %dma_start3A_187 = arith.constant 2816 : i32
      %dma_start3A_188 = tpu.memref_slice %arg11[%dma_start3A_187] : memref<4096xi32, #tpu.memory_space<vmem>> -> memref<128xi32, #tpu.memory_space<vmem>>
      %dma_start3A_189 = arith.constant 0 : i32
      %dma_start3A_190 = arith.constant 0 : i32
      %dma_start3A_191 = tpu.memref_slice %arg3[%dma_start3A_189, %dma_start3A_190] : memref<65536x16xf32, #tpu.memory_space<hbm>> -> memref<65536x16xf32, #tpu.memory_space<hbm>>
      tpu.enqueue_indirect_dma source(%dma_start3A_191 : memref<65536x16xf32, #tpu.memory_space<hbm>>) target(%dma_start3A_186 : memref<128x16xf32, #tpu.memory_space<vmem>>) offsets(%dma_start3A_188 : memref<128xi32, #tpu.memory_space<vmem>>) semaphore(%arg14 : memref<!tpu.dma_semaphore, #tpu.memory_space<semaphore_mem>>)
      %dma_start3A_192 = arith.constant 2944 : i32
      %dma_start3A_193 = arith.constant 0 : i32
      %dma_start3A_194 = tpu.memref_slice %arg13[%dma_start3A_192, %dma_start3A_193] : memref<4096x16xf32, #tpu.memory_space<vmem>> -> memref<128x16xf32, #tpu.memory_space<vmem>>
      %dma_start3A_195 = arith.constant 2944 : i32
      %dma_start3A_196 = tpu.memref_slice %arg11[%dma_start3A_195] : memref<4096xi32, #tpu.memory_space<vmem>> -> memref<128xi32, #tpu.memory_space<vmem>>
      %dma_start3A_197 = arith.constant 0 : i32
      %dma_start3A_198 = arith.constant 0 : i32
      %dma_start3A_199 = tpu.memref_slice %arg3[%dma_start3A_197, %dma_start3A_198] : memref<65536x16xf32, #tpu.memory_space<hbm>> -> memref<65536x16xf32, #tpu.memory_space<hbm>>
      tpu.enqueue_indirect_dma source(%dma_start3A_199 : memref<65536x16xf32, #tpu.memory_space<hbm>>) target(%dma_start3A_194 : memref<128x16xf32, #tpu.memory_space<vmem>>) offsets(%dma_start3A_196 : memref<128xi32, #tpu.memory_space<vmem>>) semaphore(%arg14 : memref<!tpu.dma_semaphore, #tpu.memory_space<semaphore_mem>>)
    } else {
    }
    %gt3A_39 = arith.constant 768 : i32
    %gt3A_40 = arith.cmpi sgt, %shift_right_arithmetic3A_5, %gt3A_39 : i32
    %convert_element_type3A_41 = arith.extui %gt3A_40 : i1 to i32
    %cond3A_42 = arith.constant 0 : i32
    %cond3A_43 = arith.cmpi ne, %convert_element_type3A_41, %cond3A_42 : i32
    scf.if %cond3A_43 {
      %dma_start3A = arith.constant 3072 : i32
      %dma_start3A_169 = arith.constant 0 : i32
      %dma_start3A_170 = tpu.memref_slice %arg13[%dma_start3A, %dma_start3A_169] : memref<4096x16xf32, #tpu.memory_space<vmem>> -> memref<128x16xf32, #tpu.memory_space<vmem>>
      %dma_start3A_171 = arith.constant 3072 : i32
      %dma_start3A_172 = tpu.memref_slice %arg11[%dma_start3A_171] : memref<4096xi32, #tpu.memory_space<vmem>> -> memref<128xi32, #tpu.memory_space<vmem>>
      %dma_start3A_173 = arith.constant 0 : i32
      %dma_start3A_174 = arith.constant 0 : i32
      %dma_start3A_175 = tpu.memref_slice %arg3[%dma_start3A_173, %dma_start3A_174] : memref<65536x16xf32, #tpu.memory_space<hbm>> -> memref<65536x16xf32, #tpu.memory_space<hbm>>
      tpu.enqueue_indirect_dma source(%dma_start3A_175 : memref<65536x16xf32, #tpu.memory_space<hbm>>) target(%dma_start3A_170 : memref<128x16xf32, #tpu.memory_space<vmem>>) offsets(%dma_start3A_172 : memref<128xi32, #tpu.memory_space<vmem>>) semaphore(%arg14 : memref<!tpu.dma_semaphore, #tpu.memory_space<semaphore_mem>>)
      %dma_start3A_176 = arith.constant 3200 : i32
      %dma_start3A_177 = arith.constant 0 : i32
      %dma_start3A_178 = tpu.memref_slice %arg13[%dma_start3A_176, %dma_start3A_177] : memref<4096x16xf32, #tpu.memory_space<vmem>> -> memref<128x16xf32, #tpu.memory_space<vmem>>
      %dma_start3A_179 = arith.constant 3200 : i32
      %dma_start3A_180 = tpu.memref_slice %arg11[%dma_start3A_179] : memref<4096xi32, #tpu.memory_space<vmem>> -> memref<128xi32, #tpu.memory_space<vmem>>
      %dma_start3A_181 = arith.constant 0 : i32
      %dma_start3A_182 = arith.constant 0 : i32
      %dma_start3A_183 = tpu.memref_slice %arg3[%dma_start3A_181, %dma_start3A_182] : memref<65536x16xf32, #tpu.memory_space<hbm>> -> memref<65536x16xf32, #tpu.memory_space<hbm>>
      tpu.enqueue_indirect_dma source(%dma_start3A_183 : memref<65536x16xf32, #tpu.memory_space<hbm>>) target(%dma_start3A_178 : memref<128x16xf32, #tpu.memory_space<vmem>>) offsets(%dma_start3A_180 : memref<128xi32, #tpu.memory_space<vmem>>) semaphore(%arg14 : memref<!tpu.dma_semaphore, #tpu.memory_space<semaphore_mem>>)
      %dma_start3A_184 = arith.constant 3328 : i32
      %dma_start3A_185 = arith.constant 0 : i32
      %dma_start3A_186 = tpu.memref_slice %arg13[%dma_start3A_184, %dma_start3A_185] : memref<4096x16xf32, #tpu.memory_space<vmem>> -> memref<128x16xf32, #tpu.memory_space<vmem>>
      %dma_start3A_187 = arith.constant 3328 : i32
      %dma_start3A_188 = tpu.memref_slice %arg11[%dma_start3A_187] : memref<4096xi32, #tpu.memory_space<vmem>> -> memref<128xi32, #tpu.memory_space<vmem>>
      %dma_start3A_189 = arith.constant 0 : i32
      %dma_start3A_190 = arith.constant 0 : i32
      %dma_start3A_191 = tpu.memref_slice %arg3[%dma_start3A_189, %dma_start3A_190] : memref<65536x16xf32, #tpu.memory_space<hbm>> -> memref<65536x16xf32, #tpu.memory_space<hbm>>
      tpu.enqueue_indirect_dma source(%dma_start3A_191 : memref<65536x16xf32, #tpu.memory_space<hbm>>) target(%dma_start3A_186 : memref<128x16xf32, #tpu.memory_space<vmem>>) offsets(%dma_start3A_188 : memref<128xi32, #tpu.memory_space<vmem>>) semaphore(%arg14 : memref<!tpu.dma_semaphore, #tpu.memory_space<semaphore_mem>>)
      %dma_start3A_192 = arith.constant 3456 : i32
      %dma_start3A_193 = arith.constant 0 : i32
      %dma_start3A_194 = tpu.memref_slice %arg13[%dma_start3A_192, %dma_start3A_193] : memref<4096x16xf32, #tpu.memory_space<vmem>> -> memref<128x16xf32, #tpu.memory_space<vmem>>
      %dma_start3A_195 = arith.constant 3456 : i32
      %dma_start3A_196 = tpu.memref_slice %arg11[%dma_start3A_195] : memref<4096xi32, #tpu.memory_space<vmem>> -> memref<128xi32, #tpu.memory_space<vmem>>
      %dma_start3A_197 = arith.constant 0 : i32
      %dma_start3A_198 = arith.constant 0 : i32
      %dma_start3A_199 = tpu.memref_slice %arg3[%dma_start3A_197, %dma_start3A_198] : memref<65536x16xf32, #tpu.memory_space<hbm>> -> memref<65536x16xf32, #tpu.memory_space<hbm>>
      tpu.enqueue_indirect_dma source(%dma_start3A_199 : memref<65536x16xf32, #tpu.memory_space<hbm>>) target(%dma_start3A_194 : memref<128x16xf32, #tpu.memory_space<vmem>>) offsets(%dma_start3A_196 : memref<128xi32, #tpu.memory_space<vmem>>) semaphore(%arg14 : memref<!tpu.dma_semaphore, #tpu.memory_space<semaphore_mem>>)
    } else {
    }
    %gt3A_44 = arith.constant 896 : i32
    %gt3A_45 = arith.cmpi sgt, %shift_right_arithmetic3A_5, %gt3A_44 : i32
    %convert_element_type3A_46 = arith.extui %gt3A_45 : i1 to i32
    %cond3A_47 = arith.constant 0 : i32
    %cond3A_48 = arith.cmpi ne, %convert_element_type3A_46, %cond3A_47 : i32
    scf.if %cond3A_48 {
      %dma_start3A = arith.constant 3584 : i32
      %dma_start3A_169 = arith.constant 0 : i32
      %dma_start3A_170 = tpu.memref_slice %arg13[%dma_start3A, %dma_start3A_169] : memref<4096x16xf32, #tpu.memory_space<vmem>> -> memref<128x16xf32, #tpu.memory_space<vmem>>
      %dma_start3A_171 = arith.constant 3584 : i32
      %dma_start3A_172 = tpu.memref_slice %arg11[%dma_start3A_171] : memref<4096xi32, #tpu.memory_space<vmem>> -> memref<128xi32, #tpu.memory_space<vmem>>
      %dma_start3A_173 = arith.constant 0 : i32
      %dma_start3A_174 = arith.constant 0 : i32
      %dma_start3A_175 = tpu.memref_slice %arg3[%dma_start3A_173, %dma_start3A_174] : memref<65536x16xf32, #tpu.memory_space<hbm>> -> memref<65536x16xf32, #tpu.memory_space<hbm>>
      tpu.enqueue_indirect_dma source(%dma_start3A_175 : memref<65536x16xf32, #tpu.memory_space<hbm>>) target(%dma_start3A_170 : memref<128x16xf32, #tpu.memory_space<vmem>>) offsets(%dma_start3A_172 : memref<128xi32, #tpu.memory_space<vmem>>) semaphore(%arg14 : memref<!tpu.dma_semaphore, #tpu.memory_space<semaphore_mem>>)
      %dma_start3A_176 = arith.constant 3712 : i32
      %dma_start3A_177 = arith.constant 0 : i32
      %dma_start3A_178 = tpu.memref_slice %arg13[%dma_start3A_176, %dma_start3A_177] : memref<4096x16xf32, #tpu.memory_space<vmem>> -> memref<128x16xf32, #tpu.memory_space<vmem>>
      %dma_start3A_179 = arith.constant 3712 : i32
      %dma_start3A_180 = tpu.memref_slice %arg11[%dma_start3A_179] : memref<4096xi32, #tpu.memory_space<vmem>> -> memref<128xi32, #tpu.memory_space<vmem>>
      %dma_start3A_181 = arith.constant 0 : i32
      %dma_start3A_182 = arith.constant 0 : i32
      %dma_start3A_183 = tpu.memref_slice %arg3[%dma_start3A_181, %dma_start3A_182] : memref<65536x16xf32, #tpu.memory_space<hbm>> -> memref<65536x16xf32, #tpu.memory_space<hbm>>
      tpu.enqueue_indirect_dma source(%dma_start3A_183 : memref<65536x16xf32, #tpu.memory_space<hbm>>) target(%dma_start3A_178 : memref<128x16xf32, #tpu.memory_space<vmem>>) offsets(%dma_start3A_180 : memref<128xi32, #tpu.memory_space<vmem>>) semaphore(%arg14 : memref<!tpu.dma_semaphore, #tpu.memory_space<semaphore_mem>>)
      %dma_start3A_184 = arith.constant 3840 : i32
      %dma_start3A_185 = arith.constant 0 : i32
      %dma_start3A_186 = tpu.memref_slice %arg13[%dma_start3A_184, %dma_start3A_185] : memref<4096x16xf32, #tpu.memory_space<vmem>> -> memref<128x16xf32, #tpu.memory_space<vmem>>
      %dma_start3A_187 = arith.constant 3840 : i32
      %dma_start3A_188 = tpu.memref_slice %arg11[%dma_start3A_187] : memref<4096xi32, #tpu.memory_space<vmem>> -> memref<128xi32, #tpu.memory_space<vmem>>
      %dma_start3A_189 = arith.constant 0 : i32
      %dma_start3A_190 = arith.constant 0 : i32
      %dma_start3A_191 = tpu.memref_slice %arg3[%dma_start3A_189, %dma_start3A_190] : memref<65536x16xf32, #tpu.memory_space<hbm>> -> memref<65536x16xf32, #tpu.memory_space<hbm>>
      tpu.enqueue_indirect_dma source(%dma_start3A_191 : memref<65536x16xf32, #tpu.memory_space<hbm>>) target(%dma_start3A_186 : memref<128x16xf32, #tpu.memory_space<vmem>>) offsets(%dma_start3A_188 : memref<128xi32, #tpu.memory_space<vmem>>) semaphore(%arg14 : memref<!tpu.dma_semaphore, #tpu.memory_space<semaphore_mem>>)
      %dma_start3A_192 = arith.constant 3968 : i32
      %dma_start3A_193 = arith.constant 0 : i32
      %dma_start3A_194 = tpu.memref_slice %arg13[%dma_start3A_192, %dma_start3A_193] : memref<4096x16xf32, #tpu.memory_space<vmem>> -> memref<128x16xf32, #tpu.memory_space<vmem>>
      %dma_start3A_195 = arith.constant 3968 : i32
      %dma_start3A_196 = tpu.memref_slice %arg11[%dma_start3A_195] : memref<4096xi32, #tpu.memory_space<vmem>> -> memref<128xi32, #tpu.memory_space<vmem>>
      %dma_start3A_197 = arith.constant 0 : i32
      %dma_start3A_198 = arith.constant 0 : i32
      %dma_start3A_199 = tpu.memref_slice %arg3[%dma_start3A_197, %dma_start3A_198] : memref<65536x16xf32, #tpu.memory_space<hbm>> -> memref<65536x16xf32, #tpu.memory_space<hbm>>
      tpu.enqueue_indirect_dma source(%dma_start3A_199 : memref<65536x16xf32, #tpu.memory_space<hbm>>) target(%dma_start3A_194 : memref<128x16xf32, #tpu.memory_space<vmem>>) offsets(%dma_start3A_196 : memref<128xi32, #tpu.memory_space<vmem>>) semaphore(%arg14 : memref<!tpu.dma_semaphore, #tpu.memory_space<semaphore_mem>>)
    } else {
    }
    %gt3A_49 = arith.constant 0 : i32
    %gt3A_50 = arith.cmpi sgt, %shift_right_arithmetic3A_5, %gt3A_49 : i32
    %convert_element_type3A_51 = arith.extui %gt3A_50 : i1 to i32
    %cond3A_52 = arith.constant 0 : i32
    %cond3A_53 = arith.cmpi ne, %convert_element_type3A_51, %cond3A_52 : i32
    scf.if %cond3A_53 {
      %dma_wait3A = arith.constant 0 : i32
      %dma_wait3A_169 = arith.constant 0 : i32
      %dma_wait3A_170 = tpu.memref_slice %arg13[%dma_wait3A, %dma_wait3A_169] : memref<4096x16xf32, #tpu.memory_space<vmem>> -> memref<128x16xf32, #tpu.memory_space<vmem>>
      %dma_wait3A_171 = arith.constant 0 : i32
      %dma_wait3A_172 = arith.constant 0 : i32
      %dma_wait3A_173 = tpu.memref_slice %arg3[%dma_wait3A_171, %dma_wait3A_172] : memref<65536x16xf32, #tpu.memory_space<hbm>> -> memref<128x16xf32, #tpu.memory_space<hbm>>
      %dma_wait3A_174 = arith.constant 0 : i32
      %dma_wait3A_175 = arith.constant 0 : i32
      %dma_wait3A_176 = tpu.memref_slice %arg13[%dma_wait3A_174, %dma_wait3A_175] : memref<4096x16xf32, #tpu.memory_space<vmem>> -> memref<128x16xf32, #tpu.memory_space<vmem>>
      %dma_wait3A_177 = arith.constant 0 : i32
      %dma_wait3A_178 = arith.constant 0 : i32
      %dma_wait3A_179 = tpu.memref_slice %arg3[%dma_wait3A_177, %dma_wait3A_178] : memref<65536x16xf32, #tpu.memory_space<hbm>> -> memref<128x16xf32, #tpu.memory_space<hbm>>
      tpu.wait_dma2 semaphore(%arg14 : memref<!tpu.dma_semaphore, #tpu.memory_space<semaphore_mem>>) src(%dma_wait3A_179 : memref<128x16xf32, #tpu.memory_space<hbm>>) dst(%dma_wait3A_176 : memref<128x16xf32, #tpu.memory_space<vmem>>)
      %dma_wait3A_180 = arith.constant 0 : i32
      %dma_wait3A_181 = arith.constant 0 : i32
      %dma_wait3A_182 = tpu.memref_slice %arg13[%dma_wait3A_180, %dma_wait3A_181] : memref<4096x16xf32, #tpu.memory_space<vmem>> -> memref<128x16xf32, #tpu.memory_space<vmem>>
      %dma_wait3A_183 = arith.constant 0 : i32
      %dma_wait3A_184 = arith.constant 0 : i32
      %dma_wait3A_185 = tpu.memref_slice %arg3[%dma_wait3A_183, %dma_wait3A_184] : memref<65536x16xf32, #tpu.memory_space<hbm>> -> memref<128x16xf32, #tpu.memory_space<hbm>>
      %dma_wait3A_186 = arith.constant 0 : i32
      %dma_wait3A_187 = arith.constant 0 : i32
      %dma_wait3A_188 = tpu.memref_slice %arg13[%dma_wait3A_186, %dma_wait3A_187] : memref<4096x16xf32, #tpu.memory_space<vmem>> -> memref<128x16xf32, #tpu.memory_space<vmem>>
      %dma_wait3A_189 = arith.constant 0 : i32
      %dma_wait3A_190 = arith.constant 0 : i32
      %dma_wait3A_191 = tpu.memref_slice %arg3[%dma_wait3A_189, %dma_wait3A_190] : memref<65536x16xf32, #tpu.memory_space<hbm>> -> memref<128x16xf32, #tpu.memory_space<hbm>>
      tpu.wait_dma2 semaphore(%arg14 : memref<!tpu.dma_semaphore, #tpu.memory_space<semaphore_mem>>) src(%dma_wait3A_191 : memref<128x16xf32, #tpu.memory_space<hbm>>) dst(%dma_wait3A_188 : memref<128x16xf32, #tpu.memory_space<vmem>>)
      %dma_wait3A_192 = arith.constant 0 : i32
      %dma_wait3A_193 = arith.constant 0 : i32
      %dma_wait3A_194 = tpu.memref_slice %arg13[%dma_wait3A_192, %dma_wait3A_193] : memref<4096x16xf32, #tpu.memory_space<vmem>> -> memref<128x16xf32, #tpu.memory_space<vmem>>
      %dma_wait3A_195 = arith.constant 0 : i32
      %dma_wait3A_196 = arith.constant 0 : i32
      %dma_wait3A_197 = tpu.memref_slice %arg3[%dma_wait3A_195, %dma_wait3A_196] : memref<65536x16xf32, #tpu.memory_space<hbm>> -> memref<128x16xf32, #tpu.memory_space<hbm>>
      %dma_wait3A_198 = arith.constant 0 : i32
      %dma_wait3A_199 = arith.constant 0 : i32
      %dma_wait3A_200 = tpu.memref_slice %arg13[%dma_wait3A_198, %dma_wait3A_199] : memref<4096x16xf32, #tpu.memory_space<vmem>> -> memref<128x16xf32, #tpu.memory_space<vmem>>
      %dma_wait3A_201 = arith.constant 0 : i32
      %dma_wait3A_202 = arith.constant 0 : i32
      %dma_wait3A_203 = tpu.memref_slice %arg3[%dma_wait3A_201, %dma_wait3A_202] : memref<65536x16xf32, #tpu.memory_space<hbm>> -> memref<128x16xf32, #tpu.memory_space<hbm>>
      tpu.wait_dma2 semaphore(%arg14 : memref<!tpu.dma_semaphore, #tpu.memory_space<semaphore_mem>>) src(%dma_wait3A_203 : memref<128x16xf32, #tpu.memory_space<hbm>>) dst(%dma_wait3A_200 : memref<128x16xf32, #tpu.memory_space<vmem>>)
      %dma_wait3A_204 = arith.constant 0 : i32
      %dma_wait3A_205 = arith.constant 0 : i32
      %dma_wait3A_206 = tpu.memref_slice %arg13[%dma_wait3A_204, %dma_wait3A_205] : memref<4096x16xf32, #tpu.memory_space<vmem>> -> memref<128x16xf32, #tpu.memory_space<vmem>>
      %dma_wait3A_207 = arith.constant 0 : i32
      %dma_wait3A_208 = arith.constant 0 : i32
      %dma_wait3A_209 = tpu.memref_slice %arg3[%dma_wait3A_207, %dma_wait3A_208] : memref<65536x16xf32, #tpu.memory_space<hbm>> -> memref<128x16xf32, #tpu.memory_space<hbm>>
      %dma_wait3A_210 = arith.constant 0 : i32
      %dma_wait3A_211 = arith.constant 0 : i32
      %dma_wait3A_212 = tpu.memref_slice %arg13[%dma_wait3A_210, %dma_wait3A_211] : memref<4096x16xf32, #tpu.memory_space<vmem>> -> memref<128x16xf32, #tpu.memory_space<vmem>>
      %dma_wait3A_213 = arith.constant 0 : i32
      %dma_wait3A_214 = arith.constant 0 : i32
      %dma_wait3A_215 = tpu.memref_slice %arg3[%dma_wait3A_213, %dma_wait3A_214] : memref<65536x16xf32, #tpu.memory_space<hbm>> -> memref<128x16xf32, #tpu.memory_space<hbm>>
      tpu.wait_dma2 semaphore(%arg14 : memref<!tpu.dma_semaphore, #tpu.memory_space<semaphore_mem>>) src(%dma_wait3A_215 : memref<128x16xf32, #tpu.memory_space<hbm>>) dst(%dma_wait3A_212 : memref<128x16xf32, #tpu.memory_space<vmem>>)
    } else {
    }
    %gt3A_54 = arith.constant 128 : i32
    %gt3A_55 = arith.cmpi sgt, %shift_right_arithmetic3A_5, %gt3A_54 : i32
    %convert_element_type3A_56 = arith.extui %gt3A_55 : i1 to i32
    %cond3A_57 = arith.constant 0 : i32
    %cond3A_58 = arith.cmpi ne, %convert_element_type3A_56, %cond3A_57 : i32
    scf.if %cond3A_58 {
      %dma_wait3A = arith.constant 0 : i32
      %dma_wait3A_169 = arith.constant 0 : i32
      %dma_wait3A_170 = tpu.memref_slice %arg13[%dma_wait3A, %dma_wait3A_169] : memref<4096x16xf32, #tpu.memory_space<vmem>> -> memref<128x16xf32, #tpu.memory_space<vmem>>
      %dma_wait3A_171 = arith.constant 0 : i32
      %dma_wait3A_172 = arith.constant 0 : i32
      %dma_wait3A_173 = tpu.memref_slice %arg3[%dma_wait3A_171, %dma_wait3A_172] : memref<65536x16xf32, #tpu.memory_space<hbm>> -> memref<128x16xf32, #tpu.memory_space<hbm>>
      %dma_wait3A_174 = arith.constant 0 : i32
      %dma_wait3A_175 = arith.constant 0 : i32
      %dma_wait3A_176 = tpu.memref_slice %arg13[%dma_wait3A_174, %dma_wait3A_175] : memref<4096x16xf32, #tpu.memory_space<vmem>> -> memref<128x16xf32, #tpu.memory_space<vmem>>
      %dma_wait3A_177 = arith.constant 0 : i32
      %dma_wait3A_178 = arith.constant 0 : i32
      %dma_wait3A_179 = tpu.memref_slice %arg3[%dma_wait3A_177, %dma_wait3A_178] : memref<65536x16xf32, #tpu.memory_space<hbm>> -> memref<128x16xf32, #tpu.memory_space<hbm>>
      tpu.wait_dma2 semaphore(%arg14 : memref<!tpu.dma_semaphore, #tpu.memory_space<semaphore_mem>>) src(%dma_wait3A_179 : memref<128x16xf32, #tpu.memory_space<hbm>>) dst(%dma_wait3A_176 : memref<128x16xf32, #tpu.memory_space<vmem>>)
      %dma_wait3A_180 = arith.constant 0 : i32
      %dma_wait3A_181 = arith.constant 0 : i32
      %dma_wait3A_182 = tpu.memref_slice %arg13[%dma_wait3A_180, %dma_wait3A_181] : memref<4096x16xf32, #tpu.memory_space<vmem>> -> memref<128x16xf32, #tpu.memory_space<vmem>>
      %dma_wait3A_183 = arith.constant 0 : i32
      %dma_wait3A_184 = arith.constant 0 : i32
      %dma_wait3A_185 = tpu.memref_slice %arg3[%dma_wait3A_183, %dma_wait3A_184] : memref<65536x16xf32, #tpu.memory_space<hbm>> -> memref<128x16xf32, #tpu.memory_space<hbm>>
      %dma_wait3A_186 = arith.constant 0 : i32
      %dma_wait3A_187 = arith.constant 0 : i32
      %dma_wait3A_188 = tpu.memref_slice %arg13[%dma_wait3A_186, %dma_wait3A_187] : memref<4096x16xf32, #tpu.memory_space<vmem>> -> memref<128x16xf32, #tpu.memory_space<vmem>>
      %dma_wait3A_189 = arith.constant 0 : i32
      %dma_wait3A_190 = arith.constant 0 : i32
      %dma_wait3A_191 = tpu.memref_slice %arg3[%dma_wait3A_189, %dma_wait3A_190] : memref<65536x16xf32, #tpu.memory_space<hbm>> -> memref<128x16xf32, #tpu.memory_space<hbm>>
      tpu.wait_dma2 semaphore(%arg14 : memref<!tpu.dma_semaphore, #tpu.memory_space<semaphore_mem>>) src(%dma_wait3A_191 : memref<128x16xf32, #tpu.memory_space<hbm>>) dst(%dma_wait3A_188 : memref<128x16xf32, #tpu.memory_space<vmem>>)
      %dma_wait3A_192 = arith.constant 0 : i32
      %dma_wait3A_193 = arith.constant 0 : i32
      %dma_wait3A_194 = tpu.memref_slice %arg13[%dma_wait3A_192, %dma_wait3A_193] : memref<4096x16xf32, #tpu.memory_space<vmem>> -> memref<128x16xf32, #tpu.memory_space<vmem>>
      %dma_wait3A_195 = arith.constant 0 : i32
      %dma_wait3A_196 = arith.constant 0 : i32
      %dma_wait3A_197 = tpu.memref_slice %arg3[%dma_wait3A_195, %dma_wait3A_196] : memref<65536x16xf32, #tpu.memory_space<hbm>> -> memref<128x16xf32, #tpu.memory_space<hbm>>
      %dma_wait3A_198 = arith.constant 0 : i32
      %dma_wait3A_199 = arith.constant 0 : i32
      %dma_wait3A_200 = tpu.memref_slice %arg13[%dma_wait3A_198, %dma_wait3A_199] : memref<4096x16xf32, #tpu.memory_space<vmem>> -> memref<128x16xf32, #tpu.memory_space<vmem>>
      %dma_wait3A_201 = arith.constant 0 : i32
      %dma_wait3A_202 = arith.constant 0 : i32
      %dma_wait3A_203 = tpu.memref_slice %arg3[%dma_wait3A_201, %dma_wait3A_202] : memref<65536x16xf32, #tpu.memory_space<hbm>> -> memref<128x16xf32, #tpu.memory_space<hbm>>
      tpu.wait_dma2 semaphore(%arg14 : memref<!tpu.dma_semaphore, #tpu.memory_space<semaphore_mem>>) src(%dma_wait3A_203 : memref<128x16xf32, #tpu.memory_space<hbm>>) dst(%dma_wait3A_200 : memref<128x16xf32, #tpu.memory_space<vmem>>)
      %dma_wait3A_204 = arith.constant 0 : i32
      %dma_wait3A_205 = arith.constant 0 : i32
      %dma_wait3A_206 = tpu.memref_slice %arg13[%dma_wait3A_204, %dma_wait3A_205] : memref<4096x16xf32, #tpu.memory_space<vmem>> -> memref<128x16xf32, #tpu.memory_space<vmem>>
      %dma_wait3A_207 = arith.constant 0 : i32
      %dma_wait3A_208 = arith.constant 0 : i32
      %dma_wait3A_209 = tpu.memref_slice %arg3[%dma_wait3A_207, %dma_wait3A_208] : memref<65536x16xf32, #tpu.memory_space<hbm>> -> memref<128x16xf32, #tpu.memory_space<hbm>>
      %dma_wait3A_210 = arith.constant 0 : i32
      %dma_wait3A_211 = arith.constant 0 : i32
      %dma_wait3A_212 = tpu.memref_slice %arg13[%dma_wait3A_210, %dma_wait3A_211] : memref<4096x16xf32, #tpu.memory_space<vmem>> -> memref<128x16xf32, #tpu.memory_space<vmem>>
      %dma_wait3A_213 = arith.constant 0 : i32
      %dma_wait3A_214 = arith.constant 0 : i32
      %dma_wait3A_215 = tpu.memref_slice %arg3[%dma_wait3A_213, %dma_wait3A_214] : memref<65536x16xf32, #tpu.memory_space<hbm>> -> memref<128x16xf32, #tpu.memory_space<hbm>>
      tpu.wait_dma2 semaphore(%arg14 : memref<!tpu.dma_semaphore, #tpu.memory_space<semaphore_mem>>) src(%dma_wait3A_215 : memref<128x16xf32, #tpu.memory_space<hbm>>) dst(%dma_wait3A_212 : memref<128x16xf32, #tpu.memory_space<vmem>>)
    } else {
    }
    %gt3A_59 = arith.constant 256 : i32
    %gt3A_60 = arith.cmpi sgt, %shift_right_arithmetic3A_5, %gt3A_59 : i32
    %convert_element_type3A_61 = arith.extui %gt3A_60 : i1 to i32
    %cond3A_62 = arith.constant 0 : i32
    %cond3A_63 = arith.cmpi ne, %convert_element_type3A_61, %cond3A_62 : i32
    scf.if %cond3A_63 {
      %dma_wait3A = arith.constant 0 : i32
      %dma_wait3A_169 = arith.constant 0 : i32
      %dma_wait3A_170 = tpu.memref_slice %arg13[%dma_wait3A, %dma_wait3A_169] : memref<4096x16xf32, #tpu.memory_space<vmem>> -> memref<128x16xf32, #tpu.memory_space<vmem>>
      %dma_wait3A_171 = arith.constant 0 : i32
      %dma_wait3A_172 = arith.constant 0 : i32
      %dma_wait3A_173 = tpu.memref_slice %arg3[%dma_wait3A_171, %dma_wait3A_172] : memref<65536x16xf32, #tpu.memory_space<hbm>> -> memref<128x16xf32, #tpu.memory_space<hbm>>
      %dma_wait3A_174 = arith.constant 0 : i32
      %dma_wait3A_175 = arith.constant 0 : i32
      %dma_wait3A_176 = tpu.memref_slice %arg13[%dma_wait3A_174, %dma_wait3A_175] : memref<4096x16xf32, #tpu.memory_space<vmem>> -> memref<128x16xf32, #tpu.memory_space<vmem>>
      %dma_wait3A_177 = arith.constant 0 : i32
      %dma_wait3A_178 = arith.constant 0 : i32
      %dma_wait3A_179 = tpu.memref_slice %arg3[%dma_wait3A_177, %dma_wait3A_178] : memref<65536x16xf32, #tpu.memory_space<hbm>> -> memref<128x16xf32, #tpu.memory_space<hbm>>
      tpu.wait_dma2 semaphore(%arg14 : memref<!tpu.dma_semaphore, #tpu.memory_space<semaphore_mem>>) src(%dma_wait3A_179 : memref<128x16xf32, #tpu.memory_space<hbm>>) dst(%dma_wait3A_176 : memref<128x16xf32, #tpu.memory_space<vmem>>)
      %dma_wait3A_180 = arith.constant 0 : i32
      %dma_wait3A_181 = arith.constant 0 : i32
      %dma_wait3A_182 = tpu.memref_slice %arg13[%dma_wait3A_180, %dma_wait3A_181] : memref<4096x16xf32, #tpu.memory_space<vmem>> -> memref<128x16xf32, #tpu.memory_space<vmem>>
      %dma_wait3A_183 = arith.constant 0 : i32
      %dma_wait3A_184 = arith.constant 0 : i32
      %dma_wait3A_185 = tpu.memref_slice %arg3[%dma_wait3A_183, %dma_wait3A_184] : memref<65536x16xf32, #tpu.memory_space<hbm>> -> memref<128x16xf32, #tpu.memory_space<hbm>>
      %dma_wait3A_186 = arith.constant 0 : i32
      %dma_wait3A_187 = arith.constant 0 : i32
      %dma_wait3A_188 = tpu.memref_slice %arg13[%dma_wait3A_186, %dma_wait3A_187] : memref<4096x16xf32, #tpu.memory_space<vmem>> -> memref<128x16xf32, #tpu.memory_space<vmem>>
      %dma_wait3A_189 = arith.constant 0 : i32
      %dma_wait3A_190 = arith.constant 0 : i32
      %dma_wait3A_191 = tpu.memref_slice %arg3[%dma_wait3A_189, %dma_wait3A_190] : memref<65536x16xf32, #tpu.memory_space<hbm>> -> memref<128x16xf32, #tpu.memory_space<hbm>>
      tpu.wait_dma2 semaphore(%arg14 : memref<!tpu.dma_semaphore, #tpu.memory_space<semaphore_mem>>) src(%dma_wait3A_191 : memref<128x16xf32, #tpu.memory_space<hbm>>) dst(%dma_wait3A_188 : memref<128x16xf32, #tpu.memory_space<vmem>>)
      %dma_wait3A_192 = arith.constant 0 : i32
      %dma_wait3A_193 = arith.constant 0 : i32
      %dma_wait3A_194 = tpu.memref_slice %arg13[%dma_wait3A_192, %dma_wait3A_193] : memref<4096x16xf32, #tpu.memory_space<vmem>> -> memref<128x16xf32, #tpu.memory_space<vmem>>
      %dma_wait3A_195 = arith.constant 0 : i32
      %dma_wait3A_196 = arith.constant 0 : i32
      %dma_wait3A_197 = tpu.memref_slice %arg3[%dma_wait3A_195, %dma_wait3A_196] : memref<65536x16xf32, #tpu.memory_space<hbm>> -> memref<128x16xf32, #tpu.memory_space<hbm>>
      %dma_wait3A_198 = arith.constant 0 : i32
      %dma_wait3A_199 = arith.constant 0 : i32
      %dma_wait3A_200 = tpu.memref_slice %arg13[%dma_wait3A_198, %dma_wait3A_199] : memref<4096x16xf32, #tpu.memory_space<vmem>> -> memref<128x16xf32, #tpu.memory_space<vmem>>
      %dma_wait3A_201 = arith.constant 0 : i32
      %dma_wait3A_202 = arith.constant 0 : i32
      %dma_wait3A_203 = tpu.memref_slice %arg3[%dma_wait3A_201, %dma_wait3A_202] : memref<65536x16xf32, #tpu.memory_space<hbm>> -> memref<128x16xf32, #tpu.memory_space<hbm>>
      tpu.wait_dma2 semaphore(%arg14 : memref<!tpu.dma_semaphore, #tpu.memory_space<semaphore_mem>>) src(%dma_wait3A_203 : memref<128x16xf32, #tpu.memory_space<hbm>>) dst(%dma_wait3A_200 : memref<128x16xf32, #tpu.memory_space<vmem>>)
      %dma_wait3A_204 = arith.constant 0 : i32
      %dma_wait3A_205 = arith.constant 0 : i32
      %dma_wait3A_206 = tpu.memref_slice %arg13[%dma_wait3A_204, %dma_wait3A_205] : memref<4096x16xf32, #tpu.memory_space<vmem>> -> memref<128x16xf32, #tpu.memory_space<vmem>>
      %dma_wait3A_207 = arith.constant 0 : i32
      %dma_wait3A_208 = arith.constant 0 : i32
      %dma_wait3A_209 = tpu.memref_slice %arg3[%dma_wait3A_207, %dma_wait3A_208] : memref<65536x16xf32, #tpu.memory_space<hbm>> -> memref<128x16xf32, #tpu.memory_space<hbm>>
      %dma_wait3A_210 = arith.constant 0 : i32
      %dma_wait3A_211 = arith.constant 0 : i32
      %dma_wait3A_212 = tpu.memref_slice %arg13[%dma_wait3A_210, %dma_wait3A_211] : memref<4096x16xf32, #tpu.memory_space<vmem>> -> memref<128x16xf32, #tpu.memory_space<vmem>>
      %dma_wait3A_213 = arith.constant 0 : i32
      %dma_wait3A_214 = arith.constant 0 : i32
      %dma_wait3A_215 = tpu.memref_slice %arg3[%dma_wait3A_213, %dma_wait3A_214] : memref<65536x16xf32, #tpu.memory_space<hbm>> -> memref<128x16xf32, #tpu.memory_space<hbm>>
      tpu.wait_dma2 semaphore(%arg14 : memref<!tpu.dma_semaphore, #tpu.memory_space<semaphore_mem>>) src(%dma_wait3A_215 : memref<128x16xf32, #tpu.memory_space<hbm>>) dst(%dma_wait3A_212 : memref<128x16xf32, #tpu.memory_space<vmem>>)
    } else {
    }
    %gt3A_64 = arith.constant 384 : i32
    %gt3A_65 = arith.cmpi sgt, %shift_right_arithmetic3A_5, %gt3A_64 : i32
    %convert_element_type3A_66 = arith.extui %gt3A_65 : i1 to i32
    %cond3A_67 = arith.constant 0 : i32
    %cond3A_68 = arith.cmpi ne, %convert_element_type3A_66, %cond3A_67 : i32
    scf.if %cond3A_68 {
      %dma_wait3A = arith.constant 0 : i32
      %dma_wait3A_169 = arith.constant 0 : i32
      %dma_wait3A_170 = tpu.memref_slice %arg13[%dma_wait3A, %dma_wait3A_169] : memref<4096x16xf32, #tpu.memory_space<vmem>> -> memref<128x16xf32, #tpu.memory_space<vmem>>
      %dma_wait3A_171 = arith.constant 0 : i32
      %dma_wait3A_172 = arith.constant 0 : i32
      %dma_wait3A_173 = tpu.memref_slice %arg3[%dma_wait3A_171, %dma_wait3A_172] : memref<65536x16xf32, #tpu.memory_space<hbm>> -> memref<128x16xf32, #tpu.memory_space<hbm>>
      %dma_wait3A_174 = arith.constant 0 : i32
      %dma_wait3A_175 = arith.constant 0 : i32
      %dma_wait3A_176 = tpu.memref_slice %arg13[%dma_wait3A_174, %dma_wait3A_175] : memref<4096x16xf32, #tpu.memory_space<vmem>> -> memref<128x16xf32, #tpu.memory_space<vmem>>
      %dma_wait3A_177 = arith.constant 0 : i32
      %dma_wait3A_178 = arith.constant 0 : i32
      %dma_wait3A_179 = tpu.memref_slice %arg3[%dma_wait3A_177, %dma_wait3A_178] : memref<65536x16xf32, #tpu.memory_space<hbm>> -> memref<128x16xf32, #tpu.memory_space<hbm>>
      tpu.wait_dma2 semaphore(%arg14 : memref<!tpu.dma_semaphore, #tpu.memory_space<semaphore_mem>>) src(%dma_wait3A_179 : memref<128x16xf32, #tpu.memory_space<hbm>>) dst(%dma_wait3A_176 : memref<128x16xf32, #tpu.memory_space<vmem>>)
      %dma_wait3A_180 = arith.constant 0 : i32
      %dma_wait3A_181 = arith.constant 0 : i32
      %dma_wait3A_182 = tpu.memref_slice %arg13[%dma_wait3A_180, %dma_wait3A_181] : memref<4096x16xf32, #tpu.memory_space<vmem>> -> memref<128x16xf32, #tpu.memory_space<vmem>>
      %dma_wait3A_183 = arith.constant 0 : i32
      %dma_wait3A_184 = arith.constant 0 : i32
      %dma_wait3A_185 = tpu.memref_slice %arg3[%dma_wait3A_183, %dma_wait3A_184] : memref<65536x16xf32, #tpu.memory_space<hbm>> -> memref<128x16xf32, #tpu.memory_space<hbm>>
      %dma_wait3A_186 = arith.constant 0 : i32
      %dma_wait3A_187 = arith.constant 0 : i32
      %dma_wait3A_188 = tpu.memref_slice %arg13[%dma_wait3A_186, %dma_wait3A_187] : memref<4096x16xf32, #tpu.memory_space<vmem>> -> memref<128x16xf32, #tpu.memory_space<vmem>>
      %dma_wait3A_189 = arith.constant 0 : i32
      %dma_wait3A_190 = arith.constant 0 : i32
      %dma_wait3A_191 = tpu.memref_slice %arg3[%dma_wait3A_189, %dma_wait3A_190] : memref<65536x16xf32, #tpu.memory_space<hbm>> -> memref<128x16xf32, #tpu.memory_space<hbm>>
      tpu.wait_dma2 semaphore(%arg14 : memref<!tpu.dma_semaphore, #tpu.memory_space<semaphore_mem>>) src(%dma_wait3A_191 : memref<128x16xf32, #tpu.memory_space<hbm>>) dst(%dma_wait3A_188 : memref<128x16xf32, #tpu.memory_space<vmem>>)
      %dma_wait3A_192 = arith.constant 0 : i32
      %dma_wait3A_193 = arith.constant 0 : i32
      %dma_wait3A_194 = tpu.memref_slice %arg13[%dma_wait3A_192, %dma_wait3A_193] : memref<4096x16xf32, #tpu.memory_space<vmem>> -> memref<128x16xf32, #tpu.memory_space<vmem>>
      %dma_wait3A_195 = arith.constant 0 : i32
      %dma_wait3A_196 = arith.constant 0 : i32
      %dma_wait3A_197 = tpu.memref_slice %arg3[%dma_wait3A_195, %dma_wait3A_196] : memref<65536x16xf32, #tpu.memory_space<hbm>> -> memref<128x16xf32, #tpu.memory_space<hbm>>
      %dma_wait3A_198 = arith.constant 0 : i32
      %dma_wait3A_199 = arith.constant 0 : i32
      %dma_wait3A_200 = tpu.memref_slice %arg13[%dma_wait3A_198, %dma_wait3A_199] : memref<4096x16xf32, #tpu.memory_space<vmem>> -> memref<128x16xf32, #tpu.memory_space<vmem>>
      %dma_wait3A_201 = arith.constant 0 : i32
      %dma_wait3A_202 = arith.constant 0 : i32
      %dma_wait3A_203 = tpu.memref_slice %arg3[%dma_wait3A_201, %dma_wait3A_202] : memref<65536x16xf32, #tpu.memory_space<hbm>> -> memref<128x16xf32, #tpu.memory_space<hbm>>
      tpu.wait_dma2 semaphore(%arg14 : memref<!tpu.dma_semaphore, #tpu.memory_space<semaphore_mem>>) src(%dma_wait3A_203 : memref<128x16xf32, #tpu.memory_space<hbm>>) dst(%dma_wait3A_200 : memref<128x16xf32, #tpu.memory_space<vmem>>)
      %dma_wait3A_204 = arith.constant 0 : i32
      %dma_wait3A_205 = arith.constant 0 : i32
      %dma_wait3A_206 = tpu.memref_slice %arg13[%dma_wait3A_204, %dma_wait3A_205] : memref<4096x16xf32, #tpu.memory_space<vmem>> -> memref<128x16xf32, #tpu.memory_space<vmem>>
      %dma_wait3A_207 = arith.constant 0 : i32
      %dma_wait3A_208 = arith.constant 0 : i32
      %dma_wait3A_209 = tpu.memref_slice %arg3[%dma_wait3A_207, %dma_wait3A_208] : memref<65536x16xf32, #tpu.memory_space<hbm>> -> memref<128x16xf32, #tpu.memory_space<hbm>>
      %dma_wait3A_210 = arith.constant 0 : i32
      %dma_wait3A_211 = arith.constant 0 : i32
      %dma_wait3A_212 = tpu.memref_slice %arg13[%dma_wait3A_210, %dma_wait3A_211] : memref<4096x16xf32, #tpu.memory_space<vmem>> -> memref<128x16xf32, #tpu.memory_space<vmem>>
      %dma_wait3A_213 = arith.constant 0 : i32
      %dma_wait3A_214 = arith.constant 0 : i32
      %dma_wait3A_215 = tpu.memref_slice %arg3[%dma_wait3A_213, %dma_wait3A_214] : memref<65536x16xf32, #tpu.memory_space<hbm>> -> memref<128x16xf32, #tpu.memory_space<hbm>>
      tpu.wait_dma2 semaphore(%arg14 : memref<!tpu.dma_semaphore, #tpu.memory_space<semaphore_mem>>) src(%dma_wait3A_215 : memref<128x16xf32, #tpu.memory_space<hbm>>) dst(%dma_wait3A_212 : memref<128x16xf32, #tpu.memory_space<vmem>>)
    } else {
    }
    %gt3A_69 = arith.constant 512 : i32
    %gt3A_70 = arith.cmpi sgt, %shift_right_arithmetic3A_5, %gt3A_69 : i32
    %convert_element_type3A_71 = arith.extui %gt3A_70 : i1 to i32
    %cond3A_72 = arith.constant 0 : i32
    %cond3A_73 = arith.cmpi ne, %convert_element_type3A_71, %cond3A_72 : i32
    scf.if %cond3A_73 {
      %dma_wait3A = arith.constant 0 : i32
      %dma_wait3A_169 = arith.constant 0 : i32
      %dma_wait3A_170 = tpu.memref_slice %arg13[%dma_wait3A, %dma_wait3A_169] : memref<4096x16xf32, #tpu.memory_space<vmem>> -> memref<128x16xf32, #tpu.memory_space<vmem>>
      %dma_wait3A_171 = arith.constant 0 : i32
      %dma_wait3A_172 = arith.constant 0 : i32
      %dma_wait3A_173 = tpu.memref_slice %arg3[%dma_wait3A_171, %dma_wait3A_172] : memref<65536x16xf32, #tpu.memory_space<hbm>> -> memref<128x16xf32, #tpu.memory_space<hbm>>
      %dma_wait3A_174 = arith.constant 0 : i32
      %dma_wait3A_175 = arith.constant 0 : i32
      %dma_wait3A_176 = tpu.memref_slice %arg13[%dma_wait3A_174, %dma_wait3A_175] : memref<4096x16xf32, #tpu.memory_space<vmem>> -> memref<128x16xf32, #tpu.memory_space<vmem>>
      %dma_wait3A_177 = arith.constant 0 : i32
      %dma_wait3A_178 = arith.constant 0 : i32
      %dma_wait3A_179 = tpu.memref_slice %arg3[%dma_wait3A_177, %dma_wait3A_178] : memref<65536x16xf32, #tpu.memory_space<hbm>> -> memref<128x16xf32, #tpu.memory_space<hbm>>
      tpu.wait_dma2 semaphore(%arg14 : memref<!tpu.dma_semaphore, #tpu.memory_space<semaphore_mem>>) src(%dma_wait3A_179 : memref<128x16xf32, #tpu.memory_space<hbm>>) dst(%dma_wait3A_176 : memref<128x16xf32, #tpu.memory_space<vmem>>)
      %dma_wait3A_180 = arith.constant 0 : i32
      %dma_wait3A_181 = arith.constant 0 : i32
      %dma_wait3A_182 = tpu.memref_slice %arg13[%dma_wait3A_180, %dma_wait3A_181] : memref<4096x16xf32, #tpu.memory_space<vmem>> -> memref<128x16xf32, #tpu.memory_space<vmem>>
      %dma_wait3A_183 = arith.constant 0 : i32
      %dma_wait3A_184 = arith.constant 0 : i32
      %dma_wait3A_185 = tpu.memref_slice %arg3[%dma_wait3A_183, %dma_wait3A_184] : memref<65536x16xf32, #tpu.memory_space<hbm>> -> memref<128x16xf32, #tpu.memory_space<hbm>>
      %dma_wait3A_186 = arith.constant 0 : i32
      %dma_wait3A_187 = arith.constant 0 : i32
      %dma_wait3A_188 = tpu.memref_slice %arg13[%dma_wait3A_186, %dma_wait3A_187] : memref<4096x16xf32, #tpu.memory_space<vmem>> -> memref<128x16xf32, #tpu.memory_space<vmem>>
      %dma_wait3A_189 = arith.constant 0 : i32
      %dma_wait3A_190 = arith.constant 0 : i32
      %dma_wait3A_191 = tpu.memref_slice %arg3[%dma_wait3A_189, %dma_wait3A_190] : memref<65536x16xf32, #tpu.memory_space<hbm>> -> memref<128x16xf32, #tpu.memory_space<hbm>>
      tpu.wait_dma2 semaphore(%arg14 : memref<!tpu.dma_semaphore, #tpu.memory_space<semaphore_mem>>) src(%dma_wait3A_191 : memref<128x16xf32, #tpu.memory_space<hbm>>) dst(%dma_wait3A_188 : memref<128x16xf32, #tpu.memory_space<vmem>>)
      %dma_wait3A_192 = arith.constant 0 : i32
      %dma_wait3A_193 = arith.constant 0 : i32
      %dma_wait3A_194 = tpu.memref_slice %arg13[%dma_wait3A_192, %dma_wait3A_193] : memref<4096x16xf32, #tpu.memory_space<vmem>> -> memref<128x16xf32, #tpu.memory_space<vmem>>
      %dma_wait3A_195 = arith.constant 0 : i32
      %dma_wait3A_196 = arith.constant 0 : i32
      %dma_wait3A_197 = tpu.memref_slice %arg3[%dma_wait3A_195, %dma_wait3A_196] : memref<65536x16xf32, #tpu.memory_space<hbm>> -> memref<128x16xf32, #tpu.memory_space<hbm>>
      %dma_wait3A_198 = arith.constant 0 : i32
      %dma_wait3A_199 = arith.constant 0 : i32
      %dma_wait3A_200 = tpu.memref_slice %arg13[%dma_wait3A_198, %dma_wait3A_199] : memref<4096x16xf32, #tpu.memory_space<vmem>> -> memref<128x16xf32, #tpu.memory_space<vmem>>
      %dma_wait3A_201 = arith.constant 0 : i32
      %dma_wait3A_202 = arith.constant 0 : i32
      %dma_wait3A_203 = tpu.memref_slice %arg3[%dma_wait3A_201, %dma_wait3A_202] : memref<65536x16xf32, #tpu.memory_space<hbm>> -> memref<128x16xf32, #tpu.memory_space<hbm>>
      tpu.wait_dma2 semaphore(%arg14 : memref<!tpu.dma_semaphore, #tpu.memory_space<semaphore_mem>>) src(%dma_wait3A_203 : memref<128x16xf32, #tpu.memory_space<hbm>>) dst(%dma_wait3A_200 : memref<128x16xf32, #tpu.memory_space<vmem>>)
      %dma_wait3A_204 = arith.constant 0 : i32
      %dma_wait3A_205 = arith.constant 0 : i32
      %dma_wait3A_206 = tpu.memref_slice %arg13[%dma_wait3A_204, %dma_wait3A_205] : memref<4096x16xf32, #tpu.memory_space<vmem>> -> memref<128x16xf32, #tpu.memory_space<vmem>>
      %dma_wait3A_207 = arith.constant 0 : i32
      %dma_wait3A_208 = arith.constant 0 : i32
      %dma_wait3A_209 = tpu.memref_slice %arg3[%dma_wait3A_207, %dma_wait3A_208] : memref<65536x16xf32, #tpu.memory_space<hbm>> -> memref<128x16xf32, #tpu.memory_space<hbm>>
      %dma_wait3A_210 = arith.constant 0 : i32
      %dma_wait3A_211 = arith.constant 0 : i32
      %dma_wait3A_212 = tpu.memref_slice %arg13[%dma_wait3A_210, %dma_wait3A_211] : memref<4096x16xf32, #tpu.memory_space<vmem>> -> memref<128x16xf32, #tpu.memory_space<vmem>>
      %dma_wait3A_213 = arith.constant 0 : i32
      %dma_wait3A_214 = arith.constant 0 : i32
      %dma_wait3A_215 = tpu.memref_slice %arg3[%dma_wait3A_213, %dma_wait3A_214] : memref<65536x16xf32, #tpu.memory_space<hbm>> -> memref<128x16xf32, #tpu.memory_space<hbm>>
      tpu.wait_dma2 semaphore(%arg14 : memref<!tpu.dma_semaphore, #tpu.memory_space<semaphore_mem>>) src(%dma_wait3A_215 : memref<128x16xf32, #tpu.memory_space<hbm>>) dst(%dma_wait3A_212 : memref<128x16xf32, #tpu.memory_space<vmem>>)
    } else {
    }
    %gt3A_74 = arith.constant 640 : i32
    %gt3A_75 = arith.cmpi sgt, %shift_right_arithmetic3A_5, %gt3A_74 : i32
    %convert_element_type3A_76 = arith.extui %gt3A_75 : i1 to i32
    %cond3A_77 = arith.constant 0 : i32
    %cond3A_78 = arith.cmpi ne, %convert_element_type3A_76, %cond3A_77 : i32
    scf.if %cond3A_78 {
      %dma_wait3A = arith.constant 0 : i32
      %dma_wait3A_169 = arith.constant 0 : i32
      %dma_wait3A_170 = tpu.memref_slice %arg13[%dma_wait3A, %dma_wait3A_169] : memref<4096x16xf32, #tpu.memory_space<vmem>> -> memref<128x16xf32, #tpu.memory_space<vmem>>
      %dma_wait3A_171 = arith.constant 0 : i32
      %dma_wait3A_172 = arith.constant 0 : i32
      %dma_wait3A_173 = tpu.memref_slice %arg3[%dma_wait3A_171, %dma_wait3A_172] : memref<65536x16xf32, #tpu.memory_space<hbm>> -> memref<128x16xf32, #tpu.memory_space<hbm>>
      %dma_wait3A_174 = arith.constant 0 : i32
      %dma_wait3A_175 = arith.constant 0 : i32
      %dma_wait3A_176 = tpu.memref_slice %arg13[%dma_wait3A_174, %dma_wait3A_175] : memref<4096x16xf32, #tpu.memory_space<vmem>> -> memref<128x16xf32, #tpu.memory_space<vmem>>
      %dma_wait3A_177 = arith.constant 0 : i32
      %dma_wait3A_178 = arith.constant 0 : i32
      %dma_wait3A_179 = tpu.memref_slice %arg3[%dma_wait3A_177, %dma_wait3A_178] : memref<65536x16xf32, #tpu.memory_space<hbm>> -> memref<128x16xf32, #tpu.memory_space<hbm>>
      tpu.wait_dma2 semaphore(%arg14 : memref<!tpu.dma_semaphore, #tpu.memory_space<semaphore_mem>>) src(%dma_wait3A_179 : memref<128x16xf32, #tpu.memory_space<hbm>>) dst(%dma_wait3A_176 : memref<128x16xf32, #tpu.memory_space<vmem>>)
      %dma_wait3A_180 = arith.constant 0 : i32
      %dma_wait3A_181 = arith.constant 0 : i32
      %dma_wait3A_182 = tpu.memref_slice %arg13[%dma_wait3A_180, %dma_wait3A_181] : memref<4096x16xf32, #tpu.memory_space<vmem>> -> memref<128x16xf32, #tpu.memory_space<vmem>>
      %dma_wait3A_183 = arith.constant 0 : i32
      %dma_wait3A_184 = arith.constant 0 : i32
      %dma_wait3A_185 = tpu.memref_slice %arg3[%dma_wait3A_183, %dma_wait3A_184] : memref<65536x16xf32, #tpu.memory_space<hbm>> -> memref<128x16xf32, #tpu.memory_space<hbm>>
      %dma_wait3A_186 = arith.constant 0 : i32
      %dma_wait3A_187 = arith.constant 0 : i32
      %dma_wait3A_188 = tpu.memref_slice %arg13[%dma_wait3A_186, %dma_wait3A_187] : memref<4096x16xf32, #tpu.memory_space<vmem>> -> memref<128x16xf32, #tpu.memory_space<vmem>>
      %dma_wait3A_189 = arith.constant 0 : i32
      %dma_wait3A_190 = arith.constant 0 : i32
      %dma_wait3A_191 = tpu.memref_slice %arg3[%dma_wait3A_189, %dma_wait3A_190] : memref<65536x16xf32, #tpu.memory_space<hbm>> -> memref<128x16xf32, #tpu.memory_space<hbm>>
      tpu.wait_dma2 semaphore(%arg14 : memref<!tpu.dma_semaphore, #tpu.memory_space<semaphore_mem>>) src(%dma_wait3A_191 : memref<128x16xf32, #tpu.memory_space<hbm>>) dst(%dma_wait3A_188 : memref<128x16xf32, #tpu.memory_space<vmem>>)
      %dma_wait3A_192 = arith.constant 0 : i32
      %dma_wait3A_193 = arith.constant 0 : i32
      %dma_wait3A_194 = tpu.memref_slice %arg13[%dma_wait3A_192, %dma_wait3A_193] : memref<4096x16xf32, #tpu.memory_space<vmem>> -> memref<128x16xf32, #tpu.memory_space<vmem>>
      %dma_wait3A_195 = arith.constant 0 : i32
      %dma_wait3A_196 = arith.constant 0 : i32
      %dma_wait3A_197 = tpu.memref_slice %arg3[%dma_wait3A_195, %dma_wait3A_196] : memref<65536x16xf32, #tpu.memory_space<hbm>> -> memref<128x16xf32, #tpu.memory_space<hbm>>
      %dma_wait3A_198 = arith.constant 0 : i32
      %dma_wait3A_199 = arith.constant 0 : i32
      %dma_wait3A_200 = tpu.memref_slice %arg13[%dma_wait3A_198, %dma_wait3A_199] : memref<4096x16xf32, #tpu.memory_space<vmem>> -> memref<128x16xf32, #tpu.memory_space<vmem>>
      %dma_wait3A_201 = arith.constant 0 : i32
      %dma_wait3A_202 = arith.constant 0 : i32
      %dma_wait3A_203 = tpu.memref_slice %arg3[%dma_wait3A_201, %dma_wait3A_202] : memref<65536x16xf32, #tpu.memory_space<hbm>> -> memref<128x16xf32, #tpu.memory_space<hbm>>
      tpu.wait_dma2 semaphore(%arg14 : memref<!tpu.dma_semaphore, #tpu.memory_space<semaphore_mem>>) src(%dma_wait3A_203 : memref<128x16xf32, #tpu.memory_space<hbm>>) dst(%dma_wait3A_200 : memref<128x16xf32, #tpu.memory_space<vmem>>)
      %dma_wait3A_204 = arith.constant 0 : i32
      %dma_wait3A_205 = arith.constant 0 : i32
      %dma_wait3A_206 = tpu.memref_slice %arg13[%dma_wait3A_204, %dma_wait3A_205] : memref<4096x16xf32, #tpu.memory_space<vmem>> -> memref<128x16xf32, #tpu.memory_space<vmem>>
      %dma_wait3A_207 = arith.constant 0 : i32
      %dma_wait3A_208 = arith.constant 0 : i32
      %dma_wait3A_209 = tpu.memref_slice %arg3[%dma_wait3A_207, %dma_wait3A_208] : memref<65536x16xf32, #tpu.memory_space<hbm>> -> memref<128x16xf32, #tpu.memory_space<hbm>>
      %dma_wait3A_210 = arith.constant 0 : i32
      %dma_wait3A_211 = arith.constant 0 : i32
      %dma_wait3A_212 = tpu.memref_slice %arg13[%dma_wait3A_210, %dma_wait3A_211] : memref<4096x16xf32, #tpu.memory_space<vmem>> -> memref<128x16xf32, #tpu.memory_space<vmem>>
      %dma_wait3A_213 = arith.constant 0 : i32
      %dma_wait3A_214 = arith.constant 0 : i32
      %dma_wait3A_215 = tpu.memref_slice %arg3[%dma_wait3A_213, %dma_wait3A_214] : memref<65536x16xf32, #tpu.memory_space<hbm>> -> memref<128x16xf32, #tpu.memory_space<hbm>>
      tpu.wait_dma2 semaphore(%arg14 : memref<!tpu.dma_semaphore, #tpu.memory_space<semaphore_mem>>) src(%dma_wait3A_215 : memref<128x16xf32, #tpu.memory_space<hbm>>) dst(%dma_wait3A_212 : memref<128x16xf32, #tpu.memory_space<vmem>>)
    } else {
    }
    %gt3A_79 = arith.constant 768 : i32
    %gt3A_80 = arith.cmpi sgt, %shift_right_arithmetic3A_5, %gt3A_79 : i32
    %convert_element_type3A_81 = arith.extui %gt3A_80 : i1 to i32
    %cond3A_82 = arith.constant 0 : i32
    %cond3A_83 = arith.cmpi ne, %convert_element_type3A_81, %cond3A_82 : i32
    scf.if %cond3A_83 {
      %dma_wait3A = arith.constant 0 : i32
      %dma_wait3A_169 = arith.constant 0 : i32
      %dma_wait3A_170 = tpu.memref_slice %arg13[%dma_wait3A, %dma_wait3A_169] : memref<4096x16xf32, #tpu.memory_space<vmem>> -> memref<128x16xf32, #tpu.memory_space<vmem>>
      %dma_wait3A_171 = arith.constant 0 : i32
      %dma_wait3A_172 = arith.constant 0 : i32
      %dma_wait3A_173 = tpu.memref_slice %arg3[%dma_wait3A_171, %dma_wait3A_172] : memref<65536x16xf32, #tpu.memory_space<hbm>> -> memref<128x16xf32, #tpu.memory_space<hbm>>
      %dma_wait3A_174 = arith.constant 0 : i32
      %dma_wait3A_175 = arith.constant 0 : i32
      %dma_wait3A_176 = tpu.memref_slice %arg13[%dma_wait3A_174, %dma_wait3A_175] : memref<4096x16xf32, #tpu.memory_space<vmem>> -> memref<128x16xf32, #tpu.memory_space<vmem>>
      %dma_wait3A_177 = arith.constant 0 : i32
      %dma_wait3A_178 = arith.constant 0 : i32
      %dma_wait3A_179 = tpu.memref_slice %arg3[%dma_wait3A_177, %dma_wait3A_178] : memref<65536x16xf32, #tpu.memory_space<hbm>> -> memref<128x16xf32, #tpu.memory_space<hbm>>
      tpu.wait_dma2 semaphore(%arg14 : memref<!tpu.dma_semaphore, #tpu.memory_space<semaphore_mem>>) src(%dma_wait3A_179 : memref<128x16xf32, #tpu.memory_space<hbm>>) dst(%dma_wait3A_176 : memref<128x16xf32, #tpu.memory_space<vmem>>)
      %dma_wait3A_180 = arith.constant 0 : i32
      %dma_wait3A_181 = arith.constant 0 : i32
      %dma_wait3A_182 = tpu.memref_slice %arg13[%dma_wait3A_180, %dma_wait3A_181] : memref<4096x16xf32, #tpu.memory_space<vmem>> -> memref<128x16xf32, #tpu.memory_space<vmem>>
      %dma_wait3A_183 = arith.constant 0 : i32
      %dma_wait3A_184 = arith.constant 0 : i32
      %dma_wait3A_185 = tpu.memref_slice %arg3[%dma_wait3A_183, %dma_wait3A_184] : memref<65536x16xf32, #tpu.memory_space<hbm>> -> memref<128x16xf32, #tpu.memory_space<hbm>>
      %dma_wait3A_186 = arith.constant 0 : i32
      %dma_wait3A_187 = arith.constant 0 : i32
      %dma_wait3A_188 = tpu.memref_slice %arg13[%dma_wait3A_186, %dma_wait3A_187] : memref<4096x16xf32, #tpu.memory_space<vmem>> -> memref<128x16xf32, #tpu.memory_space<vmem>>
      %dma_wait3A_189 = arith.constant 0 : i32
      %dma_wait3A_190 = arith.constant 0 : i32
      %dma_wait3A_191 = tpu.memref_slice %arg3[%dma_wait3A_189, %dma_wait3A_190] : memref<65536x16xf32, #tpu.memory_space<hbm>> -> memref<128x16xf32, #tpu.memory_space<hbm>>
      tpu.wait_dma2 semaphore(%arg14 : memref<!tpu.dma_semaphore, #tpu.memory_space<semaphore_mem>>) src(%dma_wait3A_191 : memref<128x16xf32, #tpu.memory_space<hbm>>) dst(%dma_wait3A_188 : memref<128x16xf32, #tpu.memory_space<vmem>>)
      %dma_wait3A_192 = arith.constant 0 : i32
      %dma_wait3A_193 = arith.constant 0 : i32
      %dma_wait3A_194 = tpu.memref_slice %arg13[%dma_wait3A_192, %dma_wait3A_193] : memref<4096x16xf32, #tpu.memory_space<vmem>> -> memref<128x16xf32, #tpu.memory_space<vmem>>
      %dma_wait3A_195 = arith.constant 0 : i32
      %dma_wait3A_196 = arith.constant 0 : i32
      %dma_wait3A_197 = tpu.memref_slice %arg3[%dma_wait3A_195, %dma_wait3A_196] : memref<65536x16xf32, #tpu.memory_space<hbm>> -> memref<128x16xf32, #tpu.memory_space<hbm>>
      %dma_wait3A_198 = arith.constant 0 : i32
      %dma_wait3A_199 = arith.constant 0 : i32
      %dma_wait3A_200 = tpu.memref_slice %arg13[%dma_wait3A_198, %dma_wait3A_199] : memref<4096x16xf32, #tpu.memory_space<vmem>> -> memref<128x16xf32, #tpu.memory_space<vmem>>
      %dma_wait3A_201 = arith.constant 0 : i32
      %dma_wait3A_202 = arith.constant 0 : i32
      %dma_wait3A_203 = tpu.memref_slice %arg3[%dma_wait3A_201, %dma_wait3A_202] : memref<65536x16xf32, #tpu.memory_space<hbm>> -> memref<128x16xf32, #tpu.memory_space<hbm>>
      tpu.wait_dma2 semaphore(%arg14 : memref<!tpu.dma_semaphore, #tpu.memory_space<semaphore_mem>>) src(%dma_wait3A_203 : memref<128x16xf32, #tpu.memory_space<hbm>>) dst(%dma_wait3A_200 : memref<128x16xf32, #tpu.memory_space<vmem>>)
      %dma_wait3A_204 = arith.constant 0 : i32
      %dma_wait3A_205 = arith.constant 0 : i32
      %dma_wait3A_206 = tpu.memref_slice %arg13[%dma_wait3A_204, %dma_wait3A_205] : memref<4096x16xf32, #tpu.memory_space<vmem>> -> memref<128x16xf32, #tpu.memory_space<vmem>>
      %dma_wait3A_207 = arith.constant 0 : i32
      %dma_wait3A_208 = arith.constant 0 : i32
      %dma_wait3A_209 = tpu.memref_slice %arg3[%dma_wait3A_207, %dma_wait3A_208] : memref<65536x16xf32, #tpu.memory_space<hbm>> -> memref<128x16xf32, #tpu.memory_space<hbm>>
      %dma_wait3A_210 = arith.constant 0 : i32
      %dma_wait3A_211 = arith.constant 0 : i32
      %dma_wait3A_212 = tpu.memref_slice %arg13[%dma_wait3A_210, %dma_wait3A_211] : memref<4096x16xf32, #tpu.memory_space<vmem>> -> memref<128x16xf32, #tpu.memory_space<vmem>>
      %dma_wait3A_213 = arith.constant 0 : i32
      %dma_wait3A_214 = arith.constant 0 : i32
      %dma_wait3A_215 = tpu.memref_slice %arg3[%dma_wait3A_213, %dma_wait3A_214] : memref<65536x16xf32, #tpu.memory_space<hbm>> -> memref<128x16xf32, #tpu.memory_space<hbm>>
      tpu.wait_dma2 semaphore(%arg14 : memref<!tpu.dma_semaphore, #tpu.memory_space<semaphore_mem>>) src(%dma_wait3A_215 : memref<128x16xf32, #tpu.memory_space<hbm>>) dst(%dma_wait3A_212 : memref<128x16xf32, #tpu.memory_space<vmem>>)
    } else {
    }
    %gt3A_84 = arith.constant 896 : i32
    %gt3A_85 = arith.cmpi sgt, %shift_right_arithmetic3A_5, %gt3A_84 : i32
    %convert_element_type3A_86 = arith.extui %gt3A_85 : i1 to i32
    %cond3A_87 = arith.constant 0 : i32
    %cond3A_88 = arith.cmpi ne, %convert_element_type3A_86, %cond3A_87 : i32
    scf.if %cond3A_88 {
      %dma_wait3A = arith.constant 0 : i32
      %dma_wait3A_169 = arith.constant 0 : i32
      %dma_wait3A_170 = tpu.memref_slice %arg13[%dma_wait3A, %dma_wait3A_169] : memref<4096x16xf32, #tpu.memory_space<vmem>> -> memref<128x16xf32, #tpu.memory_space<vmem>>
      %dma_wait3A_171 = arith.constant 0 : i32
      %dma_wait3A_172 = arith.constant 0 : i32
      %dma_wait3A_173 = tpu.memref_slice %arg3[%dma_wait3A_171, %dma_wait3A_172] : memref<65536x16xf32, #tpu.memory_space<hbm>> -> memref<128x16xf32, #tpu.memory_space<hbm>>
      %dma_wait3A_174 = arith.constant 0 : i32
      %dma_wait3A_175 = arith.constant 0 : i32
      %dma_wait3A_176 = tpu.memref_slice %arg13[%dma_wait3A_174, %dma_wait3A_175] : memref<4096x16xf32, #tpu.memory_space<vmem>> -> memref<128x16xf32, #tpu.memory_space<vmem>>
      %dma_wait3A_177 = arith.constant 0 : i32
      %dma_wait3A_178 = arith.constant 0 : i32
      %dma_wait3A_179 = tpu.memref_slice %arg3[%dma_wait3A_177, %dma_wait3A_178] : memref<65536x16xf32, #tpu.memory_space<hbm>> -> memref<128x16xf32, #tpu.memory_space<hbm>>
      tpu.wait_dma2 semaphore(%arg14 : memref<!tpu.dma_semaphore, #tpu.memory_space<semaphore_mem>>) src(%dma_wait3A_179 : memref<128x16xf32, #tpu.memory_space<hbm>>) dst(%dma_wait3A_176 : memref<128x16xf32, #tpu.memory_space<vmem>>)
      %dma_wait3A_180 = arith.constant 0 : i32
      %dma_wait3A_181 = arith.constant 0 : i32
      %dma_wait3A_182 = tpu.memref_slice %arg13[%dma_wait3A_180, %dma_wait3A_181] : memref<4096x16xf32, #tpu.memory_space<vmem>> -> memref<128x16xf32, #tpu.memory_space<vmem>>
      %dma_wait3A_183 = arith.constant 0 : i32
      %dma_wait3A_184 = arith.constant 0 : i32
      %dma_wait3A_185 = tpu.memref_slice %arg3[%dma_wait3A_183, %dma_wait3A_184] : memref<65536x16xf32, #tpu.memory_space<hbm>> -> memref<128x16xf32, #tpu.memory_space<hbm>>
      %dma_wait3A_186 = arith.constant 0 : i32
      %dma_wait3A_187 = arith.constant 0 : i32
      %dma_wait3A_188 = tpu.memref_slice %arg13[%dma_wait3A_186, %dma_wait3A_187] : memref<4096x16xf32, #tpu.memory_space<vmem>> -> memref<128x16xf32, #tpu.memory_space<vmem>>
      %dma_wait3A_189 = arith.constant 0 : i32
      %dma_wait3A_190 = arith.constant 0 : i32
      %dma_wait3A_191 = tpu.memref_slice %arg3[%dma_wait3A_189, %dma_wait3A_190] : memref<65536x16xf32, #tpu.memory_space<hbm>> -> memref<128x16xf32, #tpu.memory_space<hbm>>
      tpu.wait_dma2 semaphore(%arg14 : memref<!tpu.dma_semaphore, #tpu.memory_space<semaphore_mem>>) src(%dma_wait3A_191 : memref<128x16xf32, #tpu.memory_space<hbm>>) dst(%dma_wait3A_188 : memref<128x16xf32, #tpu.memory_space<vmem>>)
      %dma_wait3A_192 = arith.constant 0 : i32
      %dma_wait3A_193 = arith.constant 0 : i32
      %dma_wait3A_194 = tpu.memref_slice %arg13[%dma_wait3A_192, %dma_wait3A_193] : memref<4096x16xf32, #tpu.memory_space<vmem>> -> memref<128x16xf32, #tpu.memory_space<vmem>>
      %dma_wait3A_195 = arith.constant 0 : i32
      %dma_wait3A_196 = arith.constant 0 : i32
      %dma_wait3A_197 = tpu.memref_slice %arg3[%dma_wait3A_195, %dma_wait3A_196] : memref<65536x16xf32, #tpu.memory_space<hbm>> -> memref<128x16xf32, #tpu.memory_space<hbm>>
      %dma_wait3A_198 = arith.constant 0 : i32
      %dma_wait3A_199 = arith.constant 0 : i32
      %dma_wait3A_200 = tpu.memref_slice %arg13[%dma_wait3A_198, %dma_wait3A_199] : memref<4096x16xf32, #tpu.memory_space<vmem>> -> memref<128x16xf32, #tpu.memory_space<vmem>>
      %dma_wait3A_201 = arith.constant 0 : i32
      %dma_wait3A_202 = arith.constant 0 : i32
      %dma_wait3A_203 = tpu.memref_slice %arg3[%dma_wait3A_201, %dma_wait3A_202] : memref<65536x16xf32, #tpu.memory_space<hbm>> -> memref<128x16xf32, #tpu.memory_space<hbm>>
      tpu.wait_dma2 semaphore(%arg14 : memref<!tpu.dma_semaphore, #tpu.memory_space<semaphore_mem>>) src(%dma_wait3A_203 : memref<128x16xf32, #tpu.memory_space<hbm>>) dst(%dma_wait3A_200 : memref<128x16xf32, #tpu.memory_space<vmem>>)
      %dma_wait3A_204 = arith.constant 0 : i32
      %dma_wait3A_205 = arith.constant 0 : i32
      %dma_wait3A_206 = tpu.memref_slice %arg13[%dma_wait3A_204, %dma_wait3A_205] : memref<4096x16xf32, #tpu.memory_space<vmem>> -> memref<128x16xf32, #tpu.memory_space<vmem>>
      %dma_wait3A_207 = arith.constant 0 : i32
      %dma_wait3A_208 = arith.constant 0 : i32
      %dma_wait3A_209 = tpu.memref_slice %arg3[%dma_wait3A_207, %dma_wait3A_208] : memref<65536x16xf32, #tpu.memory_space<hbm>> -> memref<128x16xf32, #tpu.memory_space<hbm>>
      %dma_wait3A_210 = arith.constant 0 : i32
      %dma_wait3A_211 = arith.constant 0 : i32
      %dma_wait3A_212 = tpu.memref_slice %arg13[%dma_wait3A_210, %dma_wait3A_211] : memref<4096x16xf32, #tpu.memory_space<vmem>> -> memref<128x16xf32, #tpu.memory_space<vmem>>
      %dma_wait3A_213 = arith.constant 0 : i32
      %dma_wait3A_214 = arith.constant 0 : i32
      %dma_wait3A_215 = tpu.memref_slice %arg3[%dma_wait3A_213, %dma_wait3A_214] : memref<65536x16xf32, #tpu.memory_space<hbm>> -> memref<128x16xf32, #tpu.memory_space<hbm>>
      tpu.wait_dma2 semaphore(%arg14 : memref<!tpu.dma_semaphore, #tpu.memory_space<semaphore_mem>>) src(%dma_wait3A_215 : memref<128x16xf32, #tpu.memory_space<hbm>>) dst(%dma_wait3A_212 : memref<128x16xf32, #tpu.memory_space<vmem>>)
    } else {
    }
    %gt3A_89 = arith.constant 0 : i32
    %gt3A_90 = arith.cmpi sgt, %shift_right_arithmetic3A_5, %gt3A_89 : i32
    %convert_element_type3A_91 = arith.extui %gt3A_90 : i1 to i32
    %cond3A_92 = arith.constant 0 : i32
    %cond3A_93 = arith.cmpi ne, %convert_element_type3A_91, %cond3A_92 : i32
    scf.if %cond3A_93 {
      %dma_start3A = arith.constant 0 : i32
      %dma_start3A_169 = arith.constant 0 : i32
      %dma_start3A_170 = arith.constant 0 : i32
      %dma_start3A_171 = tpu.memref_slice %arg13[%dma_start3A_169, %dma_start3A_170] : memref<4096x16xf32, #tpu.memory_space<vmem>> -> memref<128x16xf32, #tpu.memory_space<vmem>>
      %dma_start3A_172 = arith.constant 0 : i32
      %dma_start3A_173 = tpu.memref_slice %arg12[%dma_start3A, %dma_start3A_172] : memref<32x128xi32, #tpu.memory_space<vmem>> -> memref<1x128xi32, #tpu.memory_space<vmem>>
      %dma_start3A_174 = tpu.memref_squeeze %dma_start3A_173 : memref<1x128xi32, #tpu.memory_space<vmem>> -> memref<128xi32, #tpu.memory_space<vmem>>
      %dma_start3A_175 = arith.constant 0 : i32
      %dma_start3A_176 = arith.constant 0 : i32
      %dma_start3A_177 = tpu.memref_slice %arg2[%dma_start3A_175, %dma_start3A_176] : memref<8000000x16xf32, #tpu.memory_space<hbm>> -> memref<8000000x16xf32, #tpu.memory_space<hbm>>
      tpu.enqueue_indirect_dma source(%dma_start3A_171 : memref<128x16xf32, #tpu.memory_space<vmem>>) target(%dma_start3A_177 : memref<8000000x16xf32, #tpu.memory_space<hbm>>) offsets(%dma_start3A_174 : memref<128xi32, #tpu.memory_space<vmem>>) semaphore(%arg15 : memref<!tpu.dma_semaphore, #tpu.memory_space<semaphore_mem>>)
      %dma_start3A_178 = arith.constant 1 : i32
      %dma_start3A_179 = arith.constant 128 : i32
      %dma_start3A_180 = arith.constant 0 : i32
      %dma_start3A_181 = tpu.memref_slice %arg13[%dma_start3A_179, %dma_start3A_180] : memref<4096x16xf32, #tpu.memory_space<vmem>> -> memref<128x16xf32, #tpu.memory_space<vmem>>
      %dma_start3A_182 = arith.constant 0 : i32
      %dma_start3A_183 = tpu.memref_slice %arg12[%dma_start3A_178, %dma_start3A_182] : memref<32x128xi32, #tpu.memory_space<vmem>> -> memref<1x128xi32, #tpu.memory_space<vmem>>
      %dma_start3A_184 = tpu.memref_squeeze %dma_start3A_183 : memref<1x128xi32, #tpu.memory_space<vmem>> -> memref<128xi32, #tpu.memory_space<vmem>>
      %dma_start3A_185 = arith.constant 0 : i32
      %dma_start3A_186 = arith.constant 0 : i32
      %dma_start3A_187 = tpu.memref_slice %arg2[%dma_start3A_185, %dma_start3A_186] : memref<8000000x16xf32, #tpu.memory_space<hbm>> -> memref<8000000x16xf32, #tpu.memory_space<hbm>>
      tpu.enqueue_indirect_dma source(%dma_start3A_181 : memref<128x16xf32, #tpu.memory_space<vmem>>) target(%dma_start3A_187 : memref<8000000x16xf32, #tpu.memory_space<hbm>>) offsets(%dma_start3A_184 : memref<128xi32, #tpu.memory_space<vmem>>) semaphore(%arg15 : memref<!tpu.dma_semaphore, #tpu.memory_space<semaphore_mem>>)
      %dma_start3A_188 = arith.constant 2 : i32
      %dma_start3A_189 = arith.constant 256 : i32
      %dma_start3A_190 = arith.constant 0 : i32
      %dma_start3A_191 = tpu.memref_slice %arg13[%dma_start3A_189, %dma_start3A_190] : memref<4096x16xf32, #tpu.memory_space<vmem>> -> memref<128x16xf32, #tpu.memory_space<vmem>>
      %dma_start3A_192 = arith.constant 0 : i32
      %dma_start3A_193 = tpu.memref_slice %arg12[%dma_start3A_188, %dma_start3A_192] : memref<32x128xi32, #tpu.memory_space<vmem>> -> memref<1x128xi32, #tpu.memory_space<vmem>>
      %dma_start3A_194 = tpu.memref_squeeze %dma_start3A_193 : memref<1x128xi32, #tpu.memory_space<vmem>> -> memref<128xi32, #tpu.memory_space<vmem>>
      %dma_start3A_195 = arith.constant 0 : i32
      %dma_start3A_196 = arith.constant 0 : i32
      %dma_start3A_197 = tpu.memref_slice %arg2[%dma_start3A_195, %dma_start3A_196] : memref<8000000x16xf32, #tpu.memory_space<hbm>> -> memref<8000000x16xf32, #tpu.memory_space<hbm>>
      tpu.enqueue_indirect_dma source(%dma_start3A_191 : memref<128x16xf32, #tpu.memory_space<vmem>>) target(%dma_start3A_197 : memref<8000000x16xf32, #tpu.memory_space<hbm>>) offsets(%dma_start3A_194 : memref<128xi32, #tpu.memory_space<vmem>>) semaphore(%arg15 : memref<!tpu.dma_semaphore, #tpu.memory_space<semaphore_mem>>)
      %dma_start3A_198 = arith.constant 3 : i32
      %dma_start3A_199 = arith.constant 384 : i32
      %dma_start3A_200 = arith.constant 0 : i32
      %dma_start3A_201 = tpu.memref_slice %arg13[%dma_start3A_199, %dma_start3A_200] : memref<4096x16xf32, #tpu.memory_space<vmem>> -> memref<128x16xf32, #tpu.memory_space<vmem>>
      %dma_start3A_202 = arith.constant 0 : i32
      %dma_start3A_203 = tpu.memref_slice %arg12[%dma_start3A_198, %dma_start3A_202] : memref<32x128xi32, #tpu.memory_space<vmem>> -> memref<1x128xi32, #tpu.memory_space<vmem>>
      %dma_start3A_204 = tpu.memref_squeeze %dma_start3A_203 : memref<1x128xi32, #tpu.memory_space<vmem>> -> memref<128xi32, #tpu.memory_space<vmem>>
      %dma_start3A_205 = arith.constant 0 : i32
      %dma_start3A_206 = arith.constant 0 : i32
      %dma_start3A_207 = tpu.memref_slice %arg2[%dma_start3A_205, %dma_start3A_206] : memref<8000000x16xf32, #tpu.memory_space<hbm>> -> memref<8000000x16xf32, #tpu.memory_space<hbm>>
      tpu.enqueue_indirect_dma source(%dma_start3A_201 : memref<128x16xf32, #tpu.memory_space<vmem>>) target(%dma_start3A_207 : memref<8000000x16xf32, #tpu.memory_space<hbm>>) offsets(%dma_start3A_204 : memref<128xi32, #tpu.memory_space<vmem>>) semaphore(%arg15 : memref<!tpu.dma_semaphore, #tpu.memory_space<semaphore_mem>>)
    } else {
    }
    %gt3A_94 = arith.constant 128 : i32
    %gt3A_95 = arith.cmpi sgt, %shift_right_arithmetic3A_5, %gt3A_94 : i32
    %convert_element_type3A_96 = arith.extui %gt3A_95 : i1 to i32
    %cond3A_97 = arith.constant 0 : i32
    %cond3A_98 = arith.cmpi ne, %convert_element_type3A_96, %cond3A_97 : i32
    scf.if %cond3A_98 {
      %dma_start3A = arith.constant 4 : i32
      %dma_start3A_169 = arith.constant 512 : i32
      %dma_start3A_170 = arith.constant 0 : i32
      %dma_start3A_171 = tpu.memref_slice %arg13[%dma_start3A_169, %dma_start3A_170] : memref<4096x16xf32, #tpu.memory_space<vmem>> -> memref<128x16xf32, #tpu.memory_space<vmem>>
      %dma_start3A_172 = arith.constant 0 : i32
      %dma_start3A_173 = tpu.memref_slice %arg12[%dma_start3A, %dma_start3A_172] : memref<32x128xi32, #tpu.memory_space<vmem>> -> memref<1x128xi32, #tpu.memory_space<vmem>>
      %dma_start3A_174 = tpu.memref_squeeze %dma_start3A_173 : memref<1x128xi32, #tpu.memory_space<vmem>> -> memref<128xi32, #tpu.memory_space<vmem>>
      %dma_start3A_175 = arith.constant 0 : i32
      %dma_start3A_176 = arith.constant 0 : i32
      %dma_start3A_177 = tpu.memref_slice %arg2[%dma_start3A_175, %dma_start3A_176] : memref<8000000x16xf32, #tpu.memory_space<hbm>> -> memref<8000000x16xf32, #tpu.memory_space<hbm>>
      tpu.enqueue_indirect_dma source(%dma_start3A_171 : memref<128x16xf32, #tpu.memory_space<vmem>>) target(%dma_start3A_177 : memref<8000000x16xf32, #tpu.memory_space<hbm>>) offsets(%dma_start3A_174 : memref<128xi32, #tpu.memory_space<vmem>>) semaphore(%arg15 : memref<!tpu.dma_semaphore, #tpu.memory_space<semaphore_mem>>)
      %dma_start3A_178 = arith.constant 5 : i32
      %dma_start3A_179 = arith.constant 640 : i32
      %dma_start3A_180 = arith.constant 0 : i32
      %dma_start3A_181 = tpu.memref_slice %arg13[%dma_start3A_179, %dma_start3A_180] : memref<4096x16xf32, #tpu.memory_space<vmem>> -> memref<128x16xf32, #tpu.memory_space<vmem>>
      %dma_start3A_182 = arith.constant 0 : i32
      %dma_start3A_183 = tpu.memref_slice %arg12[%dma_start3A_178, %dma_start3A_182] : memref<32x128xi32, #tpu.memory_space<vmem>> -> memref<1x128xi32, #tpu.memory_space<vmem>>
      %dma_start3A_184 = tpu.memref_squeeze %dma_start3A_183 : memref<1x128xi32, #tpu.memory_space<vmem>> -> memref<128xi32, #tpu.memory_space<vmem>>
      %dma_start3A_185 = arith.constant 0 : i32
      %dma_start3A_186 = arith.constant 0 : i32
      %dma_start3A_187 = tpu.memref_slice %arg2[%dma_start3A_185, %dma_start3A_186] : memref<8000000x16xf32, #tpu.memory_space<hbm>> -> memref<8000000x16xf32, #tpu.memory_space<hbm>>
      tpu.enqueue_indirect_dma source(%dma_start3A_181 : memref<128x16xf32, #tpu.memory_space<vmem>>) target(%dma_start3A_187 : memref<8000000x16xf32, #tpu.memory_space<hbm>>) offsets(%dma_start3A_184 : memref<128xi32, #tpu.memory_space<vmem>>) semaphore(%arg15 : memref<!tpu.dma_semaphore, #tpu.memory_space<semaphore_mem>>)
      %dma_start3A_188 = arith.constant 6 : i32
      %dma_start3A_189 = arith.constant 768 : i32
      %dma_start3A_190 = arith.constant 0 : i32
      %dma_start3A_191 = tpu.memref_slice %arg13[%dma_start3A_189, %dma_start3A_190] : memref<4096x16xf32, #tpu.memory_space<vmem>> -> memref<128x16xf32, #tpu.memory_space<vmem>>
      %dma_start3A_192 = arith.constant 0 : i32
      %dma_start3A_193 = tpu.memref_slice %arg12[%dma_start3A_188, %dma_start3A_192] : memref<32x128xi32, #tpu.memory_space<vmem>> -> memref<1x128xi32, #tpu.memory_space<vmem>>
      %dma_start3A_194 = tpu.memref_squeeze %dma_start3A_193 : memref<1x128xi32, #tpu.memory_space<vmem>> -> memref<128xi32, #tpu.memory_space<vmem>>
      %dma_start3A_195 = arith.constant 0 : i32
      %dma_start3A_196 = arith.constant 0 : i32
      %dma_start3A_197 = tpu.memref_slice %arg2[%dma_start3A_195, %dma_start3A_196] : memref<8000000x16xf32, #tpu.memory_space<hbm>> -> memref<8000000x16xf32, #tpu.memory_space<hbm>>
      tpu.enqueue_indirect_dma source(%dma_start3A_191 : memref<128x16xf32, #tpu.memory_space<vmem>>) target(%dma_start3A_197 : memref<8000000x16xf32, #tpu.memory_space<hbm>>) offsets(%dma_start3A_194 : memref<128xi32, #tpu.memory_space<vmem>>) semaphore(%arg15 : memref<!tpu.dma_semaphore, #tpu.memory_space<semaphore_mem>>)
      %dma_start3A_198 = arith.constant 7 : i32
      %dma_start3A_199 = arith.constant 896 : i32
      %dma_start3A_200 = arith.constant 0 : i32
      %dma_start3A_201 = tpu.memref_slice %arg13[%dma_start3A_199, %dma_start3A_200] : memref<4096x16xf32, #tpu.memory_space<vmem>> -> memref<128x16xf32, #tpu.memory_space<vmem>>
      %dma_start3A_202 = arith.constant 0 : i32
      %dma_start3A_203 = tpu.memref_slice %arg12[%dma_start3A_198, %dma_start3A_202] : memref<32x128xi32, #tpu.memory_space<vmem>> -> memref<1x128xi32, #tpu.memory_space<vmem>>
      %dma_start3A_204 = tpu.memref_squeeze %dma_start3A_203 : memref<1x128xi32, #tpu.memory_space<vmem>> -> memref<128xi32, #tpu.memory_space<vmem>>
      %dma_start3A_205 = arith.constant 0 : i32
      %dma_start3A_206 = arith.constant 0 : i32
      %dma_start3A_207 = tpu.memref_slice %arg2[%dma_start3A_205, %dma_start3A_206] : memref<8000000x16xf32, #tpu.memory_space<hbm>> -> memref<8000000x16xf32, #tpu.memory_space<hbm>>
      tpu.enqueue_indirect_dma source(%dma_start3A_201 : memref<128x16xf32, #tpu.memory_space<vmem>>) target(%dma_start3A_207 : memref<8000000x16xf32, #tpu.memory_space<hbm>>) offsets(%dma_start3A_204 : memref<128xi32, #tpu.memory_space<vmem>>) semaphore(%arg15 : memref<!tpu.dma_semaphore, #tpu.memory_space<semaphore_mem>>)
    } else {
    }
    %gt3A_99 = arith.constant 256 : i32
    %gt3A_100 = arith.cmpi sgt, %shift_right_arithmetic3A_5, %gt3A_99 : i32
    %convert_element_type3A_101 = arith.extui %gt3A_100 : i1 to i32
    %cond3A_102 = arith.constant 0 : i32
    %cond3A_103 = arith.cmpi ne, %convert_element_type3A_101, %cond3A_102 : i32
    scf.if %cond3A_103 {
      %dma_start3A = arith.constant 8 : i32
      %dma_start3A_169 = arith.constant 1024 : i32
      %dma_start3A_170 = arith.constant 0 : i32
      %dma_start3A_171 = tpu.memref_slice %arg13[%dma_start3A_169, %dma_start3A_170] : memref<4096x16xf32, #tpu.memory_space<vmem>> -> memref<128x16xf32, #tpu.memory_space<vmem>>
      %dma_start3A_172 = arith.constant 0 : i32
      %dma_start3A_173 = tpu.memref_slice %arg12[%dma_start3A, %dma_start3A_172] : memref<32x128xi32, #tpu.memory_space<vmem>> -> memref<1x128xi32, #tpu.memory_space<vmem>>
      %dma_start3A_174 = tpu.memref_squeeze %dma_start3A_173 : memref<1x128xi32, #tpu.memory_space<vmem>> -> memref<128xi32, #tpu.memory_space<vmem>>
      %dma_start3A_175 = arith.constant 0 : i32
      %dma_start3A_176 = arith.constant 0 : i32
      %dma_start3A_177 = tpu.memref_slice %arg2[%dma_start3A_175, %dma_start3A_176] : memref<8000000x16xf32, #tpu.memory_space<hbm>> -> memref<8000000x16xf32, #tpu.memory_space<hbm>>
      tpu.enqueue_indirect_dma source(%dma_start3A_171 : memref<128x16xf32, #tpu.memory_space<vmem>>) target(%dma_start3A_177 : memref<8000000x16xf32, #tpu.memory_space<hbm>>) offsets(%dma_start3A_174 : memref<128xi32, #tpu.memory_space<vmem>>) semaphore(%arg15 : memref<!tpu.dma_semaphore, #tpu.memory_space<semaphore_mem>>)
      %dma_start3A_178 = arith.constant 9 : i32
      %dma_start3A_179 = arith.constant 1152 : i32
      %dma_start3A_180 = arith.constant 0 : i32
      %dma_start3A_181 = tpu.memref_slice %arg13[%dma_start3A_179, %dma_start3A_180] : memref<4096x16xf32, #tpu.memory_space<vmem>> -> memref<128x16xf32, #tpu.memory_space<vmem>>
      %dma_start3A_182 = arith.constant 0 : i32
      %dma_start3A_183 = tpu.memref_slice %arg12[%dma_start3A_178, %dma_start3A_182] : memref<32x128xi32, #tpu.memory_space<vmem>> -> memref<1x128xi32, #tpu.memory_space<vmem>>
      %dma_start3A_184 = tpu.memref_squeeze %dma_start3A_183 : memref<1x128xi32, #tpu.memory_space<vmem>> -> memref<128xi32, #tpu.memory_space<vmem>>
      %dma_start3A_185 = arith.constant 0 : i32
      %dma_start3A_186 = arith.constant 0 : i32
      %dma_start3A_187 = tpu.memref_slice %arg2[%dma_start3A_185, %dma_start3A_186] : memref<8000000x16xf32, #tpu.memory_space<hbm>> -> memref<8000000x16xf32, #tpu.memory_space<hbm>>
      tpu.enqueue_indirect_dma source(%dma_start3A_181 : memref<128x16xf32, #tpu.memory_space<vmem>>) target(%dma_start3A_187 : memref<8000000x16xf32, #tpu.memory_space<hbm>>) offsets(%dma_start3A_184 : memref<128xi32, #tpu.memory_space<vmem>>) semaphore(%arg15 : memref<!tpu.dma_semaphore, #tpu.memory_space<semaphore_mem>>)
      %dma_start3A_188 = arith.constant 10 : i32
      %dma_start3A_189 = arith.constant 1280 : i32
      %dma_start3A_190 = arith.constant 0 : i32
      %dma_start3A_191 = tpu.memref_slice %arg13[%dma_start3A_189, %dma_start3A_190] : memref<4096x16xf32, #tpu.memory_space<vmem>> -> memref<128x16xf32, #tpu.memory_space<vmem>>
      %dma_start3A_192 = arith.constant 0 : i32
      %dma_start3A_193 = tpu.memref_slice %arg12[%dma_start3A_188, %dma_start3A_192] : memref<32x128xi32, #tpu.memory_space<vmem>> -> memref<1x128xi32, #tpu.memory_space<vmem>>
      %dma_start3A_194 = tpu.memref_squeeze %dma_start3A_193 : memref<1x128xi32, #tpu.memory_space<vmem>> -> memref<128xi32, #tpu.memory_space<vmem>>
      %dma_start3A_195 = arith.constant 0 : i32
      %dma_start3A_196 = arith.constant 0 : i32
      %dma_start3A_197 = tpu.memref_slice %arg2[%dma_start3A_195, %dma_start3A_196] : memref<8000000x16xf32, #tpu.memory_space<hbm>> -> memref<8000000x16xf32, #tpu.memory_space<hbm>>
      tpu.enqueue_indirect_dma source(%dma_start3A_191 : memref<128x16xf32, #tpu.memory_space<vmem>>) target(%dma_start3A_197 : memref<8000000x16xf32, #tpu.memory_space<hbm>>) offsets(%dma_start3A_194 : memref<128xi32, #tpu.memory_space<vmem>>) semaphore(%arg15 : memref<!tpu.dma_semaphore, #tpu.memory_space<semaphore_mem>>)
      %dma_start3A_198 = arith.constant 11 : i32
      %dma_start3A_199 = arith.constant 1408 : i32
      %dma_start3A_200 = arith.constant 0 : i32
      %dma_start3A_201 = tpu.memref_slice %arg13[%dma_start3A_199, %dma_start3A_200] : memref<4096x16xf32, #tpu.memory_space<vmem>> -> memref<128x16xf32, #tpu.memory_space<vmem>>
      %dma_start3A_202 = arith.constant 0 : i32
      %dma_start3A_203 = tpu.memref_slice %arg12[%dma_start3A_198, %dma_start3A_202] : memref<32x128xi32, #tpu.memory_space<vmem>> -> memref<1x128xi32, #tpu.memory_space<vmem>>
      %dma_start3A_204 = tpu.memref_squeeze %dma_start3A_203 : memref<1x128xi32, #tpu.memory_space<vmem>> -> memref<128xi32, #tpu.memory_space<vmem>>
      %dma_start3A_205 = arith.constant 0 : i32
      %dma_start3A_206 = arith.constant 0 : i32
      %dma_start3A_207 = tpu.memref_slice %arg2[%dma_start3A_205, %dma_start3A_206] : memref<8000000x16xf32, #tpu.memory_space<hbm>> -> memref<8000000x16xf32, #tpu.memory_space<hbm>>
      tpu.enqueue_indirect_dma source(%dma_start3A_201 : memref<128x16xf32, #tpu.memory_space<vmem>>) target(%dma_start3A_207 : memref<8000000x16xf32, #tpu.memory_space<hbm>>) offsets(%dma_start3A_204 : memref<128xi32, #tpu.memory_space<vmem>>) semaphore(%arg15 : memref<!tpu.dma_semaphore, #tpu.memory_space<semaphore_mem>>)
    } else {
    }
    %gt3A_104 = arith.constant 384 : i32
    %gt3A_105 = arith.cmpi sgt, %shift_right_arithmetic3A_5, %gt3A_104 : i32
    %convert_element_type3A_106 = arith.extui %gt3A_105 : i1 to i32
    %cond3A_107 = arith.constant 0 : i32
    %cond3A_108 = arith.cmpi ne, %convert_element_type3A_106, %cond3A_107 : i32
    scf.if %cond3A_108 {
      %dma_start3A = arith.constant 12 : i32
      %dma_start3A_169 = arith.constant 1536 : i32
      %dma_start3A_170 = arith.constant 0 : i32
      %dma_start3A_171 = tpu.memref_slice %arg13[%dma_start3A_169, %dma_start3A_170] : memref<4096x16xf32, #tpu.memory_space<vmem>> -> memref<128x16xf32, #tpu.memory_space<vmem>>
      %dma_start3A_172 = arith.constant 0 : i32
      %dma_start3A_173 = tpu.memref_slice %arg12[%dma_start3A, %dma_start3A_172] : memref<32x128xi32, #tpu.memory_space<vmem>> -> memref<1x128xi32, #tpu.memory_space<vmem>>
      %dma_start3A_174 = tpu.memref_squeeze %dma_start3A_173 : memref<1x128xi32, #tpu.memory_space<vmem>> -> memref<128xi32, #tpu.memory_space<vmem>>
      %dma_start3A_175 = arith.constant 0 : i32
      %dma_start3A_176 = arith.constant 0 : i32
      %dma_start3A_177 = tpu.memref_slice %arg2[%dma_start3A_175, %dma_start3A_176] : memref<8000000x16xf32, #tpu.memory_space<hbm>> -> memref<8000000x16xf32, #tpu.memory_space<hbm>>
      tpu.enqueue_indirect_dma source(%dma_start3A_171 : memref<128x16xf32, #tpu.memory_space<vmem>>) target(%dma_start3A_177 : memref<8000000x16xf32, #tpu.memory_space<hbm>>) offsets(%dma_start3A_174 : memref<128xi32, #tpu.memory_space<vmem>>) semaphore(%arg15 : memref<!tpu.dma_semaphore, #tpu.memory_space<semaphore_mem>>)
      %dma_start3A_178 = arith.constant 13 : i32
      %dma_start3A_179 = arith.constant 1664 : i32
      %dma_start3A_180 = arith.constant 0 : i32
      %dma_start3A_181 = tpu.memref_slice %arg13[%dma_start3A_179, %dma_start3A_180] : memref<4096x16xf32, #tpu.memory_space<vmem>> -> memref<128x16xf32, #tpu.memory_space<vmem>>
      %dma_start3A_182 = arith.constant 0 : i32
      %dma_start3A_183 = tpu.memref_slice %arg12[%dma_start3A_178, %dma_start3A_182] : memref<32x128xi32, #tpu.memory_space<vmem>> -> memref<1x128xi32, #tpu.memory_space<vmem>>
      %dma_start3A_184 = tpu.memref_squeeze %dma_start3A_183 : memref<1x128xi32, #tpu.memory_space<vmem>> -> memref<128xi32, #tpu.memory_space<vmem>>
      %dma_start3A_185 = arith.constant 0 : i32
      %dma_start3A_186 = arith.constant 0 : i32
      %dma_start3A_187 = tpu.memref_slice %arg2[%dma_start3A_185, %dma_start3A_186] : memref<8000000x16xf32, #tpu.memory_space<hbm>> -> memref<8000000x16xf32, #tpu.memory_space<hbm>>
      tpu.enqueue_indirect_dma source(%dma_start3A_181 : memref<128x16xf32, #tpu.memory_space<vmem>>) target(%dma_start3A_187 : memref<8000000x16xf32, #tpu.memory_space<hbm>>) offsets(%dma_start3A_184 : memref<128xi32, #tpu.memory_space<vmem>>) semaphore(%arg15 : memref<!tpu.dma_semaphore, #tpu.memory_space<semaphore_mem>>)
      %dma_start3A_188 = arith.constant 14 : i32
      %dma_start3A_189 = arith.constant 1792 : i32
      %dma_start3A_190 = arith.constant 0 : i32
      %dma_start3A_191 = tpu.memref_slice %arg13[%dma_start3A_189, %dma_start3A_190] : memref<4096x16xf32, #tpu.memory_space<vmem>> -> memref<128x16xf32, #tpu.memory_space<vmem>>
      %dma_start3A_192 = arith.constant 0 : i32
      %dma_start3A_193 = tpu.memref_slice %arg12[%dma_start3A_188, %dma_start3A_192] : memref<32x128xi32, #tpu.memory_space<vmem>> -> memref<1x128xi32, #tpu.memory_space<vmem>>
      %dma_start3A_194 = tpu.memref_squeeze %dma_start3A_193 : memref<1x128xi32, #tpu.memory_space<vmem>> -> memref<128xi32, #tpu.memory_space<vmem>>
      %dma_start3A_195 = arith.constant 0 : i32
      %dma_start3A_196 = arith.constant 0 : i32
      %dma_start3A_197 = tpu.memref_slice %arg2[%dma_start3A_195, %dma_start3A_196] : memref<8000000x16xf32, #tpu.memory_space<hbm>> -> memref<8000000x16xf32, #tpu.memory_space<hbm>>
      tpu.enqueue_indirect_dma source(%dma_start3A_191 : memref<128x16xf32, #tpu.memory_space<vmem>>) target(%dma_start3A_197 : memref<8000000x16xf32, #tpu.memory_space<hbm>>) offsets(%dma_start3A_194 : memref<128xi32, #tpu.memory_space<vmem>>) semaphore(%arg15 : memref<!tpu.dma_semaphore, #tpu.memory_space<semaphore_mem>>)
      %dma_start3A_198 = arith.constant 15 : i32
      %dma_start3A_199 = arith.constant 1920 : i32
      %dma_start3A_200 = arith.constant 0 : i32
      %dma_start3A_201 = tpu.memref_slice %arg13[%dma_start3A_199, %dma_start3A_200] : memref<4096x16xf32, #tpu.memory_space<vmem>> -> memref<128x16xf32, #tpu.memory_space<vmem>>
      %dma_start3A_202 = arith.constant 0 : i32
      %dma_start3A_203 = tpu.memref_slice %arg12[%dma_start3A_198, %dma_start3A_202] : memref<32x128xi32, #tpu.memory_space<vmem>> -> memref<1x128xi32, #tpu.memory_space<vmem>>
      %dma_start3A_204 = tpu.memref_squeeze %dma_start3A_203 : memref<1x128xi32, #tpu.memory_space<vmem>> -> memref<128xi32, #tpu.memory_space<vmem>>
      %dma_start3A_205 = arith.constant 0 : i32
      %dma_start3A_206 = arith.constant 0 : i32
      %dma_start3A_207 = tpu.memref_slice %arg2[%dma_start3A_205, %dma_start3A_206] : memref<8000000x16xf32, #tpu.memory_space<hbm>> -> memref<8000000x16xf32, #tpu.memory_space<hbm>>
      tpu.enqueue_indirect_dma source(%dma_start3A_201 : memref<128x16xf32, #tpu.memory_space<vmem>>) target(%dma_start3A_207 : memref<8000000x16xf32, #tpu.memory_space<hbm>>) offsets(%dma_start3A_204 : memref<128xi32, #tpu.memory_space<vmem>>) semaphore(%arg15 : memref<!tpu.dma_semaphore, #tpu.memory_space<semaphore_mem>>)
    } else {
    }
    %gt3A_109 = arith.constant 512 : i32
    %gt3A_110 = arith.cmpi sgt, %shift_right_arithmetic3A_5, %gt3A_109 : i32
    %convert_element_type3A_111 = arith.extui %gt3A_110 : i1 to i32
    %cond3A_112 = arith.constant 0 : i32
    %cond3A_113 = arith.cmpi ne, %convert_element_type3A_111, %cond3A_112 : i32
    scf.if %cond3A_113 {
      %dma_start3A = arith.constant 16 : i32
      %dma_start3A_169 = arith.constant 2048 : i32
      %dma_start3A_170 = arith.constant 0 : i32
      %dma_start3A_171 = tpu.memref_slice %arg13[%dma_start3A_169, %dma_start3A_170] : memref<4096x16xf32, #tpu.memory_space<vmem>> -> memref<128x16xf32, #tpu.memory_space<vmem>>
      %dma_start3A_172 = arith.constant 0 : i32
      %dma_start3A_173 = tpu.memref_slice %arg12[%dma_start3A, %dma_start3A_172] : memref<32x128xi32, #tpu.memory_space<vmem>> -> memref<1x128xi32, #tpu.memory_space<vmem>>
      %dma_start3A_174 = tpu.memref_squeeze %dma_start3A_173 : memref<1x128xi32, #tpu.memory_space<vmem>> -> memref<128xi32, #tpu.memory_space<vmem>>
      %dma_start3A_175 = arith.constant 0 : i32
      %dma_start3A_176 = arith.constant 0 : i32
      %dma_start3A_177 = tpu.memref_slice %arg2[%dma_start3A_175, %dma_start3A_176] : memref<8000000x16xf32, #tpu.memory_space<hbm>> -> memref<8000000x16xf32, #tpu.memory_space<hbm>>
      tpu.enqueue_indirect_dma source(%dma_start3A_171 : memref<128x16xf32, #tpu.memory_space<vmem>>) target(%dma_start3A_177 : memref<8000000x16xf32, #tpu.memory_space<hbm>>) offsets(%dma_start3A_174 : memref<128xi32, #tpu.memory_space<vmem>>) semaphore(%arg15 : memref<!tpu.dma_semaphore, #tpu.memory_space<semaphore_mem>>)
      %dma_start3A_178 = arith.constant 17 : i32
      %dma_start3A_179 = arith.constant 2176 : i32
      %dma_start3A_180 = arith.constant 0 : i32
      %dma_start3A_181 = tpu.memref_slice %arg13[%dma_start3A_179, %dma_start3A_180] : memref<4096x16xf32, #tpu.memory_space<vmem>> -> memref<128x16xf32, #tpu.memory_space<vmem>>
      %dma_start3A_182 = arith.constant 0 : i32
      %dma_start3A_183 = tpu.memref_slice %arg12[%dma_start3A_178, %dma_start3A_182] : memref<32x128xi32, #tpu.memory_space<vmem>> -> memref<1x128xi32, #tpu.memory_space<vmem>>
      %dma_start3A_184 = tpu.memref_squeeze %dma_start3A_183 : memref<1x128xi32, #tpu.memory_space<vmem>> -> memref<128xi32, #tpu.memory_space<vmem>>
      %dma_start3A_185 = arith.constant 0 : i32
      %dma_start3A_186 = arith.constant 0 : i32
      %dma_start3A_187 = tpu.memref_slice %arg2[%dma_start3A_185, %dma_start3A_186] : memref<8000000x16xf32, #tpu.memory_space<hbm>> -> memref<8000000x16xf32, #tpu.memory_space<hbm>>
      tpu.enqueue_indirect_dma source(%dma_start3A_181 : memref<128x16xf32, #tpu.memory_space<vmem>>) target(%dma_start3A_187 : memref<8000000x16xf32, #tpu.memory_space<hbm>>) offsets(%dma_start3A_184 : memref<128xi32, #tpu.memory_space<vmem>>) semaphore(%arg15 : memref<!tpu.dma_semaphore, #tpu.memory_space<semaphore_mem>>)
      %dma_start3A_188 = arith.constant 18 : i32
      %dma_start3A_189 = arith.constant 2304 : i32
      %dma_start3A_190 = arith.constant 0 : i32
      %dma_start3A_191 = tpu.memref_slice %arg13[%dma_start3A_189, %dma_start3A_190] : memref<4096x16xf32, #tpu.memory_space<vmem>> -> memref<128x16xf32, #tpu.memory_space<vmem>>
      %dma_start3A_192 = arith.constant 0 : i32
      %dma_start3A_193 = tpu.memref_slice %arg12[%dma_start3A_188, %dma_start3A_192] : memref<32x128xi32, #tpu.memory_space<vmem>> -> memref<1x128xi32, #tpu.memory_space<vmem>>
      %dma_start3A_194 = tpu.memref_squeeze %dma_start3A_193 : memref<1x128xi32, #tpu.memory_space<vmem>> -> memref<128xi32, #tpu.memory_space<vmem>>
      %dma_start3A_195 = arith.constant 0 : i32
      %dma_start3A_196 = arith.constant 0 : i32
      %dma_start3A_197 = tpu.memref_slice %arg2[%dma_start3A_195, %dma_start3A_196] : memref<8000000x16xf32, #tpu.memory_space<hbm>> -> memref<8000000x16xf32, #tpu.memory_space<hbm>>
      tpu.enqueue_indirect_dma source(%dma_start3A_191 : memref<128x16xf32, #tpu.memory_space<vmem>>) target(%dma_start3A_197 : memref<8000000x16xf32, #tpu.memory_space<hbm>>) offsets(%dma_start3A_194 : memref<128xi32, #tpu.memory_space<vmem>>) semaphore(%arg15 : memref<!tpu.dma_semaphore, #tpu.memory_space<semaphore_mem>>)
      %dma_start3A_198 = arith.constant 19 : i32
      %dma_start3A_199 = arith.constant 2432 : i32
      %dma_start3A_200 = arith.constant 0 : i32
      %dma_start3A_201 = tpu.memref_slice %arg13[%dma_start3A_199, %dma_start3A_200] : memref<4096x16xf32, #tpu.memory_space<vmem>> -> memref<128x16xf32, #tpu.memory_space<vmem>>
      %dma_start3A_202 = arith.constant 0 : i32
      %dma_start3A_203 = tpu.memref_slice %arg12[%dma_start3A_198, %dma_start3A_202] : memref<32x128xi32, #tpu.memory_space<vmem>> -> memref<1x128xi32, #tpu.memory_space<vmem>>
      %dma_start3A_204 = tpu.memref_squeeze %dma_start3A_203 : memref<1x128xi32, #tpu.memory_space<vmem>> -> memref<128xi32, #tpu.memory_space<vmem>>
      %dma_start3A_205 = arith.constant 0 : i32
      %dma_start3A_206 = arith.constant 0 : i32
      %dma_start3A_207 = tpu.memref_slice %arg2[%dma_start3A_205, %dma_start3A_206] : memref<8000000x16xf32, #tpu.memory_space<hbm>> -> memref<8000000x16xf32, #tpu.memory_space<hbm>>
      tpu.enqueue_indirect_dma source(%dma_start3A_201 : memref<128x16xf32, #tpu.memory_space<vmem>>) target(%dma_start3A_207 : memref<8000000x16xf32, #tpu.memory_space<hbm>>) offsets(%dma_start3A_204 : memref<128xi32, #tpu.memory_space<vmem>>) semaphore(%arg15 : memref<!tpu.dma_semaphore, #tpu.memory_space<semaphore_mem>>)
    } else {
    }
    %gt3A_114 = arith.constant 640 : i32
    %gt3A_115 = arith.cmpi sgt, %shift_right_arithmetic3A_5, %gt3A_114 : i32
    %convert_element_type3A_116 = arith.extui %gt3A_115 : i1 to i32
    %cond3A_117 = arith.constant 0 : i32
    %cond3A_118 = arith.cmpi ne, %convert_element_type3A_116, %cond3A_117 : i32
    scf.if %cond3A_118 {
      %dma_start3A = arith.constant 20 : i32
      %dma_start3A_169 = arith.constant 2560 : i32
      %dma_start3A_170 = arith.constant 0 : i32
      %dma_start3A_171 = tpu.memref_slice %arg13[%dma_start3A_169, %dma_start3A_170] : memref<4096x16xf32, #tpu.memory_space<vmem>> -> memref<128x16xf32, #tpu.memory_space<vmem>>
      %dma_start3A_172 = arith.constant 0 : i32
      %dma_start3A_173 = tpu.memref_slice %arg12[%dma_start3A, %dma_start3A_172] : memref<32x128xi32, #tpu.memory_space<vmem>> -> memref<1x128xi32, #tpu.memory_space<vmem>>
      %dma_start3A_174 = tpu.memref_squeeze %dma_start3A_173 : memref<1x128xi32, #tpu.memory_space<vmem>> -> memref<128xi32, #tpu.memory_space<vmem>>
      %dma_start3A_175 = arith.constant 0 : i32
      %dma_start3A_176 = arith.constant 0 : i32
      %dma_start3A_177 = tpu.memref_slice %arg2[%dma_start3A_175, %dma_start3A_176] : memref<8000000x16xf32, #tpu.memory_space<hbm>> -> memref<8000000x16xf32, #tpu.memory_space<hbm>>
      tpu.enqueue_indirect_dma source(%dma_start3A_171 : memref<128x16xf32, #tpu.memory_space<vmem>>) target(%dma_start3A_177 : memref<8000000x16xf32, #tpu.memory_space<hbm>>) offsets(%dma_start3A_174 : memref<128xi32, #tpu.memory_space<vmem>>) semaphore(%arg15 : memref<!tpu.dma_semaphore, #tpu.memory_space<semaphore_mem>>)
      %dma_start3A_178 = arith.constant 21 : i32
      %dma_start3A_179 = arith.constant 2688 : i32
      %dma_start3A_180 = arith.constant 0 : i32
      %dma_start3A_181 = tpu.memref_slice %arg13[%dma_start3A_179, %dma_start3A_180] : memref<4096x16xf32, #tpu.memory_space<vmem>> -> memref<128x16xf32, #tpu.memory_space<vmem>>
      %dma_start3A_182 = arith.constant 0 : i32
      %dma_start3A_183 = tpu.memref_slice %arg12[%dma_start3A_178, %dma_start3A_182] : memref<32x128xi32, #tpu.memory_space<vmem>> -> memref<1x128xi32, #tpu.memory_space<vmem>>
      %dma_start3A_184 = tpu.memref_squeeze %dma_start3A_183 : memref<1x128xi32, #tpu.memory_space<vmem>> -> memref<128xi32, #tpu.memory_space<vmem>>
      %dma_start3A_185 = arith.constant 0 : i32
      %dma_start3A_186 = arith.constant 0 : i32
      %dma_start3A_187 = tpu.memref_slice %arg2[%dma_start3A_185, %dma_start3A_186] : memref<8000000x16xf32, #tpu.memory_space<hbm>> -> memref<8000000x16xf32, #tpu.memory_space<hbm>>
      tpu.enqueue_indirect_dma source(%dma_start3A_181 : memref<128x16xf32, #tpu.memory_space<vmem>>) target(%dma_start3A_187 : memref<8000000x16xf32, #tpu.memory_space<hbm>>) offsets(%dma_start3A_184 : memref<128xi32, #tpu.memory_space<vmem>>) semaphore(%arg15 : memref<!tpu.dma_semaphore, #tpu.memory_space<semaphore_mem>>)
      %dma_start3A_188 = arith.constant 22 : i32
      %dma_start3A_189 = arith.constant 2816 : i32
      %dma_start3A_190 = arith.constant 0 : i32
      %dma_start3A_191 = tpu.memref_slice %arg13[%dma_start3A_189, %dma_start3A_190] : memref<4096x16xf32, #tpu.memory_space<vmem>> -> memref<128x16xf32, #tpu.memory_space<vmem>>
      %dma_start3A_192 = arith.constant 0 : i32
      %dma_start3A_193 = tpu.memref_slice %arg12[%dma_start3A_188, %dma_start3A_192] : memref<32x128xi32, #tpu.memory_space<vmem>> -> memref<1x128xi32, #tpu.memory_space<vmem>>
      %dma_start3A_194 = tpu.memref_squeeze %dma_start3A_193 : memref<1x128xi32, #tpu.memory_space<vmem>> -> memref<128xi32, #tpu.memory_space<vmem>>
      %dma_start3A_195 = arith.constant 0 : i32
      %dma_start3A_196 = arith.constant 0 : i32
      %dma_start3A_197 = tpu.memref_slice %arg2[%dma_start3A_195, %dma_start3A_196] : memref<8000000x16xf32, #tpu.memory_space<hbm>> -> memref<8000000x16xf32, #tpu.memory_space<hbm>>
      tpu.enqueue_indirect_dma source(%dma_start3A_191 : memref<128x16xf32, #tpu.memory_space<vmem>>) target(%dma_start3A_197 : memref<8000000x16xf32, #tpu.memory_space<hbm>>) offsets(%dma_start3A_194 : memref<128xi32, #tpu.memory_space<vmem>>) semaphore(%arg15 : memref<!tpu.dma_semaphore, #tpu.memory_space<semaphore_mem>>)
      %dma_start3A_198 = arith.constant 23 : i32
      %dma_start3A_199 = arith.constant 2944 : i32
      %dma_start3A_200 = arith.constant 0 : i32
      %dma_start3A_201 = tpu.memref_slice %arg13[%dma_start3A_199, %dma_start3A_200] : memref<4096x16xf32, #tpu.memory_space<vmem>> -> memref<128x16xf32, #tpu.memory_space<vmem>>
      %dma_start3A_202 = arith.constant 0 : i32
      %dma_start3A_203 = tpu.memref_slice %arg12[%dma_start3A_198, %dma_start3A_202] : memref<32x128xi32, #tpu.memory_space<vmem>> -> memref<1x128xi32, #tpu.memory_space<vmem>>
      %dma_start3A_204 = tpu.memref_squeeze %dma_start3A_203 : memref<1x128xi32, #tpu.memory_space<vmem>> -> memref<128xi32, #tpu.memory_space<vmem>>
      %dma_start3A_205 = arith.constant 0 : i32
      %dma_start3A_206 = arith.constant 0 : i32
      %dma_start3A_207 = tpu.memref_slice %arg2[%dma_start3A_205, %dma_start3A_206] : memref<8000000x16xf32, #tpu.memory_space<hbm>> -> memref<8000000x16xf32, #tpu.memory_space<hbm>>
      tpu.enqueue_indirect_dma source(%dma_start3A_201 : memref<128x16xf32, #tpu.memory_space<vmem>>) target(%dma_start3A_207 : memref<8000000x16xf32, #tpu.memory_space<hbm>>) offsets(%dma_start3A_204 : memref<128xi32, #tpu.memory_space<vmem>>) semaphore(%arg15 : memref<!tpu.dma_semaphore, #tpu.memory_space<semaphore_mem>>)
    } else {
    }
    %gt3A_119 = arith.constant 768 : i32
    %gt3A_120 = arith.cmpi sgt, %shift_right_arithmetic3A_5, %gt3A_119 : i32
    %convert_element_type3A_121 = arith.extui %gt3A_120 : i1 to i32
    %cond3A_122 = arith.constant 0 : i32
    %cond3A_123 = arith.cmpi ne, %convert_element_type3A_121, %cond3A_122 : i32
    scf.if %cond3A_123 {
      %dma_start3A = arith.constant 24 : i32
      %dma_start3A_169 = arith.constant 3072 : i32
      %dma_start3A_170 = arith.constant 0 : i32
      %dma_start3A_171 = tpu.memref_slice %arg13[%dma_start3A_169, %dma_start3A_170] : memref<4096x16xf32, #tpu.memory_space<vmem>> -> memref<128x16xf32, #tpu.memory_space<vmem>>
      %dma_start3A_172 = arith.constant 0 : i32
      %dma_start3A_173 = tpu.memref_slice %arg12[%dma_start3A, %dma_start3A_172] : memref<32x128xi32, #tpu.memory_space<vmem>> -> memref<1x128xi32, #tpu.memory_space<vmem>>
      %dma_start3A_174 = tpu.memref_squeeze %dma_start3A_173 : memref<1x128xi32, #tpu.memory_space<vmem>> -> memref<128xi32, #tpu.memory_space<vmem>>
      %dma_start3A_175 = arith.constant 0 : i32
      %dma_start3A_176 = arith.constant 0 : i32
      %dma_start3A_177 = tpu.memref_slice %arg2[%dma_start3A_175, %dma_start3A_176] : memref<8000000x16xf32, #tpu.memory_space<hbm>> -> memref<8000000x16xf32, #tpu.memory_space<hbm>>
      tpu.enqueue_indirect_dma source(%dma_start3A_171 : memref<128x16xf32, #tpu.memory_space<vmem>>) target(%dma_start3A_177 : memref<8000000x16xf32, #tpu.memory_space<hbm>>) offsets(%dma_start3A_174 : memref<128xi32, #tpu.memory_space<vmem>>) semaphore(%arg15 : memref<!tpu.dma_semaphore, #tpu.memory_space<semaphore_mem>>)
      %dma_start3A_178 = arith.constant 25 : i32
      %dma_start3A_179 = arith.constant 3200 : i32
      %dma_start3A_180 = arith.constant 0 : i32
      %dma_start3A_181 = tpu.memref_slice %arg13[%dma_start3A_179, %dma_start3A_180] : memref<4096x16xf32, #tpu.memory_space<vmem>> -> memref<128x16xf32, #tpu.memory_space<vmem>>
      %dma_start3A_182 = arith.constant 0 : i32
      %dma_start3A_183 = tpu.memref_slice %arg12[%dma_start3A_178, %dma_start3A_182] : memref<32x128xi32, #tpu.memory_space<vmem>> -> memref<1x128xi32, #tpu.memory_space<vmem>>
      %dma_start3A_184 = tpu.memref_squeeze %dma_start3A_183 : memref<1x128xi32, #tpu.memory_space<vmem>> -> memref<128xi32, #tpu.memory_space<vmem>>
      %dma_start3A_185 = arith.constant 0 : i32
      %dma_start3A_186 = arith.constant 0 : i32
      %dma_start3A_187 = tpu.memref_slice %arg2[%dma_start3A_185, %dma_start3A_186] : memref<8000000x16xf32, #tpu.memory_space<hbm>> -> memref<8000000x16xf32, #tpu.memory_space<hbm>>
      tpu.enqueue_indirect_dma source(%dma_start3A_181 : memref<128x16xf32, #tpu.memory_space<vmem>>) target(%dma_start3A_187 : memref<8000000x16xf32, #tpu.memory_space<hbm>>) offsets(%dma_start3A_184 : memref<128xi32, #tpu.memory_space<vmem>>) semaphore(%arg15 : memref<!tpu.dma_semaphore, #tpu.memory_space<semaphore_mem>>)
      %dma_start3A_188 = arith.constant 26 : i32
      %dma_start3A_189 = arith.constant 3328 : i32
      %dma_start3A_190 = arith.constant 0 : i32
      %dma_start3A_191 = tpu.memref_slice %arg13[%dma_start3A_189, %dma_start3A_190] : memref<4096x16xf32, #tpu.memory_space<vmem>> -> memref<128x16xf32, #tpu.memory_space<vmem>>
      %dma_start3A_192 = arith.constant 0 : i32
      %dma_start3A_193 = tpu.memref_slice %arg12[%dma_start3A_188, %dma_start3A_192] : memref<32x128xi32, #tpu.memory_space<vmem>> -> memref<1x128xi32, #tpu.memory_space<vmem>>
      %dma_start3A_194 = tpu.memref_squeeze %dma_start3A_193 : memref<1x128xi32, #tpu.memory_space<vmem>> -> memref<128xi32, #tpu.memory_space<vmem>>
      %dma_start3A_195 = arith.constant 0 : i32
      %dma_start3A_196 = arith.constant 0 : i32
      %dma_start3A_197 = tpu.memref_slice %arg2[%dma_start3A_195, %dma_start3A_196] : memref<8000000x16xf32, #tpu.memory_space<hbm>> -> memref<8000000x16xf32, #tpu.memory_space<hbm>>
      tpu.enqueue_indirect_dma source(%dma_start3A_191 : memref<128x16xf32, #tpu.memory_space<vmem>>) target(%dma_start3A_197 : memref<8000000x16xf32, #tpu.memory_space<hbm>>) offsets(%dma_start3A_194 : memref<128xi32, #tpu.memory_space<vmem>>) semaphore(%arg15 : memref<!tpu.dma_semaphore, #tpu.memory_space<semaphore_mem>>)
      %dma_start3A_198 = arith.constant 27 : i32
      %dma_start3A_199 = arith.constant 3456 : i32
      %dma_start3A_200 = arith.constant 0 : i32
      %dma_start3A_201 = tpu.memref_slice %arg13[%dma_start3A_199, %dma_start3A_200] : memref<4096x16xf32, #tpu.memory_space<vmem>> -> memref<128x16xf32, #tpu.memory_space<vmem>>
      %dma_start3A_202 = arith.constant 0 : i32
      %dma_start3A_203 = tpu.memref_slice %arg12[%dma_start3A_198, %dma_start3A_202] : memref<32x128xi32, #tpu.memory_space<vmem>> -> memref<1x128xi32, #tpu.memory_space<vmem>>
      %dma_start3A_204 = tpu.memref_squeeze %dma_start3A_203 : memref<1x128xi32, #tpu.memory_space<vmem>> -> memref<128xi32, #tpu.memory_space<vmem>>
      %dma_start3A_205 = arith.constant 0 : i32
      %dma_start3A_206 = arith.constant 0 : i32
      %dma_start3A_207 = tpu.memref_slice %arg2[%dma_start3A_205, %dma_start3A_206] : memref<8000000x16xf32, #tpu.memory_space<hbm>> -> memref<8000000x16xf32, #tpu.memory_space<hbm>>
      tpu.enqueue_indirect_dma source(%dma_start3A_201 : memref<128x16xf32, #tpu.memory_space<vmem>>) target(%dma_start3A_207 : memref<8000000x16xf32, #tpu.memory_space<hbm>>) offsets(%dma_start3A_204 : memref<128xi32, #tpu.memory_space<vmem>>) semaphore(%arg15 : memref<!tpu.dma_semaphore, #tpu.memory_space<semaphore_mem>>)
    } else {
    }
    %gt3A_124 = arith.constant 896 : i32
    %gt3A_125 = arith.cmpi sgt, %shift_right_arithmetic3A_5, %gt3A_124 : i32
    %convert_element_type3A_126 = arith.extui %gt3A_125 : i1 to i32
    %cond3A_127 = arith.constant 0 : i32
    %cond3A_128 = arith.cmpi ne, %convert_element_type3A_126, %cond3A_127 : i32
    scf.if %cond3A_128 {
      %dma_start3A = arith.constant 28 : i32
      %dma_start3A_169 = arith.constant 3584 : i32
      %dma_start3A_170 = arith.constant 0 : i32
      %dma_start3A_171 = tpu.memref_slice %arg13[%dma_start3A_169, %dma_start3A_170] : memref<4096x16xf32, #tpu.memory_space<vmem>> -> memref<128x16xf32, #tpu.memory_space<vmem>>
      %dma_start3A_172 = arith.constant 0 : i32
      %dma_start3A_173 = tpu.memref_slice %arg12[%dma_start3A, %dma_start3A_172] : memref<32x128xi32, #tpu.memory_space<vmem>> -> memref<1x128xi32, #tpu.memory_space<vmem>>
      %dma_start3A_174 = tpu.memref_squeeze %dma_start3A_173 : memref<1x128xi32, #tpu.memory_space<vmem>> -> memref<128xi32, #tpu.memory_space<vmem>>
      %dma_start3A_175 = arith.constant 0 : i32
      %dma_start3A_176 = arith.constant 0 : i32
      %dma_start3A_177 = tpu.memref_slice %arg2[%dma_start3A_175, %dma_start3A_176] : memref<8000000x16xf32, #tpu.memory_space<hbm>> -> memref<8000000x16xf32, #tpu.memory_space<hbm>>
      tpu.enqueue_indirect_dma source(%dma_start3A_171 : memref<128x16xf32, #tpu.memory_space<vmem>>) target(%dma_start3A_177 : memref<8000000x16xf32, #tpu.memory_space<hbm>>) offsets(%dma_start3A_174 : memref<128xi32, #tpu.memory_space<vmem>>) semaphore(%arg15 : memref<!tpu.dma_semaphore, #tpu.memory_space<semaphore_mem>>)
      %dma_start3A_178 = arith.constant 29 : i32
      %dma_start3A_179 = arith.constant 3712 : i32
      %dma_start3A_180 = arith.constant 0 : i32
      %dma_start3A_181 = tpu.memref_slice %arg13[%dma_start3A_179, %dma_start3A_180] : memref<4096x16xf32, #tpu.memory_space<vmem>> -> memref<128x16xf32, #tpu.memory_space<vmem>>
      %dma_start3A_182 = arith.constant 0 : i32
      %dma_start3A_183 = tpu.memref_slice %arg12[%dma_start3A_178, %dma_start3A_182] : memref<32x128xi32, #tpu.memory_space<vmem>> -> memref<1x128xi32, #tpu.memory_space<vmem>>
      %dma_start3A_184 = tpu.memref_squeeze %dma_start3A_183 : memref<1x128xi32, #tpu.memory_space<vmem>> -> memref<128xi32, #tpu.memory_space<vmem>>
      %dma_start3A_185 = arith.constant 0 : i32
      %dma_start3A_186 = arith.constant 0 : i32
      %dma_start3A_187 = tpu.memref_slice %arg2[%dma_start3A_185, %dma_start3A_186] : memref<8000000x16xf32, #tpu.memory_space<hbm>> -> memref<8000000x16xf32, #tpu.memory_space<hbm>>
      tpu.enqueue_indirect_dma source(%dma_start3A_181 : memref<128x16xf32, #tpu.memory_space<vmem>>) target(%dma_start3A_187 : memref<8000000x16xf32, #tpu.memory_space<hbm>>) offsets(%dma_start3A_184 : memref<128xi32, #tpu.memory_space<vmem>>) semaphore(%arg15 : memref<!tpu.dma_semaphore, #tpu.memory_space<semaphore_mem>>)
      %dma_start3A_188 = arith.constant 30 : i32
      %dma_start3A_189 = arith.constant 3840 : i32
      %dma_start3A_190 = arith.constant 0 : i32
      %dma_start3A_191 = tpu.memref_slice %arg13[%dma_start3A_189, %dma_start3A_190] : memref<4096x16xf32, #tpu.memory_space<vmem>> -> memref<128x16xf32, #tpu.memory_space<vmem>>
      %dma_start3A_192 = arith.constant 0 : i32
      %dma_start3A_193 = tpu.memref_slice %arg12[%dma_start3A_188, %dma_start3A_192] : memref<32x128xi32, #tpu.memory_space<vmem>> -> memref<1x128xi32, #tpu.memory_space<vmem>>
      %dma_start3A_194 = tpu.memref_squeeze %dma_start3A_193 : memref<1x128xi32, #tpu.memory_space<vmem>> -> memref<128xi32, #tpu.memory_space<vmem>>
      %dma_start3A_195 = arith.constant 0 : i32
      %dma_start3A_196 = arith.constant 0 : i32
      %dma_start3A_197 = tpu.memref_slice %arg2[%dma_start3A_195, %dma_start3A_196] : memref<8000000x16xf32, #tpu.memory_space<hbm>> -> memref<8000000x16xf32, #tpu.memory_space<hbm>>
      tpu.enqueue_indirect_dma source(%dma_start3A_191 : memref<128x16xf32, #tpu.memory_space<vmem>>) target(%dma_start3A_197 : memref<8000000x16xf32, #tpu.memory_space<hbm>>) offsets(%dma_start3A_194 : memref<128xi32, #tpu.memory_space<vmem>>) semaphore(%arg15 : memref<!tpu.dma_semaphore, #tpu.memory_space<semaphore_mem>>)
      %dma_start3A_198 = arith.constant 31 : i32
      %dma_start3A_199 = arith.constant 3968 : i32
      %dma_start3A_200 = arith.constant 0 : i32
      %dma_start3A_201 = tpu.memref_slice %arg13[%dma_start3A_199, %dma_start3A_200] : memref<4096x16xf32, #tpu.memory_space<vmem>> -> memref<128x16xf32, #tpu.memory_space<vmem>>
      %dma_start3A_202 = arith.constant 0 : i32
      %dma_start3A_203 = tpu.memref_slice %arg12[%dma_start3A_198, %dma_start3A_202] : memref<32x128xi32, #tpu.memory_space<vmem>> -> memref<1x128xi32, #tpu.memory_space<vmem>>
      %dma_start3A_204 = tpu.memref_squeeze %dma_start3A_203 : memref<1x128xi32, #tpu.memory_space<vmem>> -> memref<128xi32, #tpu.memory_space<vmem>>
      %dma_start3A_205 = arith.constant 0 : i32
      %dma_start3A_206 = arith.constant 0 : i32
      %dma_start3A_207 = tpu.memref_slice %arg2[%dma_start3A_205, %dma_start3A_206] : memref<8000000x16xf32, #tpu.memory_space<hbm>> -> memref<8000000x16xf32, #tpu.memory_space<hbm>>
      tpu.enqueue_indirect_dma source(%dma_start3A_201 : memref<128x16xf32, #tpu.memory_space<vmem>>) target(%dma_start3A_207 : memref<8000000x16xf32, #tpu.memory_space<hbm>>) offsets(%dma_start3A_204 : memref<128xi32, #tpu.memory_space<vmem>>) semaphore(%arg15 : memref<!tpu.dma_semaphore, #tpu.memory_space<semaphore_mem>>)
    } else {
    }
    %gt3A_129 = arith.constant 0 : i32
    %gt3A_130 = arith.cmpi sgt, %shift_right_arithmetic3A_5, %gt3A_129 : i32
    %convert_element_type3A_131 = arith.extui %gt3A_130 : i1 to i32
    %cond3A_132 = arith.constant 0 : i32
    %cond3A_133 = arith.cmpi ne, %convert_element_type3A_131, %cond3A_132 : i32
    scf.if %cond3A_133 {
      %dma_wait3A = arith.constant 0 : i32
      %dma_wait3A_169 = arith.constant 0 : i32
      %dma_wait3A_170 = tpu.memref_slice %arg13[%dma_wait3A, %dma_wait3A_169] : memref<4096x16xf32, #tpu.memory_space<vmem>> -> memref<128x16xf32, #tpu.memory_space<vmem>>
      %dma_wait3A_171 = arith.constant 0 : i32
      %dma_wait3A_172 = arith.constant 0 : i32
      %dma_wait3A_173 = tpu.memref_slice %arg3[%dma_wait3A_171, %dma_wait3A_172] : memref<65536x16xf32, #tpu.memory_space<hbm>> -> memref<128x16xf32, #tpu.memory_space<hbm>>
      %dma_wait3A_174 = arith.constant 0 : i32
      %dma_wait3A_175 = arith.constant 0 : i32
      %dma_wait3A_176 = tpu.memref_slice %arg13[%dma_wait3A_174, %dma_wait3A_175] : memref<4096x16xf32, #tpu.memory_space<vmem>> -> memref<128x16xf32, #tpu.memory_space<vmem>>
      %dma_wait3A_177 = arith.constant 0 : i32
      %dma_wait3A_178 = arith.constant 0 : i32
      %dma_wait3A_179 = tpu.memref_slice %arg3[%dma_wait3A_177, %dma_wait3A_178] : memref<65536x16xf32, #tpu.memory_space<hbm>> -> memref<128x16xf32, #tpu.memory_space<hbm>>
      tpu.wait_dma2 semaphore(%arg15 : memref<!tpu.dma_semaphore, #tpu.memory_space<semaphore_mem>>) src(%dma_wait3A_179 : memref<128x16xf32, #tpu.memory_space<hbm>>) dst(%dma_wait3A_176 : memref<128x16xf32, #tpu.memory_space<vmem>>)
      %dma_wait3A_180 = arith.constant 0 : i32
      %dma_wait3A_181 = arith.constant 0 : i32
      %dma_wait3A_182 = tpu.memref_slice %arg13[%dma_wait3A_180, %dma_wait3A_181] : memref<4096x16xf32, #tpu.memory_space<vmem>> -> memref<128x16xf32, #tpu.memory_space<vmem>>
      %dma_wait3A_183 = arith.constant 0 : i32
      %dma_wait3A_184 = arith.constant 0 : i32
      %dma_wait3A_185 = tpu.memref_slice %arg3[%dma_wait3A_183, %dma_wait3A_184] : memref<65536x16xf32, #tpu.memory_space<hbm>> -> memref<128x16xf32, #tpu.memory_space<hbm>>
      %dma_wait3A_186 = arith.constant 0 : i32
      %dma_wait3A_187 = arith.constant 0 : i32
      %dma_wait3A_188 = tpu.memref_slice %arg13[%dma_wait3A_186, %dma_wait3A_187] : memref<4096x16xf32, #tpu.memory_space<vmem>> -> memref<128x16xf32, #tpu.memory_space<vmem>>
      %dma_wait3A_189 = arith.constant 0 : i32
      %dma_wait3A_190 = arith.constant 0 : i32
      %dma_wait3A_191 = tpu.memref_slice %arg3[%dma_wait3A_189, %dma_wait3A_190] : memref<65536x16xf32, #tpu.memory_space<hbm>> -> memref<128x16xf32, #tpu.memory_space<hbm>>
      tpu.wait_dma2 semaphore(%arg15 : memref<!tpu.dma_semaphore, #tpu.memory_space<semaphore_mem>>) src(%dma_wait3A_191 : memref<128x16xf32, #tpu.memory_space<hbm>>) dst(%dma_wait3A_188 : memref<128x16xf32, #tpu.memory_space<vmem>>)
      %dma_wait3A_192 = arith.constant 0 : i32
      %dma_wait3A_193 = arith.constant 0 : i32
      %dma_wait3A_194 = tpu.memref_slice %arg13[%dma_wait3A_192, %dma_wait3A_193] : memref<4096x16xf32, #tpu.memory_space<vmem>> -> memref<128x16xf32, #tpu.memory_space<vmem>>
      %dma_wait3A_195 = arith.constant 0 : i32
      %dma_wait3A_196 = arith.constant 0 : i32
      %dma_wait3A_197 = tpu.memref_slice %arg3[%dma_wait3A_195, %dma_wait3A_196] : memref<65536x16xf32, #tpu.memory_space<hbm>> -> memref<128x16xf32, #tpu.memory_space<hbm>>
      %dma_wait3A_198 = arith.constant 0 : i32
      %dma_wait3A_199 = arith.constant 0 : i32
      %dma_wait3A_200 = tpu.memref_slice %arg13[%dma_wait3A_198, %dma_wait3A_199] : memref<4096x16xf32, #tpu.memory_space<vmem>> -> memref<128x16xf32, #tpu.memory_space<vmem>>
      %dma_wait3A_201 = arith.constant 0 : i32
      %dma_wait3A_202 = arith.constant 0 : i32
      %dma_wait3A_203 = tpu.memref_slice %arg3[%dma_wait3A_201, %dma_wait3A_202] : memref<65536x16xf32, #tpu.memory_space<hbm>> -> memref<128x16xf32, #tpu.memory_space<hbm>>
      tpu.wait_dma2 semaphore(%arg15 : memref<!tpu.dma_semaphore, #tpu.memory_space<semaphore_mem>>) src(%dma_wait3A_203 : memref<128x16xf32, #tpu.memory_space<hbm>>) dst(%dma_wait3A_200 : memref<128x16xf32, #tpu.memory_space<vmem>>)
      %dma_wait3A_204 = arith.constant 0 : i32
      %dma_wait3A_205 = arith.constant 0 : i32
      %dma_wait3A_206 = tpu.memref_slice %arg13[%dma_wait3A_204, %dma_wait3A_205] : memref<4096x16xf32, #tpu.memory_space<vmem>> -> memref<128x16xf32, #tpu.memory_space<vmem>>
      %dma_wait3A_207 = arith.constant 0 : i32
      %dma_wait3A_208 = arith.constant 0 : i32
      %dma_wait3A_209 = tpu.memref_slice %arg3[%dma_wait3A_207, %dma_wait3A_208] : memref<65536x16xf32, #tpu.memory_space<hbm>> -> memref<128x16xf32, #tpu.memory_space<hbm>>
      %dma_wait3A_210 = arith.constant 0 : i32
      %dma_wait3A_211 = arith.constant 0 : i32
      %dma_wait3A_212 = tpu.memref_slice %arg13[%dma_wait3A_210, %dma_wait3A_211] : memref<4096x16xf32, #tpu.memory_space<vmem>> -> memref<128x16xf32, #tpu.memory_space<vmem>>
      %dma_wait3A_213 = arith.constant 0 : i32
      %dma_wait3A_214 = arith.constant 0 : i32
      %dma_wait3A_215 = tpu.memref_slice %arg3[%dma_wait3A_213, %dma_wait3A_214] : memref<65536x16xf32, #tpu.memory_space<hbm>> -> memref<128x16xf32, #tpu.memory_space<hbm>>
      tpu.wait_dma2 semaphore(%arg15 : memref<!tpu.dma_semaphore, #tpu.memory_space<semaphore_mem>>) src(%dma_wait3A_215 : memref<128x16xf32, #tpu.memory_space<hbm>>) dst(%dma_wait3A_212 : memref<128x16xf32, #tpu.memory_space<vmem>>)
    } else {
    }
    %gt3A_134 = arith.constant 128 : i32
    %gt3A_135 = arith.cmpi sgt, %shift_right_arithmetic3A_5, %gt3A_134 : i32
    %convert_element_type3A_136 = arith.extui %gt3A_135 : i1 to i32
    %cond3A_137 = arith.constant 0 : i32
    %cond3A_138 = arith.cmpi ne, %convert_element_type3A_136, %cond3A_137 : i32
    scf.if %cond3A_138 {
      %dma_wait3A = arith.constant 0 : i32
      %dma_wait3A_169 = arith.constant 0 : i32
      %dma_wait3A_170 = tpu.memref_slice %arg13[%dma_wait3A, %dma_wait3A_169] : memref<4096x16xf32, #tpu.memory_space<vmem>> -> memref<128x16xf32, #tpu.memory_space<vmem>>
      %dma_wait3A_171 = arith.constant 0 : i32
      %dma_wait3A_172 = arith.constant 0 : i32
      %dma_wait3A_173 = tpu.memref_slice %arg3[%dma_wait3A_171, %dma_wait3A_172] : memref<65536x16xf32, #tpu.memory_space<hbm>> -> memref<128x16xf32, #tpu.memory_space<hbm>>
      %dma_wait3A_174 = arith.constant 0 : i32
      %dma_wait3A_175 = arith.constant 0 : i32
      %dma_wait3A_176 = tpu.memref_slice %arg13[%dma_wait3A_174, %dma_wait3A_175] : memref<4096x16xf32, #tpu.memory_space<vmem>> -> memref<128x16xf32, #tpu.memory_space<vmem>>
      %dma_wait3A_177 = arith.constant 0 : i32
      %dma_wait3A_178 = arith.constant 0 : i32
      %dma_wait3A_179 = tpu.memref_slice %arg3[%dma_wait3A_177, %dma_wait3A_178] : memref<65536x16xf32, #tpu.memory_space<hbm>> -> memref<128x16xf32, #tpu.memory_space<hbm>>
      tpu.wait_dma2 semaphore(%arg15 : memref<!tpu.dma_semaphore, #tpu.memory_space<semaphore_mem>>) src(%dma_wait3A_179 : memref<128x16xf32, #tpu.memory_space<hbm>>) dst(%dma_wait3A_176 : memref<128x16xf32, #tpu.memory_space<vmem>>)
      %dma_wait3A_180 = arith.constant 0 : i32
      %dma_wait3A_181 = arith.constant 0 : i32
      %dma_wait3A_182 = tpu.memref_slice %arg13[%dma_wait3A_180, %dma_wait3A_181] : memref<4096x16xf32, #tpu.memory_space<vmem>> -> memref<128x16xf32, #tpu.memory_space<vmem>>
      %dma_wait3A_183 = arith.constant 0 : i32
      %dma_wait3A_184 = arith.constant 0 : i32
      %dma_wait3A_185 = tpu.memref_slice %arg3[%dma_wait3A_183, %dma_wait3A_184] : memref<65536x16xf32, #tpu.memory_space<hbm>> -> memref<128x16xf32, #tpu.memory_space<hbm>>
      %dma_wait3A_186 = arith.constant 0 : i32
      %dma_wait3A_187 = arith.constant 0 : i32
      %dma_wait3A_188 = tpu.memref_slice %arg13[%dma_wait3A_186, %dma_wait3A_187] : memref<4096x16xf32, #tpu.memory_space<vmem>> -> memref<128x16xf32, #tpu.memory_space<vmem>>
      %dma_wait3A_189 = arith.constant 0 : i32
      %dma_wait3A_190 = arith.constant 0 : i32
      %dma_wait3A_191 = tpu.memref_slice %arg3[%dma_wait3A_189, %dma_wait3A_190] : memref<65536x16xf32, #tpu.memory_space<hbm>> -> memref<128x16xf32, #tpu.memory_space<hbm>>
      tpu.wait_dma2 semaphore(%arg15 : memref<!tpu.dma_semaphore, #tpu.memory_space<semaphore_mem>>) src(%dma_wait3A_191 : memref<128x16xf32, #tpu.memory_space<hbm>>) dst(%dma_wait3A_188 : memref<128x16xf32, #tpu.memory_space<vmem>>)
      %dma_wait3A_192 = arith.constant 0 : i32
      %dma_wait3A_193 = arith.constant 0 : i32
      %dma_wait3A_194 = tpu.memref_slice %arg13[%dma_wait3A_192, %dma_wait3A_193] : memref<4096x16xf32, #tpu.memory_space<vmem>> -> memref<128x16xf32, #tpu.memory_space<vmem>>
      %dma_wait3A_195 = arith.constant 0 : i32
      %dma_wait3A_196 = arith.constant 0 : i32
      %dma_wait3A_197 = tpu.memref_slice %arg3[%dma_wait3A_195, %dma_wait3A_196] : memref<65536x16xf32, #tpu.memory_space<hbm>> -> memref<128x16xf32, #tpu.memory_space<hbm>>
      %dma_wait3A_198 = arith.constant 0 : i32
      %dma_wait3A_199 = arith.constant 0 : i32
      %dma_wait3A_200 = tpu.memref_slice %arg13[%dma_wait3A_198, %dma_wait3A_199] : memref<4096x16xf32, #tpu.memory_space<vmem>> -> memref<128x16xf32, #tpu.memory_space<vmem>>
      %dma_wait3A_201 = arith.constant 0 : i32
      %dma_wait3A_202 = arith.constant 0 : i32
      %dma_wait3A_203 = tpu.memref_slice %arg3[%dma_wait3A_201, %dma_wait3A_202] : memref<65536x16xf32, #tpu.memory_space<hbm>> -> memref<128x16xf32, #tpu.memory_space<hbm>>
      tpu.wait_dma2 semaphore(%arg15 : memref<!tpu.dma_semaphore, #tpu.memory_space<semaphore_mem>>) src(%dma_wait3A_203 : memref<128x16xf32, #tpu.memory_space<hbm>>) dst(%dma_wait3A_200 : memref<128x16xf32, #tpu.memory_space<vmem>>)
      %dma_wait3A_204 = arith.constant 0 : i32
      %dma_wait3A_205 = arith.constant 0 : i32
      %dma_wait3A_206 = tpu.memref_slice %arg13[%dma_wait3A_204, %dma_wait3A_205] : memref<4096x16xf32, #tpu.memory_space<vmem>> -> memref<128x16xf32, #tpu.memory_space<vmem>>
      %dma_wait3A_207 = arith.constant 0 : i32
      %dma_wait3A_208 = arith.constant 0 : i32
      %dma_wait3A_209 = tpu.memref_slice %arg3[%dma_wait3A_207, %dma_wait3A_208] : memref<65536x16xf32, #tpu.memory_space<hbm>> -> memref<128x16xf32, #tpu.memory_space<hbm>>
      %dma_wait3A_210 = arith.constant 0 : i32
      %dma_wait3A_211 = arith.constant 0 : i32
      %dma_wait3A_212 = tpu.memref_slice %arg13[%dma_wait3A_210, %dma_wait3A_211] : memref<4096x16xf32, #tpu.memory_space<vmem>> -> memref<128x16xf32, #tpu.memory_space<vmem>>
      %dma_wait3A_213 = arith.constant 0 : i32
      %dma_wait3A_214 = arith.constant 0 : i32
      %dma_wait3A_215 = tpu.memref_slice %arg3[%dma_wait3A_213, %dma_wait3A_214] : memref<65536x16xf32, #tpu.memory_space<hbm>> -> memref<128x16xf32, #tpu.memory_space<hbm>>
      tpu.wait_dma2 semaphore(%arg15 : memref<!tpu.dma_semaphore, #tpu.memory_space<semaphore_mem>>) src(%dma_wait3A_215 : memref<128x16xf32, #tpu.memory_space<hbm>>) dst(%dma_wait3A_212 : memref<128x16xf32, #tpu.memory_space<vmem>>)
    } else {
    }
    %gt3A_139 = arith.constant 256 : i32
    %gt3A_140 = arith.cmpi sgt, %shift_right_arithmetic3A_5, %gt3A_139 : i32
    %convert_element_type3A_141 = arith.extui %gt3A_140 : i1 to i32
    %cond3A_142 = arith.constant 0 : i32
    %cond3A_143 = arith.cmpi ne, %convert_element_type3A_141, %cond3A_142 : i32
    scf.if %cond3A_143 {
      %dma_wait3A = arith.constant 0 : i32
      %dma_wait3A_169 = arith.constant 0 : i32
      %dma_wait3A_170 = tpu.memref_slice %arg13[%dma_wait3A, %dma_wait3A_169] : memref<4096x16xf32, #tpu.memory_space<vmem>> -> memref<128x16xf32, #tpu.memory_space<vmem>>
      %dma_wait3A_171 = arith.constant 0 : i32
      %dma_wait3A_172 = arith.constant 0 : i32
      %dma_wait3A_173 = tpu.memref_slice %arg3[%dma_wait3A_171, %dma_wait3A_172] : memref<65536x16xf32, #tpu.memory_space<hbm>> -> memref<128x16xf32, #tpu.memory_space<hbm>>
      %dma_wait3A_174 = arith.constant 0 : i32
      %dma_wait3A_175 = arith.constant 0 : i32
      %dma_wait3A_176 = tpu.memref_slice %arg13[%dma_wait3A_174, %dma_wait3A_175] : memref<4096x16xf32, #tpu.memory_space<vmem>> -> memref<128x16xf32, #tpu.memory_space<vmem>>
      %dma_wait3A_177 = arith.constant 0 : i32
      %dma_wait3A_178 = arith.constant 0 : i32
      %dma_wait3A_179 = tpu.memref_slice %arg3[%dma_wait3A_177, %dma_wait3A_178] : memref<65536x16xf32, #tpu.memory_space<hbm>> -> memref<128x16xf32, #tpu.memory_space<hbm>>
      tpu.wait_dma2 semaphore(%arg15 : memref<!tpu.dma_semaphore, #tpu.memory_space<semaphore_mem>>) src(%dma_wait3A_179 : memref<128x16xf32, #tpu.memory_space<hbm>>) dst(%dma_wait3A_176 : memref<128x16xf32, #tpu.memory_space<vmem>>)
      %dma_wait3A_180 = arith.constant 0 : i32
      %dma_wait3A_181 = arith.constant 0 : i32
      %dma_wait3A_182 = tpu.memref_slice %arg13[%dma_wait3A_180, %dma_wait3A_181] : memref<4096x16xf32, #tpu.memory_space<vmem>> -> memref<128x16xf32, #tpu.memory_space<vmem>>
      %dma_wait3A_183 = arith.constant 0 : i32
      %dma_wait3A_184 = arith.constant 0 : i32
      %dma_wait3A_185 = tpu.memref_slice %arg3[%dma_wait3A_183, %dma_wait3A_184] : memref<65536x16xf32, #tpu.memory_space<hbm>> -> memref<128x16xf32, #tpu.memory_space<hbm>>
      %dma_wait3A_186 = arith.constant 0 : i32
      %dma_wait3A_187 = arith.constant 0 : i32
      %dma_wait3A_188 = tpu.memref_slice %arg13[%dma_wait3A_186, %dma_wait3A_187] : memref<4096x16xf32, #tpu.memory_space<vmem>> -> memref<128x16xf32, #tpu.memory_space<vmem>>
      %dma_wait3A_189 = arith.constant 0 : i32
      %dma_wait3A_190 = arith.constant 0 : i32
      %dma_wait3A_191 = tpu.memref_slice %arg3[%dma_wait3A_189, %dma_wait3A_190] : memref<65536x16xf32, #tpu.memory_space<hbm>> -> memref<128x16xf32, #tpu.memory_space<hbm>>
      tpu.wait_dma2 semaphore(%arg15 : memref<!tpu.dma_semaphore, #tpu.memory_space<semaphore_mem>>) src(%dma_wait3A_191 : memref<128x16xf32, #tpu.memory_space<hbm>>) dst(%dma_wait3A_188 : memref<128x16xf32, #tpu.memory_space<vmem>>)
      %dma_wait3A_192 = arith.constant 0 : i32
      %dma_wait3A_193 = arith.constant 0 : i32
      %dma_wait3A_194 = tpu.memref_slice %arg13[%dma_wait3A_192, %dma_wait3A_193] : memref<4096x16xf32, #tpu.memory_space<vmem>> -> memref<128x16xf32, #tpu.memory_space<vmem>>
      %dma_wait3A_195 = arith.constant 0 : i32
      %dma_wait3A_196 = arith.constant 0 : i32
      %dma_wait3A_197 = tpu.memref_slice %arg3[%dma_wait3A_195, %dma_wait3A_196] : memref<65536x16xf32, #tpu.memory_space<hbm>> -> memref<128x16xf32, #tpu.memory_space<hbm>>
      %dma_wait3A_198 = arith.constant 0 : i32
      %dma_wait3A_199 = arith.constant 0 : i32
      %dma_wait3A_200 = tpu.memref_slice %arg13[%dma_wait3A_198, %dma_wait3A_199] : memref<4096x16xf32, #tpu.memory_space<vmem>> -> memref<128x16xf32, #tpu.memory_space<vmem>>
      %dma_wait3A_201 = arith.constant 0 : i32
      %dma_wait3A_202 = arith.constant 0 : i32
      %dma_wait3A_203 = tpu.memref_slice %arg3[%dma_wait3A_201, %dma_wait3A_202] : memref<65536x16xf32, #tpu.memory_space<hbm>> -> memref<128x16xf32, #tpu.memory_space<hbm>>
      tpu.wait_dma2 semaphore(%arg15 : memref<!tpu.dma_semaphore, #tpu.memory_space<semaphore_mem>>) src(%dma_wait3A_203 : memref<128x16xf32, #tpu.memory_space<hbm>>) dst(%dma_wait3A_200 : memref<128x16xf32, #tpu.memory_space<vmem>>)
      %dma_wait3A_204 = arith.constant 0 : i32
      %dma_wait3A_205 = arith.constant 0 : i32
      %dma_wait3A_206 = tpu.memref_slice %arg13[%dma_wait3A_204, %dma_wait3A_205] : memref<4096x16xf32, #tpu.memory_space<vmem>> -> memref<128x16xf32, #tpu.memory_space<vmem>>
      %dma_wait3A_207 = arith.constant 0 : i32
      %dma_wait3A_208 = arith.constant 0 : i32
      %dma_wait3A_209 = tpu.memref_slice %arg3[%dma_wait3A_207, %dma_wait3A_208] : memref<65536x16xf32, #tpu.memory_space<hbm>> -> memref<128x16xf32, #tpu.memory_space<hbm>>
      %dma_wait3A_210 = arith.constant 0 : i32
      %dma_wait3A_211 = arith.constant 0 : i32
      %dma_wait3A_212 = tpu.memref_slice %arg13[%dma_wait3A_210, %dma_wait3A_211] : memref<4096x16xf32, #tpu.memory_space<vmem>> -> memref<128x16xf32, #tpu.memory_space<vmem>>
      %dma_wait3A_213 = arith.constant 0 : i32
      %dma_wait3A_214 = arith.constant 0 : i32
      %dma_wait3A_215 = tpu.memref_slice %arg3[%dma_wait3A_213, %dma_wait3A_214] : memref<65536x16xf32, #tpu.memory_space<hbm>> -> memref<128x16xf32, #tpu.memory_space<hbm>>
      tpu.wait_dma2 semaphore(%arg15 : memref<!tpu.dma_semaphore, #tpu.memory_space<semaphore_mem>>) src(%dma_wait3A_215 : memref<128x16xf32, #tpu.memory_space<hbm>>) dst(%dma_wait3A_212 : memref<128x16xf32, #tpu.memory_space<vmem>>)
    } else {
    }
    %gt3A_144 = arith.constant 384 : i32
    %gt3A_145 = arith.cmpi sgt, %shift_right_arithmetic3A_5, %gt3A_144 : i32
    %convert_element_type3A_146 = arith.extui %gt3A_145 : i1 to i32
    %cond3A_147 = arith.constant 0 : i32
    %cond3A_148 = arith.cmpi ne, %convert_element_type3A_146, %cond3A_147 : i32
    scf.if %cond3A_148 {
      %dma_wait3A = arith.constant 0 : i32
      %dma_wait3A_169 = arith.constant 0 : i32
      %dma_wait3A_170 = tpu.memref_slice %arg13[%dma_wait3A, %dma_wait3A_169] : memref<4096x16xf32, #tpu.memory_space<vmem>> -> memref<128x16xf32, #tpu.memory_space<vmem>>
      %dma_wait3A_171 = arith.constant 0 : i32
      %dma_wait3A_172 = arith.constant 0 : i32
      %dma_wait3A_173 = tpu.memref_slice %arg3[%dma_wait3A_171, %dma_wait3A_172] : memref<65536x16xf32, #tpu.memory_space<hbm>> -> memref<128x16xf32, #tpu.memory_space<hbm>>
      %dma_wait3A_174 = arith.constant 0 : i32
      %dma_wait3A_175 = arith.constant 0 : i32
      %dma_wait3A_176 = tpu.memref_slice %arg13[%dma_wait3A_174, %dma_wait3A_175] : memref<4096x16xf32, #tpu.memory_space<vmem>> -> memref<128x16xf32, #tpu.memory_space<vmem>>
      %dma_wait3A_177 = arith.constant 0 : i32
      %dma_wait3A_178 = arith.constant 0 : i32
      %dma_wait3A_179 = tpu.memref_slice %arg3[%dma_wait3A_177, %dma_wait3A_178] : memref<65536x16xf32, #tpu.memory_space<hbm>> -> memref<128x16xf32, #tpu.memory_space<hbm>>
      tpu.wait_dma2 semaphore(%arg15 : memref<!tpu.dma_semaphore, #tpu.memory_space<semaphore_mem>>) src(%dma_wait3A_179 : memref<128x16xf32, #tpu.memory_space<hbm>>) dst(%dma_wait3A_176 : memref<128x16xf32, #tpu.memory_space<vmem>>)
      %dma_wait3A_180 = arith.constant 0 : i32
      %dma_wait3A_181 = arith.constant 0 : i32
      %dma_wait3A_182 = tpu.memref_slice %arg13[%dma_wait3A_180, %dma_wait3A_181] : memref<4096x16xf32, #tpu.memory_space<vmem>> -> memref<128x16xf32, #tpu.memory_space<vmem>>
      %dma_wait3A_183 = arith.constant 0 : i32
      %dma_wait3A_184 = arith.constant 0 : i32
      %dma_wait3A_185 = tpu.memref_slice %arg3[%dma_wait3A_183, %dma_wait3A_184] : memref<65536x16xf32, #tpu.memory_space<hbm>> -> memref<128x16xf32, #tpu.memory_space<hbm>>
      %dma_wait3A_186 = arith.constant 0 : i32
      %dma_wait3A_187 = arith.constant 0 : i32
      %dma_wait3A_188 = tpu.memref_slice %arg13[%dma_wait3A_186, %dma_wait3A_187] : memref<4096x16xf32, #tpu.memory_space<vmem>> -> memref<128x16xf32, #tpu.memory_space<vmem>>
      %dma_wait3A_189 = arith.constant 0 : i32
      %dma_wait3A_190 = arith.constant 0 : i32
      %dma_wait3A_191 = tpu.memref_slice %arg3[%dma_wait3A_189, %dma_wait3A_190] : memref<65536x16xf32, #tpu.memory_space<hbm>> -> memref<128x16xf32, #tpu.memory_space<hbm>>
      tpu.wait_dma2 semaphore(%arg15 : memref<!tpu.dma_semaphore, #tpu.memory_space<semaphore_mem>>) src(%dma_wait3A_191 : memref<128x16xf32, #tpu.memory_space<hbm>>) dst(%dma_wait3A_188 : memref<128x16xf32, #tpu.memory_space<vmem>>)
      %dma_wait3A_192 = arith.constant 0 : i32
      %dma_wait3A_193 = arith.constant 0 : i32
      %dma_wait3A_194 = tpu.memref_slice %arg13[%dma_wait3A_192, %dma_wait3A_193] : memref<4096x16xf32, #tpu.memory_space<vmem>> -> memref<128x16xf32, #tpu.memory_space<vmem>>
      %dma_wait3A_195 = arith.constant 0 : i32
      %dma_wait3A_196 = arith.constant 0 : i32
      %dma_wait3A_197 = tpu.memref_slice %arg3[%dma_wait3A_195, %dma_wait3A_196] : memref<65536x16xf32, #tpu.memory_space<hbm>> -> memref<128x16xf32, #tpu.memory_space<hbm>>
      %dma_wait3A_198 = arith.constant 0 : i32
      %dma_wait3A_199 = arith.constant 0 : i32
      %dma_wait3A_200 = tpu.memref_slice %arg13[%dma_wait3A_198, %dma_wait3A_199] : memref<4096x16xf32, #tpu.memory_space<vmem>> -> memref<128x16xf32, #tpu.memory_space<vmem>>
      %dma_wait3A_201 = arith.constant 0 : i32
      %dma_wait3A_202 = arith.constant 0 : i32
      %dma_wait3A_203 = tpu.memref_slice %arg3[%dma_wait3A_201, %dma_wait3A_202] : memref<65536x16xf32, #tpu.memory_space<hbm>> -> memref<128x16xf32, #tpu.memory_space<hbm>>
      tpu.wait_dma2 semaphore(%arg15 : memref<!tpu.dma_semaphore, #tpu.memory_space<semaphore_mem>>) src(%dma_wait3A_203 : memref<128x16xf32, #tpu.memory_space<hbm>>) dst(%dma_wait3A_200 : memref<128x16xf32, #tpu.memory_space<vmem>>)
      %dma_wait3A_204 = arith.constant 0 : i32
      %dma_wait3A_205 = arith.constant 0 : i32
      %dma_wait3A_206 = tpu.memref_slice %arg13[%dma_wait3A_204, %dma_wait3A_205] : memref<4096x16xf32, #tpu.memory_space<vmem>> -> memref<128x16xf32, #tpu.memory_space<vmem>>
      %dma_wait3A_207 = arith.constant 0 : i32
      %dma_wait3A_208 = arith.constant 0 : i32
      %dma_wait3A_209 = tpu.memref_slice %arg3[%dma_wait3A_207, %dma_wait3A_208] : memref<65536x16xf32, #tpu.memory_space<hbm>> -> memref<128x16xf32, #tpu.memory_space<hbm>>
      %dma_wait3A_210 = arith.constant 0 : i32
      %dma_wait3A_211 = arith.constant 0 : i32
      %dma_wait3A_212 = tpu.memref_slice %arg13[%dma_wait3A_210, %dma_wait3A_211] : memref<4096x16xf32, #tpu.memory_space<vmem>> -> memref<128x16xf32, #tpu.memory_space<vmem>>
      %dma_wait3A_213 = arith.constant 0 : i32
      %dma_wait3A_214 = arith.constant 0 : i32
      %dma_wait3A_215 = tpu.memref_slice %arg3[%dma_wait3A_213, %dma_wait3A_214] : memref<65536x16xf32, #tpu.memory_space<hbm>> -> memref<128x16xf32, #tpu.memory_space<hbm>>
      tpu.wait_dma2 semaphore(%arg15 : memref<!tpu.dma_semaphore, #tpu.memory_space<semaphore_mem>>) src(%dma_wait3A_215 : memref<128x16xf32, #tpu.memory_space<hbm>>) dst(%dma_wait3A_212 : memref<128x16xf32, #tpu.memory_space<vmem>>)
    } else {
    }
    %gt3A_149 = arith.constant 512 : i32
    %gt3A_150 = arith.cmpi sgt, %shift_right_arithmetic3A_5, %gt3A_149 : i32
    %convert_element_type3A_151 = arith.extui %gt3A_150 : i1 to i32
    %cond3A_152 = arith.constant 0 : i32
    %cond3A_153 = arith.cmpi ne, %convert_element_type3A_151, %cond3A_152 : i32
    scf.if %cond3A_153 {
      %dma_wait3A = arith.constant 0 : i32
      %dma_wait3A_169 = arith.constant 0 : i32
      %dma_wait3A_170 = tpu.memref_slice %arg13[%dma_wait3A, %dma_wait3A_169] : memref<4096x16xf32, #tpu.memory_space<vmem>> -> memref<128x16xf32, #tpu.memory_space<vmem>>
      %dma_wait3A_171 = arith.constant 0 : i32
      %dma_wait3A_172 = arith.constant 0 : i32
      %dma_wait3A_173 = tpu.memref_slice %arg3[%dma_wait3A_171, %dma_wait3A_172] : memref<65536x16xf32, #tpu.memory_space<hbm>> -> memref<128x16xf32, #tpu.memory_space<hbm>>
      %dma_wait3A_174 = arith.constant 0 : i32
      %dma_wait3A_175 = arith.constant 0 : i32
      %dma_wait3A_176 = tpu.memref_slice %arg13[%dma_wait3A_174, %dma_wait3A_175] : memref<4096x16xf32, #tpu.memory_space<vmem>> -> memref<128x16xf32, #tpu.memory_space<vmem>>
      %dma_wait3A_177 = arith.constant 0 : i32
      %dma_wait3A_178 = arith.constant 0 : i32
      %dma_wait3A_179 = tpu.memref_slice %arg3[%dma_wait3A_177, %dma_wait3A_178] : memref<65536x16xf32, #tpu.memory_space<hbm>> -> memref<128x16xf32, #tpu.memory_space<hbm>>
      tpu.wait_dma2 semaphore(%arg15 : memref<!tpu.dma_semaphore, #tpu.memory_space<semaphore_mem>>) src(%dma_wait3A_179 : memref<128x16xf32, #tpu.memory_space<hbm>>) dst(%dma_wait3A_176 : memref<128x16xf32, #tpu.memory_space<vmem>>)
      %dma_wait3A_180 = arith.constant 0 : i32
      %dma_wait3A_181 = arith.constant 0 : i32
      %dma_wait3A_182 = tpu.memref_slice %arg13[%dma_wait3A_180, %dma_wait3A_181] : memref<4096x16xf32, #tpu.memory_space<vmem>> -> memref<128x16xf32, #tpu.memory_space<vmem>>
      %dma_wait3A_183 = arith.constant 0 : i32
      %dma_wait3A_184 = arith.constant 0 : i32
      %dma_wait3A_185 = tpu.memref_slice %arg3[%dma_wait3A_183, %dma_wait3A_184] : memref<65536x16xf32, #tpu.memory_space<hbm>> -> memref<128x16xf32, #tpu.memory_space<hbm>>
      %dma_wait3A_186 = arith.constant 0 : i32
      %dma_wait3A_187 = arith.constant 0 : i32
      %dma_wait3A_188 = tpu.memref_slice %arg13[%dma_wait3A_186, %dma_wait3A_187] : memref<4096x16xf32, #tpu.memory_space<vmem>> -> memref<128x16xf32, #tpu.memory_space<vmem>>
      %dma_wait3A_189 = arith.constant 0 : i32
      %dma_wait3A_190 = arith.constant 0 : i32
      %dma_wait3A_191 = tpu.memref_slice %arg3[%dma_wait3A_189, %dma_wait3A_190] : memref<65536x16xf32, #tpu.memory_space<hbm>> -> memref<128x16xf32, #tpu.memory_space<hbm>>
      tpu.wait_dma2 semaphore(%arg15 : memref<!tpu.dma_semaphore, #tpu.memory_space<semaphore_mem>>) src(%dma_wait3A_191 : memref<128x16xf32, #tpu.memory_space<hbm>>) dst(%dma_wait3A_188 : memref<128x16xf32, #tpu.memory_space<vmem>>)
      %dma_wait3A_192 = arith.constant 0 : i32
      %dma_wait3A_193 = arith.constant 0 : i32
      %dma_wait3A_194 = tpu.memref_slice %arg13[%dma_wait3A_192, %dma_wait3A_193] : memref<4096x16xf32, #tpu.memory_space<vmem>> -> memref<128x16xf32, #tpu.memory_space<vmem>>
      %dma_wait3A_195 = arith.constant 0 : i32
      %dma_wait3A_196 = arith.constant 0 : i32
      %dma_wait3A_197 = tpu.memref_slice %arg3[%dma_wait3A_195, %dma_wait3A_196] : memref<65536x16xf32, #tpu.memory_space<hbm>> -> memref<128x16xf32, #tpu.memory_space<hbm>>
      %dma_wait3A_198 = arith.constant 0 : i32
      %dma_wait3A_199 = arith.constant 0 : i32
      %dma_wait3A_200 = tpu.memref_slice %arg13[%dma_wait3A_198, %dma_wait3A_199] : memref<4096x16xf32, #tpu.memory_space<vmem>> -> memref<128x16xf32, #tpu.memory_space<vmem>>
      %dma_wait3A_201 = arith.constant 0 : i32
      %dma_wait3A_202 = arith.constant 0 : i32
      %dma_wait3A_203 = tpu.memref_slice %arg3[%dma_wait3A_201, %dma_wait3A_202] : memref<65536x16xf32, #tpu.memory_space<hbm>> -> memref<128x16xf32, #tpu.memory_space<hbm>>
      tpu.wait_dma2 semaphore(%arg15 : memref<!tpu.dma_semaphore, #tpu.memory_space<semaphore_mem>>) src(%dma_wait3A_203 : memref<128x16xf32, #tpu.memory_space<hbm>>) dst(%dma_wait3A_200 : memref<128x16xf32, #tpu.memory_space<vmem>>)
      %dma_wait3A_204 = arith.constant 0 : i32
      %dma_wait3A_205 = arith.constant 0 : i32
      %dma_wait3A_206 = tpu.memref_slice %arg13[%dma_wait3A_204, %dma_wait3A_205] : memref<4096x16xf32, #tpu.memory_space<vmem>> -> memref<128x16xf32, #tpu.memory_space<vmem>>
      %dma_wait3A_207 = arith.constant 0 : i32
      %dma_wait3A_208 = arith.constant 0 : i32
      %dma_wait3A_209 = tpu.memref_slice %arg3[%dma_wait3A_207, %dma_wait3A_208] : memref<65536x16xf32, #tpu.memory_space<hbm>> -> memref<128x16xf32, #tpu.memory_space<hbm>>
      %dma_wait3A_210 = arith.constant 0 : i32
      %dma_wait3A_211 = arith.constant 0 : i32
      %dma_wait3A_212 = tpu.memref_slice %arg13[%dma_wait3A_210, %dma_wait3A_211] : memref<4096x16xf32, #tpu.memory_space<vmem>> -> memref<128x16xf32, #tpu.memory_space<vmem>>
      %dma_wait3A_213 = arith.constant 0 : i32
      %dma_wait3A_214 = arith.constant 0 : i32
      %dma_wait3A_215 = tpu.memref_slice %arg3[%dma_wait3A_213, %dma_wait3A_214] : memref<65536x16xf32, #tpu.memory_space<hbm>> -> memref<128x16xf32, #tpu.memory_space<hbm>>
      tpu.wait_dma2 semaphore(%arg15 : memref<!tpu.dma_semaphore, #tpu.memory_space<semaphore_mem>>) src(%dma_wait3A_215 : memref<128x16xf32, #tpu.memory_space<hbm>>) dst(%dma_wait3A_212 : memref<128x16xf32, #tpu.memory_space<vmem>>)
    } else {
    }
    %gt3A_154 = arith.constant 640 : i32
    %gt3A_155 = arith.cmpi sgt, %shift_right_arithmetic3A_5, %gt3A_154 : i32
    %convert_element_type3A_156 = arith.extui %gt3A_155 : i1 to i32
    %cond3A_157 = arith.constant 0 : i32
    %cond3A_158 = arith.cmpi ne, %convert_element_type3A_156, %cond3A_157 : i32
    scf.if %cond3A_158 {
      %dma_wait3A = arith.constant 0 : i32
      %dma_wait3A_169 = arith.constant 0 : i32
      %dma_wait3A_170 = tpu.memref_slice %arg13[%dma_wait3A, %dma_wait3A_169] : memref<4096x16xf32, #tpu.memory_space<vmem>> -> memref<128x16xf32, #tpu.memory_space<vmem>>
      %dma_wait3A_171 = arith.constant 0 : i32
      %dma_wait3A_172 = arith.constant 0 : i32
      %dma_wait3A_173 = tpu.memref_slice %arg3[%dma_wait3A_171, %dma_wait3A_172] : memref<65536x16xf32, #tpu.memory_space<hbm>> -> memref<128x16xf32, #tpu.memory_space<hbm>>
      %dma_wait3A_174 = arith.constant 0 : i32
      %dma_wait3A_175 = arith.constant 0 : i32
      %dma_wait3A_176 = tpu.memref_slice %arg13[%dma_wait3A_174, %dma_wait3A_175] : memref<4096x16xf32, #tpu.memory_space<vmem>> -> memref<128x16xf32, #tpu.memory_space<vmem>>
      %dma_wait3A_177 = arith.constant 0 : i32
      %dma_wait3A_178 = arith.constant 0 : i32
      %dma_wait3A_179 = tpu.memref_slice %arg3[%dma_wait3A_177, %dma_wait3A_178] : memref<65536x16xf32, #tpu.memory_space<hbm>> -> memref<128x16xf32, #tpu.memory_space<hbm>>
      tpu.wait_dma2 semaphore(%arg15 : memref<!tpu.dma_semaphore, #tpu.memory_space<semaphore_mem>>) src(%dma_wait3A_179 : memref<128x16xf32, #tpu.memory_space<hbm>>) dst(%dma_wait3A_176 : memref<128x16xf32, #tpu.memory_space<vmem>>)
      %dma_wait3A_180 = arith.constant 0 : i32
      %dma_wait3A_181 = arith.constant 0 : i32
      %dma_wait3A_182 = tpu.memref_slice %arg13[%dma_wait3A_180, %dma_wait3A_181] : memref<4096x16xf32, #tpu.memory_space<vmem>> -> memref<128x16xf32, #tpu.memory_space<vmem>>
      %dma_wait3A_183 = arith.constant 0 : i32
      %dma_wait3A_184 = arith.constant 0 : i32
      %dma_wait3A_185 = tpu.memref_slice %arg3[%dma_wait3A_183, %dma_wait3A_184] : memref<65536x16xf32, #tpu.memory_space<hbm>> -> memref<128x16xf32, #tpu.memory_space<hbm>>
      %dma_wait3A_186 = arith.constant 0 : i32
      %dma_wait3A_187 = arith.constant 0 : i32
      %dma_wait3A_188 = tpu.memref_slice %arg13[%dma_wait3A_186, %dma_wait3A_187] : memref<4096x16xf32, #tpu.memory_space<vmem>> -> memref<128x16xf32, #tpu.memory_space<vmem>>
      %dma_wait3A_189 = arith.constant 0 : i32
      %dma_wait3A_190 = arith.constant 0 : i32
      %dma_wait3A_191 = tpu.memref_slice %arg3[%dma_wait3A_189, %dma_wait3A_190] : memref<65536x16xf32, #tpu.memory_space<hbm>> -> memref<128x16xf32, #tpu.memory_space<hbm>>
      tpu.wait_dma2 semaphore(%arg15 : memref<!tpu.dma_semaphore, #tpu.memory_space<semaphore_mem>>) src(%dma_wait3A_191 : memref<128x16xf32, #tpu.memory_space<hbm>>) dst(%dma_wait3A_188 : memref<128x16xf32, #tpu.memory_space<vmem>>)
      %dma_wait3A_192 = arith.constant 0 : i32
      %dma_wait3A_193 = arith.constant 0 : i32
      %dma_wait3A_194 = tpu.memref_slice %arg13[%dma_wait3A_192, %dma_wait3A_193] : memref<4096x16xf32, #tpu.memory_space<vmem>> -> memref<128x16xf32, #tpu.memory_space<vmem>>
      %dma_wait3A_195 = arith.constant 0 : i32
      %dma_wait3A_196 = arith.constant 0 : i32
      %dma_wait3A_197 = tpu.memref_slice %arg3[%dma_wait3A_195, %dma_wait3A_196] : memref<65536x16xf32, #tpu.memory_space<hbm>> -> memref<128x16xf32, #tpu.memory_space<hbm>>
      %dma_wait3A_198 = arith.constant 0 : i32
      %dma_wait3A_199 = arith.constant 0 : i32
      %dma_wait3A_200 = tpu.memref_slice %arg13[%dma_wait3A_198, %dma_wait3A_199] : memref<4096x16xf32, #tpu.memory_space<vmem>> -> memref<128x16xf32, #tpu.memory_space<vmem>>
      %dma_wait3A_201 = arith.constant 0 : i32
      %dma_wait3A_202 = arith.constant 0 : i32
      %dma_wait3A_203 = tpu.memref_slice %arg3[%dma_wait3A_201, %dma_wait3A_202] : memref<65536x16xf32, #tpu.memory_space<hbm>> -> memref<128x16xf32, #tpu.memory_space<hbm>>
      tpu.wait_dma2 semaphore(%arg15 : memref<!tpu.dma_semaphore, #tpu.memory_space<semaphore_mem>>) src(%dma_wait3A_203 : memref<128x16xf32, #tpu.memory_space<hbm>>) dst(%dma_wait3A_200 : memref<128x16xf32, #tpu.memory_space<vmem>>)
      %dma_wait3A_204 = arith.constant 0 : i32
      %dma_wait3A_205 = arith.constant 0 : i32
      %dma_wait3A_206 = tpu.memref_slice %arg13[%dma_wait3A_204, %dma_wait3A_205] : memref<4096x16xf32, #tpu.memory_space<vmem>> -> memref<128x16xf32, #tpu.memory_space<vmem>>
      %dma_wait3A_207 = arith.constant 0 : i32
      %dma_wait3A_208 = arith.constant 0 : i32
      %dma_wait3A_209 = tpu.memref_slice %arg3[%dma_wait3A_207, %dma_wait3A_208] : memref<65536x16xf32, #tpu.memory_space<hbm>> -> memref<128x16xf32, #tpu.memory_space<hbm>>
      %dma_wait3A_210 = arith.constant 0 : i32
      %dma_wait3A_211 = arith.constant 0 : i32
      %dma_wait3A_212 = tpu.memref_slice %arg13[%dma_wait3A_210, %dma_wait3A_211] : memref<4096x16xf32, #tpu.memory_space<vmem>> -> memref<128x16xf32, #tpu.memory_space<vmem>>
      %dma_wait3A_213 = arith.constant 0 : i32
      %dma_wait3A_214 = arith.constant 0 : i32
      %dma_wait3A_215 = tpu.memref_slice %arg3[%dma_wait3A_213, %dma_wait3A_214] : memref<65536x16xf32, #tpu.memory_space<hbm>> -> memref<128x16xf32, #tpu.memory_space<hbm>>
      tpu.wait_dma2 semaphore(%arg15 : memref<!tpu.dma_semaphore, #tpu.memory_space<semaphore_mem>>) src(%dma_wait3A_215 : memref<128x16xf32, #tpu.memory_space<hbm>>) dst(%dma_wait3A_212 : memref<128x16xf32, #tpu.memory_space<vmem>>)
    } else {
    }
    %gt3A_159 = arith.constant 768 : i32
    %gt3A_160 = arith.cmpi sgt, %shift_right_arithmetic3A_5, %gt3A_159 : i32
    %convert_element_type3A_161 = arith.extui %gt3A_160 : i1 to i32
    %cond3A_162 = arith.constant 0 : i32
    %cond3A_163 = arith.cmpi ne, %convert_element_type3A_161, %cond3A_162 : i32
    scf.if %cond3A_163 {
      %dma_wait3A = arith.constant 0 : i32
      %dma_wait3A_169 = arith.constant 0 : i32
      %dma_wait3A_170 = tpu.memref_slice %arg13[%dma_wait3A, %dma_wait3A_169] : memref<4096x16xf32, #tpu.memory_space<vmem>> -> memref<128x16xf32, #tpu.memory_space<vmem>>
      %dma_wait3A_171 = arith.constant 0 : i32
      %dma_wait3A_172 = arith.constant 0 : i32
      %dma_wait3A_173 = tpu.memref_slice %arg3[%dma_wait3A_171, %dma_wait3A_172] : memref<65536x16xf32, #tpu.memory_space<hbm>> -> memref<128x16xf32, #tpu.memory_space<hbm>>
      %dma_wait3A_174 = arith.constant 0 : i32
      %dma_wait3A_175 = arith.constant 0 : i32
      %dma_wait3A_176 = tpu.memref_slice %arg13[%dma_wait3A_174, %dma_wait3A_175] : memref<4096x16xf32, #tpu.memory_space<vmem>> -> memref<128x16xf32, #tpu.memory_space<vmem>>
      %dma_wait3A_177 = arith.constant 0 : i32
      %dma_wait3A_178 = arith.constant 0 : i32
      %dma_wait3A_179 = tpu.memref_slice %arg3[%dma_wait3A_177, %dma_wait3A_178] : memref<65536x16xf32, #tpu.memory_space<hbm>> -> memref<128x16xf32, #tpu.memory_space<hbm>>
      tpu.wait_dma2 semaphore(%arg15 : memref<!tpu.dma_semaphore, #tpu.memory_space<semaphore_mem>>) src(%dma_wait3A_179 : memref<128x16xf32, #tpu.memory_space<hbm>>) dst(%dma_wait3A_176 : memref<128x16xf32, #tpu.memory_space<vmem>>)
      %dma_wait3A_180 = arith.constant 0 : i32
      %dma_wait3A_181 = arith.constant 0 : i32
      %dma_wait3A_182 = tpu.memref_slice %arg13[%dma_wait3A_180, %dma_wait3A_181] : memref<4096x16xf32, #tpu.memory_space<vmem>> -> memref<128x16xf32, #tpu.memory_space<vmem>>
      %dma_wait3A_183 = arith.constant 0 : i32
      %dma_wait3A_184 = arith.constant 0 : i32
      %dma_wait3A_185 = tpu.memref_slice %arg3[%dma_wait3A_183, %dma_wait3A_184] : memref<65536x16xf32, #tpu.memory_space<hbm>> -> memref<128x16xf32, #tpu.memory_space<hbm>>
      %dma_wait3A_186 = arith.constant 0 : i32
      %dma_wait3A_187 = arith.constant 0 : i32
      %dma_wait3A_188 = tpu.memref_slice %arg13[%dma_wait3A_186, %dma_wait3A_187] : memref<4096x16xf32, #tpu.memory_space<vmem>> -> memref<128x16xf32, #tpu.memory_space<vmem>>
      %dma_wait3A_189 = arith.constant 0 : i32
      %dma_wait3A_190 = arith.constant 0 : i32
      %dma_wait3A_191 = tpu.memref_slice %arg3[%dma_wait3A_189, %dma_wait3A_190] : memref<65536x16xf32, #tpu.memory_space<hbm>> -> memref<128x16xf32, #tpu.memory_space<hbm>>
      tpu.wait_dma2 semaphore(%arg15 : memref<!tpu.dma_semaphore, #tpu.memory_space<semaphore_mem>>) src(%dma_wait3A_191 : memref<128x16xf32, #tpu.memory_space<hbm>>) dst(%dma_wait3A_188 : memref<128x16xf32, #tpu.memory_space<vmem>>)
      %dma_wait3A_192 = arith.constant 0 : i32
      %dma_wait3A_193 = arith.constant 0 : i32
      %dma_wait3A_194 = tpu.memref_slice %arg13[%dma_wait3A_192, %dma_wait3A_193] : memref<4096x16xf32, #tpu.memory_space<vmem>> -> memref<128x16xf32, #tpu.memory_space<vmem>>
      %dma_wait3A_195 = arith.constant 0 : i32
      %dma_wait3A_196 = arith.constant 0 : i32
      %dma_wait3A_197 = tpu.memref_slice %arg3[%dma_wait3A_195, %dma_wait3A_196] : memref<65536x16xf32, #tpu.memory_space<hbm>> -> memref<128x16xf32, #tpu.memory_space<hbm>>
      %dma_wait3A_198 = arith.constant 0 : i32
      %dma_wait3A_199 = arith.constant 0 : i32
      %dma_wait3A_200 = tpu.memref_slice %arg13[%dma_wait3A_198, %dma_wait3A_199] : memref<4096x16xf32, #tpu.memory_space<vmem>> -> memref<128x16xf32, #tpu.memory_space<vmem>>
      %dma_wait3A_201 = arith.constant 0 : i32
      %dma_wait3A_202 = arith.constant 0 : i32
      %dma_wait3A_203 = tpu.memref_slice %arg3[%dma_wait3A_201, %dma_wait3A_202] : memref<65536x16xf32, #tpu.memory_space<hbm>> -> memref<128x16xf32, #tpu.memory_space<hbm>>
      tpu.wait_dma2 semaphore(%arg15 : memref<!tpu.dma_semaphore, #tpu.memory_space<semaphore_mem>>) src(%dma_wait3A_203 : memref<128x16xf32, #tpu.memory_space<hbm>>) dst(%dma_wait3A_200 : memref<128x16xf32, #tpu.memory_space<vmem>>)
      %dma_wait3A_204 = arith.constant 0 : i32
      %dma_wait3A_205 = arith.constant 0 : i32
      %dma_wait3A_206 = tpu.memref_slice %arg13[%dma_wait3A_204, %dma_wait3A_205] : memref<4096x16xf32, #tpu.memory_space<vmem>> -> memref<128x16xf32, #tpu.memory_space<vmem>>
      %dma_wait3A_207 = arith.constant 0 : i32
      %dma_wait3A_208 = arith.constant 0 : i32
      %dma_wait3A_209 = tpu.memref_slice %arg3[%dma_wait3A_207, %dma_wait3A_208] : memref<65536x16xf32, #tpu.memory_space<hbm>> -> memref<128x16xf32, #tpu.memory_space<hbm>>
      %dma_wait3A_210 = arith.constant 0 : i32
      %dma_wait3A_211 = arith.constant 0 : i32
      %dma_wait3A_212 = tpu.memref_slice %arg13[%dma_wait3A_210, %dma_wait3A_211] : memref<4096x16xf32, #tpu.memory_space<vmem>> -> memref<128x16xf32, #tpu.memory_space<vmem>>
      %dma_wait3A_213 = arith.constant 0 : i32
      %dma_wait3A_214 = arith.constant 0 : i32
      %dma_wait3A_215 = tpu.memref_slice %arg3[%dma_wait3A_213, %dma_wait3A_214] : memref<65536x16xf32, #tpu.memory_space<hbm>> -> memref<128x16xf32, #tpu.memory_space<hbm>>
      tpu.wait_dma2 semaphore(%arg15 : memref<!tpu.dma_semaphore, #tpu.memory_space<semaphore_mem>>) src(%dma_wait3A_215 : memref<128x16xf32, #tpu.memory_space<hbm>>) dst(%dma_wait3A_212 : memref<128x16xf32, #tpu.memory_space<vmem>>)
    } else {
    }
    %gt3A_164 = arith.constant 896 : i32
    %gt3A_165 = arith.cmpi sgt, %shift_right_arithmetic3A_5, %gt3A_164 : i32
    %convert_element_type3A_166 = arith.extui %gt3A_165 : i1 to i32
    %cond3A_167 = arith.constant 0 : i32
    %cond3A_168 = arith.cmpi ne, %convert_element_type3A_166, %cond3A_167 : i32
    scf.if %cond3A_168 {
      %dma_wait3A = arith.constant 0 : i32
      %dma_wait3A_169 = arith.constant 0 : i32
      %dma_wait3A_170 = tpu.memref_slice %arg13[%dma_wait3A, %dma_wait3A_169] : memref<4096x16xf32, #tpu.memory_space<vmem>> -> memref<128x16xf32, #tpu.memory_space<vmem>>
      %dma_wait3A_171 = arith.constant 0 : i32
      %dma_wait3A_172 = arith.constant 0 : i32
      %dma_wait3A_173 = tpu.memref_slice %arg3[%dma_wait3A_171, %dma_wait3A_172] : memref<65536x16xf32, #tpu.memory_space<hbm>> -> memref<128x16xf32, #tpu.memory_space<hbm>>
      %dma_wait3A_174 = arith.constant 0 : i32
      %dma_wait3A_175 = arith.constant 0 : i32
      %dma_wait3A_176 = tpu.memref_slice %arg13[%dma_wait3A_174, %dma_wait3A_175] : memref<4096x16xf32, #tpu.memory_space<vmem>> -> memref<128x16xf32, #tpu.memory_space<vmem>>
      %dma_wait3A_177 = arith.constant 0 : i32
      %dma_wait3A_178 = arith.constant 0 : i32
      %dma_wait3A_179 = tpu.memref_slice %arg3[%dma_wait3A_177, %dma_wait3A_178] : memref<65536x16xf32, #tpu.memory_space<hbm>> -> memref<128x16xf32, #tpu.memory_space<hbm>>
      tpu.wait_dma2 semaphore(%arg15 : memref<!tpu.dma_semaphore, #tpu.memory_space<semaphore_mem>>) src(%dma_wait3A_179 : memref<128x16xf32, #tpu.memory_space<hbm>>) dst(%dma_wait3A_176 : memref<128x16xf32, #tpu.memory_space<vmem>>)
      %dma_wait3A_180 = arith.constant 0 : i32
      %dma_wait3A_181 = arith.constant 0 : i32
      %dma_wait3A_182 = tpu.memref_slice %arg13[%dma_wait3A_180, %dma_wait3A_181] : memref<4096x16xf32, #tpu.memory_space<vmem>> -> memref<128x16xf32, #tpu.memory_space<vmem>>
      %dma_wait3A_183 = arith.constant 0 : i32
      %dma_wait3A_184 = arith.constant 0 : i32
      %dma_wait3A_185 = tpu.memref_slice %arg3[%dma_wait3A_183, %dma_wait3A_184] : memref<65536x16xf32, #tpu.memory_space<hbm>> -> memref<128x16xf32, #tpu.memory_space<hbm>>
      %dma_wait3A_186 = arith.constant 0 : i32
      %dma_wait3A_187 = arith.constant 0 : i32
      %dma_wait3A_188 = tpu.memref_slice %arg13[%dma_wait3A_186, %dma_wait3A_187] : memref<4096x16xf32, #tpu.memory_space<vmem>> -> memref<128x16xf32, #tpu.memory_space<vmem>>
      %dma_wait3A_189 = arith.constant 0 : i32
      %dma_wait3A_190 = arith.constant 0 : i32
      %dma_wait3A_191 = tpu.memref_slice %arg3[%dma_wait3A_189, %dma_wait3A_190] : memref<65536x16xf32, #tpu.memory_space<hbm>> -> memref<128x16xf32, #tpu.memory_space<hbm>>
      tpu.wait_dma2 semaphore(%arg15 : memref<!tpu.dma_semaphore, #tpu.memory_space<semaphore_mem>>) src(%dma_wait3A_191 : memref<128x16xf32, #tpu.memory_space<hbm>>) dst(%dma_wait3A_188 : memref<128x16xf32, #tpu.memory_space<vmem>>)
      %dma_wait3A_192 = arith.constant 0 : i32
      %dma_wait3A_193 = arith.constant 0 : i32
      %dma_wait3A_194 = tpu.memref_slice %arg13[%dma_wait3A_192, %dma_wait3A_193] : memref<4096x16xf32, #tpu.memory_space<vmem>> -> memref<128x16xf32, #tpu.memory_space<vmem>>
      %dma_wait3A_195 = arith.constant 0 : i32
      %dma_wait3A_196 = arith.constant 0 : i32
      %dma_wait3A_197 = tpu.memref_slice %arg3[%dma_wait3A_195, %dma_wait3A_196] : memref<65536x16xf32, #tpu.memory_space<hbm>> -> memref<128x16xf32, #tpu.memory_space<hbm>>
      %dma_wait3A_198 = arith.constant 0 : i32
      %dma_wait3A_199 = arith.constant 0 : i32
      %dma_wait3A_200 = tpu.memref_slice %arg13[%dma_wait3A_198, %dma_wait3A_199] : memref<4096x16xf32, #tpu.memory_space<vmem>> -> memref<128x16xf32, #tpu.memory_space<vmem>>
      %dma_wait3A_201 = arith.constant 0 : i32
      %dma_wait3A_202 = arith.constant 0 : i32
      %dma_wait3A_203 = tpu.memref_slice %arg3[%dma_wait3A_201, %dma_wait3A_202] : memref<65536x16xf32, #tpu.memory_space<hbm>> -> memref<128x16xf32, #tpu.memory_space<hbm>>
      tpu.wait_dma2 semaphore(%arg15 : memref<!tpu.dma_semaphore, #tpu.memory_space<semaphore_mem>>) src(%dma_wait3A_203 : memref<128x16xf32, #tpu.memory_space<hbm>>) dst(%dma_wait3A_200 : memref<128x16xf32, #tpu.memory_space<vmem>>)
      %dma_wait3A_204 = arith.constant 0 : i32
      %dma_wait3A_205 = arith.constant 0 : i32
      %dma_wait3A_206 = tpu.memref_slice %arg13[%dma_wait3A_204, %dma_wait3A_205] : memref<4096x16xf32, #tpu.memory_space<vmem>> -> memref<128x16xf32, #tpu.memory_space<vmem>>
      %dma_wait3A_207 = arith.constant 0 : i32
      %dma_wait3A_208 = arith.constant 0 : i32
      %dma_wait3A_209 = tpu.memref_slice %arg3[%dma_wait3A_207, %dma_wait3A_208] : memref<65536x16xf32, #tpu.memory_space<hbm>> -> memref<128x16xf32, #tpu.memory_space<hbm>>
      %dma_wait3A_210 = arith.constant 0 : i32
      %dma_wait3A_211 = arith.constant 0 : i32
      %dma_wait3A_212 = tpu.memref_slice %arg13[%dma_wait3A_210, %dma_wait3A_211] : memref<4096x16xf32, #tpu.memory_space<vmem>> -> memref<128x16xf32, #tpu.memory_space<vmem>>
      %dma_wait3A_213 = arith.constant 0 : i32
      %dma_wait3A_214 = arith.constant 0 : i32
      %dma_wait3A_215 = tpu.memref_slice %arg3[%dma_wait3A_213, %dma_wait3A_214] : memref<65536x16xf32, #tpu.memory_space<hbm>> -> memref<128x16xf32, #tpu.memory_space<hbm>>
      tpu.wait_dma2 semaphore(%arg15 : memref<!tpu.dma_semaphore, #tpu.memory_space<semaphore_mem>>) src(%dma_wait3A_215 : memref<128x16xf32, #tpu.memory_space<hbm>>) dst(%dma_wait3A_212 : memref<128x16xf32, #tpu.memory_space<vmem>>)
    } else {
    }
    return
  }
}

module attributes {stable_mosaic.version = 14 : i64} {
  func.func @_gru_body(%arg0: i32, %arg1: memref<2048x64xf32, #tpu.memory_space<vmem>>, %arg2: memref<2048x64xf32, #tpu.memory_space<vmem>>, %arg3: memref<64x192xf32, #tpu.memory_space<vmem>>, %arg4: memref<64x192xf32, #tpu.memory_space<vmem>>, %arg5: memref<1x192xf32, #tpu.memory_space<vmem>>, %arg6: memref<1x192xf32, #tpu.memory_space<vmem>>, %arg7: memref<2048x64xf32, #tpu.memory_space<vmem>>) attributes {dimension_semantics = [#tpu.dimension_semantics<arbitrary>], iteration_bounds = array<i64: 8>, scalar_prefetch = 0 : i64, scratch_operands = 0 : i64, tpu.core_type = #tpu.core_type<tc>, window_params = [{transform_indices = @transform_0, window_bounds = array<i64: 2048, 64>}, {transform_indices = @transform_1, window_bounds = array<i64: 2048, 64>}, {pipeline_mode = #tpu.pipeline_mode<synchronous>, transform_indices = @transform_2, window_bounds = array<i64: 64, 192>}, {pipeline_mode = #tpu.pipeline_mode<synchronous>, transform_indices = @transform_3, window_bounds = array<i64: 64, 192>}, {pipeline_mode = #tpu.pipeline_mode<synchronous>, transform_indices = @transform_4, window_bounds = array<i64: 1, 192>}, {pipeline_mode = #tpu.pipeline_mode<synchronous>, transform_indices = @transform_5, window_bounds = array<i64: 1, 192>}, {transform_indices = @transform_6, window_bounds = array<i64: 2048, 64>}]} {
    %get3A = arith.constant 0 : index
    %get3A_0 = arith.constant 0 : index
    %get3A_1 = vector.load %arg1[%get3A, %get3A_0] : memref<2048x64xf32, #tpu.memory_space<vmem>>, vector<2048x64xf32>
    %get3A_2 = arith.constant 0 : index
    %get3A_3 = arith.constant 0 : index
    %get3A_4 = vector.load %arg2[%get3A_2, %get3A_3] : memref<2048x64xf32, #tpu.memory_space<vmem>>, vector<2048x64xf32>
    %get3A_5 = arith.constant 0 : index
    %get3A_6 = arith.constant 0 : index
    %get3A_7 = vector.load %arg3[%get3A_5, %get3A_6] : memref<64x192xf32, #tpu.memory_space<vmem>>, vector<64x192xf32>
    %dot_general3A = arith.constant dense<0.000000e+00> : vector<2048x192xf32>
    %dot_general3A_8 = tpu.matmul %get3A_4, %get3A_7, %dot_general3A {dimension_numbers = #tpu.dot_dimension_numbers<[1], [0], [0], [1], [0, 0, 1, 1], [], []>, transpose_lhs_hint = false} : vector<2048x64xf32>, vector<64x192xf32>, vector<2048x192xf32> -> vector<2048x192xf32>
    %get3A_9 = arith.constant 0 : index
    %get3A_10 = arith.constant 0 : index
    %get3A_11 = vector.load %arg5[%get3A_9, %get3A_10] : memref<1x192xf32, #tpu.memory_space<vmem>>, vector<1x192xf32>
    %add3A = vector.broadcast %get3A_11 : vector<1x192xf32> to vector<2048x192xf32>
    %add3A_12 = arith.addf %dot_general3A_8, %add3A : vector<2048x192xf32>
    %get3A_13 = arith.constant 0 : index
    %get3A_14 = arith.constant 0 : index
    %get3A_15 = vector.load %arg4[%get3A_13, %get3A_14] : memref<64x192xf32, #tpu.memory_space<vmem>>, vector<64x192xf32>
    %dot_general3A_16 = arith.constant dense<0.000000e+00> : vector<2048x192xf32>
    %dot_general3A_17 = tpu.matmul %get3A_1, %get3A_15, %dot_general3A_16 {dimension_numbers = #tpu.dot_dimension_numbers<[1], [0], [0], [1], [0, 0, 1, 1], [], []>, transpose_lhs_hint = false} : vector<2048x64xf32>, vector<64x192xf32>, vector<2048x192xf32> -> vector<2048x192xf32>
    %get3A_18 = arith.constant 0 : index
    %get3A_19 = arith.constant 0 : index
    %get3A_20 = vector.load %arg6[%get3A_18, %get3A_19] : memref<1x192xf32, #tpu.memory_space<vmem>>, vector<1x192xf32>
    %add3A_21 = vector.broadcast %get3A_20 : vector<1x192xf32> to vector<2048x192xf32>
    %add3A_22 = arith.addf %dot_general3A_17, %add3A_21 : vector<2048x192xf32>
    %slice3A = vector.extract_strided_slice %add3A_12 {offsets = [0, 0], sizes = [2048, 64], strides = [1, 1]} : vector<2048x192xf32> to vector<2048x64xf32>
    %slice3A_23 = vector.extract_strided_slice %add3A_22 {offsets = [0, 0], sizes = [2048, 64], strides = [1, 1]} : vector<2048x192xf32> to vector<2048x64xf32>
    %add3A_24 = arith.addf %slice3A, %slice3A_23 : vector<2048x64xf32>
    %logistic3A = arith.negf %add3A_24 : vector<2048x64xf32>
    %logistic3A_25 = math.exp %logistic3A : vector<2048x64xf32>
    %logistic3A_26 = arith.constant 1.000000e+00 : f32
    %logistic3A_27 = vector.broadcast %logistic3A_26 : f32 to vector<2048x64xf32>
    %logistic3A_28 = arith.addf %logistic3A_27, %logistic3A_25 : vector<2048x64xf32>
    %logistic3A_29 = arith.divf %logistic3A_27, %logistic3A_28 : vector<2048x64xf32>
    %slice3A_30 = vector.extract_strided_slice %add3A_12 {offsets = [0, 64], sizes = [2048, 64], strides = [1, 1]} : vector<2048x192xf32> to vector<2048x64xf32>
    %slice3A_31 = vector.extract_strided_slice %add3A_22 {offsets = [0, 64], sizes = [2048, 64], strides = [1, 1]} : vector<2048x192xf32> to vector<2048x64xf32>
    %add3A_32 = arith.addf %slice3A_30, %slice3A_31 : vector<2048x64xf32>
    %logistic3A_33 = arith.negf %add3A_32 : vector<2048x64xf32>
    %logistic3A_34 = math.exp %logistic3A_33 : vector<2048x64xf32>
    %logistic3A_35 = arith.constant 1.000000e+00 : f32
    %logistic3A_36 = vector.broadcast %logistic3A_35 : f32 to vector<2048x64xf32>
    %logistic3A_37 = arith.addf %logistic3A_36, %logistic3A_34 : vector<2048x64xf32>
    %logistic3A_38 = arith.divf %logistic3A_36, %logistic3A_37 : vector<2048x64xf32>
    %slice3A_39 = vector.extract_strided_slice %add3A_12 {offsets = [0, 128], sizes = [2048, 64], strides = [1, 1]} : vector<2048x192xf32> to vector<2048x64xf32>
    %slice3A_40 = vector.extract_strided_slice %add3A_22 {offsets = [0, 128], sizes = [2048, 64], strides = [1, 1]} : vector<2048x192xf32> to vector<2048x64xf32>
    %mul3A = arith.mulf %logistic3A_29, %slice3A_40 : vector<2048x64xf32>
    %add3A_41 = arith.addf %slice3A_39, %mul3A : vector<2048x64xf32>
    %tanh3A = math.tanh %add3A_41 : vector<2048x64xf32>
    %sub3A = arith.constant 1.000000e+00 : f32
    %sub3A_42 = vector.broadcast %sub3A : f32 to vector<2048x64xf32>
    %sub3A_43 = arith.subf %sub3A_42, %logistic3A_38 : vector<2048x64xf32>
    %mul3A_44 = arith.mulf %sub3A_43, %tanh3A : vector<2048x64xf32>
    %mul3A_45 = arith.mulf %logistic3A_38, %get3A_1 : vector<2048x64xf32>
    %add3A_46 = arith.addf %mul3A_44, %mul3A_45 : vector<2048x64xf32>
    %swap3A = arith.constant 0 : index
    %swap3A_47 = arith.constant 0 : index
    %swap3A_48 = vector.load %arg7[%swap3A, %swap3A_47] : memref<2048x64xf32, #tpu.memory_space<vmem>>, vector<2048x64xf32>
    tpu.vector_store %arg7[%swap3A, %swap3A_47], %add3A_46 {strides = array<i32>} : memref<2048x64xf32, #tpu.memory_space<vmem>>, vector<2048x64xf32>,
    return
  }
  func.func @transform_0(%arg0: i32) -> (i32, i32) {
    %c0_i32 = arith.constant 0 : i32
    %c0_i32_0 = arith.constant 0 : i32
    return %arg0, %c0_i32 : i32, i32
  }
  func.func @transform_1(%arg0: i32) -> (i32, i32) {
    %c0_i32 = arith.constant 0 : i32
    %c0_i32_0 = arith.constant 0 : i32
    return %arg0, %c0_i32 : i32, i32
  }
  func.func @transform_2(%arg0: i32) -> (i32, i32) {
    %c0_i32 = arith.constant 0 : i32
    %c0_i32_0 = arith.constant 0 : i32
    %c0_i32_1 = arith.constant 0 : i32
    return %c0_i32, %c0_i32_0 : i32, i32
  }
  func.func @transform_3(%arg0: i32) -> (i32, i32) {
    %c0_i32 = arith.constant 0 : i32
    %c0_i32_0 = arith.constant 0 : i32
    %c0_i32_1 = arith.constant 0 : i32
    return %c0_i32, %c0_i32_0 : i32, i32
  }
  func.func @transform_4(%arg0: i32) -> (i32, i32) {
    %c0_i32 = arith.constant 0 : i32
    %c0_i32_0 = arith.constant 0 : i32
    %c0_i32_1 = arith.constant 0 : i32
    return %c0_i32, %c0_i32_0 : i32, i32
  }
  func.func @transform_5(%arg0: i32) -> (i32, i32) {
    %c0_i32 = arith.constant 0 : i32
    %c0_i32_0 = arith.constant 0 : i32
    %c0_i32_1 = arith.constant 0 : i32
    return %c0_i32, %c0_i32_0 : i32, i32
  }
  func.func @transform_6(%arg0: i32) -> (i32, i32) {
    %c0_i32 = arith.constant 0 : i32
    %c0_i32_0 = arith.constant 0 : i32
    return %arg0, %c0_i32 : i32, i32
  }
}

</mosaic_0001>

<sc_bundles>
// kernel: kernel.12.cloned.1.call-start
scs
__scs_entry_jumppad:
0x0: {  	(pc) =	sbr.rel $0x88, $3  }
0x1: {  	(tag) =	ssettag $0x0;
	lr =	simm.s32 $0x1  }
0x2: {  	[smem:$0x3F9A] =	sst lr;
	_ =	strace $0xD0000000  }
0x3: {  	_ = 	snop  }
0x4: {  	_ = 	snop  }
0x5: {  	_ = 	snop  }
0x6: {  	_ = 	snop  }
0x7: {  	_ = 	snop  }
__scs_overlays_trampoline_lowered:
0x8: {  	[smem:$0x3FA9] =	sst s0  }
0x9: {  	[smem:$0x3FAA] =	sst s1  }
0xa: {  	[smem:$0x3FAB] =	sst s2  }
0xb: {  	[smem:$0x3FAC] =	sst s3  }
0xc: {  	[smem:$0x3FAD] =	sst s4  }
0xd: {  	[smem:$0x3FAE] =	sst s5  }
0xe: {  	[smem:$0x3FAF] =	sst s6  }
0xf: {  	[smem:$0x3FB0] =	sst s7  }
0x10: {  	[smem:$0x3FB1] =	sst s8  }
0x11: {  	[smem:$0x3FB2] =	sst s9;
	s0 =	simm.s32 @!p0 $0x0  }
0x12: {  	s1 =	sld [smem:$0x3F98];
	s0 =	simm.s32 @p0 $0x1  }
0x13: {  	[smem:$0x3FB3] =	sst s0;
	s0 =	simm.s32 @!p1 $0x0  }
0x14: {  	s2 =	sld [smem:$0x3F97];
	s0 =	simm.s32 @p1 $0x1  }
0x15: {  	[smem:$0x3FB4] =	sst s0;
	s0 =	simm.s32 @!p2 $0x0  }
0x16: {  	s3 =	sld [smem:$0x3FDB];
	s0 =	simm.s32 @p2 $0x1  }
0x17: {  	s4 =	simm.s32 $0x1BF5;
	[smem:$0x3FB6] =	sst s0  }
0x18: {  	s0 =	sld [smem:$0x3F99];
	_ =	swait.ge [sflag:s4], $0x0  }
0x19: {  	s7 =	sld [smem:$0x3F9A]  }
0x1a: {  	s8 =	sadd.s32 $0xFFFFE003, lr  }
0x1b: {  	s9 =	sadd.s32 $0xFFFFFEF7, lr;
	s5 =	simm.s32 $0xFFFFFFFF;
	p2 =	slt.u32 s8, $0xFFFFF086  }
0x1c: {  	p1 =	slt.u32 s9, $0xF7A;
	s5 =	simm.s32 @!p2 $0x0  }
0x1d: {  	s5 =	simm.s32 @p1 $0x1;
	p0 =	seq.s32 s7, s2  }
0x1e: {  	s7 =	smul.u32 @!p0 $0xF7A, s2;
	p2 =	seq.s32 @!p0 s5, $0x0  }
0x1f: {  	s9 =	smul.u32 $0xF7A, s1;
	s8 =	simm.s32 @!p0 $0x1BF5;
	p2 =	por !p2, p0  }
0x20: {  	[sflag:s8] =	ssyncset.s32 @!p0 $0xFFFFF086;
	s6 =	sadd.s32 @!p0 s3, s7;
	s7 =	simm.s32 @!p0 $0x108  }
0x21: {  	s3 =	sadd.s32 s3, s9;
	s6 =	sadd.s32 @!p0 $0x88, s6;
	s7 =	simm.s32 @p2 $0x1082  }
0x22: {  	[simem:s7], [sflag:s8] =	dma.local @!p0 [hbm:s6], $0xF7A  }
0x23: {  	s9 =	sor.u32 $0xD0000000, s2;
	s6 =	simm.s32 $0x108;
	_ =	swait.ge @!p0 [sflag:s8], $0x0  }
0x24: {  	s3 =	sadd.s32 $0x88, s3;
	s6 =	simm.s32 @!p1 $0x1082;
	[sflag:s4] =	ssyncset.s32 $0xFFFFF086  }
0x25: {  	[simem:s6], [sflag:s4] =	dma.local [hbm:s3], $0xF7A  }
0x26: {  	[smem:$0x3F9A] =	sst s1;
	(tag) =	ssettag s2;
	_ =	strace s9  }
0x27: {  	s1 =	sld [smem:$0x3FAA]  }
0x28: {  	s2 =	sld [smem:$0x3FAB]  }
0x29: {  	s4 =	sld [smem:$0x3FAD]  }
0x2a: {  	p0 =	seq.s32 s5, $0x0;
	s5 =	sld [smem:$0x3FAE]  }
0x2b: {  	s6 =	sld [smem:$0x3FAF]  }
0x2c: {  	s7 =	sld [smem:$0x3FB0]  }
0x2d: {  	s3 =	simm.s32 $0x108;
	s8 =	sld [smem:$0x3FB1]  }
0x2e: {  	s3 =	simm.s32 @!p0 $0x1082;
	s9 =	sld [smem:$0x3FB2]  }
0x2f: {  	lr =	sadd.s32 s0, s3;
	s0 =	sld [smem:$0x3FA9]  }
0x30: {  	s3 =	sld [smem:$0x3FAC]  }
0x31: {  	[smem:$0x3FB5] =	sst s10  }
0x32: {  	s10 =	sld [smem:$0x3FB3];
	_ =	sdelay $0x3  }
0x33: {  	p0 =	seq.s32 s10, $0x1;
	s10 =	sld [smem:$0x3FB5];
	_ =	sdelay $0x3  }
0x34: {  	[smem:$0x3FB5] =	sst s10  }
0x35: {  	s10 =	sld [smem:$0x3FB4];
	_ =	sdelay $0x3  }
0x36: {  	p1 =	seq.s32 s10, $0x1;
	s10 =	sld [smem:$0x3FB5];
	_ =	sdelay $0x3  }
0x37: {  	[smem:$0x3FB5] =	sst s10  }
0x38: {  	s10 =	sld [smem:$0x3FB6]  }
0x39: {  	_ = 	snop;
	(pc) =	sbr.ind lr, $3  }
0x3a: {  	_ = 	snop  }
0x3b: {  	_ = 	snop  }
0x3c: {  	p2 =	seq.s32 s10, $0x1;
	s10 =	sld [smem:$0x3FB5]  }
0x3d: {  	_ =	shalt  }
0x3e: {  	_ =	shalt  }
0x3f: {  	_ =	shalt  }
0x40: {  	_ =	shalt  }
0x41: {  	_ =	shalt  }
0x42: {  	_ =	shalt  }
0x43: {  	_ =	shalt  }
0x44: {  	_ =	shalt  }
0x45: {  	_ =	shalt  }
0x46: {  	_ =	shalt  }
0x47: {  	_ =	shalt  }
0x48: {  	_ =	shalt  }
0x49: {  	_ =	shalt  }
0x4a: {  	_ =	shalt  }
0x4b: {  	_ =	shalt  }
0x4c: {  	_ =	shalt  }
0x4d: {  	_ =	shalt  }
0x4e: {  	_ =	shalt  }
0x4f: {  	_ =	shalt  }
0x50: {  	_ =	shalt  }
0x51: {  	_ =	shalt  }
0x52: {  	_ =	shalt  }
0x53: {  	_ =	shalt  }
0x54: {  	_ =	shalt  }
0x55: {  	_ =	shalt  }
0x56: {  	_ =	shalt  }
0x57: {  	_ =	shalt  }
0x58: {  	_ =	shalt  }
0x59: {  	_ =	shalt  }
0x5a: {  	_ =	shalt  }
0x5b: {  	_ =	shalt  }
0x5c: {  	_ =	shalt  }
0x5d: {  	_ =	shalt  }
0x5e: {  	_ =	shalt  }
0x5f: {  	_ =	shalt  }
0x60: {  	_ =	shalt  }
0x61: {  	_ =	shalt  }
0x62: {  	_ =	shalt  }
0x63: {  	_ =	shalt  }
0x64: {  	_ =	shalt  }
0x65: {  	_ =	shalt  }
0x66: {  	_ =	shalt  }
0x67: {  	_ =	shalt  }
0x68: {  	_ =	shalt  }
0x69: {  	_ =	shalt  }
0x6a: {  	_ =	shalt  }
0x6b: {  	_ =	shalt  }
0x6c: {  	_ =	shalt  }
0x6d: {  	_ =	shalt  }
0x6e: {  	_ =	shalt  }
0x6f: {  	_ =	shalt  }
0x70: {  	_ =	shalt  }
0x71: {  	_ =	shalt  }
0x72: {  	_ =	shalt  }
0x73: {  	_ =	shalt  }
0x74: {  	_ =	shalt  }
0x75: {  	_ =	shalt  }
0x76: {  	_ =	shalt  }
0x77: {  	_ =	shalt  }
0x78: {  	_ =	shalt  }
0x79: {  	_ =	shalt  }
0x7a: {  	_ =	shalt  }
0x7b: {  	_ =	shalt  }
0x7c: {  	_ =	shalt  }
0x7d: {  	_ =	shalt  }
0x7e: {  	_ =	shalt  }
0x7f: {  	_ =	shalt  }
0x80: {  	_ =	shalt  }
0x81: {  	_ =	shalt  }
0x82: {  	_ =	shalt  }
0x83: {  	_ =	shalt  }
0x84: {  	_ =	shalt  }
0x85: {  	_ =	shalt  }
0x86: {  	_ =	shalt  }
0x87: {  	_ =	shalt  }
.Lfunc_end0:
.L_simem_size_0:
called_computation.3_lowered:
.L_overlay_start_0:
0x88: {  	s2 =	sld [smem:$0x3FD9]  }
0x89: {  	s3 =	sld [smem:$0x3FFE];
	_ =	sdelay $0x1  }
0x8a: {  	s1 =	srdreg.scid  }
0x8b: {  	s0 =	sand.u32 $0x1, s1  }
0x8c: {  	s17 =	sshll.u32 s0, $0xA;
	s2 =	sadd.s32 s3, s2  }
0x8d: {  	s2 =	sadd.s32 s2, s17  }
0x8e: {  	[smem:$0x3FC1] =	sst s2  }
0x8f: {  	_ = 	snop  }
0x90: {  	s2 =	sld [smem:$0x3FD0];
	(tm) =	ssettm $0x1  }
0x91: {  	s18 =	sld [smem:$0x3FFB];
	_ =	sdelay $0x3  }
0x92: {  	_ =	strace s18  }
0x93: {  	s3 =	sld [smem:$0x3FFC];
	_ =	sdelay $0x3  }
0x94: {  	_ =	strace s3  }
0x95: {  	s3 =	sld [smem:$0x3FFD];
	_ =	sdelay $0x3  }
0x96: {  	_ =	strace s3  }
0x97: {  	_ =	strace $0x8FFFFFFF  }
0x98: {  	s19 =	sld [smem:$0x3FDB];
	_ =	sdelay $0x1  }
0x99: {  	s4 =	simm.s32 $_scs_section_size  }
0x9a: {  	s5 =	simm.s32 $_size__tile_overlayer_lowered;
	s6 =	simm.s32 $_tile_overlayer_lowered  }
0x9b: {  	s22 =	simm.s32 $0x1BFF;
	s21 =	sshll.u32 s6, $0x1;
	s3 =	sadd.s32 s4, s19  }
0x9c: {  	s7 =	simm.s32 $0x0;
	s20 =	sshll.u32 s5, $0x1;
	s5 =	sadd.s32 s21, s3  }
0x9d: {  	[timem:s7], [sflag:s22] =	dma.local [hbm:s5], s20  }
0x9e: {  	_ =	swait.ge [sflag:s22], s20  }
0x9f: {  	s4 =	ssub.s32 $0x0, s20;
	[sflag:s22] =	ssyncset.done $0x0  }
0xa0: {  	[sflag:s22] =	ssyncadd.s32 s4;
	_ =	sdelay $0x1  }
0xa1: {  	s23 =	simm.s32 $0x1B8B  }
0xa2: {  	_ =	swait.ge [sflag:s23], $0x1  }
0xa3: {  	[sflag:s23] =	ssyncset.done $0x0  }
0xa4: {  	s25 =	simm.s32 $0x1B8E;
	s24 =	sld [smem:$0x3FFE];
	[sflag:s23] =	ssyncadd.s32 $0xFFFFFFFF  }
0xa5: {  	s26 =	simm.s32 $execute0_lowered;
	[smem:$0x3FD2] =	sst s25  }
0xa6: {  	s5 =	sshll.u32 s26, $0x1;
	_ =	strace $0x8000004C;
	[dreg:$0x1] =	wrdreg $0xFFFFFFFF  }
0xa7: {  	s28 =	simm.s32 $_size_execute0_lowered;
	s3 =	sadd.s32 s3, s5;
	[dreg:$0x0] =	wrdreg $0x0  }
0xa8: {  	s5 =	sshll.u32 s28, $0x1;
	[dreg:$0x2] =	wrdreg s3  }
0xa9: {  	[dreg:$0x3] =	wrdreg s5  }
0xaa: {  	[dreg:$0x4] =	wrdreg $0xC0  }
0xab: {  	_ =	task [dreg:s7], $0x5FFFF  }
0xac: {  	[dreg:$0x1] =	wrdreg $0xFFFFFFFF  }
0xad: {  	[dreg:$0x0] =	wrdreg $0x60  }
0xae: {  	[dreg:$0x2] =	wrdreg s24  }
0xaf: {  	[dreg:$0x3] =	wrdreg s2  }
0xb0: {  	[dreg:$0x4] =	wrdreg $0x9  }
0xb1: {  	_ =	task.clear_ibuf [dreg:s7], $0x5FFFF;
	_ =	strace $0x9000004C  }
0xb2: {  	s29 =	simm.s32 $0x9;
	_ =	strace $0x8000004E  }
0xb3: {  	_ =	swait.ge [sflag:s29], $0x1  }
0xb4: {  	[sflag:s29] =	ssyncadd.s32 $0xFFFFFFFF  }
0xb5: {  	_ =	strace $0x9000004E  }
0xb6: {  	_ =	sfence  }
0xb7: {  	s30 =	sld [smem:$0x0];
	_ =	sdelay $0x2  }
0xb8: {  	s31 =	sshll.u32 s1, $0xD;
	s1 =	sshrl.u32 s1, $0x2  }
0xb9: {  	s3 =	sand.u32 $0x4000, s31;
	s1 =	sadd.s32 s1, s30  }
0xba: {  	s0 =	sor.u32 s3, s0;
	s1 =	sshll.u32 s1, $0x11  }
0xbb: {  	s0 =	sor.u32 s1, s0  }
0xbc: {  	s0 =	sadd.s32 $0x8F2B, s0  }
0xbd: {  	[sflag:s0] =	ssyncadd.remote.s32 $0x1  }
0xbe: {  	_ =	sfence.sel $0xFFFF  }
0xbf: {  	[dreg:$0x0] =	wrdreg $0xFFFFFFFF;
	(pc) =	sbr.abs _section_cstart, $3  }
0xc0: {  	[dreg:$0x1] =	wrdreg $0xFFFFFFFF  }
0xc1: {  	_ =	task.clear_ibuf [dreg:s7], $0x2FFFF;
	_ =	strace $0x9FFFFFFF  }
0xc2: {  	(tm) =	ssettm $0x7FFFFFFF  }
0xc3: {  	_ =	shalt  }
tec
execute0_lowered:
.L_overlay_start_1:
0x0: {  	(tag) =	ssettag $0x1  }
0x1: {  	s0 =	rddreg [dreg:$0x0]  }
0x2: {  	s2 =	rddreg [dreg:$0x1];
	s3 =	simm.s32 $0x0  }
0x3: {  	s1 =	srdreg.scid;
	s4 =	stileid.u32;
	s9 =	simm.s32 $0x3  }
0x4: {  	s10 =	simm.s32 $0x400;
	s11 =	simm.s32 $0x800;
	s12 =	simm.s32 $0x80  }
0x5: {  	s14 =	simm.s32 $0x2810;
	s16 =	simm.s32 $0x3010;
	s18 =	simm.s32 $0x3810  }
0x6: {  	s20 =	simm.s32 $0x4010;
	s22 =	simm.s32 $0xC810;
	s24 =	simm.s32 $0xD010  }
0x7: {  	s29 =	simm.s32 $0xE010;
	s30 =	simm.s32 $0x1;
	s31 =	simm.s32 $0x1810  }
0x8: {  	s21 =	simm.s32 $0x1990;
	s25 =	simm.s32 $0x2;
	[smem:$0x7FF] =	sst s3  }
0x9: {  	s1 =	sand.u32 $0x1, s1;
	s5 =	sshll.u32 s4, $0x1;
	s4 =	sadd.s32 $0x2200, s0  }
0xa: {  	_ =	strace $0x8000004D;
	s5 =	sor.u32 s1, s5;
	s1 =	ssub.s32 $0x2, s1  }
.Ltmp0:
0xb: {  	s6 =	sshll.u32 s5, $0x7;
	s5 =	sshll.u32 s5, $0x1;
	(pc) =	sbr.rel .LBB2_1-.Ltmp0, $4  }
0xc: {  	s26 =	sshrl.u32 s1, $0x1;
	s6 =	sadd.s32 s6, s0;
	s0 =	sadd.s32 s5, s0  }
0xd: {  	s1 =	ssub.s32 s1, s26;
	s26 =	simm.s32 $0xD810;
	s5 =	sadd.s32 $0xF64600, s6  }
0xe: {  	v0 =	vlaneseq.u32;
	s28 =	simm.s32 $0x0;
	s6 =	sadd.s32 $0xF65600, s6;
	s7 =	sadd.s32 $0xF66600, s0  }
0xf: {  	v1 =	vand.u32 $0x3, v0;
	s8 =	smax.u32 s1, $0x1;
	s0 =	simm.s32 $0x1890;
	s1 =	simm.s32 $0x1910  }
.LBB2_48:
0x10: {  	_ =	swait.ge [sflag:s25], $0x800  }
0x11: {  	[sflag:s25] =	ssyncset.done $0x0  }
0x12: {  	[sflag:s25] =	ssyncadd.s32 $0xFFFFF800  }
0x13: {  	_ =	swait.ge [sflag:s25], $0x800  }
0x14: {  	[sflag:s25] =	ssyncset.done $0x0  }
0x15: {  	[sflag:s25] =	ssyncadd.s32 $0xFFFFF800  }
0x16: {  	_ =	swait.ge [sflag:s25], $0x800  }
0x17: {  	[sflag:s25] =	ssyncset.done $0x0  }
0x18: {  	[sflag:s25] =	ssyncadd.s32 $0xFFFFF800  }
0x19: {  	_ =	swait.ge [sflag:s25], $0x800  }
0x1a: {  	[sflag:s25] =	ssyncset.done $0x0  }
0x1b: {  	[sflag:s25] =	ssyncadd.s32 $0xFFFFF800  }
.LBB2_49:
0x1c: {  	s28 =	sadd.s32 $0x1, s28  }
0x1d: {  	p0 =	sne.s32 s28, s8  }
.Ltmp1:
0x1e: {  	_ = 	snop;
	(pc) =	sbr.rel @!p0 .LBB2_50-.Ltmp1, $1  }
0x1f: {  	_ =	sdelay $0x3  }
.LBB2_1:
0x20: {  	[tilespmem:s3], [sflag:$0x3] =	stream.linear.gather [hbm4b:s5+s3], $0x400, $0x38;
	[tilespmem:$0x12810] =	vst v63  }
0x21: {  	_ =	swait.ge [sflag:s9], $0x400  }
0x22: {  	[sflag:s9] =	ssyncset.done $0x0  }
0x23: {  	[sflag:s9] =	ssyncadd.s32 $0xFFFFFC00  }
0x24: {  	[tilespmem:s10], [sflag:$0x3] =	stream.linear.gather [hbm4b:s6+s3], $0x400, $0x38;
	[tilespmem:$0x12810] =	vst v63  }
0x25: {  	s13 =	simm.s32 $0x0;
	_ =	swait.ge [sflag:s9], $0x400  }
0x26: {  	v2 =	vor.u32 s13, v0;
	[sflag:s9] =	ssyncset.done $0x0  }
0x27: {  	v2 =	vshrl.u32 v2, $0x2;
	[sflag:s9] =	ssyncadd.s32 $0xFFFFFC00  }
0x28: {  	[tilespmem:s11], [sflag:$0x3] =	stream.linear.gather [hbm4b:s7+s3], $0x10, $0x38;
	[tilespmem:$0x12810] =	vst v63  }
0x29: {  	_ =	swait.ge [sflag:s9], $0x10  }
0x2a: {  	[sflag:s9] =	ssyncset.done $0x0  }
0x2b: {  	[sflag:s9] =	ssyncadd.s32 $0xFFFFFFF0  }
0x2c: {  	v3 =	vld.idx.msk [tilespmem:v2+s3+$0x0], $0xffff  }
0x2d: {  	v4 =	vld.idx.msk [tilespmem:v2+s10+$0x0], $0xffff  }
0x2e: {  	s15 =	simm.s32 $0x10  }
0x2f: {  	v2 =	vor.u32 s15, v0  }
0x30: {  	v5 =	vshrl.u32 v2, $0x2  }
0x31: {  	v3 =	vshll.u32 v3, $0x2  }
0x32: {  	s23 =	simm.s32 $0x850;
	v4 =	vshll.u32 v4, $0x3;
	v3 =	vor.u32 v1, v3  }
0x33: {  	s13 =	simm.s32 $0x1850;
	v2 =	vld [tilespmem:$0x800];
	[tilespmem:s23+$0xFFFFFFC0] =	vst v3;
	v3 =	vor.u32 v1, v4  }
0x34: {  	[tilespmem:s13+$0xFFFFFFC0] =	vst v3  }
0x35: {  	v3 =	vld.idx.msk [tilespmem:v5+s3+$0x0], $0xffff  }
0x36: {  	v4 =	vld.idx.msk [tilespmem:v5+s10+$0x0], $0xffff  }
0x37: {  	s15 =	simm.s32 $0x20  }
0x38: {  	v5 =	vor.u32 s15, v0  }
0x39: {  	v5 =	vshrl.u32 v5, $0x2  }
0x3a: {  	v3 =	vshll.u32 v3, $0x2  }
0x3b: {  	v4 =	vshll.u32 v4, $0x3;
	v3 =	vor.u32 v1, v3  }
0x3c: {  	[tilespmem:s23+$0xFFFFFFD0] =	vst v3;
	v3 =	vor.u32 v1, v4  }
0x3d: {  	[tilespmem:s13+$0xFFFFFFD0] =	vst v3  }
0x3e: {  	v3 =	vld.idx.msk [tilespmem:v5+s3+$0x0], $0xffff  }
0x3f: {  	v4 =	vld.idx.msk [tilespmem:v5+s10+$0x0], $0xffff  }
0x40: {  	s17 =	simm.s32 $0x30  }
0x41: {  	v5 =	vor.u32 s17, v0  }
0x42: {  	v5 =	vshrl.u32 v5, $0x2  }
0x43: {  	v3 =	vshll.u32 v3, $0x2  }
0x44: {  	v4 =	vshll.u32 v4, $0x3;
	v3 =	vor.u32 v1, v3  }
0x45: {  	[tilespmem:s23+$0xFFFFFFE0] =	vst v3;
	v3 =	vor.u32 v1, v4  }
0x46: {  	[tilespmem:s13+$0xFFFFFFE0] =	vst v3  }
0x47: {  	v3 =	vld.idx.msk [tilespmem:v5+s3+$0x0], $0xffff  }
0x48: {  	v4 =	vld.idx.msk [tilespmem:v5+s10+$0x0], $0xffff  }
0x49: {  	s19 =	simm.s32 $0x40  }
0x4a: {  	v5 =	vor.u32 s19, v0  }
0x4b: {  	v5 =	vshrl.u32 v5, $0x2  }
0x4c: {  	v3 =	vshll.u32 v3, $0x2  }
0x4d: {  	v4 =	vshll.u32 v4, $0x3;
	v3 =	vor.u32 v1, v3  }
0x4e: {  	[tilespmem:s23+$0xFFFFFFF0] =	vst v3;
	v3 =	vor.u32 v1, v4  }
0x4f: {  	[tilespmem:s13+$0xFFFFFFF0] =	vst v3  }
0x50: {  	v3 =	vld.idx.msk [tilespmem:v5+s3+$0x0], $0xffff  }
0x51: {  	v4 =	vld.idx.msk [tilespmem:v5+s10+$0x0], $0xffff  }
0x52: {  	s17 =	simm.s32 $0x50  }
0x53: {  	v5 =	vor.u32 s17, v0  }
0x54: {  	v5 =	vshrl.u32 v5, $0x2  }
0x55: {  	v3 =	vshll.u32 v3, $0x2  }
0x56: {  	v4 =	vshll.u32 v4, $0x3;
	v3 =	vor.u32 v1, v3  }
0x57: {  	[tilespmem:s23+$0x0] =	vst v3;
	v3 =	vor.u32 v1, v4  }
0x58: {  	[tilespmem:s13+$0x0] =	vst v3  }
0x59: {  	v3 =	vld.idx.msk [tilespmem:v5+s3+$0x0], $0xffff  }
0x5a: {  	v4 =	vld.idx.msk [tilespmem:v5+s10+$0x0], $0xffff  }
0x5b: {  	s19 =	simm.s32 $0x60  }
0x5c: {  	v5 =	vor.u32 s19, v0  }
0x5d: {  	v5 =	vshrl.u32 v5, $0x2  }
0x5e: {  	v3 =	vshll.u32 v3, $0x2  }
0x5f: {  	v4 =	vshll.u32 v4, $0x3;
	v3 =	vor.u32 v1, v3  }
0x60: {  	[tilespmem:s23+$0x10] =	vst v3;
	v3 =	vor.u32 v1, v4  }
0x61: {  	[tilespmem:s13+$0x10] =	vst v3  }
0x62: {  	v3 =	vld.idx.msk [tilespmem:v5+s3+$0x0], $0xffff  }
0x63: {  	v4 =	vld.idx.msk [tilespmem:v5+s10+$0x0], $0xffff  }
0x64: {  	s17 =	simm.s32 $0x70  }
0x65: {  	v5 =	vor.u32 s17, v0  }
0x66: {  	v5 =	vshrl.u32 v5, $0x2  }
0x67: {  	v3 =	vshll.u32 v3, $0x2  }
0x68: {  	v4 =	vshll.u32 v4, $0x3;
	v3 =	vor.u32 v1, v3  }
0x69: {  	[tilespmem:s23+$0x20] =	vst v3;
	v3 =	vor.u32 v1, v4  }
0x6a: {  	[tilespmem:s13+$0x20] =	vst v3  }
0x6b: {  	v3 =	vld.idx.msk [tilespmem:v5+s3+$0x0], $0xffff;
	_ =	sdelay $0x2  }
0x6c: {  	v4 =	vld.idx.msk [tilespmem:v5+s10+$0x0], $0xffff  }
0x6d: {  	s19 =	simm.s32 $0x80  }
0x6e: {  	v5 =	vor.u32 s19, v0;
	v3 =	vshll.u32 v3, $0x2  }
0x6f: {  	v6 =	vor.u32 v1, v3;
	v3 =	vshrl.u32 v5, $0x2;
	_ =	sdelay $0x1  }
0x70: {  	v4 =	vshll.u32 v4, $0x3  }
0x71: {  	s15 =	simm.s32 $0xF0;
	s17 =	simm.s32 $0x8;
	v4 =	vor.u32 v1, v4;
	[tilespmem:s23+$0x30] =	vst v6  }
.LBB2_2:
0x72: {  	s17 =	sadd.s32 $0x8, s17;
	[tilespmem:s13+$0x30] =	vst v4;
	s13 =	sadd.s32 $0x80, s13;
	s23 =	sadd.s32 $0x80, s23  }
0x73: {  	p0 =	slt.u32 s17, $0xF8;
	v4 =	vld.idx.msk [tilespmem:v3+s3+$0x0], $0xffff  }
0x74: {  	v3 =	vld.idx.msk [tilespmem:v3+s10+$0x0], $0xffff;
	_ =	sdelay $0x1  }
0x75: {  	s19 =	sadd.s32 $0xFFFFFFA0, s15  }
0x76: {  	v5 =	vor.u32 s19, v0  }
0x77: {  	v5 =	vshrl.u32 v5, $0x2  }
0x78: {  	v4 =	vshll.u32 v4, $0x2  }
0x79: {  	v4 =	vor.u32 v1, v4;
	v3 =	vshll.u32 v3, $0x3  }
0x7a: {  	v3 =	vor.u32 v1, v3;
	[tilespmem:s23+$0xFFFFFFC0] =	vst v4  }
0x7b: {  	[tilespmem:s13+$0xFFFFFFC0] =	vst v3  }
0x7c: {  	v3 =	vld.idx.msk [tilespmem:v5+s3+$0x0], $0xffff  }
0x7d: {  	v4 =	vld.idx.msk [tilespmem:v5+s10+$0x0], $0xffff;
	_ =	sdelay $0x1  }
0x7e: {  	s19 =	sadd.s32 $0xFFFFFFB0, s15  }
0x7f: {  	v5 =	vor.u32 s19, v0  }
0x80: {  	v5 =	vshrl.u32 v5, $0x2  }
0x81: {  	v3 =	vshll.u32 v3, $0x2  }
0x82: {  	v3 =	vor.u32 v1, v3;
	v4 =	vshll.u32 v4, $0x3  }
0x83: {  	[tilespmem:s23+$0xFFFFFFD0] =	vst v3;
	v3 =	vor.u32 v1, v4  }
0x84: {  	[tilespmem:s13+$0xFFFFFFD0] =	vst v3  }
0x85: {  	v3 =	vld.idx.msk [tilespmem:v5+s3+$0x0], $0xffff  }
0x86: {  	v4 =	vld.idx.msk [tilespmem:v5+s10+$0x0], $0xffff;
	_ =	sdelay $0x1  }
0x87: {  	s19 =	sadd.s32 $0xFFFFFFC0, s15  }
0x88: {  	v5 =	vor.u32 s19, v0  }
0x89: {  	v5 =	vshrl.u32 v5, $0x2  }
0x8a: {  	v3 =	vshll.u32 v3, $0x2  }
0x8b: {  	v3 =	vor.u32 v1, v3;
	v4 =	vshll.u32 v4, $0x3  }
0x8c: {  	[tilespmem:s23+$0xFFFFFFE0] =	vst v3;
	v3 =	vor.u32 v1, v4  }
0x8d: {  	[tilespmem:s13+$0xFFFFFFE0] =	vst v3  }
0x8e: {  	v3 =	vld.idx.msk [tilespmem:v5+s3+$0x0], $0xffff  }
0x8f: {  	v4 =	vld.idx.msk [tilespmem:v5+s10+$0x0], $0xffff;
	_ =	sdelay $0x1  }
0x90: {  	s19 =	sadd.s32 $0xFFFFFFD0, s15  }
0x91: {  	v5 =	vor.u32 s19, v0  }
0x92: {  	v5 =	vshrl.u32 v5, $0x2  }
0x93: {  	v3 =	vshll.u32 v3, $0x2  }
0x94: {  	v3 =	vor.u32 v1, v3;
	v4 =	vshll.u32 v4, $0x3  }
0x95: {  	[tilespmem:s23+$0xFFFFFFF0] =	vst v3;
	v3 =	vor.u32 v1, v4  }
0x96: {  	[tilespmem:s13+$0xFFFFFFF0] =	vst v3  }
0x97: {  	v3 =	vld.idx.msk [tilespmem:v5+s3+$0x0], $0xffff  }
0x98: {  	v4 =	vld.idx.msk [tilespmem:v5+s10+$0x0], $0xffff;
	_ =	sdelay $0x1  }
0x99: {  	s19 =	sadd.s32 $0xFFFFFFE0, s15  }
0x9a: {  	v5 =	vor.u32 s19, v0  }
0x9b: {  	v5 =	vshrl.u32 v5, $0x2  }
0x9c: {  	v3 =	vshll.u32 v3, $0x2  }
0x9d: {  	v3 =	vor.u32 v1, v3;
	v4 =	vshll.u32 v4, $0x3  }
0x9e: {  	[tilespmem:s23+$0x0] =	vst v3;
	v3 =	vor.u32 v1, v4  }
0x9f: {  	[tilespmem:s13+$0x0] =	vst v3  }
0xa0: {  	v3 =	vld.idx.msk [tilespmem:v5+s3+$0x0], $0xffff  }
0xa1: {  	v4 =	vld.idx.msk [tilespmem:v5+s10+$0x0], $0xffff;
	_ =	sdelay $0x1  }
0xa2: {  	s19 =	sadd.s32 $0xFFFFFFF0, s15  }
0xa3: {  	v5 =	vor.u32 s19, v0  }
0xa4: {  	v5 =	vshrl.u32 v5, $0x2  }
0xa5: {  	v3 =	vshll.u32 v3, $0x2  }
0xa6: {  	v3 =	vor.u32 v1, v3;
	v4 =	vshll.u32 v4, $0x3  }
0xa7: {  	[tilespmem:s23+$0x10] =	vst v3;
	v3 =	vor.u32 v1, v4  }
0xa8: {  	[tilespmem:s13+$0x10] =	vst v3  }
0xa9: {  	v3 =	vld.idx.msk [tilespmem:v5+s3+$0x0], $0xffff  }
0xaa: {  	v4 =	vld.idx.msk [tilespmem:v5+s10+$0x0], $0xffff;
	_ =	sdelay $0x2  }
0xab: {  	v5 =	vor.u32 s15, v0  }
0xac: {  	v5 =	vshrl.u32 v5, $0x2  }
0xad: {  	v3 =	vshll.u32 v3, $0x2  }
0xae: {  	v3 =	vor.u32 v1, v3;
	v4 =	vshll.u32 v4, $0x3  }
0xaf: {  	[tilespmem:s23+$0x20] =	vst v3;
	v3 =	vor.u32 v1, v4  }
0xb0: {  	[tilespmem:s13+$0x20] =	vst v3  }
0xb1: {  	v4 =	vld.idx.msk [tilespmem:v5+s3+$0x0], $0xffff  }
0xb2: {  	v5 =	vld.idx.msk [tilespmem:v5+s10+$0x0], $0xffff  }
0xb3: {  	s15 =	sadd.s32 $0x80, s15  }
0xb4: {  	s19 =	sadd.s32 $0xFFFFFF90, s15  }
.Ltmp2:
0xb5: {  	v3 =	vor.u32 s19, v0;
	(pc) =	sbr.rel @p0 .LBB2_2-.Ltmp2, $4  }
0xb6: {  	v3 =	vshrl.u32 v3, $0x2  }
0xb7: {  	v4 =	vshll.u32 v4, $0x2  }
0xb8: {  	v4 =	vor.u32 v1, v4;
	v5 =	vshll.u32 v5, $0x3  }
0xb9: {  	[tilespmem:s23+$0x30] =	vst v4;
	v4 =	vor.u32 v1, v5  }
0xba: {  	_ =	sdelay $0x2  }
0xbb: {  	[tilespmem:s13+$0x30] =	vst v4  }
0xbc: {  	v4 =	vld.idx.msk [tilespmem:v3+s3+$0x0], $0xffff  }
0xbd: {  	v3 =	vld.idx.msk [tilespmem:v3+s10+$0x0], $0xffff  }
0xbe: {  	s17 =	sadd.s32 $0xFFFFFFA0, s15  }
0xbf: {  	v5 =	vor.u32 s17, v0  }
0xc0: {  	v5 =	vshrl.u32 v5, $0x2  }
0xc1: {  	v4 =	vshll.u32 v4, $0x2  }
0xc2: {  	s23 =	sadd.s32 $0x80, s23;
	v3 =	vshll.u32 v3, $0x3;
	v4 =	vor.u32 v1, v4  }
0xc3: {  	s17 =	sadd.s32 $0x80, s13;
	v3 =	vor.u32 v1, v3;
	[tilespmem:s23+$0xFFFFFFC0] =	vst v4  }
0xc4: {  	[tilespmem:s17+$0xFFFFFFC0] =	vst v3  }
0xc5: {  	v3 =	vld.idx.msk [tilespmem:v5+s3+$0x0], $0xffff  }
0xc6: {  	v4 =	vld.idx.msk [tilespmem:v5+s10+$0x0], $0xffff  }
0xc7: {  	s19 =	sadd.s32 $0xFFFFFFB0, s15  }
0xc8: {  	v54 =	vor.u32 s19, v0  }
0xc9: {  	v5 =	vshrl.u32 v54, $0x2  }
0xca: {  	v3 =	vshll.u32 v3, $0x2  }
0xcb: {  	v4 =	vshll.u32 v4, $0x3;
	v3 =	vor.u32 v1, v3  }
0xcc: {  	[tilespmem:s23+$0xFFFFFFD0] =	vst v3;
	v3 =	vor.u32 v1, v4  }
0xcd: {  	[tilespmem:s17+$0xFFFFFFD0] =	vst v3  }
0xce: {  	v3 =	vld.idx.msk [tilespmem:v5+s3+$0x0], $0xffff  }
0xcf: {  	v55 =	vld.idx.msk [tilespmem:v5+s10+$0x0], $0xffff  }
0xd0: {  	s19 =	sadd.s32 $0xFFFFFFC0, s15  }
0xd1: {  	v56 =	vor.u32 s19, v0  }
0xd2: {  	v5 =	vshrl.u32 v56, $0x2  }
0xd3: {  	v3 =	vshll.u32 v3, $0x2  }
0xd4: {  	v4 =	vshll.u32 v55, $0x3;
	v3 =	vor.u32 v1, v3  }
0xd5: {  	[tilespmem:s23+$0xFFFFFFE0] =	vst v3;
	v3 =	vor.u32 v1, v4  }
0xd6: {  	[tilespmem:s17+$0xFFFFFFE0] =	vst v3  }
0xd7: {  	v3 =	vld.idx.msk [tilespmem:v5+s3+$0x0], $0xffff  }
0xd8: {  	v57 =	vld.idx.msk [tilespmem:v5+s10+$0x0], $0xffff  }
0xd9: {  	s19 =	sadd.s32 $0xFFFFFFD0, s15  }
0xda: {  	v58 =	vor.u32 s19, v0  }
0xdb: {  	v5 =	vshrl.u32 v58, $0x2  }
0xdc: {  	v3 =	vshll.u32 v3, $0x2  }
0xdd: {  	v4 =	vshll.u32 v57, $0x3;
	v3 =	vor.u32 v1, v3  }
0xde: {  	[tilespmem:s23+$0xFFFFFFF0] =	vst v3;
	v3 =	vor.u32 v1, v4  }
0xdf: {  	[tilespmem:s17+$0xFFFFFFF0] =	vst v3  }
0xe0: {  	v3 =	vld.idx.msk [tilespmem:v5+s3+$0x0], $0xffff  }
0xe1: {  	v59 =	vld.idx.msk [tilespmem:v5+s10+$0x0], $0xffff  }
0xe2: {  	s19 =	sadd.s32 $0xFFFFFFE0, s15  }
0xe3: {  	v60 =	vor.u32 s19, v0  }
0xe4: {  	v5 =	vshrl.u32 v60, $0x2  }
0xe5: {  	v3 =	vshll.u32 v3, $0x2  }
0xe6: {  	(xrf0) =	vadd.scan.msk.s32 $0xffff, v2;
	v4 =	vshll.u32 v59, $0x3;
	v3 =	vor.u32 v1, v3  }
0xe7: {  	[tilespmem:s23+$0x0] =	vst v3;
	v3 =	vor.u32 v1, v4  }
0xe8: {  	[tilespmem:s17+$0x0] =	vst v3  }
0xe9: {  	v3 =	vld.idx.msk [tilespmem:v5+s3+$0x0], $0xffff  }
0xea: {  	v61 =	vld.idx.msk [tilespmem:v5+s10+$0x0], $0xffff  }
0xeb: {  	s19 =	sadd.s32 $0xFFFFFFF0, s15  }
0xec: {  	v2 =	vor.u32 s19, v0;
	v62, _, _ =	vpop (xrf0)  }
0xed: {  	v2 =	vshrl.u32 v2, $0x2;
	(v2sf) =	vpush v62, $0xF  }
0xee: {  	v3 =	vshll.u32 v3, $0x2  }
0xef: {  	v4 =	vshll.u32 v61, $0x3;
	v3 =	vor.u32 v1, v3  }
0xf0: {  	[tilespmem:s23+$0x10] =	vst v3;
	v3 =	vor.u32 v1, v4  }
0xf1: {  	[tilespmem:s17+$0x10] =	vst v3  }
0xf2: {  	v3 =	vld.idx.msk [tilespmem:v2+s3+$0x0], $0xffff  }
0xf3: {  	v2 =	vld.idx.msk [tilespmem:v2+s10+$0x0], $0xffff;
	_ =	sdelay $0x1  }
0xf4: {  	v63 =	vor.u32 s15, v0  }
0xf5: {  	v4 =	vshrl.u32 v63, $0x2  }
0xf6: {  	v3 =	vshll.u32 v3, $0x2  }
0xf7: {  	v2 =	vshll.u32 v2, $0x3;
	v3 =	vor.u32 v1, v3  }
0xf8: {  	v2 =	vor.u32 v1, v2;
	[tilespmem:s23+$0x20] =	vst v3  }
0xf9: {  	[tilespmem:s17+$0x20] =	vst v2  }
0xfa: {  	v2 =	vld.idx.msk [tilespmem:v4+s3+$0x0], $0xffff  }
0xfb: {  	s19 =	spop (v2sf);
	v3 =	vld.idx.msk [tilespmem:v4+s10+$0x0], $0xffff  }
0xfc: {  	s13 =	sshra.s32 s19, $0x4  }
0xfd: {  	p0 =	slt.s32 s13, $0x1  }
.Ltmp3:
0xfe: {  	_ = 	snop;
	(pc) =	sbr.rel @p0 .LBB2_49-.Ltmp3, $4  }
0xff: {  	v2 =	vshll.u32 v2, $0x2  }
0x100: {  	v3 =	vshll.u32 v3, $0x3;
	v2 =	vor.u32 v1, v2  }
0x101: {  	[tilespmem:s23+$0x30] =	vst v2;
	v2 =	vor.u32 v1, v3  }
0x102: {  	[tilespmem:s17+$0x30] =	vst v2  }
0x103: {  	s15 =	simm.s32 $0x810  }
0x104: {  	[tilespmem:s14], [sflag:$0x1] =	stream.indirect.gather [hbm4b:s2+s12], $0x10, s15, s12, $0xb8;
	[tilespmem:$0x12810] =	vst v63  }
0x105: {  	s17 =	simm.s32 $0x890  }
0x106: {  	[tilespmem:s16], [sflag:$0x1] =	stream.indirect.gather [hbm4b:s2+s12], $0x10, s17, s12, $0xb8;
	[tilespmem:$0x12810] =	vst v63  }
0x107: {  	s19 =	simm.s32 $0x910  }
0x108: {  	[tilespmem:s18], [sflag:$0x1] =	stream.indirect.gather [hbm4b:s2+s12], $0x10, s19, s12, $0xb8;
	[tilespmem:$0x12810] =	vst v63  }
0x109: {  	s23 =	simm.s32 $0x990;
	p0 =	slt.u32 s13, $0x81  }
0x10a: {  	[tilespmem:s20], [sflag:$0x1] =	stream.indirect.gather [hbm4b:s2+s12], $0x10, s23, s12, $0xb8;
	[tilespmem:$0x12810] =	vst v63  }
0x10b: {  	s15 =	simm.s32 @!p0 $0x80;
	s17 =	simm.s32 @!p0 $0xA10;
	s19 =	simm.s32 @!p0 $0x4810  }
0x10c: {  	[tilespmem:s19], [sflag:$0x1] =	stream.indirect.gather @!p0 [hbm4b:s2+s15], $0x10, s17, s15, $0xb8;
	[tilespmem:$0x12810] =	vst v63  }
0x10d: {  	s17 =	simm.s32 @!p0 $0xA90;
	s19 =	simm.s32 @!p0 $0x5010  }
0x10e: {  	[tilespmem:s19], [sflag:$0x1] =	stream.indirect.gather @!p0 [hbm4b:s2+s15], $0x10, s17, s15, $0xb8;
	[tilespmem:$0x12810] =	vst v63  }
0x10f: {  	s17 =	simm.s32 @!p0 $0xB10;
	s19 =	simm.s32 @!p0 $0x5810  }
0x110: {  	[tilespmem:s19], [sflag:$0x1] =	stream.indirect.gather @!p0 [hbm4b:s2+s15], $0x10, s17, s15, $0xb8;
	[tilespmem:$0x12810] =	vst v63  }
0x111: {  	p1 =	slt.u32 @!p0 s13, $0x101;
	s17 =	simm.s32 @!p0 $0xB90;
	s19 =	simm.s32 @!p0 $0x6010  }
0x112: {  	[tilespmem:s19], [sflag:$0x1] =	stream.indirect.gather @!p0 [hbm4b:s2+s15], $0x10, s17, s15, $0xb8;
	[tilespmem:$0x12810] =	vst v63  }
0x113: {  	p2 =	por p0, p1;
	s15 =	simm.s32 @!p0 $0x0  }
0x114: {  	s17 =	simm.s32 @!p2 $0xC10;
	s15 =	simm.s32 @p0 $0x1  }
0x115: {  	s19 =	simm.s32 @!p2 $0x6810;
	[smem:$0x7FD] =	sst s15;
	s15 =	simm.s32 @!p2 $0x80  }
0x116: {  	[tilespmem:s19], [sflag:$0x1] =	stream.indirect.gather @!p2 [hbm4b:s2+s15], $0x10, s17, s15, $0xb8;
	[tilespmem:$0x12810] =	vst v63  }
0x117: {  	s17 =	simm.s32 @!p2 $0xC90;
	s19 =	simm.s32 @!p2 $0x7010  }
0x118: {  	[tilespmem:s19], [sflag:$0x1] =	stream.indirect.gather @!p2 [hbm4b:s2+s15], $0x10, s17, s15, $0xb8;
	[tilespmem:$0x12810] =	vst v63  }
0x119: {  	p1 =	slt.u32 @!p2 s13, $0x181;
	s17 =	simm.s32 @!p2 $0xD10;
	s19 =	simm.s32 @!p2 $0x7810  }
0x11a: {  	[tilespmem:s19], [sflag:$0x1] =	stream.indirect.gather @!p2 [hbm4b:s2+s15], $0x10, s17, s15, $0xb8;
	[tilespmem:$0x12810] =	vst v63  }
0x11b: {  	p5 =	por p2, p1;
	s17 =	simm.s32 @!p2 $0xD90;
	s19 =	simm.s32 @!p2 $0x8010  }
0x11c: {  	[tilespmem:s19], [sflag:$0x1] =	stream.indirect.gather @!p2 [hbm4b:s2+s15], $0x10, s17, s15, $0xb8;
	[tilespmem:$0x12810] =	vst v63  }
0x11d: {  	s15 =	simm.s32 @!p5 $0x80;
	s17 =	simm.s32 @!p5 $0xE10;
	s19 =	simm.s32 @!p5 $0x8810  }
0x11e: {  	[tilespmem:s19], [sflag:$0x1] =	stream.indirect.gather @!p5 [hbm4b:s2+s15], $0x10, s17, s15, $0xb8;
	[tilespmem:$0x12810] =	vst v63  }
0x11f: {  	p1 =	slt.u32 @!p5 s13, $0x201;
	s17 =	simm.s32 @!p5 $0xE90;
	s19 =	simm.s32 @!p5 $0x9010  }
0x120: {  	[tilespmem:s19], [sflag:$0x1] =	stream.indirect.gather @!p5 [hbm4b:s2+s15], $0x10, s17, s15, $0xb8;
	[tilespmem:$0x12810] =	vst v63  }
0x121: {  	p6 =	por p5, p1;
	s17 =	simm.s32 @!p5 $0xF10;
	s19 =	simm.s32 @!p5 $0x9810  }
0x122: {  	[tilespmem:s19], [sflag:$0x1] =	stream.indirect.gather @!p5 [hbm4b:s2+s15], $0x10, s17, s15, $0xb8;
	[tilespmem:$0x12810] =	vst v63  }
0x123: {  	p1 =	slt.u32 @!p6 s13, $0x281;
	s17 =	simm.s32 @!p5 $0xF90;
	s19 =	simm.s32 @!p5 $0xA010  }
0x124: {  	[tilespmem:s19], [sflag:$0x1] =	stream.indirect.gather @!p5 [hbm4b:s2+s15], $0x10, s17, s15, $0xb8;
	[tilespmem:$0x12810] =	vst v63  }
0x125: {  	s15 =	simm.s32 @!p6 $0x80;
	s17 =	simm.s32 @!p6 $0x1010;
	s19 =	simm.s32 @!p6 $0xA810  }
0x126: {  	[tilespmem:s19], [sflag:$0x1] =	stream.indirect.gather @!p6 [hbm4b:s2+s15], $0x10, s17, s15, $0xb8;
	[tilespmem:$0x12810] =	vst v63  }
0x127: {  	p1 =	por p6, p1;
	s17 =	simm.s32 @!p6 $0x1090;
	s19 =	simm.s32 @!p6 $0xB010  }
0x128: {  	[tilespmem:s19], [sflag:$0x1] =	stream.indirect.gather @!p6 [hbm4b:s2+s15], $0x10, s17, s15, $0xb8;
	[tilespmem:$0x12810] =	vst v63  }
.Ltmp4:
0x129: {  	_ = 	snop;
	(pc) =	sbr.rel @p1 .LBB2_5-.Ltmp4, $4  }
0x12a: {  	s17 =	simm.s32 @!p6 $0x1110;
	s19 =	simm.s32 @!p6 $0xB810  }
0x12b: {  	[tilespmem:s19], [sflag:$0x1] =	stream.indirect.gather @!p6 [hbm4b:s2+s15], $0x10, s17, s15, $0xb8;
	[tilespmem:$0x12810] =	vst v63  }
0x12c: {  	s17 =	simm.s32 @!p6 $0x1190;
	s19 =	simm.s32 @!p6 $0xC010  }
0x12d: {  	[tilespmem:s19], [sflag:$0x1] =	stream.indirect.gather @!p6 [hbm4b:s2+s15], $0x10, s17, s15, $0xb8;
	[tilespmem:$0x12810] =	vst v63  }
0x12e: {  	s15 =	simm.s32 $0x1210  }
0x12f: {  	[tilespmem:s22], [sflag:$0x1] =	stream.indirect.gather [hbm4b:s2+s12], $0x10, s15, s12, $0xb8;
	[tilespmem:$0x12810] =	vst v63  }
0x130: {  	s17 =	simm.s32 $0x1290  }
0x131: {  	[tilespmem:s24], [sflag:$0x1] =	stream.indirect.gather [hbm4b:s2+s12], $0x10, s17, s12, $0xb8;
	[tilespmem:$0x12810] =	vst v63  }
0x132: {  	s19 =	simm.s32 $0x1310;
	s23 =	simm.s32 $0x1390;
	p2 =	slt.u32 s13, $0x301  }
0x133: {  	[tilespmem:s26], [sflag:$0x1] =	stream.indirect.gather [hbm4b:s2+s12], $0x10, s19, s12, $0xb8;
	[tilespmem:$0x12810] =	vst v63  }
0x134: {  	p0 =	por $0x0, $0x0;
	s15 =	simm.s32 @!p2 $0x80;
	p1 =	slt.u32 @!p2 s13, $0x381  }
0x135: {  	[tilespmem:s29], [sflag:$0x1] =	stream.indirect.gather [hbm4b:s2+s12], $0x10, s23, s12, $0xb8;
	[tilespmem:$0x12810] =	vst v63  }
0x136: {  	p4 =	por @!p2 $0x1, $0x1;
	s17 =	simm.s32 @!p2 $0x1410;
	s19 =	simm.s32 @!p2 $0xE810  }
0x137: {  	[tilespmem:s19], [sflag:$0x1] =	stream.indirect.gather @!p2 [hbm4b:s2+s15], $0x10, s17, s15, $0xb8;
	[tilespmem:$0x12810] =	vst v63  }
0x138: {  	p3 =	por p1, p2;
	s17 =	simm.s32 @!p2 $0x1490;
	s19 =	simm.s32 @!p2 $0xF010  }
0x139: {  	[tilespmem:s19], [sflag:$0x1] =	stream.indirect.gather @!p2 [hbm4b:s2+s15], $0x10, s17, s15, $0xb8;
	[tilespmem:$0x12810] =	vst v63  }
0x13a: {  	p1 =	por !p1, p2;
	s17 =	simm.s32 @!p2 $0x1510;
	s19 =	simm.s32 @!p2 $0xF810  }
0x13b: {  	[tilespmem:s19], [sflag:$0x1] =	stream.indirect.gather @!p2 [hbm4b:s2+s15], $0x10, s17, s15, $0xb8;
	[tilespmem:$0x12810] =	vst v63  }
0x13c: {  	s13 =	simm.s32 @!p3 $0x80;
	s17 =	simm.s32 @!p2 $0x1590;
	s19 =	simm.s32 @!p2 $0x10010  }
0x13d: {  	[tilespmem:s19], [sflag:$0x1] =	stream.indirect.gather @!p2 [hbm4b:s2+s15], $0x10, s17, s15, $0xb8;
	[tilespmem:$0x12810] =	vst v63  }
0x13e: {  	p5 =	por @!p3 $0x1, $0x1;
	s15 =	simm.s32 @!p3 $0x1610;
	s17 =	simm.s32 @!p3 $0x10810  }
0x13f: {  	[tilespmem:s17], [sflag:$0x1] =	stream.indirect.gather @!p3 [hbm4b:s2+s13], $0x10, s15, s13, $0xb8;
	[tilespmem:$0x12810] =	vst v63  }
0x140: {  	p6 =	por p5, p5;
	s15 =	simm.s32 @!p3 $0x1690;
	s17 =	simm.s32 @!p3 $0x11010  }
0x141: {  	[tilespmem:s17], [sflag:$0x1] =	stream.indirect.gather @!p3 [hbm4b:s2+s13], $0x10, s15, s13, $0xb8;
	[tilespmem:$0x12810] =	vst v63  }
0x142: {  	p6 =	por @!p1 p4, p4;
	s15 =	simm.s32 @!p3 $0x1710;
	s17 =	simm.s32 @!p3 $0x11810  }
0x143: {  	[tilespmem:s17], [sflag:$0x1] =	stream.indirect.gather @!p3 [hbm4b:s2+s13], $0x10, s15, s13, $0xb8;
	[tilespmem:$0x12810] =	vst v63  }
0x144: {  	p0 =	por @!p2 p6, p6;
	s15 =	simm.s32 @!p3 $0x1790;
	s17 =	simm.s32 @!p3 $0x12010  }
0x145: {  	[tilespmem:s17], [sflag:$0x1] =	stream.indirect.gather @!p3 [hbm4b:s2+s13], $0x10, s15, s13, $0xb8;
	[tilespmem:$0x12810] =	vst v63  }
0x146: {  	s13 =	simm.s32 @!p0 $0x0  }
0x147: {  	s13 =	simm.s32 @p0 $0x1;
	p0 =	por $0x1, $0x1  }
0x148: {  	p0 =	por @!p2 p6, p6  }
0x149: {  	[smem:$0x7FA] =	sst s13;
	s13 =	simm.s32 @!p0 $0x0  }
0x14a: {  	p3 =	por @!p2 $0x0, $0x0;
	s13 =	simm.s32 @p0 $0x1;
	p0 =	por $0x1, $0x1  }
0x14b: {  	p5 =	por @!p1 p3, p3;
	p3 =	por $0x0, $0x0;
	p0 =	por @!p2 p6, p6  }
.Ltmp5:
0x14c: {  	[smem:$0x7F9] =	sst s13;
	s13 =	simm.s32 @!p0 $0x0;
	(pc) =	sbr.rel .LBB2_7-.Ltmp5, $4  }
0x14d: {  	p3 =	por @!p2 p5, p5;
	s13 =	simm.s32 @p0 $0x1  }
0x14e: {  	[smem:$0x7FB] =	sst s13;
	s13 =	simm.s32 @!p3 $0x0  }
0x14f: {  	p4 =	por $0x1, $0x1;
	p1 =	por $0x1, $0x1;
	s13 =	simm.s32 @p3 $0x1  }
0x150: {  	p4 =	por @!p2 p6, p6;
	p1 =	por @!p2 p6, p6;
	[smem:$0x7FC] =	sst s13  }
.LBB2_5:
0x151: {  	s13 =	sld [smem:$0x7FD];
	_ =	sdelay $0x2  }
0x152: {  	p0 =	seq.s32 s13, $0x1  }
0x153: {  	p1 =	por $0x0, $0x0;
	p3 =	por @!p0 $0x0, $0x0  }
0x154: {  	p1 =	por @!p0 p3, p3  }
0x155: {  	p3 =	por @!p2 $0x0, $0x0;
	p0 =	por @!p2 $0x1, $0x1;
	p4 =	por p1, p1  }
0x156: {  	p1 =	por @!p2 p0, p0;
	p4 =	por @!p2 p3, p3  }
0x157: {  	p0 =	por @!p5 $0x0, $0x0;
	p2 =	por @!p5 $0x1, $0x1;
	p3 =	por p4, p4  }
0x158: {  	p1 =	por @!p5 p2, p2;
	p3 =	por @!p5 p0, p0  }
0x159: {  	p4 =	por @!p5 p2, p2;
	p2 =	por @!p6 $0x1, $0x1;
	p5 =	por p3, p3  }
0x15a: {  	p5 =	por @!p6 p2, p2  }
0x15b: {  	s13 =	simm.s32 @!p5 $0x0  }
0x15c: {  	p0 =	por p3, p3;
	s13 =	simm.s32 @p5 $0x1;
	p5 =	por @!p6 $0x0, $0x0  }
0x15d: {  	p1 =	por @!p6 p2, p2;
	p4 =	por @!p6 p2, p2;
	p0 =	por @!p6 p5, p5  }
0x15e: {  	p2 =	por p3, p3;
	[smem:$0x7F9] =	sst s13;
	s13 =	simm.s32 @!p0 $0x0  }
0x15f: {  	p2 =	por @!p6 p5, p5;
	s13 =	simm.s32 @p0 $0x1  }
0x160: {  	[smem:$0x7FA] =	sst s13;
	s13 =	simm.s32 @!p2 $0x0  }
0x161: {  	p3 =	por @!p6 p5, p5;
	s13 =	simm.s32 @p2 $0x1  }
0x162: {  	[smem:$0x7FB] =	sst s13;
	s13 =	simm.s32 @!p3 $0x0  }
0x163: {  	s13 =	simm.s32 @p3 $0x1  }
0x164: {  	[smem:$0x7FC] =	sst s13  }
.LBB2_7:
0x165: {  	_ =	swait.ge [sflag:s30], $0x800  }
0x166: {  	[sflag:s30] =	ssyncset.done $0x0  }
0x167: {  	[sflag:s30] =	ssyncadd.s32 $0xFFFFF800  }
0x168: {  	_ =	swait.ge [sflag:s30], $0x800  }
0x169: {  	[sflag:s30] =	ssyncset.done $0x0  }
0x16a: {  	[sflag:s30] =	ssyncadd.s32 $0xFFFFF800  }
0x16b: {  	_ =	swait.ge [sflag:s30], $0x800  }
0x16c: {  	[sflag:s30] =	ssyncset.done $0x0  }
0x16d: {  	[sflag:s30] =	ssyncadd.s32 $0xFFFFF800  }
0x16e: {  	_ =	swait.ge [sflag:s30], $0x800  }
0x16f: {  	s13 =	sld [smem:$0x7FD];
	_ =	sdelay $0x2  }
0x170: {  	p0 =	seq.s32 s13, $0x1  }
.Ltmp6:
0x171: {  	_ = 	snop;
	(pc) =	sbr.rel @p0 .LBB2_14-.Ltmp6, $3  }
0x172: {  	_ =	sdelay $0x1  }
0x173: {  	[sflag:s30] =	ssyncset.done $0x0  }
0x174: {  	[sflag:s30] =	ssyncadd.s32 $0xFFFFF800  }
0x175: {  	_ =	swait.ge [sflag:s30], $0x800  }
0x176: {  	[sflag:s30] =	ssyncset.done $0x0  }
0x177: {  	[sflag:s30] =	ssyncadd.s32 $0xFFFFF800  }
0x178: {  	_ =	swait.ge [sflag:s30], $0x800  }
0x179: {  	[sflag:s30] =	ssyncset.done $0x0  }
0x17a: {  	[sflag:s30] =	ssyncadd.s32 $0xFFFFF800  }
0x17b: {  	_ =	swait.ge [sflag:s30], $0x800  }
.Ltmp7:
0x17c: {  	[sflag:s30] =	ssyncset.done $0x0;
	(pc) =	sbr.rel @p1 .LBB2_15-.Ltmp7, $4  }
0x17d: {  	[sflag:s30] =	ssyncadd.s32 $0xFFFFF800  }
0x17e: {  	_ =	swait.ge [sflag:s30], $0x800  }
0x17f: {  	[sflag:s30] =	ssyncset.done $0x0  }
0x180: {  	[sflag:s30] =	ssyncadd.s32 $0xFFFFF800  }
.LBB2_9:
.Ltmp8:
0x181: {  	(pc) =	sbr.rel @!p4 .LBB2_10-.Ltmp8, $2  }
0x182: {  	_ =	sdelay $0x2  }
0x183: {  	p2 =	por $0x0, $0x0  }
.LBB2_16:
0x184: {  	_ =	swait.ge [sflag:s30], $0x800  }
0x185: {  	[sflag:s30] =	ssyncset.done $0x0  }
0x186: {  	[sflag:s30] =	ssyncadd.s32 $0xFFFFF800  }
0x187: {  	_ =	swait.ge [sflag:s30], $0x800  }
0x188: {  	[sflag:s30] =	ssyncset.done $0x0  }
0x189: {  	[sflag:s30] =	ssyncadd.s32 $0xFFFFF800  }
0x18a: {  	_ =	swait.ge [sflag:s30], $0x800  }
0x18b: {  	[sflag:s30] =	ssyncset.done $0x0  }
0x18c: {  	[sflag:s30] =	ssyncadd.s32 $0xFFFFF800  }
0x18d: {  	_ =	swait.ge [sflag:s30], $0x800  }
0x18e: {  	s13 =	sld [smem:$0x7F9];
	_ =	sdelay $0x2  }
0x18f: {  	p3 =	seq.s32 s13, $0x1  }
.Ltmp9:
0x190: {  	_ = 	snop;
	(pc) =	sbr.rel @p3 .LBB2_17-.Ltmp9, $3  }
0x191: {  	_ =	sdelay $0x1  }
0x192: {  	[sflag:s30] =	ssyncset.done $0x0  }
0x193: {  	p6 =	por $0x1, $0x1;
	[sflag:s30] =	ssyncadd.s32 $0xFFFFF800  }
.LBB2_11:
0x194: {  	s23 =	sld [smem:$0x7FB]  }
0x195: {  	p3 =	por $0x0, $0x0  }
0x196: {  	s13 =	simm.s32 @!p3 $0x0  }
0x197: {  	s13 =	simm.s32 @p3 $0x1;
	p3 =	seq.s32 s23, $0x1  }
.Ltmp10:
0x198: {  	_ = 	snop;
	(pc) =	sbr.rel @!p3 .LBB2_12-.Ltmp10, $2  }
0x199: {  	_ =	sdelay $0x2  }
0x19a: {  	[smem:$0x7F8] =	sst s13  }
.LBB2_18:
0x19b: {  	_ =	swait.ge [sflag:s30], $0x800  }
0x19c: {  	[sflag:s30] =	ssyncset.done $0x0  }
0x19d: {  	[sflag:s30] =	ssyncadd.s32 $0xFFFFF800  }
0x19e: {  	_ =	swait.ge [sflag:s30], $0x800  }
0x19f: {  	[sflag:s30] =	ssyncset.done $0x0  }
0x1a0: {  	[sflag:s30] =	ssyncadd.s32 $0xFFFFF800  }
0x1a1: {  	_ =	swait.ge [sflag:s30], $0x800  }
0x1a2: {  	[sflag:s30] =	ssyncset.done $0x0  }
0x1a3: {  	[sflag:s30] =	ssyncadd.s32 $0xFFFFF800  }
0x1a4: {  	_ =	swait.ge [sflag:s30], $0x800  }
0x1a5: {  	s13 =	sld [smem:$0x7FA];
	_ =	sdelay $0x2  }
0x1a6: {  	p4 =	seq.s32 s13, $0x1  }
.Ltmp11:
0x1a7: {  	_ = 	snop;
	(pc) =	sbr.rel @p4 .LBB2_19-.Ltmp11, $3  }
0x1a8: {  	_ =	sdelay $0x1  }
0x1a9: {  	[sflag:s30] =	ssyncset.done $0x0  }
0x1aa: {  	p3 =	por $0x1, $0x1;
	[sflag:s30] =	ssyncadd.s32 $0xFFFFF800  }
.LBB2_13:
0x1ab: {  	s13 =	sld [smem:$0x7FC];
	_ =	sdelay $0x2  }
0x1ac: {  	p1 =	seq.s32 s13, $0x1  }
.Ltmp12:
0x1ad: {  	_ = 	snop;
	(pc) =	sbr.rel @!p1 .LBB2_21-.Ltmp12, $2  }
0x1ae: {  	_ =	sdelay $0x2  }
0x1af: {  	p5 =	por $0x0, $0x0;
	p4 =	por $0x0, $0x0  }
.LBB2_20:
0x1b0: {  	_ =	swait.ge [sflag:s30], $0x800  }
0x1b1: {  	[sflag:s30] =	ssyncset.done $0x0  }
0x1b2: {  	[sflag:s30] =	ssyncadd.s32 $0xFFFFF800  }
0x1b3: {  	_ =	swait.ge [sflag:s30], $0x800  }
0x1b4: {  	[sflag:s30] =	ssyncset.done $0x0  }
0x1b5: {  	[sflag:s30] =	ssyncadd.s32 $0xFFFFF800  }
0x1b6: {  	_ =	swait.ge [sflag:s30], $0x800  }
0x1b7: {  	[sflag:s30] =	ssyncset.done $0x0  }
0x1b8: {  	[sflag:s30] =	ssyncadd.s32 $0xFFFFF800  }
0x1b9: {  	_ =	swait.ge [sflag:s30], $0x800  }
0x1ba: {  	[sflag:s30] =	ssyncset.done $0x0  }
0x1bb: {  	p4 =	por $0x1, $0x1;
	[sflag:s30] =	ssyncadd.s32 $0xFFFFF800  }
.LBB2_21:
0x1bc: {  	[hbm4b:s4+s12] =	stream.indirect.scatter [tilespmem:s14], [sflag:$0x2], $0x10, s31, s12, $0xb8;
	[tilespmem:$0x12810] =	vst v63  }
0x1bd: {  	s13 =	sld [smem:$0x7FD];
	_ =	sdelay $0x1  }
0x1be: {  	[hbm4b:s4+s12] =	stream.indirect.scatter [tilespmem:s16], [sflag:$0x2], $0x10, s0, s12, $0xb8;
	[tilespmem:$0x12810] =	vst v63  }
0x1bf: {  	p0 =	seq.s32 s13, $0x1  }
.Ltmp13:
0x1c0: {  	_ = 	snop;
	(pc) =	sbr.rel @p0 .LBB2_28-.Ltmp13, $4  }
0x1c1: {  	_ = 	snop  }
0x1c2: {  	[hbm4b:s4+s12] =	stream.indirect.scatter [tilespmem:s18], [sflag:$0x2], $0x10, s1, s12, $0xb8;
	[tilespmem:$0x12810] =	vst v63  }
0x1c3: {  	_ = 	snop  }
0x1c4: {  	[hbm4b:s4+s12] =	stream.indirect.scatter [tilespmem:s20], [sflag:$0x2], $0x10, s21, s12, $0xb8;
	[tilespmem:$0x12810] =	vst v63  }
0x1c5: {  	s13 =	simm.s32 $0x1A10;
	s15 =	simm.s32 $0x4810  }
0x1c6: {  	[hbm4b:s4+s12] =	stream.indirect.scatter [tilespmem:s15], [sflag:$0x2], $0x10, s13, s12, $0xb8;
	[tilespmem:$0x12810] =	vst v63  }
0x1c7: {  	s19 =	simm.s32 $0x1A90;
	s23 =	simm.s32 $0x5010  }
0x1c8: {  	[hbm4b:s4+s12] =	stream.indirect.scatter [tilespmem:s23], [sflag:$0x2], $0x10, s19, s12, $0xb8;
	[tilespmem:$0x12810] =	vst v63  }
.Ltmp14:
0x1c9: {  	_ = 	snop;
	(pc) =	sbr.rel @p2 .LBB2_29-.Ltmp14, $4  }
0x1ca: {  	s17 =	simm.s32 $0x5810;
	s15 =	simm.s32 $0x1B10  }
0x1cb: {  	[hbm4b:s4+s12] =	stream.indirect.scatter [tilespmem:s17], [sflag:$0x2], $0x10, s15, s12, $0xb8;
	[tilespmem:$0x12810] =	vst v63  }
0x1cc: {  	s19 =	simm.s32 $0x1B90;
	s23 =	simm.s32 $0x6010  }
0x1cd: {  	[hbm4b:s4+s12] =	stream.indirect.scatter [tilespmem:s23], [sflag:$0x2], $0x10, s19, s12, $0xb8;
	[tilespmem:$0x12810] =	vst v63  }
.LBB2_23:
.Ltmp15:
0x1ce: {  	(pc) =	sbr.rel @!p6 .LBB2_24-.Ltmp15, $2  }
0x1cf: {  	_ =	sdelay $0x2  }
0x1d0: {  	p2 =	por $0x0, $0x0  }
.LBB2_30:
0x1d1: {  	s13 =	simm.s32 $0x1E10;
	s15 =	simm.s32 $0x8810  }
0x1d2: {  	[hbm4b:s4+s12] =	stream.indirect.scatter [tilespmem:s15], [sflag:$0x2], $0x10, s13, s12, $0xb8;
	[tilespmem:$0x12810] =	vst v63  }
0x1d3: {  	s17 =	simm.s32 $0x9010;
	s15 =	simm.s32 $0x1E90  }
0x1d4: {  	[hbm4b:s4+s12] =	stream.indirect.scatter [tilespmem:s17], [sflag:$0x2], $0x10, s15, s12, $0xb8;
	[tilespmem:$0x12810] =	vst v63  }
0x1d5: {  	s19 =	simm.s32 $0x1F10;
	s23 =	simm.s32 $0x9810  }
0x1d6: {  	[hbm4b:s4+s12] =	stream.indirect.scatter [tilespmem:s23], [sflag:$0x2], $0x10, s19, s12, $0xb8;
	[tilespmem:$0x12810] =	vst v63  }
0x1d7: {  	s23 =	sld [smem:$0x7F8];
	_ =	sdelay $0x2  }
0x1d8: {  	p1 =	seq.s32 s23, $0x1  }
.Ltmp16:
0x1d9: {  	_ = 	snop;
	(pc) =	sbr.rel @p1 .LBB2_31-.Ltmp16, $3  }
0x1da: {  	_ =	sdelay $0x1  }
0x1db: {  	p6 =	por $0x1, $0x1;
	s17 =	simm.s32 $0x1F90;
	s19 =	simm.s32 $0xA010  }
0x1dc: {  	[hbm4b:s4+s12] =	stream.indirect.scatter [tilespmem:s19], [sflag:$0x2], $0x10, s17, s12, $0xb8;
	[tilespmem:$0x12810] =	vst v63  }
.LBB2_25:
.Ltmp17:
0x1dd: {  	(pc) =	sbr.rel @!p3 .LBB2_26-.Ltmp17, $4  }
0x1de: {  	p1 =	por $0x0, $0x0  }
0x1df: {  	s13 =	simm.s32 @!p1 $0x0  }
0x1e0: {  	s13 =	simm.s32 @p1 $0x1  }
0x1e1: {  	[smem:$0x7F7] =	sst s13  }
.LBB2_32:
0x1e2: {  	s13 =	simm.s32 $0x2210  }
0x1e3: {  	[hbm4b:s4+s12] =	stream.indirect.scatter [tilespmem:s22], [sflag:$0x2], $0x10, s13, s12, $0xb8;
	[tilespmem:$0x12810] =	vst v63  }
0x1e4: {  	s17 =	simm.s32 $0x2290  }
0x1e5: {  	[hbm4b:s4+s12] =	stream.indirect.scatter [tilespmem:s24], [sflag:$0x2], $0x10, s17, s12, $0xb8;
	[tilespmem:$0x12810] =	vst v63  }
.Ltmp18:
0x1e6: {  	_ = 	snop;
	(pc) =	sbr.rel @p5 .LBB2_33-.Ltmp18, $4  }
0x1e7: {  	s19 =	simm.s32 $0x2310  }
0x1e8: {  	[hbm4b:s4+s12] =	stream.indirect.scatter [tilespmem:s26], [sflag:$0x2], $0x10, s19, s12, $0xb8;
	[tilespmem:$0x12810] =	vst v63  }
0x1e9: {  	s23 =	simm.s32 $0x2390;
	p3 =	por $0x1, $0x1  }
0x1ea: {  	[hbm4b:s4+s12] =	stream.indirect.scatter [tilespmem:s29], [sflag:$0x2], $0x10, s23, s12, $0xb8;
	[tilespmem:$0x12810] =	vst v63  }
.LBB2_27:
.Ltmp19:
0x1eb: {  	(pc) =	sbr.rel @!p4 .LBB2_35-.Ltmp19, $2  }
0x1ec: {  	_ =	sdelay $0x2  }
0x1ed: {  	p5 =	por $0x0, $0x0;
	p1 =	por $0x0, $0x0  }
.LBB2_34:
0x1ee: {  	s13 =	simm.s32 $0x2610;
	s15 =	simm.s32 $0x10810  }
0x1ef: {  	[hbm4b:s4+s12] =	stream.indirect.scatter [tilespmem:s15], [sflag:$0x2], $0x10, s13, s12, $0xb8;
	[tilespmem:$0x12810] =	vst v63  }
0x1f0: {  	s19 =	simm.s32 $0x2690;
	s23 =	simm.s32 $0x11010  }
0x1f1: {  	[hbm4b:s4+s12] =	stream.indirect.scatter [tilespmem:s23], [sflag:$0x2], $0x10, s19, s12, $0xb8;
	[tilespmem:$0x12810] =	vst v63  }
0x1f2: {  	s17 =	simm.s32 $0x11810;
	s15 =	simm.s32 $0x2710  }
0x1f3: {  	[hbm4b:s4+s12] =	stream.indirect.scatter [tilespmem:s17], [sflag:$0x2], $0x10, s15, s12, $0xb8;
	[tilespmem:$0x12810] =	vst v63  }
0x1f4: {  	p1 =	por $0x1, $0x1;
	s19 =	simm.s32 $0x2790;
	s23 =	simm.s32 $0x12010  }
0x1f5: {  	[hbm4b:s4+s12] =	stream.indirect.scatter [tilespmem:s23], [sflag:$0x2], $0x10, s19, s12, $0xb8;
	[tilespmem:$0x12810] =	vst v63  }
.LBB2_35:
0x1f6: {  	_ =	swait.ge [sflag:s25], $0x800  }
0x1f7: {  	[sflag:s25] =	ssyncset.done $0x0  }
0x1f8: {  	[sflag:s25] =	ssyncadd.s32 $0xFFFFF800  }
0x1f9: {  	_ =	swait.ge [sflag:s25], $0x800  }
0x1fa: {  	[sflag:s25] =	ssyncset.done $0x0  }
0x1fb: {  	[sflag:s25] =	ssyncadd.s32 $0xFFFFF800  }
0x1fc: {  	_ =	swait.ge [sflag:s25], $0x800  }
0x1fd: {  	[sflag:s25] =	ssyncset.done $0x0  }
0x1fe: {  	[sflag:s25] =	ssyncadd.s32 $0xFFFFF800  }
0x1ff: {  	_ =	swait.ge [sflag:s25], $0x800  }
0x200: {  	s13 =	sld [smem:$0x7FD];
	_ =	sdelay $0x2  }
0x201: {  	p0 =	seq.s32 s13, $0x1  }
.Ltmp20:
0x202: {  	_ = 	snop;
	(pc) =	sbr.rel @p0 .LBB2_42-.Ltmp20, $3  }
0x203: {  	_ =	sdelay $0x1  }
0x204: {  	[sflag:s25] =	ssyncset.done $0x0  }
0x205: {  	[sflag:s25] =	ssyncadd.s32 $0xFFFFF800  }
0x206: {  	_ =	swait.ge [sflag:s25], $0x800  }
0x207: {  	[sflag:s25] =	ssyncset.done $0x0  }
0x208: {  	[sflag:s25] =	ssyncadd.s32 $0xFFFFF800  }
0x209: {  	_ =	swait.ge [sflag:s25], $0x800  }
0x20a: {  	[sflag:s25] =	ssyncset.done $0x0  }
0x20b: {  	[sflag:s25] =	ssyncadd.s32 $0xFFFFF800  }
0x20c: {  	_ =	swait.ge [sflag:s25], $0x800  }
.Ltmp21:
0x20d: {  	[sflag:s25] =	ssyncset.done $0x0;
	(pc) =	sbr.rel @p2 .LBB2_43-.Ltmp21, $4  }
0x20e: {  	[sflag:s25] =	ssyncadd.s32 $0xFFFFF800  }
0x20f: {  	_ =	swait.ge [sflag:s25], $0x800  }
0x210: {  	[sflag:s25] =	ssyncset.done $0x0  }
0x211: {  	[sflag:s25] =	ssyncadd.s32 $0xFFFFF800  }
.LBB2_37:
.Ltmp22:
0x212: {  	(pc) =	sbr.rel @!p6 .LBB2_38-.Ltmp22, $1  }
0x213: {  	_ =	sdelay $0x3  }
.LBB2_44:
0x214: {  	_ =	swait.ge [sflag:s25], $0x800  }
0x215: {  	[sflag:s25] =	ssyncset.done $0x0  }
0x216: {  	[sflag:s25] =	ssyncadd.s32 $0xFFFFF800  }
0x217: {  	_ =	swait.ge [sflag:s25], $0x800  }
0x218: {  	[sflag:s25] =	ssyncset.done $0x0  }
0x219: {  	[sflag:s25] =	ssyncadd.s32 $0xFFFFF800  }
0x21a: {  	_ =	swait.ge [sflag:s25], $0x800  }
0x21b: {  	[sflag:s25] =	ssyncset.done $0x0  }
0x21c: {  	[sflag:s25] =	ssyncadd.s32 $0xFFFFF800  }
0x21d: {  	_ =	swait.ge [sflag:s25], $0x800  }
0x21e: {  	s13 =	sld [smem:$0x7F7];
	_ =	sdelay $0x2  }
0x21f: {  	p0 =	seq.s32 s13, $0x1  }
.Ltmp23:
0x220: {  	_ = 	snop;
	(pc) =	sbr.rel @p0 .LBB2_45-.Ltmp23, $3  }
0x221: {  	_ =	sdelay $0x1  }
0x222: {  	[sflag:s25] =	ssyncset.done $0x0  }
0x223: {  	[sflag:s25] =	ssyncadd.s32 $0xFFFFF800  }
.LBB2_39:
.Ltmp24:
0x224: {  	(pc) =	sbr.rel @!p3 .LBB2_40-.Ltmp24, $1  }
0x225: {  	_ =	sdelay $0x3  }
.LBB2_46:
0x226: {  	_ =	swait.ge [sflag:s25], $0x800  }
0x227: {  	[sflag:s25] =	ssyncset.done $0x0  }
0x228: {  	[sflag:s25] =	ssyncadd.s32 $0xFFFFF800  }
0x229: {  	_ =	swait.ge [sflag:s25], $0x800  }
0x22a: {  	[sflag:s25] =	ssyncset.done $0x0  }
0x22b: {  	[sflag:s25] =	ssyncadd.s32 $0xFFFFF800  }
0x22c: {  	_ =	swait.ge [sflag:s25], $0x800  }
.Ltmp25:
0x22d: {  	[sflag:s25] =	ssyncset.done $0x0;
	(pc) =	sbr.rel @p5 .LBB2_47-.Ltmp25, $4  }
0x22e: {  	[sflag:s25] =	ssyncadd.s32 $0xFFFFF800  }
0x22f: {  	_ =	swait.ge [sflag:s25], $0x800  }
0x230: {  	[sflag:s25] =	ssyncset.done $0x0  }
0x231: {  	[sflag:s25] =	ssyncadd.s32 $0xFFFFF800  }
.LBB2_41:
.Ltmp26:
0x232: {  	(pc) =	sbr.rel @!p1 .LBB2_49-.Ltmp26, $4  }
.Ltmp27:
0x233: {  	(pc) =	sbr.rel @p1 .LBB2_48-.Ltmp27, $4  }
0x234: {  	_ = 	snop  }
0x235: {  	_ = 	snop  }
0x236: {  	_ = 	snop  }
0x237: {  	_ = 	snop  }
.LBB2_14:
.Ltmp28:
0x238: {  	(pc) =	sbr.rel @!p1 .LBB2_9-.Ltmp28, $1  }
0x239: {  	_ =	sdelay $0x3  }
.LBB2_15:
0x23a: {  	_ =	swait.ge [sflag:s30], $0x800  }
0x23b: {  	[sflag:s30] =	ssyncset.done $0x0  }
0x23c: {  	[sflag:s30] =	ssyncadd.s32 $0xFFFFF800  }
0x23d: {  	_ =	swait.ge [sflag:s30], $0x800  }
0x23e: {  	[sflag:s30] =	ssyncset.done $0x0  }
0x23f: {  	[sflag:s30] =	ssyncadd.s32 $0xFFFFF800  }
0x240: {  	_ =	swait.ge [sflag:s30], $0x800  }
.Ltmp29:
0x241: {  	[sflag:s30] =	ssyncset.done $0x0;
	(pc) =	sbr.rel @p4 .LBB2_16-.Ltmp29, $4  }
0x242: {  	[sflag:s30] =	ssyncadd.s32 $0xFFFFF800  }
0x243: {  	_ =	swait.ge [sflag:s30], $0x800  }
0x244: {  	[sflag:s30] =	ssyncset.done $0x0  }
0x245: {  	p2 =	por $0x1, $0x1;
	[sflag:s30] =	ssyncadd.s32 $0xFFFFF800  }
.LBB2_10:
0x246: {  	s13 =	sld [smem:$0x7F9];
	_ =	sdelay $0x2  }
0x247: {  	p3 =	seq.s32 s13, $0x1  }
.Ltmp30:
0x248: {  	_ = 	snop;
	(pc) =	sbr.rel @!p3 .LBB2_11-.Ltmp30, $2  }
0x249: {  	_ =	sdelay $0x2  }
0x24a: {  	p6 =	por $0x0, $0x0  }
.LBB2_17:
0x24b: {  	_ =	swait.ge [sflag:s30], $0x800  }
0x24c: {  	[sflag:s30] =	ssyncset.done $0x0  }
0x24d: {  	[sflag:s30] =	ssyncadd.s32 $0xFFFFF800  }
0x24e: {  	_ =	swait.ge [sflag:s30], $0x800  }
0x24f: {  	[sflag:s30] =	ssyncset.done $0x0  }
0x250: {  	[sflag:s30] =	ssyncadd.s32 $0xFFFFF800  }
0x251: {  	_ =	swait.ge [sflag:s30], $0x800  }
0x252: {  	[sflag:s30] =	ssyncset.done $0x0  }
0x253: {  	[sflag:s30] =	ssyncadd.s32 $0xFFFFF800  }
0x254: {  	_ =	swait.ge [sflag:s30], $0x800  }
0x255: {  	s23 =	sld [smem:$0x7FB]  }
0x256: {  	p3 =	por $0x1, $0x1  }
0x257: {  	s13 =	simm.s32 @!p3 $0x0  }
0x258: {  	s13 =	simm.s32 @p3 $0x1;
	p3 =	seq.s32 s23, $0x1  }
.Ltmp31:
0x259: {  	_ = 	snop;
	(pc) =	sbr.rel @p3 .LBB2_18-.Ltmp31, $3  }
0x25a: {  	_ =	sdelay $0x1  }
0x25b: {  	[sflag:s30] =	ssyncset.done $0x0  }
0x25c: {  	[smem:$0x7F8] =	sst s13;
	[sflag:s30] =	ssyncadd.s32 $0xFFFFF800  }
.LBB2_12:
0x25d: {  	s13 =	sld [smem:$0x7FA];
	_ =	sdelay $0x2  }
0x25e: {  	p4 =	seq.s32 s13, $0x1  }
.Ltmp32:
0x25f: {  	_ = 	snop;
	(pc) =	sbr.rel @!p4 .LBB2_13-.Ltmp32, $2  }
0x260: {  	_ =	sdelay $0x2  }
0x261: {  	p3 =	por $0x0, $0x0  }
.LBB2_19:
0x262: {  	_ =	swait.ge [sflag:s30], $0x800  }
0x263: {  	[sflag:s30] =	ssyncset.done $0x0  }
0x264: {  	[sflag:s30] =	ssyncadd.s32 $0xFFFFF800  }
0x265: {  	_ =	swait.ge [sflag:s30], $0x800  }
0x266: {  	[sflag:s30] =	ssyncset.done $0x0  }
0x267: {  	[sflag:s30] =	ssyncadd.s32 $0xFFFFF800  }
0x268: {  	_ =	swait.ge [sflag:s30], $0x800  }
0x269: {  	[sflag:s30] =	ssyncset.done $0x0  }
0x26a: {  	[sflag:s30] =	ssyncadd.s32 $0xFFFFF800  }
0x26b: {  	_ =	swait.ge [sflag:s30], $0x800  }
0x26c: {  	s13 =	sld [smem:$0x7FC];
	_ =	sdelay $0x2  }
0x26d: {  	p1 =	seq.s32 s13, $0x1  }
.Ltmp33:
0x26e: {  	_ = 	snop;
	(pc) =	sbr.rel @!p1 .LBB2_21-.Ltmp33, $4  }
.Ltmp34:
0x26f: {  	_ = 	snop;
	(pc) =	sbr.rel @p1 .LBB2_20-.Ltmp34, $4  }
0x270: {  	_ = 	snop  }
0x271: {  	[sflag:s30] =	ssyncset.done $0x0  }
0x272: {  	p4 =	por $0x0, $0x0;
	p5 =	por $0x1, $0x1;
	[sflag:s30] =	ssyncadd.s32 $0xFFFFF800  }
0x273: {  	_ = 	snop  }
.LBB2_28:
.Ltmp35:
0x274: {  	(pc) =	sbr.rel @!p2 .LBB2_23-.Ltmp35, $1  }
0x275: {  	_ =	sdelay $0x3  }
.LBB2_29:
0x276: {  	s13 =	simm.s32 $0x1C10;
	s15 =	simm.s32 $0x6810  }
0x277: {  	[hbm4b:s4+s12] =	stream.indirect.scatter [tilespmem:s15], [sflag:$0x2], $0x10, s13, s12, $0xb8;
	[tilespmem:$0x12810] =	vst v63  }
0x278: {  	s19 =	simm.s32 $0x1C90;
	s23 =	simm.s32 $0x7010  }
0x279: {  	[hbm4b:s4+s12] =	stream.indirect.scatter [tilespmem:s23], [sflag:$0x2], $0x10, s19, s12, $0xb8;
	[tilespmem:$0x12810] =	vst v63  }
.Ltmp36:
0x27a: {  	_ = 	snop;
	(pc) =	sbr.rel @p6 .LBB2_30-.Ltmp36, $4  }
0x27b: {  	s17 =	simm.s32 $0x7810;
	s15 =	simm.s32 $0x1D10  }
0x27c: {  	[hbm4b:s4+s12] =	stream.indirect.scatter [tilespmem:s17], [sflag:$0x2], $0x10, s15, s12, $0xb8;
	[tilespmem:$0x12810] =	vst v63  }
0x27d: {  	p2 =	por $0x1, $0x1;
	s19 =	simm.s32 $0x1D90;
	s23 =	simm.s32 $0x8010  }
0x27e: {  	[hbm4b:s4+s12] =	stream.indirect.scatter [tilespmem:s23], [sflag:$0x2], $0x10, s19, s12, $0xb8;
	[tilespmem:$0x12810] =	vst v63  }
.LBB2_24:
0x27f: {  	s13 =	sld [smem:$0x7F8];
	_ =	sdelay $0x2  }
0x280: {  	p1 =	seq.s32 s13, $0x1  }
.Ltmp37:
0x281: {  	_ = 	snop;
	(pc) =	sbr.rel @!p1 .LBB2_25-.Ltmp37, $2  }
0x282: {  	_ =	sdelay $0x2  }
0x283: {  	p6 =	por $0x0, $0x0  }
.LBB2_31:
0x284: {  	s13 =	simm.s32 $0x2010;
	s15 =	simm.s32 $0xA810  }
0x285: {  	[hbm4b:s4+s12] =	stream.indirect.scatter [tilespmem:s15], [sflag:$0x2], $0x10, s13, s12, $0xb8;
	[tilespmem:$0x12810] =	vst v63  }
0x286: {  	s19 =	simm.s32 $0x2090;
	s23 =	simm.s32 $0xB010;
	p1 =	por $0x1, $0x1  }
0x287: {  	[hbm4b:s4+s12] =	stream.indirect.scatter [tilespmem:s23], [sflag:$0x2], $0x10, s19, s12, $0xb8;
	[tilespmem:$0x12810] =	vst v63  }
.Ltmp38:
0x288: {  	s13 =	simm.s32 @!p1 $0x0;
	(pc) =	sbr.rel @p3 .LBB2_32-.Ltmp38, $4  }
0x289: {  	s17 =	simm.s32 $0xB810;
	s15 =	simm.s32 $0x2110;
	s13 =	simm.s32 @p1 $0x1  }
0x28a: {  	[hbm4b:s4+s12] =	stream.indirect.scatter [tilespmem:s17], [sflag:$0x2], $0x10, s15, s12, $0xb8;
	[tilespmem:$0x12810] =	vst v63  }
0x28b: {  	s19 =	simm.s32 $0x2190;
	s23 =	simm.s32 $0xC010;
	[smem:$0x7F7] =	sst s13  }
0x28c: {  	[hbm4b:s4+s12] =	stream.indirect.scatter [tilespmem:s23], [sflag:$0x2], $0x10, s19, s12, $0xb8;
	[tilespmem:$0x12810] =	vst v63  }
.LBB2_26:
.Ltmp39:
0x28d: {  	(pc) =	sbr.rel @!p5 .LBB2_27-.Ltmp39, $2  }
0x28e: {  	_ =	sdelay $0x2  }
0x28f: {  	p3 =	por $0x0, $0x0  }
.LBB2_33:
0x290: {  	s13 =	simm.s32 $0x2410;
	s15 =	simm.s32 $0xE810  }
0x291: {  	[hbm4b:s4+s12] =	stream.indirect.scatter [tilespmem:s15], [sflag:$0x2], $0x10, s13, s12, $0xb8;
	[tilespmem:$0x12810] =	vst v63  }
0x292: {  	s19 =	simm.s32 $0x2490;
	s23 =	simm.s32 $0xF010  }
0x293: {  	[hbm4b:s4+s12] =	stream.indirect.scatter [tilespmem:s23], [sflag:$0x2], $0x10, s19, s12, $0xb8;
	[tilespmem:$0x12810] =	vst v63  }
.Ltmp40:
0x294: {  	s17 =	simm.s32 $0xF810;
	(pc) =	sbr.rel @!p4 .LBB2_35-.Ltmp40, $4  }
.Ltmp41:
0x295: {  	p1 =	por $0x0, $0x0;
	s15 =	simm.s32 $0x2510;
	(pc) =	sbr.rel @p4 .LBB2_34-.Ltmp41, $4  }
0x296: {  	[hbm4b:s4+s12] =	stream.indirect.scatter [tilespmem:s17], [sflag:$0x2], $0x10, s15, s12, $0xb8;
	[tilespmem:$0x12810] =	vst v63  }
0x297: {  	p5 =	por $0x1, $0x1;
	s19 =	simm.s32 $0x2590;
	s23 =	simm.s32 $0x10010  }
0x298: {  	[hbm4b:s4+s12] =	stream.indirect.scatter [tilespmem:s23], [sflag:$0x2], $0x10, s19, s12, $0xb8;
	[tilespmem:$0x12810] =	vst v63  }
0x299: {  	_ = 	snop  }
.LBB2_42:
.Ltmp42:
0x29a: {  	(pc) =	sbr.rel @!p2 .LBB2_37-.Ltmp42, $1  }
0x29b: {  	_ =	sdelay $0x3  }
.LBB2_43:
0x29c: {  	_ =	swait.ge [sflag:s25], $0x800  }
0x29d: {  	[sflag:s25] =	ssyncset.done $0x0  }
0x29e: {  	[sflag:s25] =	ssyncadd.s32 $0xFFFFF800  }
0x29f: {  	_ =	swait.ge [sflag:s25], $0x800  }
0x2a0: {  	[sflag:s25] =	ssyncset.done $0x0  }
0x2a1: {  	[sflag:s25] =	ssyncadd.s32 $0xFFFFF800  }
0x2a2: {  	_ =	swait.ge [sflag:s25], $0x800  }
.Ltmp43:
0x2a3: {  	[sflag:s25] =	ssyncset.done $0x0;
	(pc) =	sbr.rel @p6 .LBB2_44-.Ltmp43, $4  }
0x2a4: {  	[sflag:s25] =	ssyncadd.s32 $0xFFFFF800  }
0x2a5: {  	_ =	swait.ge [sflag:s25], $0x800  }
0x2a6: {  	[sflag:s25] =	ssyncset.done $0x0  }
0x2a7: {  	[sflag:s25] =	ssyncadd.s32 $0xFFFFF800  }
.LBB2_38:
0x2a8: {  	s13 =	sld [smem:$0x7F7];
	_ =	sdelay $0x2  }
0x2a9: {  	p0 =	seq.s32 s13, $0x1  }
.Ltmp44:
0x2aa: {  	_ = 	snop;
	(pc) =	sbr.rel @!p0 .LBB2_39-.Ltmp44, $1  }
0x2ab: {  	_ =	sdelay $0x3  }
.LBB2_45:
0x2ac: {  	_ =	swait.ge [sflag:s25], $0x800  }
0x2ad: {  	[sflag:s25] =	ssyncset.done $0x0  }
0x2ae: {  	[sflag:s25] =	ssyncadd.s32 $0xFFFFF800  }
0x2af: {  	_ =	swait.ge [sflag:s25], $0x800  }
0x2b0: {  	[sflag:s25] =	ssyncset.done $0x0  }
0x2b1: {  	[sflag:s25] =	ssyncadd.s32 $0xFFFFF800  }
0x2b2: {  	_ =	swait.ge [sflag:s25], $0x800  }
.Ltmp45:
0x2b3: {  	[sflag:s25] =	ssyncset.done $0x0;
	(pc) =	sbr.rel @p3 .LBB2_46-.Ltmp45, $4  }
0x2b4: {  	[sflag:s25] =	ssyncadd.s32 $0xFFFFF800  }
0x2b5: {  	_ =	swait.ge [sflag:s25], $0x800  }
0x2b6: {  	[sflag:s25] =	ssyncset.done $0x0  }
0x2b7: {  	[sflag:s25] =	ssyncadd.s32 $0xFFFFF800  }
.LBB2_40:
.Ltmp46:
0x2b8: {  	(pc) =	sbr.rel @!p5 .LBB2_41-.Ltmp46, $1  }
0x2b9: {  	_ =	sdelay $0x3  }
.LBB2_47:
0x2ba: {  	_ =	swait.ge [sflag:s25], $0x800  }
0x2bb: {  	[sflag:s25] =	ssyncset.done $0x0  }
0x2bc: {  	[sflag:s25] =	ssyncadd.s32 $0xFFFFF800  }
0x2bd: {  	_ =	swait.ge [sflag:s25], $0x800  }
0x2be: {  	[sflag:s25] =	ssyncset.done $0x0  }
0x2bf: {  	[sflag:s25] =	ssyncadd.s32 $0xFFFFF800  }
0x2c0: {  	_ =	swait.ge [sflag:s25], $0x800  }
.Ltmp47:
0x2c1: {  	[sflag:s25] =	ssyncset.done $0x0;
	(pc) =	sbr.rel @!p1 .LBB2_49-.Ltmp47, $4  }
.Ltmp48:
0x2c2: {  	[sflag:s25] =	ssyncadd.s32 $0xFFFFF800;
	(pc) =	sbr.rel @p1 .LBB2_48-.Ltmp48, $4  }
0x2c3: {  	_ =	swait.ge [sflag:s25], $0x800  }
0x2c4: {  	[sflag:s25] =	ssyncset.done $0x0  }
0x2c5: {  	[sflag:s25] =	ssyncadd.s32 $0xFFFFF800  }
0x2c6: {  	_ = 	snop  }
.LBB2_50:
0x2c7: {  	_ =	sfence.sel $0x180000  }
0x2c8: {  	[bflag:$0x0] =	sbarrier.arrive $0xFFFF  }
0x2c9: {  	_ =	strace $0x9000004D  }
0x2ca: {  	s0 =	stileid.u32;
	[bflag:$0x2] =	sbarrier.arrive $0xFFFF  }
0x2cb: {  	p0 =	sne.s32 s0, $0x0;
	s0 =	rddreg [dreg:$0x2]  }
0x2cc: {  	s0 =	sadd.s32 @!p0 $0x100000, s0  }
0x2cd: {  	[sflag:s0] =	ssyncadd.tile.s32 @!p0 $0x1;
	_ =	shalt  }
.Lfunc_end2:
_tile_overlayer_lowered:
.L_overlay_start_2:
0x2ce: {  	(tag) =	ssettag $0x2  }
0x2cf: {  	s0 =	rddreg [dreg:$0x0];
	s2 =	stileid.u32  }
0x2d0: {  	s1 =	rddreg [dreg:$0x1];
	p0 =	sne.s32 s2, $0x0  }
0x2d1: {  	s3 =	rddreg [dreg:$0x2];
	[bflag:$0x3] =	sbarrier.arrive $0xFFFF;
	s2 =	simm.s32 @!p0 $0x1C03  }
0x2d2: {  	[timem:s3], [sflag:s2] =	dma.local @!p0 [hbm:s0], s1  }
0x2d3: {  	s0 =	simm.s32 @!p0 $0x3  }
0x2d4: {  	_ =	swait.ge @!p0 [sflag:s0], s1  }
0x2d5: {  	s1 =	ssub.s32 @!p0 $0x0, s1;
	[sflag:s0] =	ssyncset.done @!p0 $0x0  }
0x2d6: {  	[sflag:s0] =	ssyncadd.s32 @!p0 s1  }
0x2d7: {  	[bflag:$0x3] =	sbarrier.arrive $0xFFFF  }
0x2d8: {  	_ =	shalt  }

// kernel: kernel.6.cloned.1.call-start
scs
__scs_entry_jumppad:
0x0: {  	(pc) =	sbr.rel $0x88, $3  }
0x1: {  	(tag) =	ssettag $0x0;
	lr =	simm.s32 $0x1  }
0x2: {  	[smem:$0x3F9A] =	sst lr;
	_ =	strace $0xD0000000  }
0x3: {  	_ = 	snop  }
0x4: {  	_ = 	snop  }
0x5: {  	_ = 	snop  }
0x6: {  	_ = 	snop  }
0x7: {  	_ = 	snop  }
__scs_overlays_trampoline_lowered:
0x8: {  	[smem:$0x3FA9] =	sst s0  }
0x9: {  	[smem:$0x3FAA] =	sst s1  }
0xa: {  	[smem:$0x3FAB] =	sst s2  }
0xb: {  	[smem:$0x3FAC] =	sst s3  }
0xc: {  	[smem:$0x3FAD] =	sst s4  }
0xd: {  	[smem:$0x3FAE] =	sst s5  }
0xe: {  	[smem:$0x3FAF] =	sst s6  }
0xf: {  	[smem:$0x3FB0] =	sst s7  }
0x10: {  	[smem:$0x3FB1] =	sst s8  }
0x11: {  	[smem:$0x3FB2] =	sst s9;
	s0 =	simm.s32 @!p0 $0x0  }
0x12: {  	s1 =	sld [smem:$0x3F98];
	s0 =	simm.s32 @p0 $0x1  }
0x13: {  	[smem:$0x3FB3] =	sst s0;
	s0 =	simm.s32 @!p1 $0x0  }
0x14: {  	s2 =	sld [smem:$0x3F97];
	s0 =	simm.s32 @p1 $0x1  }
0x15: {  	[smem:$0x3FB4] =	sst s0;
	s0 =	simm.s32 @!p2 $0x0  }
0x16: {  	s3 =	sld [smem:$0x3FDB];
	s0 =	simm.s32 @p2 $0x1  }
0x17: {  	s4 =	simm.s32 $0x1BF5;
	[smem:$0x3FB6] =	sst s0  }
0x18: {  	s0 =	sld [smem:$0x3F99];
	_ =	swait.ge [sflag:s4], $0x0  }
0x19: {  	s7 =	sld [smem:$0x3F9A]  }
0x1a: {  	s8 =	sadd.s32 $0xFFFFE003, lr  }
0x1b: {  	s9 =	sadd.s32 $0xFFFFFEF7, lr;
	s5 =	simm.s32 $0xFFFFFFFF;
	p2 =	slt.u32 s8, $0xFFFFF086  }
0x1c: {  	p1 =	slt.u32 s9, $0xF7A;
	s5 =	simm.s32 @!p2 $0x0  }
0x1d: {  	s5 =	simm.s32 @p1 $0x1;
	p0 =	seq.s32 s7, s2  }
0x1e: {  	s7 =	smul.u32 @!p0 $0xF7A, s2;
	p2 =	seq.s32 @!p0 s5, $0x0  }
0x1f: {  	s9 =	smul.u32 $0xF7A, s1;
	s8 =	simm.s32 @!p0 $0x1BF5;
	p2 =	por !p2, p0  }
0x20: {  	[sflag:s8] =	ssyncset.s32 @!p0 $0xFFFFF086;
	s6 =	sadd.s32 @!p0 s3, s7;
	s7 =	simm.s32 @!p0 $0x108  }
0x21: {  	s3 =	sadd.s32 s3, s9;
	s6 =	sadd.s32 @!p0 $0x88, s6;
	s7 =	simm.s32 @p2 $0x1082  }
0x22: {  	[simem:s7], [sflag:s8] =	dma.local @!p0 [hbm:s6], $0xF7A  }
0x23: {  	s9 =	sor.u32 $0xD0000000, s2;
	s6 =	simm.s32 $0x108;
	_ =	swait.ge @!p0 [sflag:s8], $0x0  }
0x24: {  	s3 =	sadd.s32 $0x88, s3;
	s6 =	simm.s32 @!p1 $0x1082;
	[sflag:s4] =	ssyncset.s32 $0xFFFFF086  }
0x25: {  	[simem:s6], [sflag:s4] =	dma.local [hbm:s3], $0xF7A  }
0x26: {  	[smem:$0x3F9A] =	sst s1;
	(tag) =	ssettag s2;
	_ =	strace s9  }
0x27: {  	s1 =	sld [smem:$0x3FAA]  }
0x28: {  	s2 =	sld [smem:$0x3FAB]  }
0x29: {  	s4 =	sld [smem:$0x3FAD]  }
0x2a: {  	p0 =	seq.s32 s5, $0x0;
	s5 =	sld [smem:$0x3FAE]  }
0x2b: {  	s6 =	sld [smem:$0x3FAF]  }
0x2c: {  	s7 =	sld [smem:$0x3FB0]  }
0x2d: {  	s3 =	simm.s32 $0x108;
	s8 =	sld [smem:$0x3FB1]  }
0x2e: {  	s3 =	simm.s32 @!p0 $0x1082;
	s9 =	sld [smem:$0x3FB2]  }
0x2f: {  	lr =	sadd.s32 s0, s3;
	s0 =	sld [smem:$0x3FA9]  }
0x30: {  	s3 =	sld [smem:$0x3FAC]  }
0x31: {  	[smem:$0x3FB5] =	sst s10  }
0x32: {  	s10 =	sld [smem:$0x3FB3];
	_ =	sdelay $0x3  }
0x33: {  	p0 =	seq.s32 s10, $0x1;
	s10 =	sld [smem:$0x3FB5];
	_ =	sdelay $0x3  }
0x34: {  	[smem:$0x3FB5] =	sst s10  }
0x35: {  	s10 =	sld [smem:$0x3FB4];
	_ =	sdelay $0x3  }
0x36: {  	p1 =	seq.s32 s10, $0x1;
	s10 =	sld [smem:$0x3FB5];
	_ =	sdelay $0x3  }
0x37: {  	[smem:$0x3FB5] =	sst s10  }
0x38: {  	s10 =	sld [smem:$0x3FB6]  }
0x39: {  	_ = 	snop;
	(pc) =	sbr.ind lr, $3  }
0x3a: {  	_ = 	snop  }
0x3b: {  	_ = 	snop  }
0x3c: {  	p2 =	seq.s32 s10, $0x1;
	s10 =	sld [smem:$0x3FB5]  }
0x3d: {  	_ =	shalt  }
0x3e: {  	_ =	shalt  }
0x3f: {  	_ =	shalt  }
0x40: {  	_ =	shalt  }
0x41: {  	_ =	shalt  }
0x42: {  	_ =	shalt  }
0x43: {  	_ =	shalt  }
0x44: {  	_ =	shalt  }
0x45: {  	_ =	shalt  }
0x46: {  	_ =	shalt  }
0x47: {  	_ =	shalt  }
0x48: {  	_ =	shalt  }
0x49: {  	_ =	shalt  }
0x4a: {  	_ =	shalt  }
0x4b: {  	_ =	shalt  }
0x4c: {  	_ =	shalt  }
0x4d: {  	_ =	shalt  }
0x4e: {  	_ =	shalt  }
0x4f: {  	_ =	shalt  }
0x50: {  	_ =	shalt  }
0x51: {  	_ =	shalt  }
0x52: {  	_ =	shalt  }
0x53: {  	_ =	shalt  }
0x54: {  	_ =	shalt  }
0x55: {  	_ =	shalt  }
0x56: {  	_ =	shalt  }
0x57: {  	_ =	shalt  }
0x58: {  	_ =	shalt  }
0x59: {  	_ =	shalt  }
0x5a: {  	_ =	shalt  }
0x5b: {  	_ =	shalt  }
0x5c: {  	_ =	shalt  }
0x5d: {  	_ =	shalt  }
0x5e: {  	_ =	shalt  }
0x5f: {  	_ =	shalt  }
0x60: {  	_ =	shalt  }
0x61: {  	_ =	shalt  }
0x62: {  	_ =	shalt  }
0x63: {  	_ =	shalt  }
0x64: {  	_ =	shalt  }
0x65: {  	_ =	shalt  }
0x66: {  	_ =	shalt  }
0x67: {  	_ =	shalt  }
0x68: {  	_ =	shalt  }
0x69: {  	_ =	shalt  }
0x6a: {  	_ =	shalt  }
0x6b: {  	_ =	shalt  }
0x6c: {  	_ =	shalt  }
0x6d: {  	_ =	shalt  }
0x6e: {  	_ =	shalt  }
0x6f: {  	_ =	shalt  }
0x70: {  	_ =	shalt  }
0x71: {  	_ =	shalt  }
0x72: {  	_ =	shalt  }
0x73: {  	_ =	shalt  }
0x74: {  	_ =	shalt  }
0x75: {  	_ =	shalt  }
0x76: {  	_ =	shalt  }
0x77: {  	_ =	shalt  }
0x78: {  	_ =	shalt  }
0x79: {  	_ =	shalt  }
0x7a: {  	_ =	shalt  }
0x7b: {  	_ =	shalt  }
0x7c: {  	_ =	shalt  }
0x7d: {  	_ =	shalt  }
0x7e: {  	_ =	shalt  }
0x7f: {  	_ =	shalt  }
0x80: {  	_ =	shalt  }
0x81: {  	_ =	shalt  }
0x82: {  	_ =	shalt  }
0x83: {  	_ =	shalt  }
0x84: {  	_ =	shalt  }
0x85: {  	_ =	shalt  }
0x86: {  	_ =	shalt  }
0x87: {  	_ =	shalt  }
.Lfunc_end0:
.L_simem_size_0:
called_computation.1_lowered:
.L_overlay_start_0:
0x88: {  	s2 =	sld [smem:$0x3FD9]  }
0x89: {  	s3 =	sld [smem:$0x3FFE];
	_ =	sdelay $0x1  }
0x8a: {  	s1 =	srdreg.scid  }
0x8b: {  	s0 =	sand.u32 $0x1, s1  }
0x8c: {  	s17 =	sshll.u32 s0, $0xA;
	s2 =	sadd.s32 s3, s2  }
0x8d: {  	s2 =	sadd.s32 s2, s17  }
0x8e: {  	[smem:$0x3FC1] =	sst s2  }
0x8f: {  	_ = 	snop  }
0x90: {  	s18 =	sld [smem:$0x3FC8];
	(tm) =	ssettm $0x1  }
0x91: {  	s19 =	sld [smem:$0x3FFB];
	_ =	sdelay $0x3  }
0x92: {  	_ =	strace s19  }
0x93: {  	s2 =	sld [smem:$0x3FFC];
	_ =	sdelay $0x3  }
0x94: {  	_ =	strace s2  }
0x95: {  	s2 =	sld [smem:$0x3FFD];
	_ =	sdelay $0x3  }
0x96: {  	_ =	strace s2  }
0x97: {  	_ =	strace $0x8FFFFFFF  }
0x98: {  	s20 =	sld [smem:$0x3FDB];
	_ =	sdelay $0x1  }
0x99: {  	s4 =	simm.s32 $_scs_section_size  }
0x9a: {  	s5 =	simm.s32 $_size__tile_overlayer_lowered;
	s6 =	simm.s32 $_tile_overlayer_lowered  }
0x9b: {  	s7 =	simm.s32 $0x1BFF;
	s21 =	sshll.u32 s6, $0x1;
	s4 =	sadd.s32 s4, s20  }
0x9c: {  	s22 =	simm.s32 $0x0;
	s5 =	sshll.u32 s5, $0x1;
	s6 =	sadd.s32 s21, s4  }
0x9d: {  	[timem:s22], [sflag:s7] =	dma.local [hbm:s6], s5  }
0x9e: {  	_ =	swait.ge [sflag:s7], s5  }
0x9f: {  	s5 =	ssub.s32 $0x0, s5;
	[sflag:s7] =	ssyncset.done $0x0  }
0xa0: {  	[sflag:s7] =	ssyncadd.s32 s5;
	_ =	sdelay $0x1  }
0xa1: {  	s23 =	simm.s32 $0x1B8B  }
0xa2: {  	_ =	swait.ge [sflag:s23], $0x1  }
0xa3: {  	[sflag:s23] =	ssyncset.done $0x0  }
0xa4: {  	[sflag:s23] =	ssyncadd.s32 $0xFFFFFFFF  }
0xa5: {  	s5 =	sld [smem:$0x0]  }
0xa6: {  	s6 =	sand.u32 $0xFFFFFFFE, s1  }
0xa7: {  	p0 =	sne.s32 s1, s6  }
0xa8: {  	s6 =	sshll.u32 @p0 s6, $0xE  }
0xa9: {  	s6 =	sadd.s32 @p0 $0x11B8D, s6;
	s7 =	sshll.u32 @p0 s5, $0x11  }
0xaa: {  	s6 =	sor.u32 @p0 s7, s6  }
0xab: {  	[sflag:s6] =	ssyncadd.remote.s32 @p0 $0x1;
	_ =	sdelay $0x1  }
0xac: {  	s6 =	simm.s32 @p0 $0x1B8D  }
0xad: {  	_ =	swait.eq @p0 [sflag:s6], $0x1  }
0xae: {  	[sflag:s6] =	ssyncadd.s32 @p0 $0xFFFFFFFF  }
0xaf: {  	s7 =	sshll.u32 @!p0 s1, $0xE  }
0xb0: {  	s7 =	sor.u32 @!p0 $0x4000, s7;
	s6 =	simm.s32 @!p0 $0x1B8D  }
0xb1: {  	s5 =	sshll.u32 @!p0 s5, $0x11;
	s7 =	sadd.s32 @!p0 $0x11B8D, s7;
	_ =	swait.eq @!p0 [sflag:s6], $0x1  }
0xb2: {  	s5 =	sor.u32 @!p0 s5, s7;
	[sflag:s6] =	ssyncadd.s32 @!p0 $0xFFFFFFFF  }
0xb3: {  	s25 =	simm.s32 $0x1B8E;
	s24 =	sld [smem:$0x3FFE];
	[sflag:s5] =	ssyncadd.remote.s32 @!p0 $0x1  }
0xb4: {  	s26 =	simm.s32 $execute0_lowered;
	[smem:$0x3FD2] =	sst s25  }
0xb5: {  	s6 =	sshll.u32 s26, $0x1;
	_ =	strace $0x80000049;
	[dreg:$0x1] =	wrdreg $0xFFFFFFFF  }
0xb6: {  	s28 =	simm.s32 $_size_execute0_lowered;
	s4 =	sadd.s32 s4, s6;
	[dreg:$0x0] =	wrdreg $0x0  }
0xb7: {  	s6 =	sshll.u32 s28, $0x1;
	[dreg:$0x2] =	wrdreg s4  }
0xb8: {  	[dreg:$0x3] =	wrdreg s6  }
0xb9: {  	[dreg:$0x4] =	wrdreg $0xC0  }
0xba: {  	_ =	task [dreg:s22], $0x5FFFF  }
0xbb: {  	[dreg:$0x1] =	wrdreg $0xFFFFFFFF  }
0xbc: {  	[dreg:$0x0] =	wrdreg $0x60  }
0xbd: {  	[dreg:$0x2] =	wrdreg s18  }
0xbe: {  	[dreg:$0x3] =	wrdreg s24  }
0xbf: {  	[dreg:$0x4] =	wrdreg $0x9  }
0xc0: {  	_ =	task.clear_ibuf [dreg:s22], $0x5FFFF;
	_ =	strace $0x90000049  }
0xc1: {  	s29 =	simm.s32 $0x9;
	_ =	strace $0x8000004B  }
0xc2: {  	_ =	swait.ge [sflag:s29], $0x1  }
0xc3: {  	[sflag:s29] =	ssyncadd.s32 $0xFFFFFFFF  }
0xc4: {  	_ =	strace $0x9000004B  }
0xc5: {  	_ =	sfence  }
0xc6: {  	s30 =	sld [smem:$0x0];
	_ =	sdelay $0x2  }
0xc7: {  	s31 =	sshll.u32 s1, $0xD;
	s1 =	sshrl.u32 s1, $0x2  }
0xc8: {  	s4 =	sand.u32 $0x4000, s31;
	s1 =	sadd.s32 s1, s30  }
0xc9: {  	s0 =	sor.u32 s4, s0;
	s1 =	sshll.u32 s1, $0x11  }
0xca: {  	s0 =	sor.u32 s1, s0  }
0xcb: {  	s0 =	sadd.s32 $0x8F2B, s0  }
0xcc: {  	[sflag:s0] =	ssyncadd.remote.s32 $0x1  }
0xcd: {  	_ =	sfence.sel $0xFFFF  }
0xce: {  	[dreg:$0x0] =	wrdreg $0xFFFFFFFF;
	(pc) =	sbr.abs _section_cstart, $3  }
0xcf: {  	[dreg:$0x1] =	wrdreg $0xFFFFFFFF  }
0xd0: {  	_ =	task.clear_ibuf [dreg:s22], $0x2FFFF;
	_ =	strace $0x9FFFFFFF  }
0xd1: {  	(tm) =	ssettm $0x7FFFFFFF  }
tec
execute0_lowered:
.L_overlay_start_1:
0x0: {  	(tag) =	ssettag $0x1  }
0x1: {  	s2 =	rddreg [dreg:$0x0]  }
0x2: {  	s4 =	rddreg [dreg:$0x1]  }
0x3: {  	s0 =	rddreg [dreg:$0x2]  }
0x4: {  	s5 =	srdreg.scid;
	s1 =	stileid.u32;
	s3 =	simm.s32 $0x0  }
0x5: {  	s10 =	simm.s32 $0xBA20;
	s12 =	simm.s32 $0xC220;
	s13 =	simm.s32 $0x0  }
0x6: {  	s5 =	sand.u32 $0x1, s5;
	s6 =	sshll.u32 s1, $0x1;
	[smem:$0x7FF] =	sst s3  }
0x7: {  	s6 =	sor.u32 s5, s6;
	_ =	strace $0x8000004A;
	s5 =	ssub.s32 $0x2, s5  }
0x8: {  	s7 =	sshll.u32 s6, $0x7;
	s8 =	sshll.u32 s6, $0x1;
	s9 =	smul.u32 $0x7A12, s6  }
0x9: {  	s30 =	sshrl.u32 s5, $0x1;
	s28 =	sadd.s32 s7, s4;
	s29 =	sadd.s32 s8, s4  }
0xa: {  	s31 =	ssub.s32 s5, s30;
	s11 =	sadd.s32 $0x7A12, s9;
	s4 =	sadd.s32 $0xF64600, s28  }
0xb: {  	v1 =	vlaneseq.u32;
	v3 =	vimm.s32 $0x0;
	s8 =	simm.s32 $0x1;
	s5 =	sadd.s32 $0xF65600, s28;
	s6 =	sadd.s32 $0xF66600, s29  }
0xc: {  	v4 =	vadd.s32 $0x1, v1;
	s7 =	smax.u32 s31, $0x1;
	v0 =	vmov s9;
	s9 =	simm.s32 $0x4000;
	v2 =	vmov s11;
	s11 =	simm.s32 $0xBE20  }
.LBB2_1:
0xd: {  	[tilespmem:s3], [sflag:$0x1] =	stream.linear.gather [hbm4b:s2+s3], $0x4000, $0x38;
	[tilespmem:$0xC230] =	vst v63  }
0xe: {  	_ =	swait.ge [sflag:s8], $0x4000  }
0xf: {  	[sflag:s8] =	ssyncset.done $0x0  }
0x10: {  	s14 =	simm.s32 $0x4040;
	[sflag:s8] =	ssyncadd.s32 $0xFFFFC000  }
0x11: {  	[tilespmem:s14+$0xFFFFFFC0] =	vst v3  }
0x12: {  	[tilespmem:s14+$0x30] =	vst v3  }
0x13: {  	[tilespmem:s14+$0x20] =	vst v3  }
0x14: {  	[tilespmem:s14+$0x10] =	vst v3  }
0x15: {  	[tilespmem:s14+$0x0] =	vst v3  }
0x16: {  	[tilespmem:s14+$0xFFFFFFF0] =	vst v3  }
0x17: {  	s15 =	simm.s32 $0x0;
	[tilespmem:s14+$0xFFFFFFE0] =	vst v3  }
.LBB2_2:
0x18: {  	s15 =	sadd.s32 $0x8, s15;
	[tilespmem:s14+$0xFFFFFFD0] =	vst v3;
	s14 =	sadd.s32 $0x80, s14  }
0x19: {  	[tilespmem:s14+$0xFFFFFFC0] =	vst v3;
	p0 =	slt.u32 s15, $0x798  }
0x1a: {  	[tilespmem:s14+$0x30] =	vst v3  }
.Ltmp0:
0x1b: {  	[tilespmem:s14+$0x20] =	vst v3;
	(pc) =	sbr.rel @p0 .LBB2_2-.Ltmp0, $4  }
0x1c: {  	[tilespmem:s14+$0x10] =	vst v3  }
0x1d: {  	[tilespmem:s14+$0x0] =	vst v3  }
0x1e: {  	[tilespmem:s14+$0xFFFFFFF0] =	vst v3  }
0x1f: {  	[tilespmem:s14+$0xFFFFFFE0] =	vst v3  }
0x20: {  	[tilespmem:s14+$0xFFFFFFD0] =	vst v3  }
0x21: {  	[tilespmem:$0xBA00] =	vst v3  }
0x22: {  	s14 =	simm.s32 $0xFFFFFFF8;
	s15 =	simm.s32 $0x0;
	s16 =	simm.s32 $0x40;
	[tilespmem:$0xBA10] =	vst v3  }
.LBB2_4:
0x23: {  	v5 =	vld [tilespmem:s16+$0xFFFFFFC0];
	_ =	sdelay $0x4  }
0x24: {  	vm0 =	vge.s32 v5, v0;
	vm1 =	vlt.s32 v5, v2  }
0x25: {  	v5 =	vsub.s32 v5, v0;
	vm0 =	vmand vm0, vm1  }
0x26: {  	v5 =	vnsel vm0, $0x0, v5;
	_ =	sdelay $0x3  }
0x27: {  	v6 =	vor.u32 s15, v4  }
0x28: {  	[tilespmem:v5+s9+$0x0] =	vst.idx.msk vm0, v6  }
0x29: {  	v5 =	vld [tilespmem:s16+$0xFFFFFFD0];
	_ =	sdelay $0x4  }
0x2a: {  	vm14 =	vge.s32 v5, v0;
	vm15 =	vlt.s32 v5, v2  }
0x2b: {  	v5 =	vsub.s32 v5, v0;
	vm0 =	vmand vm14, vm15  }
0x2c: {  	v5 =	vnsel vm0, $0x0, v5;
	_ =	sdelay $0x2  }
0x2d: {  	s17 =	sadd.s32 $0x10, s15  }
0x2e: {  	v6 =	vadd.s32 s17, v4  }
0x2f: {  	[tilespmem:v5+s9+$0x0] =	vst.idx.msk vm0, v6  }
0x30: {  	v5 =	vld [tilespmem:s16+$0xFFFFFFE0];
	_ =	sdelay $0x4  }
0x31: {  	vm4 =	vge.s32 v5, v0;
	vm5 =	vlt.s32 v5, v2  }
0x32: {  	v5 =	vsub.s32 v5, v0;
	vm0 =	vmand vm4, vm5  }
0x33: {  	v5 =	vnsel vm0, $0x0, v5;
	_ =	sdelay $0x2  }
0x34: {  	s25 =	sadd.s32 $0x20, s15  }
0x35: {  	v6 =	vor.u32 s25, v4  }
0x36: {  	[tilespmem:v5+s9+$0x0] =	vst.idx.msk vm0, v6  }
0x37: {  	v5 =	vld [tilespmem:s16+$0xFFFFFFF0];
	_ =	sdelay $0x4  }
0x38: {  	vm6 =	vge.s32 v5, v0;
	vm7 =	vlt.s32 v5, v2  }
0x39: {  	v5 =	vsub.s32 v5, v0;
	vm0 =	vmand vm6, vm7  }
0x3a: {  	v5 =	vnsel vm0, $0x0, v5;
	_ =	sdelay $0x2  }
0x3b: {  	s26 =	sadd.s32 $0x30, s15  }
0x3c: {  	v6 =	vadd.s32 s26, v4  }
0x3d: {  	[tilespmem:v5+s9+$0x0] =	vst.idx.msk vm0, v6  }
0x3e: {  	v5 =	vld [tilespmem:s16+$0x0];
	_ =	sdelay $0x4  }
0x3f: {  	vm8 =	vge.s32 v5, v0;
	vm9 =	vlt.s32 v5, v2  }
0x40: {  	v5 =	vsub.s32 v5, v0;
	vm0 =	vmand vm8, vm9  }
0x41: {  	v5 =	vnsel vm0, $0x0, v5;
	_ =	sdelay $0x2  }
0x42: {  	s28 =	sadd.s32 $0x40, s15  }
0x43: {  	v6 =	vor.u32 s28, v4  }
0x44: {  	[tilespmem:v5+s9+$0x0] =	vst.idx.msk vm0, v6  }
0x45: {  	v5 =	vld [tilespmem:s16+$0x10];
	_ =	sdelay $0x4  }
0x46: {  	vm10 =	vge.s32 v5, v0;
	vm11 =	vlt.s32 v5, v2  }
0x47: {  	v5 =	vsub.s32 v5, v0;
	vm0 =	vmand vm10, vm11  }
0x48: {  	v5 =	vnsel vm0, $0x0, v5;
	_ =	sdelay $0x2  }
0x49: {  	s29 =	sadd.s32 $0x50, s15  }
0x4a: {  	v6 =	vadd.s32 s29, v4  }
0x4b: {  	[tilespmem:v5+s9+$0x0] =	vst.idx.msk vm0, v6  }
0x4c: {  	v5 =	vld [tilespmem:s16+$0x20];
	_ =	sdelay $0x4  }
0x4d: {  	vm12 =	vge.s32 v5, v0;
	vm13 =	vlt.s32 v5, v2  }
0x4e: {  	v5 =	vsub.s32 v5, v0;
	vm0 =	vmand vm12, vm13  }
0x4f: {  	v5 =	vnsel vm0, $0x0, v5;
	_ =	sdelay $0x2  }
0x50: {  	s30 =	sadd.s32 $0x60, s15  }
0x51: {  	v6 =	vor.u32 s30, v4  }
0x52: {  	[tilespmem:v5+s9+$0x0] =	vst.idx.msk vm0, v6  }
0x53: {  	v5 =	vld [tilespmem:s16+$0x30];
	_ =	sdelay $0x4  }
0x54: {  	vm14 =	vge.s32 v5, v0;
	vm15 =	vlt.s32 v5, v2  }
0x55: {  	s14 =	sadd.s32 $0x8, s14;
	v5 =	vsub.s32 v5, v0;
	vm0 =	vmand vm14, vm15  }
0x56: {  	p0 =	slt.u32 s14, $0x3F8;
	v5 =	vnsel vm0, $0x0, v5  }
.Ltmp1:
0x57: {  	_ = 	snop;
	(pc) =	sbr.rel @p0 .LBB2_4-.Ltmp1, $4  }
0x58: {  	_ = 	snop  }
0x59: {  	s31 =	sadd.s32 $0x70, s15  }
0x5a: {  	v6 =	vadd.s32 s31, v4  }
0x5b: {  	s15 =	sadd.s32 $0x80, s15;
	s16 =	sadd.s32 $0x80, s16;
	[tilespmem:v5+s9+$0x0] =	vst.idx.msk vm0, v6  }
0x5c: {  	s14 =	simm.s32 $0x0  }
0x5d: {  	v5 =	vld.msk [tilespmem:s14+$0x0], $0xffff;
	[tilespmem:$0xBA20] =	vst v3  }
0x5e: {  	[tilespmem:$0xBA30] =	vst v3  }
0x5f: {  	[tilespmem:$0xBA40] =	vst v3  }
0x60: {  	[tilespmem:$0xBA50] =	vst v3  }
0x61: {  	[tilespmem:$0xBA60] =	vst v3  }
0x62: {  	[tilespmem:$0xBA70] =	vst v3  }
0x63: {  	[tilespmem:$0xBA80] =	vst v3  }
0x64: {  	[tilespmem:$0xBA90] =	vst v3  }
0x65: {  	[tilespmem:$0xBAA0] =	vst v3  }
0x66: {  	[tilespmem:$0xBAB0] =	vst v3  }
0x67: {  	[tilespmem:$0xBAC0] =	vst v3  }
0x68: {  	[tilespmem:$0xBAD0] =	vst v3  }
0x69: {  	[tilespmem:$0xBAE0] =	vst v3  }
0x6a: {  	[tilespmem:$0xBAF0] =	vst v3  }
0x6b: {  	[tilespmem:$0xBB00] =	vst v3  }
0x6c: {  	[tilespmem:$0xBB10] =	vst v3  }
0x6d: {  	[tilespmem:$0xBB20] =	vst v3  }
0x6e: {  	[tilespmem:$0xBB30] =	vst v3  }
0x6f: {  	[tilespmem:$0xBB40] =	vst v3  }
0x70: {  	[tilespmem:$0xBB50] =	vst v3  }
0x71: {  	[tilespmem:$0xBB60] =	vst v3  }
0x72: {  	[tilespmem:$0xBB70] =	vst v3  }
0x73: {  	[tilespmem:$0xBB80] =	vst v3  }
0x74: {  	[tilespmem:$0xBB90] =	vst v3  }
0x75: {  	[tilespmem:$0xBBA0] =	vst v3  }
0x76: {  	[tilespmem:$0xBBB0] =	vst v3  }
0x77: {  	[tilespmem:$0xBBC0] =	vst v3  }
0x78: {  	[tilespmem:$0xBBD0] =	vst v3  }
0x79: {  	[tilespmem:$0xBBE0] =	vst v3  }
0x7a: {  	[tilespmem:$0xBBF0] =	vst v3  }
0x7b: {  	[tilespmem:$0xBC00] =	vst v3  }
0x7c: {  	[tilespmem:$0xBC10] =	vst v3  }
0x7d: {  	[tilespmem:$0xBC20] =	vst v3  }
0x7e: {  	[tilespmem:$0xBC30] =	vst v3  }
0x7f: {  	[tilespmem:$0xBC40] =	vst v3  }
0x80: {  	[tilespmem:$0xBC50] =	vst v3  }
0x81: {  	[tilespmem:$0xBC60] =	vst v3  }
0x82: {  	[tilespmem:$0xBC70] =	vst v3  }
0x83: {  	[tilespmem:$0xBC80] =	vst v3  }
0x84: {  	[tilespmem:$0xBC90] =	vst v3  }
0x85: {  	[tilespmem:$0xBCA0] =	vst v3  }
0x86: {  	[tilespmem:$0xBCB0] =	vst v3  }
0x87: {  	[tilespmem:$0xBCC0] =	vst v3  }
0x88: {  	[tilespmem:$0xBCD0] =	vst v3  }
0x89: {  	[tilespmem:$0xBCE0] =	vst v3  }
0x8a: {  	[tilespmem:$0xBCF0] =	vst v3  }
0x8b: {  	[tilespmem:$0xBD00] =	vst v3  }
0x8c: {  	[tilespmem:$0xBD10] =	vst v3  }
0x8d: {  	[tilespmem:$0xBD20] =	vst v3  }
0x8e: {  	[tilespmem:$0xBD30] =	vst v3  }
0x8f: {  	[tilespmem:$0xBD40] =	vst v3  }
0x90: {  	[tilespmem:$0xBD50] =	vst v3  }
0x91: {  	[tilespmem:$0xBD60] =	vst v3  }
0x92: {  	[tilespmem:$0xBD70] =	vst v3  }
0x93: {  	[tilespmem:$0xBD80] =	vst v3  }
0x94: {  	[tilespmem:$0xBD90] =	vst v3  }
0x95: {  	[tilespmem:$0xBDA0] =	vst v3  }
0x96: {  	[tilespmem:$0xBDB0] =	vst v3  }
0x97: {  	[tilespmem:$0xBDC0] =	vst v3  }
0x98: {  	[tilespmem:$0xBDD0] =	vst v3  }
0x99: {  	[tilespmem:$0xBDE0] =	vst v3  }
0x9a: {  	[tilespmem:$0xBDF0] =	vst v3  }
0x9b: {  	[tilespmem:$0xBE00] =	vst v3  }
0x9c: {  	[tilespmem:$0xBE10] =	vst v3  }
0x9d: {  	[tilespmem:$0xBE20] =	vst v5  }
0x9e: {  	[tilespmem:$0xBE30] =	vst v5  }
0x9f: {  	[tilespmem:$0xBE40] =	vst v5  }
0xa0: {  	[tilespmem:$0xBE50] =	vst v5  }
0xa1: {  	[tilespmem:$0xBE60] =	vst v5  }
0xa2: {  	[tilespmem:$0xBE70] =	vst v5  }
0xa3: {  	[tilespmem:$0xBE80] =	vst v5  }
0xa4: {  	[tilespmem:$0xBE90] =	vst v5  }
0xa5: {  	[tilespmem:$0xBEA0] =	vst v5  }
0xa6: {  	[tilespmem:$0xBEB0] =	vst v5  }
0xa7: {  	[tilespmem:$0xBEC0] =	vst v5  }
0xa8: {  	[tilespmem:$0xBED0] =	vst v5  }
0xa9: {  	[tilespmem:$0xBEE0] =	vst v5  }
0xaa: {  	[tilespmem:$0xBEF0] =	vst v5  }
0xab: {  	[tilespmem:$0xBF00] =	vst v5  }
0xac: {  	[tilespmem:$0xBF10] =	vst v5  }
0xad: {  	[tilespmem:$0xBF20] =	vst v5  }
0xae: {  	[tilespmem:$0xBF30] =	vst v5  }
0xaf: {  	[tilespmem:$0xBF40] =	vst v5  }
0xb0: {  	[tilespmem:$0xBF50] =	vst v5  }
0xb1: {  	[tilespmem:$0xBF60] =	vst v5  }
0xb2: {  	[tilespmem:$0xBF70] =	vst v5  }
0xb3: {  	[tilespmem:$0xBF80] =	vst v5  }
0xb4: {  	[tilespmem:$0xBF90] =	vst v5  }
0xb5: {  	[tilespmem:$0xBFA0] =	vst v5  }
0xb6: {  	[tilespmem:$0xBFB0] =	vst v5  }
0xb7: {  	[tilespmem:$0xBFC0] =	vst v5  }
0xb8: {  	[tilespmem:$0xBFD0] =	vst v5  }
0xb9: {  	[tilespmem:$0xBFE0] =	vst v5  }
0xba: {  	[tilespmem:$0xBFF0] =	vst v5  }
0xbb: {  	[tilespmem:$0xC000] =	vst v5  }
0xbc: {  	[tilespmem:$0xC010] =	vst v5  }
0xbd: {  	[tilespmem:$0xC020] =	vst v5  }
0xbe: {  	[tilespmem:$0xC030] =	vst v5  }
0xbf: {  	[tilespmem:$0xC040] =	vst v5  }
0xc0: {  	[tilespmem:$0xC050] =	vst v5  }
0xc1: {  	[tilespmem:$0xC060] =	vst v5  }
0xc2: {  	[tilespmem:$0xC070] =	vst v5  }
0xc3: {  	[tilespmem:$0xC080] =	vst v5  }
0xc4: {  	[tilespmem:$0xC090] =	vst v5  }
0xc5: {  	[tilespmem:$0xC0A0] =	vst v5  }
0xc6: {  	[tilespmem:$0xC0B0] =	vst v5  }
0xc7: {  	[tilespmem:$0xC0C0] =	vst v5  }
0xc8: {  	[tilespmem:$0xC0D0] =	vst v5  }
0xc9: {  	[tilespmem:$0xC0E0] =	vst v5  }
0xca: {  	[tilespmem:$0xC0F0] =	vst v5  }
0xcb: {  	[tilespmem:$0xC100] =	vst v5  }
0xcc: {  	[tilespmem:$0xC110] =	vst v5  }
0xcd: {  	[tilespmem:$0xC120] =	vst v5  }
0xce: {  	[tilespmem:$0xC130] =	vst v5  }
0xcf: {  	[tilespmem:$0xC140] =	vst v5  }
0xd0: {  	[tilespmem:$0xC150] =	vst v5  }
0xd1: {  	[tilespmem:$0xC160] =	vst v5  }
0xd2: {  	[tilespmem:$0xC170] =	vst v5  }
0xd3: {  	[tilespmem:$0xC180] =	vst v5  }
0xd4: {  	[tilespmem:$0xC190] =	vst v5  }
0xd5: {  	[tilespmem:$0xC1A0] =	vst v5  }
0xd6: {  	[tilespmem:$0xC1B0] =	vst v5  }
0xd7: {  	[tilespmem:$0xC1C0] =	vst v5  }
0xd8: {  	[tilespmem:$0xC1D0] =	vst v5  }
0xd9: {  	[tilespmem:$0xC1E0] =	vst v5  }
0xda: {  	[tilespmem:$0xC1F0] =	vst v5  }
0xdb: {  	[tilespmem:$0xC200] =	vst v5  }
0xdc: {  	s15 =	simm.s32 $0xFFFFFFFC;
	s16 =	simm.s32 $0x20;
	s18 =	simm.s32 $0x0;
	[tilespmem:$0xC210] =	vst v5  }
.LBB2_6:
0xdd: {  	v5 =	vld [tilespmem:s16+$0xFFFFFFE0];
	_ =	sdelay $0x4  }
0xde: {  	vm0 =	vge.s32 v5, v0;
	vm1 =	vlt.s32 v5, v2  }
0xdf: {  	v6 =	vsub.s32 v5, v0;
	vm0 =	vmand vm0, vm1  }
0xe0: {  	v6 =	vnsel vm0, $0x0, v6;
	_ =	sdelay $0x4  }
0xe1: {  	v6 =	vld.idx.msk [tilespmem:v6+s9+$0x0], $0xffff;
	_ =	sdelay $0x3  }
0xe2: {  	v7 =	vor.u32 s14, v4  }
0xe3: {  	vm6 =	veq.s32 v6, v7  }
0xe4: {  	vm0 =	vmand vm0, vm6  }
0xe5: {  	v6 =	vsel vm0, $0x1, v3  }
0xe6: {  	(xrf0) =	vadd.scan.msk.s32 $0xffff, v6;
	_ =	sdelay $0x2  }
0xe7: {  	v6 =	vmov s18  }
0xe8: {  	v6 =	vadd.s32 $0xFFFFFFFF, v6  }
0xe9: {  	v6 =	vbroadcast v6, $0x0  }
0xea: {  	v7, _, _ =	vpop (xrf0)  }
0xeb: {  	v6 =	vadd.s32 v7, v6  }
0xec: {  	v6 =	vnsel vm0, $0x0, v6;
	_ =	sdelay $0x3  }
0xed: {  	v8 =	vor.u32 s14, v1  }
0xee: {  	[tilespmem:v6+s10+$0x0] =	vst.idx.msk vm0, v8  }
0xef: {  	[tilespmem:v6+s11+$0x0] =	vst.idx.msk vm0, v5  }
0xf0: {  	v5 =	vld [tilespmem:s16+$0xFFFFFFF0];
	_ =	sdelay $0x4  }
0xf1: {  	vm7 =	vge.s32 v5, v0;
	vm8 =	vlt.s32 v5, v2  }
0xf2: {  	(v2sf) =	vpush v7, $0xF;
	v6 =	vsub.s32 v5, v0;
	vm0 =	vmand vm7, vm8  }
0xf3: {  	v6 =	vnsel vm0, $0x0, v6;
	_ =	sdelay $0x4  }
0xf4: {  	v6 =	vld.idx.msk [tilespmem:v6+s9+$0x0], $0xffff;
	_ =	sdelay $0x2  }
0xf5: {  	s17 =	sadd.s32 $0x10, s14  }
0xf6: {  	v7 =	vadd.s32 s17, v4  }
0xf7: {  	vm9 =	veq.s32 v6, v7  }
0xf8: {  	vm0 =	vmand vm0, vm9  }
0xf9: {  	v6 =	vsel vm0, $0x1, v3  }
0xfa: {  	(xrf0) =	vadd.scan.msk.s32 $0xffff, v6  }
0xfb: {  	s19 =	spop (v2sf)  }
0xfc: {  	s25 =	sadd.s32 s18, s19  }
0xfd: {  	v6 =	vmov s25  }
0xfe: {  	v6 =	vadd.s32 $0xFFFFFFFF, v6  }
0xff: {  	v6 =	vbroadcast v6, $0x0  }
0x100: {  	v7, _, _ =	vpop (xrf0)  }
0x101: {  	v6 =	vadd.s32 v7, v6  }
0x102: {  	v6 =	vnsel vm0, $0x0, v6;
	_ =	sdelay $0x3  }
0x103: {  	v62 =	vor.u32 s17, v1  }
0x104: {  	[tilespmem:v6+s10+$0x0] =	vst.idx.msk vm0, v62  }
0x105: {  	[tilespmem:v6+s11+$0x0] =	vst.idx.msk vm0, v5  }
0x106: {  	v5 =	vld [tilespmem:s16+$0x0];
	_ =	sdelay $0x4  }
0x107: {  	vm10 =	vge.s32 v5, v0;
	vm11 =	vlt.s32 v5, v2  }
0x108: {  	(v2sf) =	vpush v7, $0xF;
	v6 =	vsub.s32 v5, v0;
	vm0 =	vmand vm10, vm11  }
0x109: {  	v6 =	vnsel vm0, $0x0, v6;
	_ =	sdelay $0x4  }
0x10a: {  	v6 =	vld.idx.msk [tilespmem:v6+s9+$0x0], $0xffff;
	_ =	sdelay $0x2  }
0x10b: {  	s26 =	sadd.s32 $0x20, s14  }
0x10c: {  	v7 =	vor.u32 s26, v4  }
0x10d: {  	vm12 =	veq.s32 v6, v7  }
0x10e: {  	vm0 =	vmand vm0, vm12  }
0x10f: {  	v6 =	vsel vm0, $0x1, v3  }
0x110: {  	(xrf0) =	vadd.scan.msk.s32 $0xffff, v6  }
0x111: {  	s28 =	spop (v2sf)  }
0x112: {  	s18 =	sadd.s32 s25, s28  }
0x113: {  	v6 =	vmov s18  }
0x114: {  	v6 =	vadd.s32 $0xFFFFFFFF, v6  }
0x115: {  	v6 =	vbroadcast v6, $0x0  }
0x116: {  	v7, _, _ =	vpop (xrf0)  }
0x117: {  	v6 =	vadd.s32 v7, v6  }
0x118: {  	v6 =	vnsel vm0, $0x0, v6;
	_ =	sdelay $0x3  }
0x119: {  	v63 =	vor.u32 s26, v1  }
0x11a: {  	[tilespmem:v6+s10+$0x0] =	vst.idx.msk vm0, v63  }
0x11b: {  	[tilespmem:v6+s11+$0x0] =	vst.idx.msk vm0, v5  }
0x11c: {  	v5 =	vld [tilespmem:s16+$0x10];
	_ =	sdelay $0x4  }
0x11d: {  	vm13 =	vge.s32 v5, v0;
	vm14 =	vlt.s32 v5, v2  }
0x11e: {  	v6 =	vsub.s32 v5, v0;
	vm0 =	vmand vm13, vm14  }
0x11f: {  	v6 =	vnsel vm0, $0x0, v6;
	_ =	sdelay $0x4  }
0x120: {  	v6 =	vld.idx.msk [tilespmem:v6+s9+$0x0], $0xffff;
	_ =	sdelay $0x2  }
0x121: {  	s29 =	sadd.s32 $0x30, s14;
	(v2sf) =	vpush v7, $0xF  }
0x122: {  	v7 =	vadd.s32 s29, v4  }
0x123: {  	vm15 =	veq.s32 v6, v7  }
0x124: {  	vm0 =	vmand vm0, vm15  }
0x125: {  	v6 =	vsel vm0, $0x1, v3  }
0x126: {  	(xrf0) =	vadd.scan.msk.s32 $0xffff, v6;
	_ =	sdelay $0x5  }
0x127: {  	v6, _, _ =	vpop (xrf0)  }
0x128: {  	(v2sf) =	vpush v6, $0xF;
	_ =	sdelay $0x2  }
0x129: {  	s30 =	spop (v2sf)  }
0x12a: {  	s18 =	sadd.s32 s18, s30  }
0x12b: {  	v7 =	vmov s18  }
0x12c: {  	v7 =	vadd.s32 $0xFFFFFFFF, v7  }
0x12d: {  	v7 =	vbroadcast v7, $0x0;
	_ =	sdelay $0x1  }
0x12e: {  	v6 =	vadd.s32 v6, v7  }
0x12f: {  	s15 =	sadd.s32 $0x4, s15;
	v6 =	vnsel vm0, $0x0, v6  }
0x130: {  	p0 =	slt.u32 s15, $0x3FC  }
.Ltmp2:
0x131: {  	_ = 	snop;
	(pc) =	sbr.rel @p0 .LBB2_6-.Ltmp2, $4  }
0x132: {  	_ = 	snop  }
0x133: {  	v7 =	vor.u32 s29, v1  }
0x134: {  	[tilespmem:v6+s10+$0x0] =	vst.idx.msk vm0, v7;
	s31 =	spop (v2sf)  }
0x135: {  	s14 =	sadd.s32 $0x40, s14;
	s16 =	sadd.s32 $0x40, s16;
	[tilespmem:v6+s11+$0x0] =	vst.idx.msk vm0, v5;
	s18 =	sadd.s32 s18, s31  }
0x136: {  	v5 =	vld.msk [tilespmem:s10+$0x0], $0xffff  }
0x137: {  	v6 =	vld.msk [tilespmem:s11+$0x0], $0xffff;
	s17 =	simm.s32 $0xBA60  }
0x138: {  	s14 =	simm.s32 $0xBE60;
	v8 =	vld [tilespmem:s17+$0xFFFFFFC0]  }
0x139: {  	v9 =	vld [tilespmem:s14+$0xFFFFFFC0]  }
0x13a: {  	s15 =	simm.s32 $0x0  }
0x13b: {  	v7 =	vmov s18;
	v10 =	vor.u32 s15, v1  }
0x13c: {  	vm0 =	vlt.s32 v10, v7  }
0x13d: {  	v8 =	vsel vm0, v8, v5  }
0x13e: {  	[tilespmem:s17+$0xFFFFFFC0] =	vst v8;
	v8 =	vsel vm0, v9, v6  }
0x13f: {  	[tilespmem:s14+$0xFFFFFFC0] =	vst v8  }
0x140: {  	v8 =	vld [tilespmem:s17+$0xFFFFFFD0]  }
0x141: {  	v9 =	vld [tilespmem:s14+$0xFFFFFFD0]  }
0x142: {  	s25 =	simm.s32 $0x10  }
0x143: {  	v10 =	vor.u32 s25, v1  }
0x144: {  	vm9 =	vlt.s32 v10, v7  }
0x145: {  	v8 =	vsel vm9, v8, v5  }
0x146: {  	[tilespmem:s17+$0xFFFFFFD0] =	vst v8;
	v8 =	vsel vm9, v9, v6  }
0x147: {  	[tilespmem:s14+$0xFFFFFFD0] =	vst v8  }
0x148: {  	v8 =	vld [tilespmem:s17+$0xFFFFFFE0]  }
0x149: {  	v9 =	vld [tilespmem:s14+$0xFFFFFFE0]  }
0x14a: {  	s26 =	simm.s32 $0x20  }
0x14b: {  	v10 =	vor.u32 s26, v1  }
0x14c: {  	vm10 =	vlt.s32 v10, v7  }
0x14d: {  	v8 =	vsel vm10, v8, v5  }
0x14e: {  	[tilespmem:s17+$0xFFFFFFE0] =	vst v8;
	v8 =	vsel vm10, v9, v6  }
0x14f: {  	[tilespmem:s14+$0xFFFFFFE0] =	vst v8  }
0x150: {  	v8 =	vld [tilespmem:s17+$0xFFFFFFF0]  }
0x151: {  	v9 =	vld [tilespmem:s14+$0xFFFFFFF0]  }
0x152: {  	s28 =	simm.s32 $0x30  }
0x153: {  	v10 =	vor.u32 s28, v1  }
0x154: {  	vm11 =	vlt.s32 v10, v7  }
0x155: {  	v8 =	vsel vm11, v8, v5  }
0x156: {  	[tilespmem:s17+$0xFFFFFFF0] =	vst v8;
	v8 =	vsel vm11, v9, v6  }
0x157: {  	[tilespmem:s14+$0xFFFFFFF0] =	vst v8  }
0x158: {  	v8 =	vld [tilespmem:s17+$0x0]  }
0x159: {  	v9 =	vld [tilespmem:s14+$0x0]  }
0x15a: {  	s29 =	simm.s32 $0x40  }
0x15b: {  	v10 =	vor.u32 s29, v1  }
0x15c: {  	vm12 =	vlt.s32 v10, v7  }
0x15d: {  	v8 =	vsel vm12, v8, v5  }
0x15e: {  	[tilespmem:s17+$0x0] =	vst v8;
	v8 =	vsel vm12, v9, v6  }
0x15f: {  	[tilespmem:s14+$0x0] =	vst v8  }
0x160: {  	v8 =	vld [tilespmem:s17+$0x10]  }
0x161: {  	v9 =	vld [tilespmem:s14+$0x10]  }
0x162: {  	s30 =	simm.s32 $0x50  }
0x163: {  	v10 =	vor.u32 s30, v1  }
0x164: {  	vm13 =	vlt.s32 v10, v7  }
0x165: {  	v8 =	vsel vm13, v8, v5  }
0x166: {  	[tilespmem:s17+$0x10] =	vst v8;
	v8 =	vsel vm13, v9, v6  }
0x167: {  	[tilespmem:s14+$0x10] =	vst v8  }
0x168: {  	v8 =	vld [tilespmem:s17+$0x20]  }
0x169: {  	v9 =	vld [tilespmem:s14+$0x20]  }
0x16a: {  	s31 =	simm.s32 $0x60  }
0x16b: {  	v10 =	vor.u32 s31, v1  }
0x16c: {  	vm14 =	vlt.s32 v10, v7  }
0x16d: {  	v8 =	vsel vm14, v8, v5  }
0x16e: {  	[tilespmem:s17+$0x20] =	vst v8;
	v8 =	vsel vm14, v9, v6  }
0x16f: {  	[tilespmem:s14+$0x20] =	vst v8  }
0x170: {  	v8 =	vld [tilespmem:s17+$0x30]  }
0x171: {  	v9 =	vld [tilespmem:s14+$0x30]  }
0x172: {  	s15 =	simm.s32 $0x70  }
0x173: {  	v10 =	vor.u32 s15, v1  }
0x174: {  	vm15 =	vlt.s32 v10, v7  }
0x175: {  	v8 =	vsel vm15, v8, v5  }
0x176: {  	s16 =	simm.s32 $0x0;
	[tilespmem:s17+$0x30] =	vst v8;
	v8 =	vsel vm15, v9, v6;
	s17 =	simm.s32 $0xBAE0  }
.LBB2_8:
0x177: {  	s16 =	sadd.s32 $0x8, s16;
	[tilespmem:s14+$0x30] =	vst v8;
	s15 =	sadd.s32 $0x80, s15;
	s14 =	sadd.s32 $0x80, s14  }
0x178: {  	v8 =	vld [tilespmem:s17+$0xFFFFFFC0];
	p0 =	slt.u32 s16, $0x38  }
0x179: {  	v9 =	vld [tilespmem:s14+$0xFFFFFFC0]  }
0x17a: {  	s18 =	sadd.s32 $0xFFFFFF90, s15  }
0x17b: {  	v10 =	vor.u32 s18, v1  }
0x17c: {  	vm0 =	vlt.s32 v10, v7  }
0x17d: {  	v8 =	vsel vm0, v8, v5  }
0x17e: {  	[tilespmem:s17+$0xFFFFFFC0] =	vst v8;
	v8 =	vsel vm0, v9, v6  }
0x17f: {  	[tilespmem:s14+$0xFFFFFFC0] =	vst v8  }
0x180: {  	v8 =	vld [tilespmem:s17+$0xFFFFFFD0]  }
0x181: {  	v9 =	vld [tilespmem:s14+$0xFFFFFFD0]  }
0x182: {  	s18 =	sadd.s32 $0xFFFFFFA0, s15  }
0x183: {  	v10 =	vor.u32 s18, v1  }
0x184: {  	vm0 =	vlt.s32 v10, v7  }
0x185: {  	v8 =	vsel vm0, v8, v5  }
0x186: {  	[tilespmem:s17+$0xFFFFFFD0] =	vst v8;
	v8 =	vsel vm0, v9, v6  }
0x187: {  	[tilespmem:s14+$0xFFFFFFD0] =	vst v8  }
0x188: {  	v8 =	vld [tilespmem:s17+$0xFFFFFFE0]  }
0x189: {  	v9 =	vld [tilespmem:s14+$0xFFFFFFE0]  }
0x18a: {  	s18 =	sadd.s32 $0xFFFFFFB0, s15  }
0x18b: {  	v10 =	vor.u32 s18, v1  }
0x18c: {  	vm0 =	vlt.s32 v10, v7  }
0x18d: {  	v8 =	vsel vm0, v8, v5  }
0x18e: {  	[tilespmem:s17+$0xFFFFFFE0] =	vst v8;
	v8 =	vsel vm0, v9, v6  }
0x18f: {  	[tilespmem:s14+$0xFFFFFFE0] =	vst v8  }
0x190: {  	v8 =	vld [tilespmem:s17+$0xFFFFFFF0]  }
0x191: {  	v9 =	vld [tilespmem:s14+$0xFFFFFFF0]  }
0x192: {  	s18 =	sadd.s32 $0xFFFFFFC0, s15  }
0x193: {  	v10 =	vor.u32 s18, v1  }
0x194: {  	vm0 =	vlt.s32 v10, v7  }
0x195: {  	v8 =	vsel vm0, v8, v5  }
0x196: {  	[tilespmem:s17+$0xFFFFFFF0] =	vst v8;
	v8 =	vsel vm0, v9, v6  }
0x197: {  	[tilespmem:s14+$0xFFFFFFF0] =	vst v8  }
0x198: {  	v8 =	vld [tilespmem:s17+$0x0]  }
0x199: {  	v9 =	vld [tilespmem:s14+$0x0]  }
0x19a: {  	s18 =	sadd.s32 $0xFFFFFFD0, s15  }
0x19b: {  	v10 =	vor.u32 s18, v1  }
0x19c: {  	vm0 =	vlt.s32 v10, v7  }
0x19d: {  	v8 =	vsel vm0, v8, v5  }
0x19e: {  	[tilespmem:s17+$0x0] =	vst v8;
	v8 =	vsel vm0, v9, v6  }
0x19f: {  	[tilespmem:s14+$0x0] =	vst v8;
	v8 =	vld [tilespmem:s14+$0x10]  }
0x1a0: {  	v9 =	vld [tilespmem:s17+$0x10];
	_ =	sdelay $0x1  }
0x1a1: {  	s18 =	sadd.s32 $0xFFFFFFE0, s15  }
0x1a2: {  	v10 =	vor.u32 s18, v1  }
0x1a3: {  	vm0 =	vlt.s32 v10, v7  }
0x1a4: {  	v9 =	vsel vm0, v9, v5  }
0x1a5: {  	v8 =	vsel vm0, v8, v6;
	[tilespmem:s17+$0x10] =	vst v9  }
0x1a6: {  	[tilespmem:s14+$0x10] =	vst v8;
	v8 =	vld [tilespmem:s14+$0x20]  }
0x1a7: {  	v9 =	vld [tilespmem:s17+$0x20];
	_ =	sdelay $0x1  }
0x1a8: {  	s18 =	sadd.s32 $0xFFFFFFF0, s15  }
0x1a9: {  	v10 =	vor.u32 s18, v1  }
0x1aa: {  	vm0 =	vlt.s32 v10, v7  }
0x1ab: {  	v9 =	vsel vm0, v9, v5  }
0x1ac: {  	v8 =	vsel vm0, v8, v6;
	[tilespmem:s17+$0x20] =	vst v9  }
0x1ad: {  	[tilespmem:s14+$0x20] =	vst v8;
	v8 =	vld [tilespmem:s14+$0x30]  }
0x1ae: {  	v9 =	vld [tilespmem:s17+$0x30];
	_ =	sdelay $0x1  }
.Ltmp3:
0x1af: {  	(pc) =	sbr.rel @p0 .LBB2_8-.Ltmp3, $4  }
0x1b0: {  	v10 =	vor.u32 s15, v1  }
0x1b1: {  	vm0 =	vlt.s32 v10, v7  }
0x1b2: {  	v9 =	vsel vm0, v9, v5  }
0x1b3: {  	v8 =	vsel vm0, v8, v6;
	[tilespmem:s17+$0x30] =	vst v9;
	s17 =	sadd.s32 $0x80, s17  }
0x1b4: {  	[tilespmem:s14+$0x30] =	vst v8  }
0x1b5: {  	[tilespmem:$0xC220] =	vst v7  }
0x1b6: {  	[hbm4b:s4+s3] =	stream.linear.scatter [tilespmem:s10], [sflag:$0x1], $0x400, $0x38;
	[tilespmem:$0xC230] =	vst v63  }
0x1b7: {  	_ =	swait.ge [sflag:s8], $0x400  }
0x1b8: {  	[sflag:s8] =	ssyncset.done $0x0  }
0x1b9: {  	[sflag:s8] =	ssyncadd.s32 $0xFFFFFC00  }
0x1ba: {  	[hbm4b:s5+s3] =	stream.linear.scatter [tilespmem:s11], [sflag:$0x1], $0x400, $0x38;
	[tilespmem:$0xC230] =	vst v63  }
0x1bb: {  	s13 =	sadd.s32 $0x1, s13;
	_ =	swait.ge [sflag:s8], $0x400  }
0x1bc: {  	p0 =	sne.s32 s13, s7;
	[sflag:s8] =	ssyncset.done $0x0  }
.Ltmp4:
0x1bd: {  	[sflag:s8] =	ssyncadd.s32 $0xFFFFFC00;
	(pc) =	sbr.rel @p0 .LBB2_1-.Ltmp4, $4  }
0x1be: {  	[hbm4b:s6+s3] =	stream.linear.scatter [tilespmem:s12], [sflag:$0x1], $0x10, $0x38;
	[tilespmem:$0xC230] =	vst v63  }
0x1bf: {  	_ =	swait.ge [sflag:s8], $0x10  }
0x1c0: {  	[sflag:s8] =	ssyncset.done $0x0  }
0x1c1: {  	[sflag:s8] =	ssyncadd.s32 $0xFFFFFFF0  }
0x1c2: {  	_ =	sfence.sel $0x180000  }
0x1c3: {  	[bflag:$0x0] =	sbarrier.arrive $0xFFFF  }
0x1c4: {  	p0 =	sne.s32 s1, $0x0;
	_ =	strace $0x9000004A  }
0x1c5: {  	s0 =	sadd.s32 @!p0 $0x100000, s0;
	[bflag:$0x2] =	sbarrier.arrive $0xFFFF  }
0x1c6: {  	[sflag:s0] =	ssyncadd.tile.s32 @!p0 $0x1;
	_ =	shalt  }
.Lfunc_end2:
_tile_overlayer_lowered:
.L_overlay_start_2:
0x1c7: {  	(tag) =	ssettag $0x2  }
0x1c8: {  	s0 =	rddreg [dreg:$0x0];
	s2 =	stileid.u32  }
0x1c9: {  	s1 =	rddreg [dreg:$0x1];
	p0 =	sne.s32 s2, $0x0  }
0x1ca: {  	s3 =	rddreg [dreg:$0x2];
	[bflag:$0x3] =	sbarrier.arrive $0xFFFF;
	s2 =	simm.s32 @!p0 $0x1C01  }
0x1cb: {  	[timem:s3], [sflag:s2] =	dma.local @!p0 [hbm:s0], s1  }
0x1cc: {  	s0 =	simm.s32 @!p0 $0x1  }
0x1cd: {  	_ =	swait.ge @!p0 [sflag:s0], s1  }
0x1ce: {  	s1 =	ssub.s32 @!p0 $0x0, s1;
	[sflag:s0] =	ssyncset.done @!p0 $0x0  }
0x1cf: {  	[sflag:s0] =	ssyncadd.s32 @!p0 s1  }
0x1d0: {  	[bflag:$0x3] =	sbarrier.arrive $0xFFFF  }
0x1d1: {  	_ =	shalt  }

// kernel: kernel.9.cloned.1.call-start
scs
__scs_entry_jumppad:
0x0: {  	(pc) =	sbr.rel $0x88, $3  }
0x1: {  	(tag) =	ssettag $0x0;
	lr =	simm.s32 $0x1  }
0x2: {  	[smem:$0x3F9A] =	sst lr;
	_ =	strace $0xD0000000  }
0x3: {  	_ = 	snop  }
0x4: {  	_ = 	snop  }
0x5: {  	_ = 	snop  }
0x6: {  	_ = 	snop  }
0x7: {  	_ = 	snop  }
__scs_overlays_trampoline_lowered:
0x8: {  	[smem:$0x3FA9] =	sst s0  }
0x9: {  	[smem:$0x3FAA] =	sst s1  }
0xa: {  	[smem:$0x3FAB] =	sst s2  }
0xb: {  	[smem:$0x3FAC] =	sst s3  }
0xc: {  	[smem:$0x3FAD] =	sst s4  }
0xd: {  	[smem:$0x3FAE] =	sst s5  }
0xe: {  	[smem:$0x3FAF] =	sst s6  }
0xf: {  	[smem:$0x3FB0] =	sst s7  }
0x10: {  	[smem:$0x3FB1] =	sst s8  }
0x11: {  	[smem:$0x3FB2] =	sst s9;
	s0 =	simm.s32 @!p0 $0x0  }
0x12: {  	s1 =	sld [smem:$0x3F98];
	s0 =	simm.s32 @p0 $0x1  }
0x13: {  	[smem:$0x3FB3] =	sst s0;
	s0 =	simm.s32 @!p1 $0x0  }
0x14: {  	s2 =	sld [smem:$0x3F97];
	s0 =	simm.s32 @p1 $0x1  }
0x15: {  	[smem:$0x3FB4] =	sst s0;
	s0 =	simm.s32 @!p2 $0x0  }
0x16: {  	s3 =	sld [smem:$0x3FDB];
	s0 =	simm.s32 @p2 $0x1  }
0x17: {  	s4 =	simm.s32 $0x1BF5;
	[smem:$0x3FB6] =	sst s0  }
0x18: {  	s0 =	sld [smem:$0x3F99];
	_ =	swait.ge [sflag:s4], $0x0  }
0x19: {  	s7 =	sld [smem:$0x3F9A]  }
0x1a: {  	s8 =	sadd.s32 $0xFFFFE003, lr  }
0x1b: {  	s9 =	sadd.s32 $0xFFFFFEF7, lr;
	s5 =	simm.s32 $0xFFFFFFFF;
	p2 =	slt.u32 s8, $0xFFFFF086  }
0x1c: {  	p1 =	slt.u32 s9, $0xF7A;
	s5 =	simm.s32 @!p2 $0x0  }
0x1d: {  	s5 =	simm.s32 @p1 $0x1;
	p0 =	seq.s32 s7, s2  }
0x1e: {  	s7 =	smul.u32 @!p0 $0xF7A, s2;
	p2 =	seq.s32 @!p0 s5, $0x0  }
0x1f: {  	s9 =	smul.u32 $0xF7A, s1;
	s8 =	simm.s32 @!p0 $0x1BF5;
	p2 =	por !p2, p0  }
0x20: {  	[sflag:s8] =	ssyncset.s32 @!p0 $0xFFFFF086;
	s6 =	sadd.s32 @!p0 s3, s7;
	s7 =	simm.s32 @!p0 $0x108  }
0x21: {  	s3 =	sadd.s32 s3, s9;
	s6 =	sadd.s32 @!p0 $0x88, s6;
	s7 =	simm.s32 @p2 $0x1082  }
0x22: {  	[simem:s7], [sflag:s8] =	dma.local @!p0 [hbm:s6], $0xF7A  }
0x23: {  	s9 =	sor.u32 $0xD0000000, s2;
	s6 =	simm.s32 $0x108;
	_ =	swait.ge @!p0 [sflag:s8], $0x0  }
0x24: {  	s3 =	sadd.s32 $0x88, s3;
	s6 =	simm.s32 @!p1 $0x1082;
	[sflag:s4] =	ssyncset.s32 $0xFFFFF086  }
0x25: {  	[simem:s6], [sflag:s4] =	dma.local [hbm:s3], $0xF7A  }
0x26: {  	[smem:$0x3F9A] =	sst s1;
	(tag) =	ssettag s2;
	_ =	strace s9  }
0x27: {  	s1 =	sld [smem:$0x3FAA]  }
0x28: {  	s2 =	sld [smem:$0x3FAB]  }
0x29: {  	s4 =	sld [smem:$0x3FAD]  }
0x2a: {  	p0 =	seq.s32 s5, $0x0;
	s5 =	sld [smem:$0x3FAE]  }
0x2b: {  	s6 =	sld [smem:$0x3FAF]  }
0x2c: {  	s7 =	sld [smem:$0x3FB0]  }
0x2d: {  	s3 =	simm.s32 $0x108;
	s8 =	sld [smem:$0x3FB1]  }
0x2e: {  	s3 =	simm.s32 @!p0 $0x1082;
	s9 =	sld [smem:$0x3FB2]  }
0x2f: {  	lr =	sadd.s32 s0, s3;
	s0 =	sld [smem:$0x3FA9]  }
0x30: {  	s3 =	sld [smem:$0x3FAC]  }
0x31: {  	[smem:$0x3FB5] =	sst s10  }
0x32: {  	s10 =	sld [smem:$0x3FB3];
	_ =	sdelay $0x3  }
0x33: {  	p0 =	seq.s32 s10, $0x1;
	s10 =	sld [smem:$0x3FB5];
	_ =	sdelay $0x3  }
0x34: {  	[smem:$0x3FB5] =	sst s10  }
0x35: {  	s10 =	sld [smem:$0x3FB4];
	_ =	sdelay $0x3  }
0x36: {  	p1 =	seq.s32 s10, $0x1;
	s10 =	sld [smem:$0x3FB5];
	_ =	sdelay $0x3  }
0x37: {  	[smem:$0x3FB5] =	sst s10  }
0x38: {  	s10 =	sld [smem:$0x3FB6]  }
0x39: {  	_ = 	snop;
	(pc) =	sbr.ind lr, $3  }
0x3a: {  	_ = 	snop  }
0x3b: {  	_ = 	snop  }
0x3c: {  	p2 =	seq.s32 s10, $0x1;
	s10 =	sld [smem:$0x3FB5]  }
0x3d: {  	_ =	shalt  }
0x3e: {  	_ =	shalt  }
0x3f: {  	_ =	shalt  }
0x40: {  	_ =	shalt  }
0x41: {  	_ =	shalt  }
0x42: {  	_ =	shalt  }
0x43: {  	_ =	shalt  }
0x44: {  	_ =	shalt  }
0x45: {  	_ =	shalt  }
0x46: {  	_ =	shalt  }
0x47: {  	_ =	shalt  }
0x48: {  	_ =	shalt  }
0x49: {  	_ =	shalt  }
0x4a: {  	_ =	shalt  }
0x4b: {  	_ =	shalt  }
0x4c: {  	_ =	shalt  }
0x4d: {  	_ =	shalt  }
0x4e: {  	_ =	shalt  }
0x4f: {  	_ =	shalt  }
0x50: {  	_ =	shalt  }
0x51: {  	_ =	shalt  }
0x52: {  	_ =	shalt  }
0x53: {  	_ =	shalt  }
0x54: {  	_ =	shalt  }
0x55: {  	_ =	shalt  }
0x56: {  	_ =	shalt  }
0x57: {  	_ =	shalt  }
0x58: {  	_ =	shalt  }
0x59: {  	_ =	shalt  }
0x5a: {  	_ =	shalt  }
0x5b: {  	_ =	shalt  }
0x5c: {  	_ =	shalt  }
0x5d: {  	_ =	shalt  }
0x5e: {  	_ =	shalt  }
0x5f: {  	_ =	shalt  }
0x60: {  	_ =	shalt  }
0x61: {  	_ =	shalt  }
0x62: {  	_ =	shalt  }
0x63: {  	_ =	shalt  }
0x64: {  	_ =	shalt  }
0x65: {  	_ =	shalt  }
0x66: {  	_ =	shalt  }
0x67: {  	_ =	shalt  }
0x68: {  	_ =	shalt  }
0x69: {  	_ =	shalt  }
0x6a: {  	_ =	shalt  }
0x6b: {  	_ =	shalt  }
0x6c: {  	_ =	shalt  }
0x6d: {  	_ =	shalt  }
0x6e: {  	_ =	shalt  }
0x6f: {  	_ =	shalt  }
0x70: {  	_ =	shalt  }
0x71: {  	_ =	shalt  }
0x72: {  	_ =	shalt  }
0x73: {  	_ =	shalt  }
0x74: {  	_ =	shalt  }
0x75: {  	_ =	shalt  }
0x76: {  	_ =	shalt  }
0x77: {  	_ =	shalt  }
0x78: {  	_ =	shalt  }
0x79: {  	_ =	shalt  }
0x7a: {  	_ =	shalt  }
0x7b: {  	_ =	shalt  }
0x7c: {  	_ =	shalt  }
0x7d: {  	_ =	shalt  }
0x7e: {  	_ =	shalt  }
0x7f: {  	_ =	shalt  }
0x80: {  	_ =	shalt  }
0x81: {  	_ =	shalt  }
0x82: {  	_ =	shalt  }
0x83: {  	_ =	shalt  }
0x84: {  	_ =	shalt  }
0x85: {  	_ =	shalt  }
0x86: {  	_ =	shalt  }
0x87: {  	_ =	shalt  }
.Lfunc_end0:
.L_simem_size_0:
called_computation.2_lowered:
.L_overlay_start_0:
0x88: {  	s2 =	sld [smem:$0x3FD9]  }
0x89: {  	s3 =	sld [smem:$0x3FFE];
	_ =	sdelay $0x1  }
0x8a: {  	s1 =	srdreg.scid  }
0x8b: {  	s0 =	sand.u32 $0x1, s1  }
0x8c: {  	s17 =	sshll.u32 s0, $0xA;
	s2 =	sadd.s32 s3, s2  }
0x8d: {  	s2 =	sadd.s32 s2, s17  }
0x8e: {  	[smem:$0x3FC1] =	sst s2  }
0x8f: {  	_ = 	snop  }
0x90: {  	s2 =	sld [smem:$0x3FC8];
	(tm) =	ssettm $0x1  }
0x91: {  	s18 =	sld [smem:$0x3FFB];
	_ =	sdelay $0x3  }
0x92: {  	_ =	strace s18  }
0x93: {  	s3 =	sld [smem:$0x3FFC];
	_ =	sdelay $0x3  }
0x94: {  	_ =	strace s3  }
0x95: {  	s3 =	sld [smem:$0x3FFD];
	_ =	sdelay $0x3  }
0x96: {  	_ =	strace s3  }
0x97: {  	_ =	strace $0x8FFFFFFF  }
0x98: {  	s19 =	sld [smem:$0x3FDB];
	_ =	sdelay $0x1  }
0x99: {  	s4 =	simm.s32 $_scs_section_size  }
0x9a: {  	s5 =	simm.s32 $_size__tile_overlayer_lowered;
	s6 =	simm.s32 $_tile_overlayer_lowered  }
0x9b: {  	s22 =	simm.s32 $0x1BFF;
	s21 =	sshll.u32 s6, $0x1;
	s3 =	sadd.s32 s4, s19  }
0x9c: {  	s7 =	simm.s32 $0x0;
	s20 =	sshll.u32 s5, $0x1;
	s5 =	sadd.s32 s21, s3  }
0x9d: {  	[timem:s7], [sflag:s22] =	dma.local [hbm:s5], s20  }
0x9e: {  	_ =	swait.ge [sflag:s22], s20  }
0x9f: {  	s4 =	ssub.s32 $0x0, s20;
	[sflag:s22] =	ssyncset.done $0x0  }
0xa0: {  	[sflag:s22] =	ssyncadd.s32 s4;
	_ =	sdelay $0x1  }
0xa1: {  	s23 =	simm.s32 $0x1B8B  }
0xa2: {  	_ =	swait.ge [sflag:s23], $0x1  }
0xa3: {  	[sflag:s23] =	ssyncset.done $0x0  }
0xa4: {  	s25 =	simm.s32 $0x1B8E;
	s24 =	sld [smem:$0x3FFE];
	[sflag:s23] =	ssyncadd.s32 $0xFFFFFFFF  }
0xa5: {  	s26 =	simm.s32 $execute0_lowered;
	[smem:$0x3FD2] =	sst s25  }
0xa6: {  	s5 =	sshll.u32 s26, $0x1;
	_ =	strace $0x80000046;
	[dreg:$0x1] =	wrdreg $0xFFFFFFFF  }
0xa7: {  	s28 =	simm.s32 $_size_execute0_lowered;
	s3 =	sadd.s32 s3, s5;
	[dreg:$0x0] =	wrdreg $0x0  }
0xa8: {  	s5 =	sshll.u32 s28, $0x1;
	[dreg:$0x2] =	wrdreg s3  }
0xa9: {  	[dreg:$0x3] =	wrdreg s5  }
0xaa: {  	[dreg:$0x4] =	wrdreg $0xC0  }
0xab: {  	_ =	task [dreg:s7], $0x5FFFF  }
0xac: {  	[dreg:$0x1] =	wrdreg $0xFFFFFFFF  }
0xad: {  	[dreg:$0x0] =	wrdreg $0x60  }
0xae: {  	[dreg:$0x2] =	wrdreg s24  }
0xaf: {  	[dreg:$0x3] =	wrdreg s2  }
0xb0: {  	[dreg:$0x4] =	wrdreg $0xA  }
0xb1: {  	_ =	task.clear_ibuf [dreg:s7], $0x5FFFF;
	_ =	strace $0x90000046  }
0xb2: {  	s29 =	simm.s32 $0xA;
	_ =	strace $0x80000048  }
0xb3: {  	_ =	swait.ge [sflag:s29], $0x1  }
0xb4: {  	[sflag:s29] =	ssyncadd.s32 $0xFFFFFFFF  }
0xb5: {  	_ =	strace $0x90000048  }
0xb6: {  	_ =	sfence  }
0xb7: {  	s30 =	sld [smem:$0x0];
	_ =	sdelay $0x2  }
0xb8: {  	s31 =	sshll.u32 s1, $0xD;
	s1 =	sshrl.u32 s1, $0x2  }
0xb9: {  	s3 =	sand.u32 $0x4000, s31;
	s1 =	sadd.s32 s1, s30  }
0xba: {  	s0 =	sor.u32 s3, s0;
	s1 =	sshll.u32 s1, $0x11  }
0xbb: {  	s0 =	sor.u32 s1, s0  }
0xbc: {  	s0 =	sadd.s32 $0x8F2B, s0  }
0xbd: {  	[sflag:s0] =	ssyncadd.remote.s32 $0x1  }
0xbe: {  	_ =	sfence.sel $0xFFFF  }
0xbf: {  	[dreg:$0x0] =	wrdreg $0xFFFFFFFF;
	(pc) =	sbr.abs _section_cstart, $3  }
0xc0: {  	[dreg:$0x1] =	wrdreg $0xFFFFFFFF  }
0xc1: {  	_ =	task.clear_ibuf [dreg:s7], $0x2FFFF;
	_ =	strace $0x9FFFFFFF  }
0xc2: {  	(tm) =	ssettm $0x7FFFFFFF  }
0xc3: {  	_ =	shalt  }
tec
execute0_lowered:
.L_overlay_start_1:
0x0: {  	(tag) =	ssettag $0x1  }
0x1: {  	s0 =	rddreg [dreg:$0x0]  }
0x2: {  	s1 =	rddreg [dreg:$0x1];
	s2 =	simm.s32 $0x0  }
0x3: {  	s3 =	srdreg.scid;
	s4 =	stileid.u32;
	s8 =	simm.s32 $0x80  }
0x4: {  	s10 =	simm.s32 $0xA00;
	s24 =	simm.s32 $0x4200;
	s25 =	simm.s32 $0x600  }
0x5: {  	s28 =	simm.s32 $0x680;
	s29 =	simm.s32 $0x5200;
	s30 =	simm.s32 $0x700  }
0x6: {  	s31 =	simm.s32 $0x5A00;
	s9 =	simm.s32 $0x800;
	s11 =	simm.s32 $0x6A00  }
0x7: {  	s12 =	simm.s32 $0x880;
	s13 =	simm.s32 $0x7200;
	s14 =	simm.s32 $0x900  }
0x8: {  	s15 =	simm.s32 $0x7A00;
	s16 =	simm.s32 $0x980;
	s17 =	simm.s32 $0x8200  }
0x9: {  	s18 =	simm.s32 $0x1;
	s19 =	simm.s32 $0x0;
	[smem:$0x7FF] =	sst s2  }
0xa: {  	s3 =	sand.u32 $0x1, s3;
	s4 =	sshll.u32 s4, $0x1;
	_ =	strace $0x80000047  }
0xb: {  	s4 =	sor.u32 s3, s4;
	s5 =	ssub.s32 $0x2, s3;
	s3 =	sadd.s32 $0x2200, s0  }
0xc: {  	s6 =	sshll.u32 s4, $0xC;
	s7 =	sshrl.u32 s5, $0x1;
	s4 =	sshll.u32 s4, $0x6  }
0xd: {  	s0 =	sadd.s32 s6, s0;
	s26 =	ssub.s32 s5, s7;
	s4 =	sadd.s32 s1, s4  }
0xe: {  	v0 =	vlaneseq.u32;
	s7 =	simm.s32 $0x2;
	s1 =	simm.s32 $0x6200;
	s5 =	sadd.s32 $0xF44600, s0  }
0xf: {  	v1 =	vand.u32 $0x3, v0;
	s6 =	smax.u32 s26, $0x1;
	s26 =	simm.s32 $0x4A00;
	s0 =	simm.s32 $0x780  }
.LBB2_1:
0x10: {  	v2 =	vor.u32 s2, v0  }
0x11: {  	v2 =	vshrl.u32 v2, $0x2  }
0x12: {  	[tilespmem:s2], [sflag:$0x2] =	stream.linear.gather [hbm4b:s4+s2], $0x200, $0x38;
	[tilespmem:$0x8A00] =	vst v63  }
0x13: {  	_ =	swait.ge [sflag:s7], $0x200  }
0x14: {  	[sflag:s7] =	ssyncset.done $0x0  }
0x15: {  	[sflag:s7] =	ssyncadd.s32 $0xFFFFFE00  }
0x16: {  	v2 =	vld.idx.msk [tilespmem:v2+s2+$0x0], $0xffff  }
0x17: {  	s20 =	simm.s32 $0x10  }
0x18: {  	v3 =	vor.u32 s20, v0  }
0x19: {  	v3 =	vshrl.u32 v3, $0x2;
	_ =	sdelay $0x1  }
0x1a: {  	v2 =	vshll.u32 v2, $0x3  }
0x1b: {  	s20 =	simm.s32 $0x240;
	v2 =	vor.u32 v1, v2  }
0x1c: {  	[tilespmem:s20+$0xFFFFFFC0] =	vst v2  }
0x1d: {  	v2 =	vld.idx.msk [tilespmem:v3+s2+$0x0], $0xffff  }
0x1e: {  	s21 =	simm.s32 $0x20  }
0x1f: {  	v3 =	vor.u32 s21, v0  }
0x20: {  	v3 =	vshrl.u32 v3, $0x2;
	_ =	sdelay $0x1  }
0x21: {  	v2 =	vshll.u32 v2, $0x3  }
0x22: {  	v2 =	vor.u32 v1, v2  }
0x23: {  	[tilespmem:s20+$0xFFFFFFD0] =	vst v2  }
0x24: {  	v2 =	vld.idx.msk [tilespmem:v3+s2+$0x0], $0xffff  }
0x25: {  	s23 =	simm.s32 $0x30  }
0x26: {  	v3 =	vor.u32 s23, v0  }
0x27: {  	v3 =	vshrl.u32 v3, $0x2;
	_ =	sdelay $0x1  }
0x28: {  	v2 =	vshll.u32 v2, $0x3  }
0x29: {  	v2 =	vor.u32 v1, v2  }
0x2a: {  	[tilespmem:s20+$0xFFFFFFE0] =	vst v2  }
0x2b: {  	v2 =	vld.idx.msk [tilespmem:v3+s2+$0x0], $0xffff  }
0x2c: {  	s22 =	simm.s32 $0x40  }
0x2d: {  	v3 =	vor.u32 s22, v0  }
0x2e: {  	v3 =	vshrl.u32 v3, $0x2;
	_ =	sdelay $0x1  }
0x2f: {  	v2 =	vshll.u32 v2, $0x3  }
0x30: {  	v2 =	vor.u32 v1, v2  }
0x31: {  	[tilespmem:s20+$0xFFFFFFF0] =	vst v2  }
0x32: {  	v2 =	vld.idx.msk [tilespmem:v3+s2+$0x0], $0xffff  }
0x33: {  	s23 =	simm.s32 $0x50  }
0x34: {  	v3 =	vor.u32 s23, v0  }
0x35: {  	v3 =	vshrl.u32 v3, $0x2;
	_ =	sdelay $0x1  }
0x36: {  	v2 =	vshll.u32 v2, $0x3  }
0x37: {  	v2 =	vor.u32 v1, v2  }
0x38: {  	[tilespmem:s20+$0x0] =	vst v2  }
0x39: {  	v2 =	vld.idx.msk [tilespmem:v3+s2+$0x0], $0xffff  }
0x3a: {  	s22 =	simm.s32 $0x60  }
0x3b: {  	v3 =	vor.u32 s22, v0  }
0x3c: {  	v3 =	vshrl.u32 v3, $0x2;
	_ =	sdelay $0x1  }
0x3d: {  	v2 =	vshll.u32 v2, $0x3  }
0x3e: {  	v2 =	vor.u32 v1, v2  }
0x3f: {  	[tilespmem:s20+$0x10] =	vst v2  }
0x40: {  	v2 =	vld.idx.msk [tilespmem:v3+s2+$0x0], $0xffff  }
0x41: {  	s23 =	simm.s32 $0x70  }
0x42: {  	v3 =	vor.u32 s23, v0  }
0x43: {  	v3 =	vshrl.u32 v3, $0x2;
	_ =	sdelay $0x1  }
0x44: {  	v2 =	vshll.u32 v2, $0x3  }
0x45: {  	v2 =	vor.u32 v1, v2  }
0x46: {  	[tilespmem:s20+$0x20] =	vst v2  }
0x47: {  	v2 =	vld.idx.msk [tilespmem:v3+s2+$0x0], $0xffff  }
0x48: {  	s21 =	simm.s32 $0x0;
	s22 =	simm.s32 $0x80  }
.LBB2_2:
0x49: {  	v3 =	vor.u32 s22, v0;
	s21 =	sadd.s32 $0x8, s21  }
0x4a: {  	v3 =	vshrl.u32 v3, $0x2;
	p0 =	slt.u32 s21, $0x78;
	_ =	sdelay $0x1  }
0x4b: {  	v2 =	vshll.u32 v2, $0x3  }
0x4c: {  	v2 =	vor.u32 v1, v2  }
0x4d: {  	[tilespmem:s20+$0x30] =	vst v2  }
0x4e: {  	v2 =	vld.idx.msk [tilespmem:v3+s2+$0x0], $0xffff;
	_ =	sdelay $0x1  }
0x4f: {  	s23 =	sadd.s32 $0x10, s22  }
0x50: {  	v3 =	vor.u32 s23, v0  }
0x51: {  	v3 =	vshrl.u32 v3, $0x2;
	_ =	sdelay $0x1  }
0x52: {  	v2 =	vshll.u32 v2, $0x3  }
0x53: {  	s20 =	sadd.s32 $0x80, s20;
	v2 =	vor.u32 v1, v2  }
0x54: {  	[tilespmem:s20+$0xFFFFFFC0] =	vst v2  }
0x55: {  	v2 =	vld.idx.msk [tilespmem:v3+s2+$0x0], $0xffff;
	_ =	sdelay $0x1  }
0x56: {  	s23 =	sadd.s32 $0x20, s22  }
0x57: {  	v3 =	vor.u32 s23, v0  }
0x58: {  	v3 =	vshrl.u32 v3, $0x2;
	_ =	sdelay $0x1  }
0x59: {  	v2 =	vshll.u32 v2, $0x3  }
0x5a: {  	v2 =	vor.u32 v1, v2  }
0x5b: {  	[tilespmem:s20+$0xFFFFFFD0] =	vst v2  }
0x5c: {  	v2 =	vld.idx.msk [tilespmem:v3+s2+$0x0], $0xffff;
	_ =	sdelay $0x1  }
0x5d: {  	s23 =	sadd.s32 $0x30, s22  }
0x5e: {  	v3 =	vor.u32 s23, v0  }
0x5f: {  	v3 =	vshrl.u32 v3, $0x2;
	_ =	sdelay $0x1  }
0x60: {  	v2 =	vshll.u32 v2, $0x3  }
0x61: {  	v2 =	vor.u32 v1, v2  }
0x62: {  	[tilespmem:s20+$0xFFFFFFE0] =	vst v2  }
0x63: {  	v2 =	vld.idx.msk [tilespmem:v3+s2+$0x0], $0xffff;
	_ =	sdelay $0x1  }
0x64: {  	s23 =	sadd.s32 $0x40, s22  }
0x65: {  	v3 =	vor.u32 s23, v0  }
0x66: {  	v3 =	vshrl.u32 v3, $0x2;
	_ =	sdelay $0x1  }
0x67: {  	v2 =	vshll.u32 v2, $0x3  }
0x68: {  	v2 =	vor.u32 v1, v2  }
0x69: {  	[tilespmem:s20+$0xFFFFFFF0] =	vst v2  }
0x6a: {  	v2 =	vld.idx.msk [tilespmem:v3+s2+$0x0], $0xffff;
	_ =	sdelay $0x1  }
0x6b: {  	s23 =	sadd.s32 $0x50, s22  }
0x6c: {  	v3 =	vor.u32 s23, v0  }
0x6d: {  	v3 =	vshrl.u32 v3, $0x2;
	_ =	sdelay $0x1  }
0x6e: {  	v2 =	vshll.u32 v2, $0x3  }
0x6f: {  	v2 =	vor.u32 v1, v2  }
0x70: {  	[tilespmem:s20+$0x0] =	vst v2  }
0x71: {  	v2 =	vld.idx.msk [tilespmem:v3+s2+$0x0], $0xffff;
	_ =	sdelay $0x1  }
0x72: {  	s23 =	sadd.s32 $0x60, s22  }
0x73: {  	v3 =	vor.u32 s23, v0  }
0x74: {  	v3 =	vshrl.u32 v3, $0x2;
	_ =	sdelay $0x1  }
0x75: {  	v2 =	vshll.u32 v2, $0x3  }
0x76: {  	v2 =	vor.u32 v1, v2  }
0x77: {  	[tilespmem:s20+$0x10] =	vst v2  }
0x78: {  	v2 =	vld.idx.msk [tilespmem:v3+s2+$0x0], $0xffff;
	_ =	sdelay $0x1  }
0x79: {  	s23 =	sadd.s32 $0x70, s22  }
0x7a: {  	v3 =	vor.u32 s23, v0  }
0x7b: {  	v3 =	vshrl.u32 v3, $0x2;
	_ =	sdelay $0x1  }
0x7c: {  	v2 =	vshll.u32 v2, $0x3  }
.Ltmp0:
0x7d: {  	v2 =	vor.u32 v1, v2;
	(pc) =	sbr.rel @p0 .LBB2_2-.Ltmp0, $3  }
0x7e: {  	[tilespmem:s20+$0x20] =	vst v2  }
0x7f: {  	v2 =	vld.idx.msk [tilespmem:v3+s2+$0x0], $0xffff;
	_ =	sdelay $0x1  }
0x80: {  	s22 =	sadd.s32 $0x80, s22  }
0x81: {  	_ =	sdelay $0x1  }
0x82: {  	v2 =	vshll.u32 v2, $0x3  }
0x83: {  	v2 =	vor.u32 v1, v2  }
0x84: {  	s22 =	simm.s32 $0x200;
	[tilespmem:s20+$0x30] =	vst v2  }
0x85: {  	[tilespmem:s10], [sflag:$0x1] =	stream.indirect.gather [hbm4b:s3+s8], $0x10, s22, s8, $0xb8;
	[tilespmem:$0x8A00] =	vst v63  }
0x86: {  	s23 =	simm.s32 $0x280;
	s21 =	simm.s32 $0x1200  }
0x87: {  	[tilespmem:s21], [sflag:$0x1] =	stream.indirect.gather [hbm4b:s3+s8], $0x10, s23, s8, $0xb8;
	[tilespmem:$0x8A00] =	vst v63  }
0x88: {  	s22 =	simm.s32 $0x300;
	s23 =	simm.s32 $0x1A00  }
0x89: {  	[tilespmem:s23], [sflag:$0x1] =	stream.indirect.gather [hbm4b:s3+s8], $0x10, s22, s8, $0xb8;
	[tilespmem:$0x8A00] =	vst v63  }
0x8a: {  	s22 =	simm.s32 $0x380;
	s23 =	simm.s32 $0x2200  }
0x8b: {  	[tilespmem:s23], [sflag:$0x1] =	stream.indirect.gather [hbm4b:s3+s8], $0x10, s22, s8, $0xb8;
	[tilespmem:$0x8A00] =	vst v63  }
0x8c: {  	s22 =	simm.s32 $0x400;
	s23 =	simm.s32 $0x2A00  }
0x8d: {  	[tilespmem:s23], [sflag:$0x1] =	stream.indirect.gather [hbm4b:s3+s8], $0x10, s22, s8, $0xb8;
	[tilespmem:$0x8A00] =	vst v63  }
0x8e: {  	s22 =	simm.s32 $0x480;
	s23 =	simm.s32 $0x3200  }
0x8f: {  	[tilespmem:s23], [sflag:$0x1] =	stream.indirect.gather [hbm4b:s3+s8], $0x10, s22, s8, $0xb8;
	[tilespmem:$0x8A00] =	vst v63  }
0x90: {  	s21 =	simm.s32 $0x500;
	s22 =	simm.s32 $0x3A00  }
0x91: {  	[tilespmem:s22], [sflag:$0x1] =	stream.indirect.gather [hbm4b:s3+s8], $0x10, s21, s8, $0xb8;
	[tilespmem:$0x8A00] =	vst v63  }
0x92: {  	s23 =	simm.s32 $0x580  }
0x93: {  	[tilespmem:s24], [sflag:$0x1] =	stream.indirect.gather [hbm4b:s3+s8], $0x10, s23, s8, $0xb8;
	[tilespmem:$0x8A00] =	vst v63  }
0x94: {  	_ = 	snop  }
0x95: {  	[tilespmem:s26], [sflag:$0x1] =	stream.indirect.gather [hbm4b:s3+s8], $0x10, s25, s8, $0xb8;
	[tilespmem:$0x8A00] =	vst v63  }
0x96: {  	_ = 	snop  }
0x97: {  	[tilespmem:s29], [sflag:$0x1] =	stream.indirect.gather [hbm4b:s3+s8], $0x10, s28, s8, $0xb8;
	[tilespmem:$0x8A00] =	vst v63  }
0x98: {  	_ = 	snop  }
0x99: {  	[tilespmem:s31], [sflag:$0x1] =	stream.indirect.gather [hbm4b:s3+s8], $0x10, s30, s8, $0xb8;
	[tilespmem:$0x8A00] =	vst v63  }
0x9a: {  	_ = 	snop  }
0x9b: {  	[tilespmem:s1], [sflag:$0x1] =	stream.indirect.gather [hbm4b:s3+s8], $0x10, s0, s8, $0xb8;
	[tilespmem:$0x8A00] =	vst v63  }
0x9c: {  	_ = 	snop  }
0x9d: {  	[tilespmem:s11], [sflag:$0x1] =	stream.indirect.gather [hbm4b:s3+s8], $0x10, s9, s8, $0xb8;
	[tilespmem:$0x8A00] =	vst v63  }
0x9e: {  	_ = 	snop  }
0x9f: {  	[tilespmem:s13], [sflag:$0x1] =	stream.indirect.gather [hbm4b:s3+s8], $0x10, s12, s8, $0xb8;
	[tilespmem:$0x8A00] =	vst v63  }
0xa0: {  	_ = 	snop  }
0xa1: {  	[tilespmem:s15], [sflag:$0x1] =	stream.indirect.gather [hbm4b:s3+s8], $0x10, s14, s8, $0xb8;
	[tilespmem:$0x8A00] =	vst v63  }
0xa2: {  	_ = 	snop  }
0xa3: {  	[tilespmem:s17], [sflag:$0x1] =	stream.indirect.gather [hbm4b:s3+s8], $0x10, s16, s8, $0xb8;
	[tilespmem:$0x8A00] =	vst v63  }
0xa4: {  	_ =	swait.ge [sflag:s18], $0x800  }
0xa5: {  	[sflag:s18] =	ssyncset.done $0x0  }
0xa6: {  	[sflag:s18] =	ssyncadd.s32 $0xFFFFF800  }
0xa7: {  	_ =	swait.ge [sflag:s18], $0x800  }
0xa8: {  	[sflag:s18] =	ssyncset.done $0x0  }
0xa9: {  	[sflag:s18] =	ssyncadd.s32 $0xFFFFF800  }
0xaa: {  	_ =	swait.ge [sflag:s18], $0x800  }
0xab: {  	[sflag:s18] =	ssyncset.done $0x0  }
0xac: {  	[sflag:s18] =	ssyncadd.s32 $0xFFFFF800  }
0xad: {  	_ =	swait.ge [sflag:s18], $0x800  }
0xae: {  	[sflag:s18] =	ssyncset.done $0x0  }
0xaf: {  	[sflag:s18] =	ssyncadd.s32 $0xFFFFF800  }
0xb0: {  	_ =	swait.ge [sflag:s18], $0x800  }
0xb1: {  	[sflag:s18] =	ssyncset.done $0x0  }
0xb2: {  	[sflag:s18] =	ssyncadd.s32 $0xFFFFF800  }
0xb3: {  	_ =	swait.ge [sflag:s18], $0x800  }
0xb4: {  	[sflag:s18] =	ssyncset.done $0x0  }
0xb5: {  	[sflag:s18] =	ssyncadd.s32 $0xFFFFF800  }
0xb6: {  	_ =	swait.ge [sflag:s18], $0x800  }
0xb7: {  	[sflag:s18] =	ssyncset.done $0x0  }
0xb8: {  	[sflag:s18] =	ssyncadd.s32 $0xFFFFF800  }
0xb9: {  	_ =	swait.ge [sflag:s18], $0x800  }
0xba: {  	[sflag:s18] =	ssyncset.done $0x0  }
0xbb: {  	[sflag:s18] =	ssyncadd.s32 $0xFFFFF800  }
0xbc: {  	_ =	swait.ge [sflag:s18], $0x800  }
0xbd: {  	[sflag:s18] =	ssyncset.done $0x0  }
0xbe: {  	[sflag:s18] =	ssyncadd.s32 $0xFFFFF800  }
0xbf: {  	_ =	swait.ge [sflag:s18], $0x800  }
0xc0: {  	[sflag:s18] =	ssyncset.done $0x0  }
0xc1: {  	[sflag:s18] =	ssyncadd.s32 $0xFFFFF800  }
0xc2: {  	_ =	swait.ge [sflag:s18], $0x800  }
0xc3: {  	[sflag:s18] =	ssyncset.done $0x0  }
0xc4: {  	[sflag:s18] =	ssyncadd.s32 $0xFFFFF800  }
0xc5: {  	_ =	swait.ge [sflag:s18], $0x800  }
0xc6: {  	[sflag:s18] =	ssyncset.done $0x0  }
0xc7: {  	[sflag:s18] =	ssyncadd.s32 $0xFFFFF800  }
0xc8: {  	_ =	swait.ge [sflag:s18], $0x800  }
0xc9: {  	[sflag:s18] =	ssyncset.done $0x0  }
0xca: {  	[sflag:s18] =	ssyncadd.s32 $0xFFFFF800  }
0xcb: {  	_ =	swait.ge [sflag:s18], $0x800  }
0xcc: {  	[sflag:s18] =	ssyncset.done $0x0  }
0xcd: {  	[sflag:s18] =	ssyncadd.s32 $0xFFFFF800  }
0xce: {  	_ =	swait.ge [sflag:s18], $0x800  }
0xcf: {  	[sflag:s18] =	ssyncset.done $0x0  }
0xd0: {  	[sflag:s18] =	ssyncadd.s32 $0xFFFFF800  }
0xd1: {  	s19 =	sadd.s32 $0x1, s19;
	_ =	swait.ge [sflag:s18], $0x800  }
0xd2: {  	p0 =	sne.s32 s19, s6;
	[sflag:s18] =	ssyncset.done $0x0  }
.Ltmp1:
0xd3: {  	[sflag:s18] =	ssyncadd.s32 $0xFFFFF800;
	(pc) =	sbr.rel @p0 .LBB2_1-.Ltmp1, $4  }
0xd4: {  	[hbm4b:s5+s2] =	stream.linear.scatter [tilespmem:s10], [sflag:$0x2], $0x8000, $0x38;
	[tilespmem:$0x8A00] =	vst v63  }
0xd5: {  	_ =	swait.ge [sflag:s7], $0x8000  }
0xd6: {  	[sflag:s7] =	ssyncset.done $0x0  }
0xd7: {  	[sflag:s7] =	ssyncadd.s32 $0xFFFF8000  }
0xd8: {  	_ =	sfence.sel $0x180000  }
0xd9: {  	[bflag:$0x0] =	sbarrier.arrive $0xFFFF  }
0xda: {  	_ =	strace $0x90000047  }
0xdb: {  	s0 =	stileid.u32;
	[bflag:$0x2] =	sbarrier.arrive $0xFFFF  }
0xdc: {  	p0 =	sne.s32 s0, $0x0;
	s0 =	rddreg [dreg:$0x2]  }
0xdd: {  	s0 =	sadd.s32 @!p0 $0x100000, s0  }
0xde: {  	[sflag:s0] =	ssyncadd.tile.s32 @!p0 $0x1;
	_ =	shalt  }
.Lfunc_end2:
_tile_overlayer_lowered:
.L_overlay_start_2:
0xdf: {  	(tag) =	ssettag $0x2  }
0xe0: {  	s0 =	rddreg [dreg:$0x0];
	s2 =	stileid.u32  }
0xe1: {  	s1 =	rddreg [dreg:$0x1];
	p0 =	sne.s32 s2, $0x0  }
0xe2: {  	s3 =	rddreg [dreg:$0x2];
	[bflag:$0x3] =	sbarrier.arrive $0xFFFF;
	s2 =	simm.s32 @!p0 $0x1C02  }
0xe3: {  	[timem:s3], [sflag:s2] =	dma.local @!p0 [hbm:s0], s1  }
0xe4: {  	s0 =	simm.s32 @!p0 $0x2  }
0xe5: {  	_ =	swait.ge @!p0 [sflag:s0], s1  }
0xe6: {  	s1 =	ssub.s32 @!p0 $0x0, s1;
	[sflag:s0] =	ssyncset.done @!p0 $0x0  }
0xe7: {  	[sflag:s0] =	ssyncadd.s32 @!p0 s1  }
0xe8: {  	[bflag:$0x3] =	sbarrier.arrive $0xFFFF  }
0xe9: {  	_ =	shalt  }

// kernel: sparse-core-data-format-call.cloned.1.call-start
scs
called_computation_lowered:
.L_overlay_start_0:
0x0: {  	s2 =	sld [smem:$0x3FD9]  }
0x1: {  	s3 =	sld [smem:$0x3FFE];
	_ =	sdelay $0x1  }
0x2: {  	s1 =	srdreg.scid  }
0x3: {  	s0 =	sand.u32 $0x1, s1  }
0x4: {  	s18 =	sshll.u32 s0, $0xA;
	s2 =	sadd.s32 s3, s2  }
0x5: {  	s2 =	sadd.s32 s2, s18  }
0x6: {  	[smem:$0x3FC1] =	sst s2  }
0x7: {  	_ = 	snop  }
0x8: {  	s2 =	sld [smem:$0x3FD0];
	(tm) =	ssettm $0x1  }
0x9: {  	s19 =	sld [smem:$0x3FFB];
	_ =	sdelay $0x3  }
0xa: {  	_ =	strace s19  }
0xb: {  	s3 =	sld [smem:$0x3FFC];
	_ =	sdelay $0x3  }
0xc: {  	_ =	strace s3  }
0xd: {  	s3 =	sld [smem:$0x3FFD];
	_ =	sdelay $0x3  }
0xe: {  	_ =	strace s3  }
0xf: {  	_ =	strace $0x8FFFFFFF  }
0x10: {  	s20 =	sld [smem:$0x3FDB];
	_ =	sdelay $0x1  }
0x11: {  	s4 =	simm.s32 $_scs_section_size  }
0x12: {  	s5 =	simm.s32 $_size__tile_overlayer_lowered;
	s6 =	simm.s32 $_tile_overlayer_lowered  }
0x13: {  	s23 =	simm.s32 $0x1BFF;
	s22 =	sshll.u32 s6, $0x1;
	s3 =	sadd.s32 s4, s20  }
0x14: {  	s7 =	simm.s32 $0x0;
	s21 =	sshll.u32 s5, $0x1;
	s5 =	sadd.s32 s22, s3  }
0x15: {  	[timem:s7], [sflag:s23] =	dma.local [hbm:s5], s21  }
0x16: {  	_ =	swait.ge [sflag:s23], s21  }
0x17: {  	s4 =	ssub.s32 $0x0, s21;
	[sflag:s23] =	ssyncset.done $0x0  }
0x18: {  	[sflag:s23] =	ssyncadd.s32 s4;
	_ =	sdelay $0x1  }
0x19: {  	s24 =	simm.s32 $0x1B8B  }
0x1a: {  	_ =	swait.ge [sflag:s24], $0x1  }
0x1b: {  	[sflag:s24] =	ssyncset.done $0x0  }
0x1c: {  	s26 =	simm.s32 $0x1B8E;
	s25 =	sld [smem:$0x3FFE];
	[sflag:s24] =	ssyncadd.s32 $0xFFFFFFFF  }
0x1d: {  	s27 =	simm.s32 $execute0_lowered;
	[smem:$0x3FD2] =	sst s26  }
0x1e: {  	s5 =	sshll.u32 s27, $0x1;
	_ =	strace $0x8000004F;
	[dreg:$0x1] =	wrdreg $0xFFFFFFFF  }
0x1f: {  	s28 =	simm.s32 $_size_execute0_lowered;
	s3 =	sadd.s32 s3, s5;
	[dreg:$0x0] =	wrdreg $0x0  }
0x20: {  	s5 =	sshll.u32 s28, $0x1;
	[dreg:$0x2] =	wrdreg s3  }
0x21: {  	[dreg:$0x3] =	wrdreg s5  }
0x22: {  	[dreg:$0x4] =	wrdreg $0xC0  }
0x23: {  	_ =	task [dreg:s7], $0x5FFFF  }
0x24: {  	[dreg:$0x1] =	wrdreg $0xFFFFFFFF  }
0x25: {  	[dreg:$0x0] =	wrdreg $0x60  }
0x26: {  	[dreg:$0x2] =	wrdreg s25  }
0x27: {  	[dreg:$0x3] =	wrdreg s2  }
0x28: {  	[dreg:$0x4] =	wrdreg $0x9  }
0x29: {  	_ =	task.clear_ibuf [dreg:s7], $0x5FFFF;
	_ =	strace $0x9000004F  }
0x2a: {  	s29 =	simm.s32 $0x9;
	_ =	strace $0x80000051  }
0x2b: {  	_ =	swait.ge [sflag:s29], $0x1  }
0x2c: {  	[sflag:s29] =	ssyncadd.s32 $0xFFFFFFFF  }
0x2d: {  	_ =	strace $0x90000051  }
0x2e: {  	_ =	sfence  }
0x2f: {  	s30 =	sld [smem:$0x0];
	_ =	sdelay $0x2  }
0x30: {  	s31 =	sshll.u32 s1, $0xD;
	s1 =	sshrl.u32 s1, $0x2  }
0x31: {  	s3 =	sand.u32 $0x4000, s31;
	s1 =	sadd.s32 s1, s30  }
0x32: {  	s0 =	sor.u32 s3, s0;
	s1 =	sshll.u32 s1, $0x11  }
0x33: {  	s0 =	sor.u32 s1, s0  }
0x34: {  	s0 =	sadd.s32 $0x8F2B, s0  }
0x35: {  	[sflag:s0] =	ssyncadd.remote.s32 $0x1  }
0x36: {  	_ =	sfence.sel $0xFFFF  }
0x37: {  	[dreg:$0x0] =	wrdreg $0xFFFFFFFF;
	(pc) =	sbr.abs _section_cstart, $3  }
0x38: {  	[dreg:$0x1] =	wrdreg $0xFFFFFFFF  }
0x39: {  	_ =	task.clear_ibuf [dreg:s7], $0x2FFFF;
	_ =	strace $0x9FFFFFFF  }
0x3a: {  	(tm) =	ssettm $0x7FFFFFFF  }
0x3b: {  	_ =	shalt  }
tec
execute0_lowered:
.L_overlay_start_1:
0x0: {  	(tag) =	ssettag $0x1  }
0x1: {  	s4 =	rddreg [dreg:$0x0]  }
0x2: {  	s0 =	srdreg.scid;
	s2 =	rddreg [dreg:$0x1]  }
0x3: {  	s1 =	stileid.u32;
	s5 =	simm.s32 $0x1;
	s0 =	sshll.u32 s0, $0x4  }
0x4: {  	s7 =	simm.s32 $0x2;
	s11 =	simm.s32 $0x0;
	s3 =	sand.u32 $0x10, s0  }
.Ltmp0:
0x5: {  	p0 =	por $0x0, $0x0;
	s3 =	sor.u32 s1, s3;
	(pc) =	sbr.rel .LBB1_1-.Ltmp0, $4  }
0x6: {  	s8 =	simm.s32 $0x7A1400;
	s10 =	simm.s32 $0x0;
	s3 =	sshll.u32 s3, $0x7  }
0x7: {  	s0 =	rddreg [dreg:$0x2];
	_ =	strace $0x80000050;
	s6 =	ssub.s32 $0xF4200, s3  }
0x8: {  	s4 =	sadd.s32 $0x2200, s4;
	[sflag:s5] =	ssyncpa.u1 $0x0;
	s6 =	sshrl.u32 s6, $0xC  }
0x9: {  	[sflag:s7] =	ssyncpa.u1 $0x0;
	s9 =	smov.u32 s3;
	s7 =	sadd.s32 $0x2, s6  }
.LBB1_5:
0xa: {  	s13 =	sadd.s32 $0x1000, s9  }
0xb: {  	p2 =	sgt.s32 s13, $0xF423F  }
0xc: {  	s13 =	smov.u32 @p2 s3;
	p2 =	sne.s32 s10, s7  }
.Ltmp1:
0xd: {  	p1 =	slt.u32 s10, $0x2;
	(pc) =	sbr.rel @!p2 .LBB1_6-.Ltmp1, $4  }
0xe: {  	s12 =	simm.s32 @!p1 $0x2  }
0xf: {  	s14 =	sadd.s32 $0x1, s10;
	_ =	swait.ge @!p1 [sflag:s12], $0x2000  }
0x10: {  	s11 =	smov.u32 s9;
	p0 =	por !p0, !p0;
	[sflag:s12] =	ssyncset.done @!p1 $0x0  }
0x11: {  	s10 =	smov.u32 s14;
	s9 =	smov.u32 s13;
	[sflag:s12] =	ssyncadd.s32 @!p1 $0xFFFFE000  }
.LBB1_1:
0x12: {  	p1 =	sgt.u32 s10, s6  }
0x13: {  	s13 =	smov.u32 s9;
	p2 =	sgt.s32 @!p1 s9, $0xF41C0  }
0x14: {  	s12 =	sand.u32 @!p1 $0x1FFFFFF, s9;
	s14 =	sshra.s32 @!p1 s9, $0x1F;
	p2 =	por !p2, p1  }
0x15: {  	s15 =	smulhi.u32 @!p1 $0x218DEF5, s12;
	s14 =	sand.u32 @!p1 s14, s9;
	s13 =	simm.s32 @p2 $0xF41C0  }
0x16: {  	s13 =	ssub.s32 @!p1 s13, s14  }
0x17: {  	s14 =	sshrl.u32 @!p1 s15, $0xD;
	s13 =	sadd.s32 @!p1 $0xFFF0BE40, s13  }
0x18: {  	s15 =	sxor.u32 @!p1 $0xFFFFFFFF, s10;
	s14 =	smul.u32 @!p1 $0xF4240, s14;
	s16 =	sshll.u32 @!p1 s13, $0x8  }
0x19: {  	s15 =	sshll.u32 @!p1 s15, $0xD;
	p2 =	sgt.s32 @!p1 s13, $0x7F;
	s13 =	ssub.s32 @!p1 $0x8000, s16  }
0x1a: {  	s12 =	ssub.s32 @!p1 s12, s14;
	p2 =	por !p2, p1;
	s14 =	sand.u32 @!p1 $0x2000, s15  }
0x1b: {  	s15 =	simm.s32 @!p1 $0x40;
	s13 =	sshrl.u32 @!p1 s13, $0x2;
	s12 =	sshll.u32 @!p1 s12, $0x4  }
0x1c: {  	s16 =	simm.s32 @!p1 $0x80;
	s13 =	simm.s32 @!p2 $0x0;
	s12 =	sadd.s32 @!p1 s4, s12  }
0x1d: {  	[tilespmem:s14], [sflag:$0x1] =	stream.strided.gather @!p1 [hbm4b:s12+s15], s13, s16, s15, $0x38;
	[tilespmem:$0x8080] =	vst v63  }
0x1e: {  	p1 =	seq.s32 s10, $0x0  }
0x1f: {  	p2 =	sge.u32 @!p1 s10, s7  }
0x20: {  	p1 =	por p1, p2  }
.Ltmp2:
0x21: {  	_ = 	snop;
	(pc) =	sbr.rel @p1 .LBB1_5-.Ltmp2, $1  }
0x22: {  	_ =	sdelay $0x3  }
0x23: {  	p1 =	sgt.s32 s11, $0xF41C0;
	s12 =	smov.u32 s11;
	s13 =	sshra.s32 s11, $0x1F  }
0x24: {  	s12 =	simm.s32 @!p1 $0xF41C0;
	s13 =	sand.u32 s13, s11  }
0x25: {  	s12 =	ssub.s32 s12, s13  }
0x26: {  	s12 =	sadd.s32 $0xFFF0BE40, s12  }
0x27: {  	s28 =	sshll.u32 s12, $0x8  }
0x28: {  	s13 =	ssub.s32 $0x8000, s28  }
0x29: {  	p1 =	sgt.s32 s12, $0x7F;
	s12 =	sshrl.u32 s13, $0x2  }
0x2a: {  	s13 =	simm.s32 $0x1;
	s12 =	simm.s32 @p1 $0x0  }
0x2b: {  	s13 =	simm.s32 @!p0 $0x0;
	_ =	swait.ge [sflag:s5], s12  }
0x2c: {  	s14 =	sshll.u32 s13, $0xD;
	s12 =	ssub.s32 $0x0, s12;
	[sflag:s5] =	ssyncset.done $0x0  }
0x2d: {  	s16 =	sor.u32 $0x20, s14;
	[sflag:s5] =	ssyncadd.s32 s12  }
0x2e: {  	s29 =	smul.u32 $0x8100, s13;
	v3 =	vld [tilespmem:s16+$0x10]  }
0x2f: {  	s30 =	sand.u32 $0x1, s10;
	v2 =	vld [tilespmem:s16+$0xFFFFFFF0]  }
0x30: {  	s13 =	smul.u32 $0x8100, s30;
	s12 =	sshrl.u32 s29, $0x2;
	v0 =	vld [tilespmem:s16+$0x0]  }
0x31: {  	s14 =	sor.u32 $0x4000, s12;
	v1 =	vld [tilespmem:s16+$0xFFFFFFE0]  }
0x32: {  	s31 =	sshrl.u32 s13, $0x2;
	s13 =	sadd.s32 $0x0, s14  }
0x33: {  	s15 =	simm.s32 $0x4;
	s12 =	sor.u32 $0x4000, s31;
	s16 =	sadd.s32 $0x40, s16;
	[tilespmem:s13+$0x1830 ss:$0x81] =	vst.msk $0xffff, v3  }
.LBB1_3:
0x34: {  	v3 =	vld [tilespmem:s16+$0x10];
	p1 =	sne.s32 s15, $0x1FC;
	[tilespmem:s13+$0x810 ss:$0x81] =	vst.msk $0xffff, v2;
	s17 =	smov.u32 s15;
	s15 =	sadd.s32 $0x4, s15  }
.Ltmp3:
0x35: {  	v2 =	vld [tilespmem:s16+$0xFFFFFFF0];
	[tilespmem:s13+$0x1020 ss:$0x81] =	vst.msk $0xffff, v0;
	(pc) =	sbr.rel @p1 .LBB1_3-.Ltmp3, $4  }
0x36: {  	v0 =	vld [tilespmem:s16+$0x0];
	[tilespmem:s13+$0x0 ss:$0x81] =	vst.msk $0xffff, v1  }
0x37: {  	s13 =	sshra.s32 s17, $0x2;
	v1 =	vld [tilespmem:s16+$0xFFFFFFE0]  }
0x38: {  	s13 =	sadd.s32 s13, s14  }
0x39: {  	s16 =	sadd.s32 $0x40, s16;
	[tilespmem:s13+$0x1830 ss:$0x81] =	vst.msk $0xffff, v3  }
0x3a: {  	s14 =	sshll.u32 s11, $0x3  }
0x3b: {  	s30 =	sand.u32 $0x7F, s11;
	s14 =	sand.u32 $0xFFFFFC00, s14  }
0x3c: {  	s11 =	sor.u32 s30, s14  }
0x3d: {  	s15 =	smulhi.u32 $0x218D6287, s11;
	_ =	sdelay $0x1  }
0x3e: {  	s14 =	smulhi.u32 $0x218D6287, s14;
	s15 =	sshrl.u32 s15, $0x11  }
0x3f: {  	s15 =	smul.u32 $0xF4280, s15  }
0x40: {  	s14 =	sshrl.u32 s14, $0x11  }
.Ltmp4:
0x41: {  	s14 =	sand.u32 $0x3F, s14;
	s11 =	ssub.s32 s11, s15;
	(pc) =	sbr.rel .LBB1_5-.Ltmp4, $4  }
0x42: {  	[tilespmem:s13+$0x810 ss:$0x81] =	vst.msk $0xffff, v2;
	s14 =	smul.u32 $0x1E850, s14;
	s15 =	sshrl.u32 s11, $0x3;
	s11 =	sand.u32 $0x7, s11  }
0x43: {  	[tilespmem:s13+$0x1020 ss:$0x81] =	vst.msk $0xffff, v0;
	s15 =	sadd.s32 s2, s15;
	s11 =	sshll.u32 s11, $0x12  }
0x44: {  	[tilespmem:s13+$0x0 ss:$0x81] =	vst.msk $0xffff, v1;
	s31 =	sadd.s32 s14, s15;
	s11 =	sor.u32 $0x400, s11  }
0x45: {  	[hbm4b:s31+s11] =	stream.strided.scatter [tilespmem:s12], [sflag:$0x2], $0x2000, s8, s11, $0x20;
	[tilespmem:$0x8080] =	vst v63  }
.LBB1_6:
0x46: {  	_ =	sfence.sel $0x180000  }
0x47: {  	s2 =	simm.s32 $0x1;
	[bflag:$0x0] =	sbarrier.arrive $0xFFFF  }
0x48: {  	s31 =	simm.s32 $0x2;
	[sflag:s2] =	ssyncpa.u1 $0x1  }
0x49: {  	[sflag:s31] =	ssyncpa.u1 $0x1  }
0x4a: {  	p0 =	sne.s32 s1, $0x0;
	_ =	strace $0x90000050  }
0x4b: {  	s0 =	sadd.s32 @!p0 $0x100000, s0;
	[bflag:$0x2] =	sbarrier.arrive $0xFFFF  }
0x4c: {  	[sflag:s0] =	ssyncadd.tile.s32 @!p0 $0x1;
	_ =	shalt  }
.Lfunc_end1:
_tile_overlayer_lowered:
.L_overlay_start_2:
0x4d: {  	(tag) =	ssettag $0x2  }
0x4e: {  	s0 =	rddreg [dreg:$0x0];
	s2 =	stileid.u32  }
0x4f: {  	s1 =	rddreg [dreg:$0x1];
	p0 =	sne.s32 s2, $0x0  }
0x50: {  	s3 =	rddreg [dreg:$0x2];
	[bflag:$0x3] =	sbarrier.arrive $0xFFFF;
	s2 =	simm.s32 @!p0 $0x1C01  }
0x51: {  	[timem:s3], [sflag:s2] =	dma.local @!p0 [hbm:s0], s1  }
0x52: {  	s0 =	simm.s32 @!p0 $0x1  }
0x53: {  	_ =	swait.ge @!p0 [sflag:s0], s1  }
0x54: {  	s1 =	ssub.s32 @!p0 $0x0, s1;
	[sflag:s0] =	ssyncset.done @!p0 $0x0  }
0x55: {  	[sflag:s0] =	ssyncadd.s32 @!p0 s1  }
0x56: {  	[bflag:$0x3] =	sbarrier.arrive $0xFFFF  }
0x57: {  	_ =	shalt  }

</sc_bundles>
